<compile_context>
chip_gen: v7x
topology: tpu7x:2x2x1
jax: 0.10.2.dev20260603
libtpu: 0.0.44.dev20260713+nightly
codegen_flags: <defaults>
</compile_context>

<pallas_src>
import jax
import jax.numpy as jnp
from jax import lax
from jax.experimental import pallas as pl
from jax.experimental.pallas import tpu as pltpu
from jax.experimental.pallas import tpu_sc as plsc

N = 100000
EMB = 512
NF = 9
NC, NS = 2, 16
NW = NC * NS
CHUNK = 48
CHUNKS_PER_W = 19
LANES = 16

TC_BN = 512
NTC = 144 * TC_BN
NSC = N - NTC
NW_A = 29
WLEN_A = 824
WLEN_B = 792
FEAT_DIMS = (119, 4, 11, 12, 9, 5, 8, 2, 2)
KTOT = sum(FEAT_DIMS)
KP = 256
FEAT_OFF = tuple(sum(FEAT_DIMS[:i]) for i in range(NF))

A_ROWS = 119 * 8 * 2 * 2
B1_ROWS = 4 * 11 * 12
B2_ROWS = 9 * 5
B_ROWS = B1_ROWS * B2_ROWS
B_BLK = 8


def _outer(parts):
    acc = parts[0]
    for p in parts[1:]:
        acc = jnp.repeat(acc, p.shape[0], axis=0) + jnp.tile(p, (acc.shape[0], 1))
    return acc


def _build1_body(w0, w1, w2, w3, w4, w5, w6, w7, w8, a, b1, b2):
    a[...] = _outer([w0[...], w6[...], w7[...], w8[...]])
    b1[...] = _outer([w1[...], w2[...], w3[...]])
    b2[...] = _outer([w4[...], w5[...]])


_build1 = pl.pallas_call(
    _build1_body,
    out_shape=(
        jax.ShapeDtypeStruct((A_ROWS, EMB), jnp.float32),
        jax.ShapeDtypeStruct((B1_ROWS, EMB), jnp.float32),
        jax.ShapeDtypeStruct((B2_ROWS, EMB), jnp.float32),
    ),
)


def _build2_body(b1_blk, b2, b):
    b[...] = jnp.repeat(b1_blk[...], B2_ROWS, axis=0) + jnp.tile(b2[...], (B_BLK, 1))


_build2 = pl.pallas_call(
    _build2_body,
    grid=(B1_ROWS // B_BLK,),
    in_specs=[
        pl.BlockSpec((B_BLK, EMB), lambda i: (i, 0)),
        pl.BlockSpec((B2_ROWS, EMB), lambda i: (0, 0)),
    ],
    out_specs=pl.BlockSpec((B_BLK * B2_ROWS, EMB), lambda i: (i, 0)),
    out_shape=jax.ShapeDtypeStruct((B_ROWS, EMB), jnp.float32),
)


NTC_BLOCKS = NTC // TC_BN


def _tc_body(xt_ref, w_ref, sc_ref, o_ref):
    del sc_ref
    xb = xt_ref[...]
    iota0 = lax.broadcasted_iota(jnp.int32, (KP, TC_BN), 0)
    oh = (iota0 == xb[0:1, :] + FEAT_OFF[0]).astype(jnp.float32)
    for f in range(1, NF):
        oh += (iota0 == xb[f:f + 1, :] + FEAT_OFF[f]).astype(jnp.float32)
    o_ref[...] = lax.dot_general(oh.astype(jnp.bfloat16), w_ref[...],
                                 (((0,), (0,)), ((), ())),
                                 preferred_element_type=jnp.float32)


_tc_call = pl.pallas_call(
    _tc_body,
    grid=(NTC_BLOCKS,),
    in_specs=[
        pl.BlockSpec((NF, TC_BN), lambda i: (0, i)),
        pl.BlockSpec((KP, EMB), lambda i: (0, 0)),
        pl.BlockSpec(memory_space=pl.ANY),
    ],
    out_specs=pl.BlockSpec((TC_BN, EMB), lambda i: (i, 0)),
    out_shape=jax.ShapeDtypeStruct((N, EMB), jnp.float32),
    input_output_aliases={2: 0},
)


def _wbase(w):
    return w * WLEN_A - max(w - NW_A, 0) * (WLEN_A - WLEN_B)


def _wlen(w):
    return WLEN_A if w < NW_A else WLEN_B


CHUNK_STARTS = tuple(
    min(_wbase(w) + k * CHUNK, _wbase(w) + _wlen(w) - CHUNK)
    for w in range(NW) for k in range(CHUNKS_PER_W)
)
NCHUNKS = NW * CHUNKS_PER_W


def _sc_body(xr, ga, gb, out,
             idx_a, idx_b, code_a, code_b,
             a0, a1, b0, b1, sem_a, sem_b):
    wid = lax.axis_index("s") * NC + lax.axis_index("c")
    base = NTC + wid * WLEN_A - jnp.maximum(wid - NW_A, 0) * (WLEN_A - WLEN_B)
    wlen = jnp.where(wid < NW_A, WLEN_A, WLEN_B)
    last = base + wlen - CHUNK
    sets = ((idx_a, code_a, (a0, a1), sem_a),
            (idx_b, code_b, (b0, b1), sem_b))

    def start_of(k):
        return jnp.minimum(base + k * CHUNK, last)

    def prep(k, st):
        idx_v, code_v, bufs, sem = st
        c = wid * CHUNKS_PER_W + k
        pltpu.sync_copy(xr.at[c], idx_v)
        for j in range(CHUNK // LANES):
            s = pl.ds(j * LANES, LANES)
            code_v[0, s] = ((idx_v[0, s] * 32 + idx_v[6, s] * 4)
                            + (idx_v[7, s] * 2 + idx_v[8, s]))
            code_v[1, s] = ((idx_v[1, s] * 5940 + idx_v[2, s] * 540)
                            + (idx_v[3, s] * 45 + idx_v[4, s] * 5 + idx_v[5, s]))
        pltpu.async_copy(ga.at[code_v.at[0]], bufs[0], sem)
        pltpu.async_copy(gb.at[code_v.at[1]], bufs[1], sem)

    def finish(k, st):
        _, _, bufs, sem = st
        pltpu.make_async_copy(ga.at[pl.ds(0, CHUNK)], bufs[0], sem).wait()
        pltpu.make_async_copy(gb.at[pl.ds(0, CHUNK)], bufs[1], sem).wait()
        t0, t1 = bufs

        @pl.loop(0, CHUNK)
        def _row(r):
            for cc in range(EMB // LANES):
                s = pl.ds(cc * LANES, LANES)
                t0[r, s] = t0[r, s] + t1[r, s]

        pltpu.sync_copy(t0, out.at[pl.ds(start_of(k), CHUNK)])

    prep(0, sets[0])

    @pl.loop(0, CHUNKS_PER_W - 1, step=2)
    def _pipe(k):
        prep(k + 1, sets[1])
        finish(k, sets[0])
        prep(k + 2, sets[0])
        finish(k + 1, sets[1])

    finish(CHUNKS_PER_W - 1, sets[0])


_mesh = plsc.VectorSubcoreMesh(core_axis_name="c", subcore_axis_name="s",
                               num_cores=NC, num_subcores=NS)

_sc_call = pl.kernel(
    _sc_body,
    out_type=jax.ShapeDtypeStruct((N, EMB), jnp.float32),
    mesh=_mesh,
    scratch_types=[
        pltpu.VMEM((NF, CHUNK), jnp.int32),
        pltpu.VMEM((NF, CHUNK), jnp.int32),
        pltpu.VMEM((2, CHUNK), jnp.int32),
        pltpu.VMEM((2, CHUNK), jnp.int32),
        pltpu.VMEM((CHUNK, EMB), jnp.float32),
        pltpu.VMEM((CHUNK, EMB), jnp.float32),
        pltpu.VMEM((CHUNK, EMB), jnp.float32),
        pltpu.VMEM((CHUNK, EMB), jnp.float32),
        pltpu.SemaphoreType.DMA,
        pltpu.SemaphoreType.DMA,
    ],
)


def kernel(x, W0, W1, W2, W3, W4, W5, W6, W7, W8):
    a, b1, b2 = _build1(W0, W1, W2, W3, W4, W5, W6, W7, W8)
    b = _build2(b1, b2)
    starts = jnp.asarray(CHUNK_STARTS, dtype=jnp.int32)
    rows = (starts[:, None] + jnp.arange(CHUNK, dtype=jnp.int32)[None, :])
    xr = x[NTC:].T[:, rows.reshape(-1)]
    xr = xr.reshape(NF, NCHUNKS, CHUNK).transpose(1, 0, 2)
    out_sc = _sc_call(xr, a, b)
    wcat = jnp.concatenate([W0, W1, W2, W3, W4, W5, W6, W7, W8], axis=0)
    wcat = jnp.pad(wcat, ((0, KP - KTOT), (0, 0))).astype(jnp.bfloat16)
    return _tc_call(x[:NTC].T, wcat, out_sc)

# --- scband reference (transcript-rebuilt; emitter-appended) ---
"""Pipeline reference for scband-atom-encoder-4776003633206 (READ-ONLY COPY).

The authoritative reference and input builder live on the scoring server;
editing this copy changes nothing except your own understanding.
"""

import jax, jax.numpy as jnp
import numpy as np

FEAT_DIMS = [119, 4, 11, 12, 9, 5, 8, 2, 2]
EMB_DIM = 512
N = 100000


def setup_inputs(seed: int = 0) -> dict:
    key = jax.random.key(seed)
    keys = jax.random.split(key, len(FEAT_DIMS) + 1)
    # randint with fill_max=2 keeps indices in-range for every table (min dim is 2)
    x = jax.random.randint(keys[0], (N, len(FEAT_DIMS)), 0, 2, dtype=jnp.int32)
    inp = {"x": x}
    for i, dim in enumerate(FEAT_DIMS):
        # xavier_uniform over [dim, EMB_DIM]
        bound = float(np.sqrt(6.0 / (dim + EMB_DIM)))
        inp[f"W{i}"] = jax.random.uniform(keys[i + 1], (dim, EMB_DIM), minval=-bound, maxval=bound, dtype=jnp.float32)
    return inp


def reference(x, W0, W1, W2, W3, W4, W5, W6, W7, W8):
    Ws = [W0, W1, W2, W3, W4, W5, W6, W7, W8]
    x_embedding = jnp.take(Ws[0], x[:, 0], axis=0)
    for i in range(1, len(Ws)):
        x_embedding = x_embedding + jnp.take(Ws[i], x[:, i], axis=0)
    return x_embedding

if __name__ == "__main__":
    import jax
    _d = setup_inputs()
    print(jax.jit(kernel)(*tuple(_d.values())))

</pallas_src>

<mosaic_0001>
#map = affine_map<(d0, d1) -> (0, 0, 0)>
#map1 = affine_map<(d0, d1) -> (0, 0)>
module attributes {stable_mosaic.version = 14 : i64} {
  func.func @_sc_body(%arg0: i32, %arg1: i32, %arg2: memref<608x9x48xi32, #tpu.memory_space<hbm>>, %arg3: memref<3808x512xf32, #tpu.memory_space<hbm>>, %arg4: memref<23760x512xf32, #tpu.memory_space<hbm>>, %arg5: memref<100000x512xf32, #tpu.memory_space<hbm>>, %arg6: memref<9x48xi32, #tpu.memory_space<vmem>>, %arg7: memref<9x48xi32, #tpu.memory_space<vmem>>, %arg8: memref<2x48xi32, #tpu.memory_space<vmem>>, %arg9: memref<2x48xi32, #tpu.memory_space<vmem>>, %arg10: memref<48x512xf32, #tpu.memory_space<vmem>>, %arg11: memref<48x512xf32, #tpu.memory_space<vmem>>, %arg12: memref<48x512xf32, #tpu.memory_space<vmem>>, %arg13: memref<48x512xf32, #tpu.memory_space<vmem>>, %arg14: memref<!tpu.dma_semaphore, #tpu.memory_space<semaphore_mem>>, %arg15: memref<!tpu.dma_semaphore, #tpu.memory_space<semaphore_mem>>) attributes {dimension_semantics = [#tpu.dimension_semantics<core_parallel>, #tpu.dimension_semantics<subcore_parallel>], iteration_bounds = array<i64: 2, 16>, scalar_prefetch = 0 : i64, scratch_operands = 10 : i64, tpu.core_type = #tpu.core_type<sc_vector_subcore>, window_params = [{transform_indices = #map}, {transform_indices = #map1}, {transform_indices = #map1}, {transform_indices = #map1}]} {
    %mul3A = arith.constant 2 : i32
    %mul3A_0 = arith.muli %arg1, %mul3A : i32
    %add3A = arith.addi %mul3A_0, %arg0 : i32
    %mul3A_1 = arith.constant 824 : i32
    %mul3A_2 = arith.muli %add3A, %mul3A_1 : i32
    %add3A_3 = arith.constant 73728 : i32
    %add3A_4 = arith.addi %add3A_3, %mul3A_2 : i32
    %sub3A = arith.constant 29 : i32
    %sub3A_5 = arith.subi %add3A, %sub3A : i32
    %max3A = arith.constant 0 : i32
    %max3A_6 = arith.maxsi %sub3A_5, %max3A : i32
    %mul3A_7 = arith.constant 32 : i32
    %mul3A_8 = arith.muli %max3A_6, %mul3A_7 : i32
    %sub3A_9 = arith.subi %add3A_4, %mul3A_8 : i32
    %lt3A = arith.constant 29 : i32
    %lt3A_10 = arith.cmpi slt, %add3A, %lt3A : i32
    %jit3A = arith.constant 824 : i32
    %jit3A_11 = arith.constant 792 : i32
    %select_n3A = arith.select %lt3A_10, %jit3A, %jit3A_11 : i32
    %add3A_12 = arith.addi %sub3A_9, %select_n3A : i32
    %sub3A_13 = arith.constant 48 : i32
    %sub3A_14 = arith.subi %add3A_12, %sub3A_13 : i32
    %mul3A_15 = arith.constant 19 : i32
    %mul3A_16 = arith.muli %add3A, %mul3A_15 : i32
    %add3A_17 = arith.constant 0 : i32
    %add3A_18 = arith.addi %mul3A_16, %add3A_17 : i32
    "tpu.region"() ({
      %run_scoped3A = tpu.sem_alloc : memref<!tpu.dma_semaphore, #tpu.memory_space<semaphore_mem>>
      %dma_start3A_307 = arith.constant 0 : i32
      %dma_start3A_308 = arith.constant 0 : i32
      %dma_start3A_309 = tpu.memref_slice %arg2[%add3A_18, %dma_start3A_307, %dma_start3A_308] : memref<608x9x48xi32, #tpu.memory_space<hbm>> -> memref<1x9x48xi32, #tpu.memory_space<hbm>>
      %dma_start3A_310 = tpu.memref_squeeze %dma_start3A_309 : memref<1x9x48xi32, #tpu.memory_space<hbm>> -> memref<9x48xi32, #tpu.memory_space<hbm>>
      %dma_start3A_311 = arith.constant 0 : i32
      %dma_start3A_312 = arith.constant 0 : i32
      %dma_start3A_313 = tpu.memref_slice %arg2[%add3A_18, %dma_start3A_311, %dma_start3A_312] : memref<608x9x48xi32, #tpu.memory_space<hbm>> -> memref<1x9x48xi32, #tpu.memory_space<hbm>>
      %dma_start3A_314 = tpu.memref_squeeze %dma_start3A_313 : memref<1x9x48xi32, #tpu.memory_space<hbm>> -> memref<9x48xi32, #tpu.memory_space<hbm>>
      tpu.enqueue_dma source(%dma_start3A_314 : memref<9x48xi32, #tpu.memory_space<hbm>>) target(%arg6 : memref<9x48xi32, #tpu.memory_space<vmem>>) target_semaphore(%run_scoped3A : memref<!tpu.dma_semaphore, #tpu.memory_space<semaphore_mem>>)
      %dma_wait3A_315 = arith.constant 0 : i32
      %dma_wait3A_316 = arith.constant 0 : i32
      %dma_wait3A_317 = tpu.memref_slice %arg2[%add3A_18, %dma_wait3A_315, %dma_wait3A_316] : memref<608x9x48xi32, #tpu.memory_space<hbm>> -> memref<1x9x48xi32, #tpu.memory_space<hbm>>
      %dma_wait3A_318 = tpu.memref_squeeze %dma_wait3A_317 : memref<1x9x48xi32, #tpu.memory_space<hbm>> -> memref<9x48xi32, #tpu.memory_space<hbm>>
      %dma_wait3A_319 = arith.constant 0 : i32
      %dma_wait3A_320 = arith.constant 0 : i32
      %dma_wait3A_321 = tpu.memref_slice %arg2[%add3A_18, %dma_wait3A_319, %dma_wait3A_320] : memref<608x9x48xi32, #tpu.memory_space<hbm>> -> memref<1x9x48xi32, #tpu.memory_space<hbm>>
      %dma_wait3A_322 = tpu.memref_squeeze %dma_wait3A_321 : memref<1x9x48xi32, #tpu.memory_space<hbm>> -> memref<9x48xi32, #tpu.memory_space<hbm>>
      tpu.wait_dma2 semaphore(%run_scoped3A : memref<!tpu.dma_semaphore, #tpu.memory_space<semaphore_mem>>) src(%dma_wait3A_322 : memref<9x48xi32, #tpu.memory_space<hbm>>) dst(%arg6 : memref<9x48xi32, #tpu.memory_space<vmem>>)
      tpu.yield
    }) : () -> ()
    %get3A = arith.constant 0 : i32
    %get3A_19 = arith.index_cast %get3A : i32 to index
    %get3A_20 = arith.constant 0 : index
    %get3A_21 = tpu.vector_load %arg6[%get3A_19, %get3A_20] {strides = array<i32>} : memref<9x48xi32, #tpu.memory_space<vmem>>, vector<1x16xi32>,
    %get3A_22 = vector.shape_cast %get3A_21 : vector<1x16xi32> to vector<16xi32>
    %mul3A_23 = arith.constant 32 : i32
    %mul3A_24 = vector.broadcast %mul3A_23 : i32 to vector<16xi32>
    %mul3A_25 = arith.muli %get3A_22, %mul3A_24 : vector<16xi32>
    %get3A_26 = arith.constant 6 : i32
    %get3A_27 = arith.index_cast %get3A_26 : i32 to index
    %get3A_28 = arith.constant 0 : index
    %get3A_29 = tpu.vector_load %arg6[%get3A_27, %get3A_28] {strides = array<i32>} : memref<9x48xi32, #tpu.memory_space<vmem>>, vector<1x16xi32>,
    %get3A_30 = vector.shape_cast %get3A_29 : vector<1x16xi32> to vector<16xi32>
    %mul3A_31 = arith.constant 4 : i32
    %mul3A_32 = vector.broadcast %mul3A_31 : i32 to vector<16xi32>
    %mul3A_33 = arith.muli %get3A_30, %mul3A_32 : vector<16xi32>
    %add3A_34 = arith.addi %mul3A_25, %mul3A_33 : vector<16xi32>
    %get3A_35 = arith.constant 7 : i32
    %get3A_36 = arith.index_cast %get3A_35 : i32 to index
    %get3A_37 = arith.constant 0 : index
    %get3A_38 = tpu.vector_load %arg6[%get3A_36, %get3A_37] {strides = array<i32>} : memref<9x48xi32, #tpu.memory_space<vmem>>, vector<1x16xi32>,
    %get3A_39 = vector.shape_cast %get3A_38 : vector<1x16xi32> to vector<16xi32>
    %mul3A_40 = arith.constant 2 : i32
    %mul3A_41 = vector.broadcast %mul3A_40 : i32 to vector<16xi32>
    %mul3A_42 = arith.muli %get3A_39, %mul3A_41 : vector<16xi32>
    %get3A_43 = arith.constant 8 : i32
    %get3A_44 = arith.index_cast %get3A_43 : i32 to index
    %get3A_45 = arith.constant 0 : index
    %get3A_46 = tpu.vector_load %arg6[%get3A_44, %get3A_45] {strides = array<i32>} : memref<9x48xi32, #tpu.memory_space<vmem>>, vector<1x16xi32>,
    %get3A_47 = vector.shape_cast %get3A_46 : vector<1x16xi32> to vector<16xi32>
    %add3A_48 = arith.addi %mul3A_42, %get3A_47 : vector<16xi32>
    %add3A_49 = arith.addi %add3A_34, %add3A_48 : vector<16xi32>
    %swap3A = arith.constant 0 : i32
    %swap3A_50 = arith.index_cast %swap3A : i32 to index
    %swap3A_51 = arith.constant 0 : index
    %swap3A_52 = tpu.vector_load %arg8[%swap3A_50, %swap3A_51] {strides = array<i32>} : memref<2x48xi32, #tpu.memory_space<vmem>>, vector<1x16xi32>,
    %swap3A_53 = vector.shape_cast %swap3A_52 : vector<1x16xi32> to vector<16xi32>
    %swap3A_54 = vector.shape_cast %add3A_49 : vector<16xi32> to vector<1x16xi32>
    tpu.vector_store %arg8[%swap3A_50, %swap3A_51], %swap3A_54 {strides = array<i32>} : memref<2x48xi32, #tpu.memory_space<vmem>>, vector<1x16xi32>,
    %get3A_55 = arith.constant 1 : i32
    %get3A_56 = arith.index_cast %get3A_55 : i32 to index
    %get3A_57 = arith.constant 0 : index
    %get3A_58 = tpu.vector_load %arg6[%get3A_56, %get3A_57] {strides = array<i32>} : memref<9x48xi32, #tpu.memory_space<vmem>>, vector<1x16xi32>,
    %get3A_59 = vector.shape_cast %get3A_58 : vector<1x16xi32> to vector<16xi32>
    %mul3A_60 = arith.constant 5940 : i32
    %mul3A_61 = vector.broadcast %mul3A_60 : i32 to vector<16xi32>
    %mul3A_62 = arith.muli %get3A_59, %mul3A_61 : vector<16xi32>
    %get3A_63 = arith.constant 2 : i32
    %get3A_64 = arith.index_cast %get3A_63 : i32 to index
    %get3A_65 = arith.constant 0 : index
    %get3A_66 = tpu.vector_load %arg6[%get3A_64, %get3A_65] {strides = array<i32>} : memref<9x48xi32, #tpu.memory_space<vmem>>, vector<1x16xi32>,
    %get3A_67 = vector.shape_cast %get3A_66 : vector<1x16xi32> to vector<16xi32>
    %mul3A_68 = arith.constant 540 : i32
    %mul3A_69 = vector.broadcast %mul3A_68 : i32 to vector<16xi32>
    %mul3A_70 = arith.muli %get3A_67, %mul3A_69 : vector<16xi32>
    %add3A_71 = arith.addi %mul3A_62, %mul3A_70 : vector<16xi32>
    %get3A_72 = arith.constant 3 : i32
    %get3A_73 = arith.index_cast %get3A_72 : i32 to index
    %get3A_74 = arith.constant 0 : index
    %get3A_75 = tpu.vector_load %arg6[%get3A_73, %get3A_74] {strides = array<i32>} : memref<9x48xi32, #tpu.memory_space<vmem>>, vector<1x16xi32>,
    %get3A_76 = vector.shape_cast %get3A_75 : vector<1x16xi32> to vector<16xi32>
    %mul3A_77 = arith.constant 45 : i32
    %mul3A_78 = vector.broadcast %mul3A_77 : i32 to vector<16xi32>
    %mul3A_79 = arith.muli %get3A_76, %mul3A_78 : vector<16xi32>
    %get3A_80 = arith.constant 4 : i32
    %get3A_81 = arith.index_cast %get3A_80 : i32 to index
    %get3A_82 = arith.constant 0 : index
    %get3A_83 = tpu.vector_load %arg6[%get3A_81, %get3A_82] {strides = array<i32>} : memref<9x48xi32, #tpu.memory_space<vmem>>, vector<1x16xi32>,
    %get3A_84 = vector.shape_cast %get3A_83 : vector<1x16xi32> to vector<16xi32>
    %mul3A_85 = arith.constant 5 : i32
    %mul3A_86 = vector.broadcast %mul3A_85 : i32 to vector<16xi32>
    %mul3A_87 = arith.muli %get3A_84, %mul3A_86 : vector<16xi32>
    %add3A_88 = arith.addi %mul3A_79, %mul3A_87 : vector<16xi32>
    %get3A_89 = arith.constant 5 : i32
    %get3A_90 = arith.index_cast %get3A_89 : i32 to index
    %get3A_91 = arith.constant 0 : index
    %get3A_92 = tpu.vector_load %arg6[%get3A_90, %get3A_91] {strides = array<i32>} : memref<9x48xi32, #tpu.memory_space<vmem>>, vector<1x16xi32>,
    %get3A_93 = vector.shape_cast %get3A_92 : vector<1x16xi32> to vector<16xi32>
    %add3A_94 = arith.addi %add3A_88, %get3A_93 : vector<16xi32>
    %add3A_95 = arith.addi %add3A_71, %add3A_94 : vector<16xi32>
    %swap3A_96 = arith.constant 1 : i32
    %swap3A_97 = arith.index_cast %swap3A_96 : i32 to index
    %swap3A_98 = arith.constant 0 : index
    %swap3A_99 = tpu.vector_load %arg8[%swap3A_97, %swap3A_98] {strides = array<i32>} : memref<2x48xi32, #tpu.memory_space<vmem>>, vector<1x16xi32>,
    %swap3A_100 = vector.shape_cast %swap3A_99 : vector<1x16xi32> to vector<16xi32>
    %swap3A_101 = vector.shape_cast %add3A_95 : vector<16xi32> to vector<1x16xi32>
    tpu.vector_store %arg8[%swap3A_97, %swap3A_98], %swap3A_101 {strides = array<i32>} : memref<2x48xi32, #tpu.memory_space<vmem>>, vector<1x16xi32>,
    %get3A_102 = arith.constant 0 : i32
    %get3A_103 = arith.index_cast %get3A_102 : i32 to index
    %get3A_104 = arith.constant 16 : index
    %get3A_105 = tpu.vector_load %arg6[%get3A_103, %get3A_104] {strides = array<i32>} : memref<9x48xi32, #tpu.memory_space<vmem>>, vector<1x16xi32>,
    %get3A_106 = vector.shape_cast %get3A_105 : vector<1x16xi32> to vector<16xi32>
    %mul3A_107 = arith.constant 32 : i32
    %mul3A_108 = vector.broadcast %mul3A_107 : i32 to vector<16xi32>
    %mul3A_109 = arith.muli %get3A_106, %mul3A_108 : vector<16xi32>
    %get3A_110 = arith.constant 6 : i32
    %get3A_111 = arith.index_cast %get3A_110 : i32 to index
    %get3A_112 = arith.constant 16 : index
    %get3A_113 = tpu.vector_load %arg6[%get3A_111, %get3A_112] {strides = array<i32>} : memref<9x48xi32, #tpu.memory_space<vmem>>, vector<1x16xi32>,
    %get3A_114 = vector.shape_cast %get3A_113 : vector<1x16xi32> to vector<16xi32>
    %mul3A_115 = arith.constant 4 : i32
    %mul3A_116 = vector.broadcast %mul3A_115 : i32 to vector<16xi32>
    %mul3A_117 = arith.muli %get3A_114, %mul3A_116 : vector<16xi32>
    %add3A_118 = arith.addi %mul3A_109, %mul3A_117 : vector<16xi32>
    %get3A_119 = arith.constant 7 : i32
    %get3A_120 = arith.index_cast %get3A_119 : i32 to index
    %get3A_121 = arith.constant 16 : index
    %get3A_122 = tpu.vector_load %arg6[%get3A_120, %get3A_121] {strides = array<i32>} : memref<9x48xi32, #tpu.memory_space<vmem>>, vector<1x16xi32>,
    %get3A_123 = vector.shape_cast %get3A_122 : vector<1x16xi32> to vector<16xi32>
    %mul3A_124 = arith.constant 2 : i32
    %mul3A_125 = vector.broadcast %mul3A_124 : i32 to vector<16xi32>
    %mul3A_126 = arith.muli %get3A_123, %mul3A_125 : vector<16xi32>
    %get3A_127 = arith.constant 8 : i32
    %get3A_128 = arith.index_cast %get3A_127 : i32 to index
    %get3A_129 = arith.constant 16 : index
    %get3A_130 = tpu.vector_load %arg6[%get3A_128, %get3A_129] {strides = array<i32>} : memref<9x48xi32, #tpu.memory_space<vmem>>, vector<1x16xi32>,
    %get3A_131 = vector.shape_cast %get3A_130 : vector<1x16xi32> to vector<16xi32>
    %add3A_132 = arith.addi %mul3A_126, %get3A_131 : vector<16xi32>
    %add3A_133 = arith.addi %add3A_118, %add3A_132 : vector<16xi32>
    %swap3A_134 = arith.constant 0 : i32
    %swap3A_135 = arith.index_cast %swap3A_134 : i32 to index
    %swap3A_136 = arith.constant 16 : index
    %swap3A_137 = tpu.vector_load %arg8[%swap3A_135, %swap3A_136] {strides = array<i32>} : memref<2x48xi32, #tpu.memory_space<vmem>>, vector<1x16xi32>,
    %swap3A_138 = vector.shape_cast %swap3A_137 : vector<1x16xi32> to vector<16xi32>
    %swap3A_139 = vector.shape_cast %add3A_133 : vector<16xi32> to vector<1x16xi32>
    tpu.vector_store %arg8[%swap3A_135, %swap3A_136], %swap3A_139 {strides = array<i32>} : memref<2x48xi32, #tpu.memory_space<vmem>>, vector<1x16xi32>,
    %get3A_140 = arith.constant 1 : i32
    %get3A_141 = arith.index_cast %get3A_140 : i32 to index
    %get3A_142 = arith.constant 16 : index
    %get3A_143 = tpu.vector_load %arg6[%get3A_141, %get3A_142] {strides = array<i32>} : memref<9x48xi32, #tpu.memory_space<vmem>>, vector<1x16xi32>,
    %get3A_144 = vector.shape_cast %get3A_143 : vector<1x16xi32> to vector<16xi32>
    %mul3A_145 = arith.constant 5940 : i32
    %mul3A_146 = vector.broadcast %mul3A_145 : i32 to vector<16xi32>
    %mul3A_147 = arith.muli %get3A_144, %mul3A_146 : vector<16xi32>
    %get3A_148 = arith.constant 2 : i32
    %get3A_149 = arith.index_cast %get3A_148 : i32 to index
    %get3A_150 = arith.constant 16 : index
    %get3A_151 = tpu.vector_load %arg6[%get3A_149, %get3A_150] {strides = array<i32>} : memref<9x48xi32, #tpu.memory_space<vmem>>, vector<1x16xi32>,
    %get3A_152 = vector.shape_cast %get3A_151 : vector<1x16xi32> to vector<16xi32>
    %mul3A_153 = arith.constant 540 : i32
    %mul3A_154 = vector.broadcast %mul3A_153 : i32 to vector<16xi32>
    %mul3A_155 = arith.muli %get3A_152, %mul3A_154 : vector<16xi32>
    %add3A_156 = arith.addi %mul3A_147, %mul3A_155 : vector<16xi32>
    %get3A_157 = arith.constant 3 : i32
    %get3A_158 = arith.index_cast %get3A_157 : i32 to index
    %get3A_159 = arith.constant 16 : index
    %get3A_160 = tpu.vector_load %arg6[%get3A_158, %get3A_159] {strides = array<i32>} : memref<9x48xi32, #tpu.memory_space<vmem>>, vector<1x16xi32>,
    %get3A_161 = vector.shape_cast %get3A_160 : vector<1x16xi32> to vector<16xi32>
    %mul3A_162 = arith.constant 45 : i32
    %mul3A_163 = vector.broadcast %mul3A_162 : i32 to vector<16xi32>
    %mul3A_164 = arith.muli %get3A_161, %mul3A_163 : vector<16xi32>
    %get3A_165 = arith.constant 4 : i32
    %get3A_166 = arith.index_cast %get3A_165 : i32 to index
    %get3A_167 = arith.constant 16 : index
    %get3A_168 = tpu.vector_load %arg6[%get3A_166, %get3A_167] {strides = array<i32>} : memref<9x48xi32, #tpu.memory_space<vmem>>, vector<1x16xi32>,
    %get3A_169 = vector.shape_cast %get3A_168 : vector<1x16xi32> to vector<16xi32>
    %mul3A_170 = arith.constant 5 : i32
    %mul3A_171 = vector.broadcast %mul3A_170 : i32 to vector<16xi32>
    %mul3A_172 = arith.muli %get3A_169, %mul3A_171 : vector<16xi32>
    %add3A_173 = arith.addi %mul3A_164, %mul3A_172 : vector<16xi32>
    %get3A_174 = arith.constant 5 : i32
    %get3A_175 = arith.index_cast %get3A_174 : i32 to index
    %get3A_176 = arith.constant 16 : index
    %get3A_177 = tpu.vector_load %arg6[%get3A_175, %get3A_176] {strides = array<i32>} : memref<9x48xi32, #tpu.memory_space<vmem>>, vector<1x16xi32>,
    %get3A_178 = vector.shape_cast %get3A_177 : vector<1x16xi32> to vector<16xi32>
    %add3A_179 = arith.addi %add3A_173, %get3A_178 : vector<16xi32>
    %add3A_180 = arith.addi %add3A_156, %add3A_179 : vector<16xi32>
    %swap3A_181 = arith.constant 1 : i32
    %swap3A_182 = arith.index_cast %swap3A_181 : i32 to index
    %swap3A_183 = arith.constant 16 : index
    %swap3A_184 = tpu.vector_load %arg8[%swap3A_182, %swap3A_183] {strides = array<i32>} : memref<2x48xi32, #tpu.memory_space<vmem>>, vector<1x16xi32>,
    %swap3A_185 = vector.shape_cast %swap3A_184 : vector<1x16xi32> to vector<16xi32>
    %swap3A_186 = vector.shape_cast %add3A_180 : vector<16xi32> to vector<1x16xi32>
    tpu.vector_store %arg8[%swap3A_182, %swap3A_183], %swap3A_186 {strides = array<i32>} : memref<2x48xi32, #tpu.memory_space<vmem>>, vector<1x16xi32>,
    %get3A_187 = arith.constant 0 : i32
    %get3A_188 = arith.index_cast %get3A_187 : i32 to index
    %get3A_189 = arith.constant 32 : index
    %get3A_190 = tpu.vector_load %arg6[%get3A_188, %get3A_189] {strides = array<i32>} : memref<9x48xi32, #tpu.memory_space<vmem>>, vector<1x16xi32>,
    %get3A_191 = vector.shape_cast %get3A_190 : vector<1x16xi32> to vector<16xi32>
    %mul3A_192 = arith.constant 32 : i32
    %mul3A_193 = vector.broadcast %mul3A_192 : i32 to vector<16xi32>
    %mul3A_194 = arith.muli %get3A_191, %mul3A_193 : vector<16xi32>
    %get3A_195 = arith.constant 6 : i32
    %get3A_196 = arith.index_cast %get3A_195 : i32 to index
    %get3A_197 = arith.constant 32 : index
    %get3A_198 = tpu.vector_load %arg6[%get3A_196, %get3A_197] {strides = array<i32>} : memref<9x48xi32, #tpu.memory_space<vmem>>, vector<1x16xi32>,
    %get3A_199 = vector.shape_cast %get3A_198 : vector<1x16xi32> to vector<16xi32>
    %mul3A_200 = arith.constant 4 : i32
    %mul3A_201 = vector.broadcast %mul3A_200 : i32 to vector<16xi32>
    %mul3A_202 = arith.muli %get3A_199, %mul3A_201 : vector<16xi32>
    %add3A_203 = arith.addi %mul3A_194, %mul3A_202 : vector<16xi32>
    %get3A_204 = arith.constant 7 : i32
    %get3A_205 = arith.index_cast %get3A_204 : i32 to index
    %get3A_206 = arith.constant 32 : index
    %get3A_207 = tpu.vector_load %arg6[%get3A_205, %get3A_206] {strides = array<i32>} : memref<9x48xi32, #tpu.memory_space<vmem>>, vector<1x16xi32>,
    %get3A_208 = vector.shape_cast %get3A_207 : vector<1x16xi32> to vector<16xi32>
    %mul3A_209 = arith.constant 2 : i32
    %mul3A_210 = vector.broadcast %mul3A_209 : i32 to vector<16xi32>
    %mul3A_211 = arith.muli %get3A_208, %mul3A_210 : vector<16xi32>
    %get3A_212 = arith.constant 8 : i32
    %get3A_213 = arith.index_cast %get3A_212 : i32 to index
    %get3A_214 = arith.constant 32 : index
    %get3A_215 = tpu.vector_load %arg6[%get3A_213, %get3A_214] {strides = array<i32>} : memref<9x48xi32, #tpu.memory_space<vmem>>, vector<1x16xi32>,
    %get3A_216 = vector.shape_cast %get3A_215 : vector<1x16xi32> to vector<16xi32>
    %add3A_217 = arith.addi %mul3A_211, %get3A_216 : vector<16xi32>
    %add3A_218 = arith.addi %add3A_203, %add3A_217 : vector<16xi32>
    %swap3A_219 = arith.constant 0 : i32
    %swap3A_220 = arith.index_cast %swap3A_219 : i32 to index
    %swap3A_221 = arith.constant 32 : index
    %swap3A_222 = tpu.vector_load %arg8[%swap3A_220, %swap3A_221] {strides = array<i32>} : memref<2x48xi32, #tpu.memory_space<vmem>>, vector<1x16xi32>,
    %swap3A_223 = vector.shape_cast %swap3A_222 : vector<1x16xi32> to vector<16xi32>
    %swap3A_224 = vector.shape_cast %add3A_218 : vector<16xi32> to vector<1x16xi32>
    tpu.vector_store %arg8[%swap3A_220, %swap3A_221], %swap3A_224 {strides = array<i32>} : memref<2x48xi32, #tpu.memory_space<vmem>>, vector<1x16xi32>,
    %get3A_225 = arith.constant 1 : i32
    %get3A_226 = arith.index_cast %get3A_225 : i32 to index
    %get3A_227 = arith.constant 32 : index
    %get3A_228 = tpu.vector_load %arg6[%get3A_226, %get3A_227] {strides = array<i32>} : memref<9x48xi32, #tpu.memory_space<vmem>>, vector<1x16xi32>,
    %get3A_229 = vector.shape_cast %get3A_228 : vector<1x16xi32> to vector<16xi32>
    %mul3A_230 = arith.constant 5940 : i32
    %mul3A_231 = vector.broadcast %mul3A_230 : i32 to vector<16xi32>
    %mul3A_232 = arith.muli %get3A_229, %mul3A_231 : vector<16xi32>
    %get3A_233 = arith.constant 2 : i32
    %get3A_234 = arith.index_cast %get3A_233 : i32 to index
    %get3A_235 = arith.constant 32 : index
    %get3A_236 = tpu.vector_load %arg6[%get3A_234, %get3A_235] {strides = array<i32>} : memref<9x48xi32, #tpu.memory_space<vmem>>, vector<1x16xi32>,
    %get3A_237 = vector.shape_cast %get3A_236 : vector<1x16xi32> to vector<16xi32>
    %mul3A_238 = arith.constant 540 : i32
    %mul3A_239 = vector.broadcast %mul3A_238 : i32 to vector<16xi32>
    %mul3A_240 = arith.muli %get3A_237, %mul3A_239 : vector<16xi32>
    %add3A_241 = arith.addi %mul3A_232, %mul3A_240 : vector<16xi32>
    %get3A_242 = arith.constant 3 : i32
    %get3A_243 = arith.index_cast %get3A_242 : i32 to index
    %get3A_244 = arith.constant 32 : index
    %get3A_245 = tpu.vector_load %arg6[%get3A_243, %get3A_244] {strides = array<i32>} : memref<9x48xi32, #tpu.memory_space<vmem>>, vector<1x16xi32>,
    %get3A_246 = vector.shape_cast %get3A_245 : vector<1x16xi32> to vector<16xi32>
    %mul3A_247 = arith.constant 45 : i32
    %mul3A_248 = vector.broadcast %mul3A_247 : i32 to vector<16xi32>
    %mul3A_249 = arith.muli %get3A_246, %mul3A_248 : vector<16xi32>
    %get3A_250 = arith.constant 4 : i32
    %get3A_251 = arith.index_cast %get3A_250 : i32 to index
    %get3A_252 = arith.constant 32 : index
    %get3A_253 = tpu.vector_load %arg6[%get3A_251, %get3A_252] {strides = array<i32>} : memref<9x48xi32, #tpu.memory_space<vmem>>, vector<1x16xi32>,
    %get3A_254 = vector.shape_cast %get3A_253 : vector<1x16xi32> to vector<16xi32>
    %mul3A_255 = arith.constant 5 : i32
    %mul3A_256 = vector.broadcast %mul3A_255 : i32 to vector<16xi32>
    %mul3A_257 = arith.muli %get3A_254, %mul3A_256 : vector<16xi32>
    %add3A_258 = arith.addi %mul3A_249, %mul3A_257 : vector<16xi32>
    %get3A_259 = arith.constant 5 : i32
    %get3A_260 = arith.index_cast %get3A_259 : i32 to index
    %get3A_261 = arith.constant 32 : index
    %get3A_262 = tpu.vector_load %arg6[%get3A_260, %get3A_261] {strides = array<i32>} : memref<9x48xi32, #tpu.memory_space<vmem>>, vector<1x16xi32>,
    %get3A_263 = vector.shape_cast %get3A_262 : vector<1x16xi32> to vector<16xi32>
    %add3A_264 = arith.addi %add3A_258, %get3A_263 : vector<16xi32>
    %add3A_265 = arith.addi %add3A_241, %add3A_264 : vector<16xi32>
    %swap3A_266 = arith.constant 1 : i32
    %swap3A_267 = arith.index_cast %swap3A_266 : i32 to index
    %swap3A_268 = arith.constant 32 : index
    %swap3A_269 = tpu.vector_load %arg8[%swap3A_267, %swap3A_268] {strides = array<i32>} : memref<2x48xi32, #tpu.memory_space<vmem>>, vector<1x16xi32>,
    %swap3A_270 = vector.shape_cast %swap3A_269 : vector<1x16xi32> to vector<16xi32>
    %swap3A_271 = vector.shape_cast %add3A_265 : vector<16xi32> to vector<1x16xi32>
    tpu.vector_store %arg8[%swap3A_267, %swap3A_268], %swap3A_271 {strides = array<i32>} : memref<2x48xi32, #tpu.memory_space<vmem>>, vector<1x16xi32>,
    %dma_start3A = arith.constant 0 : i32
    %dma_start3A_272 = arith.constant 0 : i32
    %dma_start3A_273 = tpu.memref_slice %arg8[%dma_start3A, %dma_start3A_272] : memref<2x48xi32, #tpu.memory_space<vmem>> -> memref<1x48xi32, #tpu.memory_space<vmem>>
    %dma_start3A_274 = tpu.memref_squeeze %dma_start3A_273 : memref<1x48xi32, #tpu.memory_space<vmem>> -> memref<48xi32, #tpu.memory_space<vmem>>
    %dma_start3A_275 = arith.constant 0 : i32
    %dma_start3A_276 = arith.constant 0 : i32
    %dma_start3A_277 = tpu.memref_slice %arg3[%dma_start3A_275, %dma_start3A_276] : memref<3808x512xf32, #tpu.memory_space<hbm>> -> memref<3808x512xf32, #tpu.memory_space<hbm>>
    tpu.enqueue_indirect_dma source(%dma_start3A_277 : memref<3808x512xf32, #tpu.memory_space<hbm>>) target(%arg10 : memref<48x512xf32, #tpu.memory_space<vmem>>) offsets(%dma_start3A_274 : memref<48xi32, #tpu.memory_space<vmem>>) semaphore(%arg14 : memref<!tpu.dma_semaphore, #tpu.memory_space<semaphore_mem>>)
    %dma_start3A_278 = arith.constant 1 : i32
    %dma_start3A_279 = arith.constant 0 : i32
    %dma_start3A_280 = tpu.memref_slice %arg8[%dma_start3A_278, %dma_start3A_279] : memref<2x48xi32, #tpu.memory_space<vmem>> -> memref<1x48xi32, #tpu.memory_space<vmem>>
    %dma_start3A_281 = tpu.memref_squeeze %dma_start3A_280 : memref<1x48xi32, #tpu.memory_space<vmem>> -> memref<48xi32, #tpu.memory_space<vmem>>
    %dma_start3A_282 = arith.constant 0 : i32
    %dma_start3A_283 = arith.constant 0 : i32
    %dma_start3A_284 = tpu.memref_slice %arg4[%dma_start3A_282, %dma_start3A_283] : memref<23760x512xf32, #tpu.memory_space<hbm>> -> memref<23760x512xf32, #tpu.memory_space<hbm>>
    tpu.enqueue_indirect_dma source(%dma_start3A_284 : memref<23760x512xf32, #tpu.memory_space<hbm>>) target(%arg11 : memref<48x512xf32, #tpu.memory_space<vmem>>) offsets(%dma_start3A_281 : memref<48xi32, #tpu.memory_space<vmem>>) semaphore(%arg14 : memref<!tpu.dma_semaphore, #tpu.memory_space<semaphore_mem>>)
    %scan3A = arith.constant 0 : i32
    %scan3A_285 = arith.constant 9 : i32
    %scan3A_286 = arith.addi %scan3A, %scan3A_285 : i32
    %scan3A_287 = arith.constant 1 : i32
    scf.for %scan3A_307 = %scan3A to %scan3A_286 step %scan3A_287  : i32 {
      %mul3A_308 = arith.constant 2 : i32
      %mul3A_309 = arith.muli %scan3A_307, %mul3A_308 : i32
      %add3A_310 = arith.constant 0 : i32
      %add3A_311 = arith.addi %add3A_310, %mul3A_309 : i32
      %add3A_312 = arith.constant 1 : i32
      %add3A_313 = arith.addi %add3A_311, %add3A_312 : i32
      %mul3A_314 = arith.constant 19 : i32
      %mul3A_315 = arith.muli %add3A, %mul3A_314 : i32
      %add3A_316 = arith.addi %mul3A_315, %add3A_313 : i32
      "tpu.region"() ({
        %run_scoped3A = tpu.sem_alloc : memref<!tpu.dma_semaphore, #tpu.memory_space<semaphore_mem>>
        %dma_start3A_904 = arith.constant 0 : i32
        %dma_start3A_905 = arith.constant 0 : i32
        %dma_start3A_906 = tpu.memref_slice %arg2[%add3A_316, %dma_start3A_904, %dma_start3A_905] : memref<608x9x48xi32, #tpu.memory_space<hbm>> -> memref<1x9x48xi32, #tpu.memory_space<hbm>>
        %dma_start3A_907 = tpu.memref_squeeze %dma_start3A_906 : memref<1x9x48xi32, #tpu.memory_space<hbm>> -> memref<9x48xi32, #tpu.memory_space<hbm>>
        %dma_start3A_908 = arith.constant 0 : i32
        %dma_start3A_909 = arith.constant 0 : i32
        %dma_start3A_910 = tpu.memref_slice %arg2[%add3A_316, %dma_start3A_908, %dma_start3A_909] : memref<608x9x48xi32, #tpu.memory_space<hbm>> -> memref<1x9x48xi32, #tpu.memory_space<hbm>>
        %dma_start3A_911 = tpu.memref_squeeze %dma_start3A_910 : memref<1x9x48xi32, #tpu.memory_space<hbm>> -> memref<9x48xi32, #tpu.memory_space<hbm>>
        tpu.enqueue_dma source(%dma_start3A_911 : memref<9x48xi32, #tpu.memory_space<hbm>>) target(%arg7 : memref<9x48xi32, #tpu.memory_space<vmem>>) target_semaphore(%run_scoped3A : memref<!tpu.dma_semaphore, #tpu.memory_space<semaphore_mem>>)
        %dma_wait3A_912 = arith.constant 0 : i32
        %dma_wait3A_913 = arith.constant 0 : i32
        %dma_wait3A_914 = tpu.memref_slice %arg2[%add3A_316, %dma_wait3A_912, %dma_wait3A_913] : memref<608x9x48xi32, #tpu.memory_space<hbm>> -> memref<1x9x48xi32, #tpu.memory_space<hbm>>
        %dma_wait3A_915 = tpu.memref_squeeze %dma_wait3A_914 : memref<1x9x48xi32, #tpu.memory_space<hbm>> -> memref<9x48xi32, #tpu.memory_space<hbm>>
        %dma_wait3A_916 = arith.constant 0 : i32
        %dma_wait3A_917 = arith.constant 0 : i32
        %dma_wait3A_918 = tpu.memref_slice %arg2[%add3A_316, %dma_wait3A_916, %dma_wait3A_917] : memref<608x9x48xi32, #tpu.memory_space<hbm>> -> memref<1x9x48xi32, #tpu.memory_space<hbm>>
        %dma_wait3A_919 = tpu.memref_squeeze %dma_wait3A_918 : memref<1x9x48xi32, #tpu.memory_space<hbm>> -> memref<9x48xi32, #tpu.memory_space<hbm>>
        tpu.wait_dma2 semaphore(%run_scoped3A : memref<!tpu.dma_semaphore, #tpu.memory_space<semaphore_mem>>) src(%dma_wait3A_919 : memref<9x48xi32, #tpu.memory_space<hbm>>) dst(%arg7 : memref<9x48xi32, #tpu.memory_space<vmem>>)
        tpu.yield
      }) : () -> ()
      %get3A_317 = arith.constant 0 : i32
      %get3A_318 = arith.index_cast %get3A_317 : i32 to index
      %get3A_319 = arith.constant 0 : index
      %get3A_320 = tpu.vector_load %arg7[%get3A_318, %get3A_319] {strides = array<i32>} : memref<9x48xi32, #tpu.memory_space<vmem>>, vector<1x16xi32>,
      %get3A_321 = vector.shape_cast %get3A_320 : vector<1x16xi32> to vector<16xi32>
      %mul3A_322 = arith.constant 32 : i32
      %mul3A_323 = vector.broadcast %mul3A_322 : i32 to vector<16xi32>
      %mul3A_324 = arith.muli %get3A_321, %mul3A_323 : vector<16xi32>
      %get3A_325 = arith.constant 6 : i32
      %get3A_326 = arith.index_cast %get3A_325 : i32 to index
      %get3A_327 = arith.constant 0 : index
      %get3A_328 = tpu.vector_load %arg7[%get3A_326, %get3A_327] {strides = array<i32>} : memref<9x48xi32, #tpu.memory_space<vmem>>, vector<1x16xi32>,
      %get3A_329 = vector.shape_cast %get3A_328 : vector<1x16xi32> to vector<16xi32>
      %mul3A_330 = arith.constant 4 : i32
      %mul3A_331 = vector.broadcast %mul3A_330 : i32 to vector<16xi32>
      %mul3A_332 = arith.muli %get3A_329, %mul3A_331 : vector<16xi32>
      %add3A_333 = arith.addi %mul3A_324, %mul3A_332 : vector<16xi32>
      %get3A_334 = arith.constant 7 : i32
      %get3A_335 = arith.index_cast %get3A_334 : i32 to index
      %get3A_336 = arith.constant 0 : index
      %get3A_337 = tpu.vector_load %arg7[%get3A_335, %get3A_336] {strides = array<i32>} : memref<9x48xi32, #tpu.memory_space<vmem>>, vector<1x16xi32>,
      %get3A_338 = vector.shape_cast %get3A_337 : vector<1x16xi32> to vector<16xi32>
      %mul3A_339 = arith.constant 2 : i32
      %mul3A_340 = vector.broadcast %mul3A_339 : i32 to vector<16xi32>
      %mul3A_341 = arith.muli %get3A_338, %mul3A_340 : vector<16xi32>
      %get3A_342 = arith.constant 8 : i32
      %get3A_343 = arith.index_cast %get3A_342 : i32 to index
      %get3A_344 = arith.constant 0 : index
      %get3A_345 = tpu.vector_load %arg7[%get3A_343, %get3A_344] {strides = array<i32>} : memref<9x48xi32, #tpu.memory_space<vmem>>, vector<1x16xi32>,
      %get3A_346 = vector.shape_cast %get3A_345 : vector<1x16xi32> to vector<16xi32>
      %add3A_347 = arith.addi %mul3A_341, %get3A_346 : vector<16xi32>
      %add3A_348 = arith.addi %add3A_333, %add3A_347 : vector<16xi32>
      %swap3A_349 = arith.constant 0 : i32
      %swap3A_350 = arith.index_cast %swap3A_349 : i32 to index
      %swap3A_351 = arith.constant 0 : index
      %swap3A_352 = tpu.vector_load %arg9[%swap3A_350, %swap3A_351] {strides = array<i32>} : memref<2x48xi32, #tpu.memory_space<vmem>>, vector<1x16xi32>,
      %swap3A_353 = vector.shape_cast %swap3A_352 : vector<1x16xi32> to vector<16xi32>
      %swap3A_354 = vector.shape_cast %add3A_348 : vector<16xi32> to vector<1x16xi32>
      tpu.vector_store %arg9[%swap3A_350, %swap3A_351], %swap3A_354 {strides = array<i32>} : memref<2x48xi32, #tpu.memory_space<vmem>>, vector<1x16xi32>,
      %get3A_355 = arith.constant 1 : i32
      %get3A_356 = arith.index_cast %get3A_355 : i32 to index
      %get3A_357 = arith.constant 0 : index
      %get3A_358 = tpu.vector_load %arg7[%get3A_356, %get3A_357] {strides = array<i32>} : memref<9x48xi32, #tpu.memory_space<vmem>>, vector<1x16xi32>,
      %get3A_359 = vector.shape_cast %get3A_358 : vector<1x16xi32> to vector<16xi32>
      %mul3A_360 = arith.constant 5940 : i32
      %mul3A_361 = vector.broadcast %mul3A_360 : i32 to vector<16xi32>
      %mul3A_362 = arith.muli %get3A_359, %mul3A_361 : vector<16xi32>
      %get3A_363 = arith.constant 2 : i32
      %get3A_364 = arith.index_cast %get3A_363 : i32 to index
      %get3A_365 = arith.constant 0 : index
      %get3A_366 = tpu.vector_load %arg7[%get3A_364, %get3A_365] {strides = array<i32>} : memref<9x48xi32, #tpu.memory_space<vmem>>, vector<1x16xi32>,
      %get3A_367 = vector.shape_cast %get3A_366 : vector<1x16xi32> to vector<16xi32>
      %mul3A_368 = arith.constant 540 : i32
      %mul3A_369 = vector.broadcast %mul3A_368 : i32 to vector<16xi32>
      %mul3A_370 = arith.muli %get3A_367, %mul3A_369 : vector<16xi32>
      %add3A_371 = arith.addi %mul3A_362, %mul3A_370 : vector<16xi32>
      %get3A_372 = arith.constant 3 : i32
      %get3A_373 = arith.index_cast %get3A_372 : i32 to index
      %get3A_374 = arith.constant 0 : index
      %get3A_375 = tpu.vector_load %arg7[%get3A_373, %get3A_374] {strides = array<i32>} : memref<9x48xi32, #tpu.memory_space<vmem>>, vector<1x16xi32>,
      %get3A_376 = vector.shape_cast %get3A_375 : vector<1x16xi32> to vector<16xi32>
      %mul3A_377 = arith.constant 45 : i32
      %mul3A_378 = vector.broadcast %mul3A_377 : i32 to vector<16xi32>
      %mul3A_379 = arith.muli %get3A_376, %mul3A_378 : vector<16xi32>
      %get3A_380 = arith.constant 4 : i32
      %get3A_381 = arith.index_cast %get3A_380 : i32 to index
      %get3A_382 = arith.constant 0 : index
      %get3A_383 = tpu.vector_load %arg7[%get3A_381, %get3A_382] {strides = array<i32>} : memref<9x48xi32, #tpu.memory_space<vmem>>, vector<1x16xi32>,
      %get3A_384 = vector.shape_cast %get3A_383 : vector<1x16xi32> to vector<16xi32>
      %mul3A_385 = arith.constant 5 : i32
      %mul3A_386 = vector.broadcast %mul3A_385 : i32 to vector<16xi32>
      %mul3A_387 = arith.muli %get3A_384, %mul3A_386 : vector<16xi32>
      %add3A_388 = arith.addi %mul3A_379, %mul3A_387 : vector<16xi32>
      %get3A_389 = arith.constant 5 : i32
      %get3A_390 = arith.index_cast %get3A_389 : i32 to index
      %get3A_391 = arith.constant 0 : index
      %get3A_392 = tpu.vector_load %arg7[%get3A_390, %get3A_391] {strides = array<i32>} : memref<9x48xi32, #tpu.memory_space<vmem>>, vector<1x16xi32>,
      %get3A_393 = vector.shape_cast %get3A_392 : vector<1x16xi32> to vector<16xi32>
      %add3A_394 = arith.addi %add3A_388, %get3A_393 : vector<16xi32>
      %add3A_395 = arith.addi %add3A_371, %add3A_394 : vector<16xi32>
      %swap3A_396 = arith.constant 1 : i32
      %swap3A_397 = arith.index_cast %swap3A_396 : i32 to index
      %swap3A_398 = arith.constant 0 : index
      %swap3A_399 = tpu.vector_load %arg9[%swap3A_397, %swap3A_398] {strides = array<i32>} : memref<2x48xi32, #tpu.memory_space<vmem>>, vector<1x16xi32>,
      %swap3A_400 = vector.shape_cast %swap3A_399 : vector<1x16xi32> to vector<16xi32>
      %swap3A_401 = vector.shape_cast %add3A_395 : vector<16xi32> to vector<1x16xi32>
      tpu.vector_store %arg9[%swap3A_397, %swap3A_398], %swap3A_401 {strides = array<i32>} : memref<2x48xi32, #tpu.memory_space<vmem>>, vector<1x16xi32>,
      %get3A_402 = arith.constant 0 : i32
      %get3A_403 = arith.index_cast %get3A_402 : i32 to index
      %get3A_404 = arith.constant 16 : index
      %get3A_405 = tpu.vector_load %arg7[%get3A_403, %get3A_404] {strides = array<i32>} : memref<9x48xi32, #tpu.memory_space<vmem>>, vector<1x16xi32>,
      %get3A_406 = vector.shape_cast %get3A_405 : vector<1x16xi32> to vector<16xi32>
      %mul3A_407 = arith.constant 32 : i32
      %mul3A_408 = vector.broadcast %mul3A_407 : i32 to vector<16xi32>
      %mul3A_409 = arith.muli %get3A_406, %mul3A_408 : vector<16xi32>
      %get3A_410 = arith.constant 6 : i32
      %get3A_411 = arith.index_cast %get3A_410 : i32 to index
      %get3A_412 = arith.constant 16 : index
      %get3A_413 = tpu.vector_load %arg7[%get3A_411, %get3A_412] {strides = array<i32>} : memref<9x48xi32, #tpu.memory_space<vmem>>, vector<1x16xi32>,
      %get3A_414 = vector.shape_cast %get3A_413 : vector<1x16xi32> to vector<16xi32>
      %mul3A_415 = arith.constant 4 : i32
      %mul3A_416 = vector.broadcast %mul3A_415 : i32 to vector<16xi32>
      %mul3A_417 = arith.muli %get3A_414, %mul3A_416 : vector<16xi32>
      %add3A_418 = arith.addi %mul3A_409, %mul3A_417 : vector<16xi32>
      %get3A_419 = arith.constant 7 : i32
      %get3A_420 = arith.index_cast %get3A_419 : i32 to index
      %get3A_421 = arith.constant 16 : index
      %get3A_422 = tpu.vector_load %arg7[%get3A_420, %get3A_421] {strides = array<i32>} : memref<9x48xi32, #tpu.memory_space<vmem>>, vector<1x16xi32>,
      %get3A_423 = vector.shape_cast %get3A_422 : vector<1x16xi32> to vector<16xi32>
      %mul3A_424 = arith.constant 2 : i32
      %mul3A_425 = vector.broadcast %mul3A_424 : i32 to vector<16xi32>
      %mul3A_426 = arith.muli %get3A_423, %mul3A_425 : vector<16xi32>
      %get3A_427 = arith.constant 8 : i32
      %get3A_428 = arith.index_cast %get3A_427 : i32 to index
      %get3A_429 = arith.constant 16 : index
      %get3A_430 = tpu.vector_load %arg7[%get3A_428, %get3A_429] {strides = array<i32>} : memref<9x48xi32, #tpu.memory_space<vmem>>, vector<1x16xi32>,
      %get3A_431 = vector.shape_cast %get3A_430 : vector<1x16xi32> to vector<16xi32>
      %add3A_432 = arith.addi %mul3A_426, %get3A_431 : vector<16xi32>
      %add3A_433 = arith.addi %add3A_418, %add3A_432 : vector<16xi32>
      %swap3A_434 = arith.constant 0 : i32
      %swap3A_435 = arith.index_cast %swap3A_434 : i32 to index
      %swap3A_436 = arith.constant 16 : index
      %swap3A_437 = tpu.vector_load %arg9[%swap3A_435, %swap3A_436] {strides = array<i32>} : memref<2x48xi32, #tpu.memory_space<vmem>>, vector<1x16xi32>,
      %swap3A_438 = vector.shape_cast %swap3A_437 : vector<1x16xi32> to vector<16xi32>
      %swap3A_439 = vector.shape_cast %add3A_433 : vector<16xi32> to vector<1x16xi32>
      tpu.vector_store %arg9[%swap3A_435, %swap3A_436], %swap3A_439 {strides = array<i32>} : memref<2x48xi32, #tpu.memory_space<vmem>>, vector<1x16xi32>,
      %get3A_440 = arith.constant 1 : i32
      %get3A_441 = arith.index_cast %get3A_440 : i32 to index
      %get3A_442 = arith.constant 16 : index
      %get3A_443 = tpu.vector_load %arg7[%get3A_441, %get3A_442] {strides = array<i32>} : memref<9x48xi32, #tpu.memory_space<vmem>>, vector<1x16xi32>,
      %get3A_444 = vector.shape_cast %get3A_443 : vector<1x16xi32> to vector<16xi32>
      %mul3A_445 = arith.constant 5940 : i32
      %mul3A_446 = vector.broadcast %mul3A_445 : i32 to vector<16xi32>
      %mul3A_447 = arith.muli %get3A_444, %mul3A_446 : vector<16xi32>
      %get3A_448 = arith.constant 2 : i32
      %get3A_449 = arith.index_cast %get3A_448 : i32 to index
      %get3A_450 = arith.constant 16 : index
      %get3A_451 = tpu.vector_load %arg7[%get3A_449, %get3A_450] {strides = array<i32>} : memref<9x48xi32, #tpu.memory_space<vmem>>, vector<1x16xi32>,
      %get3A_452 = vector.shape_cast %get3A_451 : vector<1x16xi32> to vector<16xi32>
      %mul3A_453 = arith.constant 540 : i32
      %mul3A_454 = vector.broadcast %mul3A_453 : i32 to vector<16xi32>
      %mul3A_455 = arith.muli %get3A_452, %mul3A_454 : vector<16xi32>
      %add3A_456 = arith.addi %mul3A_447, %mul3A_455 : vector<16xi32>
      %get3A_457 = arith.constant 3 : i32
      %get3A_458 = arith.index_cast %get3A_457 : i32 to index
      %get3A_459 = arith.constant 16 : index
      %get3A_460 = tpu.vector_load %arg7[%get3A_458, %get3A_459] {strides = array<i32>} : memref<9x48xi32, #tpu.memory_space<vmem>>, vector<1x16xi32>,
      %get3A_461 = vector.shape_cast %get3A_460 : vector<1x16xi32> to vector<16xi32>
      %mul3A_462 = arith.constant 45 : i32
      %mul3A_463 = vector.broadcast %mul3A_462 : i32 to vector<16xi32>
      %mul3A_464 = arith.muli %get3A_461, %mul3A_463 : vector<16xi32>
      %get3A_465 = arith.constant 4 : i32
      %get3A_466 = arith.index_cast %get3A_465 : i32 to index
      %get3A_467 = arith.constant 16 : index
      %get3A_468 = tpu.vector_load %arg7[%get3A_466, %get3A_467] {strides = array<i32>} : memref<9x48xi32, #tpu.memory_space<vmem>>, vector<1x16xi32>,
      %get3A_469 = vector.shape_cast %get3A_468 : vector<1x16xi32> to vector<16xi32>
      %mul3A_470 = arith.constant 5 : i32
      %mul3A_471 = vector.broadcast %mul3A_470 : i32 to vector<16xi32>
      %mul3A_472 = arith.muli %get3A_469, %mul3A_471 : vector<16xi32>
      %add3A_473 = arith.addi %mul3A_464, %mul3A_472 : vector<16xi32>
      %get3A_474 = arith.constant 5 : i32
      %get3A_475 = arith.index_cast %get3A_474 : i32 to index
      %get3A_476 = arith.constant 16 : index
      %get3A_477 = tpu.vector_load %arg7[%get3A_475, %get3A_476] {strides = array<i32>} : memref<9x48xi32, #tpu.memory_space<vmem>>, vector<1x16xi32>,
      %get3A_478 = vector.shape_cast %get3A_477 : vector<1x16xi32> to vector<16xi32>
      %add3A_479 = arith.addi %add3A_473, %get3A_478 : vector<16xi32>
      %add3A_480 = arith.addi %add3A_456, %add3A_479 : vector<16xi32>
      %swap3A_481 = arith.constant 1 : i32
      %swap3A_482 = arith.index_cast %swap3A_481 : i32 to index
      %swap3A_483 = arith.constant 16 : index
      %swap3A_484 = tpu.vector_load %arg9[%swap3A_482, %swap3A_483] {strides = array<i32>} : memref<2x48xi32, #tpu.memory_space<vmem>>, vector<1x16xi32>,
      %swap3A_485 = vector.shape_cast %swap3A_484 : vector<1x16xi32> to vector<16xi32>
      %swap3A_486 = vector.shape_cast %add3A_480 : vector<16xi32> to vector<1x16xi32>
      tpu.vector_store %arg9[%swap3A_482, %swap3A_483], %swap3A_486 {strides = array<i32>} : memref<2x48xi32, #tpu.memory_space<vmem>>, vector<1x16xi32>,
      %get3A_487 = arith.constant 0 : i32
      %get3A_488 = arith.index_cast %get3A_487 : i32 to index
      %get3A_489 = arith.constant 32 : index
      %get3A_490 = tpu.vector_load %arg7[%get3A_488, %get3A_489] {strides = array<i32>} : memref<9x48xi32, #tpu.memory_space<vmem>>, vector<1x16xi32>,
      %get3A_491 = vector.shape_cast %get3A_490 : vector<1x16xi32> to vector<16xi32>
      %mul3A_492 = arith.constant 32 : i32
      %mul3A_493 = vector.broadcast %mul3A_492 : i32 to vector<16xi32>
      %mul3A_494 = arith.muli %get3A_491, %mul3A_493 : vector<16xi32>
      %get3A_495 = arith.constant 6 : i32
      %get3A_496 = arith.index_cast %get3A_495 : i32 to index
      %get3A_497 = arith.constant 32 : index
      %get3A_498 = tpu.vector_load %arg7[%get3A_496, %get3A_497] {strides = array<i32>} : memref<9x48xi32, #tpu.memory_space<vmem>>, vector<1x16xi32>,
      %get3A_499 = vector.shape_cast %get3A_498 : vector<1x16xi32> to vector<16xi32>
      %mul3A_500 = arith.constant 4 : i32
      %mul3A_501 = vector.broadcast %mul3A_500 : i32 to vector<16xi32>
      %mul3A_502 = arith.muli %get3A_499, %mul3A_501 : vector<16xi32>
      %add3A_503 = arith.addi %mul3A_494, %mul3A_502 : vector<16xi32>
      %get3A_504 = arith.constant 7 : i32
      %get3A_505 = arith.index_cast %get3A_504 : i32 to index
      %get3A_506 = arith.constant 32 : index
      %get3A_507 = tpu.vector_load %arg7[%get3A_505, %get3A_506] {strides = array<i32>} : memref<9x48xi32, #tpu.memory_space<vmem>>, vector<1x16xi32>,
      %get3A_508 = vector.shape_cast %get3A_507 : vector<1x16xi32> to vector<16xi32>
      %mul3A_509 = arith.constant 2 : i32
      %mul3A_510 = vector.broadcast %mul3A_509 : i32 to vector<16xi32>
      %mul3A_511 = arith.muli %get3A_508, %mul3A_510 : vector<16xi32>
      %get3A_512 = arith.constant 8 : i32
      %get3A_513 = arith.index_cast %get3A_512 : i32 to index
      %get3A_514 = arith.constant 32 : index
      %get3A_515 = tpu.vector_load %arg7[%get3A_513, %get3A_514] {strides = array<i32>} : memref<9x48xi32, #tpu.memory_space<vmem>>, vector<1x16xi32>,
      %get3A_516 = vector.shape_cast %get3A_515 : vector<1x16xi32> to vector<16xi32>
      %add3A_517 = arith.addi %mul3A_511, %get3A_516 : vector<16xi32>
      %add3A_518 = arith.addi %add3A_503, %add3A_517 : vector<16xi32>
      %swap3A_519 = arith.constant 0 : i32
      %swap3A_520 = arith.index_cast %swap3A_519 : i32 to index
      %swap3A_521 = arith.constant 32 : index
      %swap3A_522 = tpu.vector_load %arg9[%swap3A_520, %swap3A_521] {strides = array<i32>} : memref<2x48xi32, #tpu.memory_space<vmem>>, vector<1x16xi32>,
      %swap3A_523 = vector.shape_cast %swap3A_522 : vector<1x16xi32> to vector<16xi32>
      %swap3A_524 = vector.shape_cast %add3A_518 : vector<16xi32> to vector<1x16xi32>
      tpu.vector_store %arg9[%swap3A_520, %swap3A_521], %swap3A_524 {strides = array<i32>} : memref<2x48xi32, #tpu.memory_space<vmem>>, vector<1x16xi32>,
      %get3A_525 = arith.constant 1 : i32
      %get3A_526 = arith.index_cast %get3A_525 : i32 to index
      %get3A_527 = arith.constant 32 : index
      %get3A_528 = tpu.vector_load %arg7[%get3A_526, %get3A_527] {strides = array<i32>} : memref<9x48xi32, #tpu.memory_space<vmem>>, vector<1x16xi32>,
      %get3A_529 = vector.shape_cast %get3A_528 : vector<1x16xi32> to vector<16xi32>
      %mul3A_530 = arith.constant 5940 : i32
      %mul3A_531 = vector.broadcast %mul3A_530 : i32 to vector<16xi32>
      %mul3A_532 = arith.muli %get3A_529, %mul3A_531 : vector<16xi32>
      %get3A_533 = arith.constant 2 : i32
      %get3A_534 = arith.index_cast %get3A_533 : i32 to index
      %get3A_535 = arith.constant 32 : index
      %get3A_536 = tpu.vector_load %arg7[%get3A_534, %get3A_535] {strides = array<i32>} : memref<9x48xi32, #tpu.memory_space<vmem>>, vector<1x16xi32>,
      %get3A_537 = vector.shape_cast %get3A_536 : vector<1x16xi32> to vector<16xi32>
      %mul3A_538 = arith.constant 540 : i32
      %mul3A_539 = vector.broadcast %mul3A_538 : i32 to vector<16xi32>
      %mul3A_540 = arith.muli %get3A_537, %mul3A_539 : vector<16xi32>
      %add3A_541 = arith.addi %mul3A_532, %mul3A_540 : vector<16xi32>
      %get3A_542 = arith.constant 3 : i32
      %get3A_543 = arith.index_cast %get3A_542 : i32 to index
      %get3A_544 = arith.constant 32 : index
      %get3A_545 = tpu.vector_load %arg7[%get3A_543, %get3A_544] {strides = array<i32>} : memref<9x48xi32, #tpu.memory_space<vmem>>, vector<1x16xi32>,
      %get3A_546 = vector.shape_cast %get3A_545 : vector<1x16xi32> to vector<16xi32>
      %mul3A_547 = arith.constant 45 : i32
      %mul3A_548 = vector.broadcast %mul3A_547 : i32 to vector<16xi32>
      %mul3A_549 = arith.muli %get3A_546, %mul3A_548 : vector<16xi32>
      %get3A_550 = arith.constant 4 : i32
      %get3A_551 = arith.index_cast %get3A_550 : i32 to index
      %get3A_552 = arith.constant 32 : index
      %get3A_553 = tpu.vector_load %arg7[%get3A_551, %get3A_552] {strides = array<i32>} : memref<9x48xi32, #tpu.memory_space<vmem>>, vector<1x16xi32>,
      %get3A_554 = vector.shape_cast %get3A_553 : vector<1x16xi32> to vector<16xi32>
      %mul3A_555 = arith.constant 5 : i32
      %mul3A_556 = vector.broadcast %mul3A_555 : i32 to vector<16xi32>
      %mul3A_557 = arith.muli %get3A_554, %mul3A_556 : vector<16xi32>
      %add3A_558 = arith.addi %mul3A_549, %mul3A_557 : vector<16xi32>
      %get3A_559 = arith.constant 5 : i32
      %get3A_560 = arith.index_cast %get3A_559 : i32 to index
      %get3A_561 = arith.constant 32 : index
      %get3A_562 = tpu.vector_load %arg7[%get3A_560, %get3A_561] {strides = array<i32>} : memref<9x48xi32, #tpu.memory_space<vmem>>, vector<1x16xi32>,
      %get3A_563 = vector.shape_cast %get3A_562 : vector<1x16xi32> to vector<16xi32>
      %add3A_564 = arith.addi %add3A_558, %get3A_563 : vector<16xi32>
      %add3A_565 = arith.addi %add3A_541, %add3A_564 : vector<16xi32>
      %swap3A_566 = arith.constant 1 : i32
      %swap3A_567 = arith.index_cast %swap3A_566 : i32 to index
      %swap3A_568 = arith.constant 32 : index
      %swap3A_569 = tpu.vector_load %arg9[%swap3A_567, %swap3A_568] {strides = array<i32>} : memref<2x48xi32, #tpu.memory_space<vmem>>, vector<1x16xi32>,
      %swap3A_570 = vector.shape_cast %swap3A_569 : vector<1x16xi32> to vector<16xi32>
      %swap3A_571 = vector.shape_cast %add3A_565 : vector<16xi32> to vector<1x16xi32>
      tpu.vector_store %arg9[%swap3A_567, %swap3A_568], %swap3A_571 {strides = array<i32>} : memref<2x48xi32, #tpu.memory_space<vmem>>, vector<1x16xi32>,
      %dma_start3A_572 = arith.constant 0 : i32
      %dma_start3A_573 = arith.constant 0 : i32
      %dma_start3A_574 = tpu.memref_slice %arg9[%dma_start3A_572, %dma_start3A_573] : memref<2x48xi32, #tpu.memory_space<vmem>> -> memref<1x48xi32, #tpu.memory_space<vmem>>
      %dma_start3A_575 = tpu.memref_squeeze %dma_start3A_574 : memref<1x48xi32, #tpu.memory_space<vmem>> -> memref<48xi32, #tpu.memory_space<vmem>>
      %dma_start3A_576 = arith.constant 0 : i32
      %dma_start3A_577 = arith.constant 0 : i32
      %dma_start3A_578 = tpu.memref_slice %arg3[%dma_start3A_576, %dma_start3A_577] : memref<3808x512xf32, #tpu.memory_space<hbm>> -> memref<3808x512xf32, #tpu.memory_space<hbm>>
      tpu.enqueue_indirect_dma source(%dma_start3A_578 : memref<3808x512xf32, #tpu.memory_space<hbm>>) target(%arg12 : memref<48x512xf32, #tpu.memory_space<vmem>>) offsets(%dma_start3A_575 : memref<48xi32, #tpu.memory_space<vmem>>) semaphore(%arg15 : memref<!tpu.dma_semaphore, #tpu.memory_space<semaphore_mem>>)
      %dma_start3A_579 = arith.constant 1 : i32
      %dma_start3A_580 = arith.constant 0 : i32
      %dma_start3A_581 = tpu.memref_slice %arg9[%dma_start3A_579, %dma_start3A_580] : memref<2x48xi32, #tpu.memory_space<vmem>> -> memref<1x48xi32, #tpu.memory_space<vmem>>
      %dma_start3A_582 = tpu.memref_squeeze %dma_start3A_581 : memref<1x48xi32, #tpu.memory_space<vmem>> -> memref<48xi32, #tpu.memory_space<vmem>>
      %dma_start3A_583 = arith.constant 0 : i32
      %dma_start3A_584 = arith.constant 0 : i32
      %dma_start3A_585 = tpu.memref_slice %arg4[%dma_start3A_583, %dma_start3A_584] : memref<23760x512xf32, #tpu.memory_space<hbm>> -> memref<23760x512xf32, #tpu.memory_space<hbm>>
      tpu.enqueue_indirect_dma source(%dma_start3A_585 : memref<23760x512xf32, #tpu.memory_space<hbm>>) target(%arg13 : memref<48x512xf32, #tpu.memory_space<vmem>>) offsets(%dma_start3A_582 : memref<48xi32, #tpu.memory_space<vmem>>) semaphore(%arg15 : memref<!tpu.dma_semaphore, #tpu.memory_space<semaphore_mem>>)
      %dma_wait3A_586 = arith.constant 0 : i32
      %dma_wait3A_587 = arith.constant 0 : i32
      %dma_wait3A_588 = tpu.memref_slice %arg3[%dma_wait3A_586, %dma_wait3A_587] : memref<3808x512xf32, #tpu.memory_space<hbm>> -> memref<48x512xf32, #tpu.memory_space<hbm>>
      %dma_wait3A_589 = arith.constant 0 : i32
      %dma_wait3A_590 = arith.constant 0 : i32
      %dma_wait3A_591 = tpu.memref_slice %arg3[%dma_wait3A_589, %dma_wait3A_590] : memref<3808x512xf32, #tpu.memory_space<hbm>> -> memref<48x512xf32, #tpu.memory_space<hbm>>
      tpu.wait_dma2 semaphore(%arg14 : memref<!tpu.dma_semaphore, #tpu.memory_space<semaphore_mem>>) src(%dma_wait3A_591 : memref<48x512xf32, #tpu.memory_space<hbm>>) dst(%arg10 : memref<48x512xf32, #tpu.memory_space<vmem>>)
      %dma_wait3A_592 = arith.constant 0 : i32
      %dma_wait3A_593 = arith.constant 0 : i32
      %dma_wait3A_594 = tpu.memref_slice %arg4[%dma_wait3A_592, %dma_wait3A_593] : memref<23760x512xf32, #tpu.memory_space<hbm>> -> memref<48x512xf32, #tpu.memory_space<hbm>>
      %dma_wait3A_595 = arith.constant 0 : i32
      %dma_wait3A_596 = arith.constant 0 : i32
      %dma_wait3A_597 = tpu.memref_slice %arg4[%dma_wait3A_595, %dma_wait3A_596] : memref<23760x512xf32, #tpu.memory_space<hbm>> -> memref<48x512xf32, #tpu.memory_space<hbm>>
      tpu.wait_dma2 semaphore(%arg14 : memref<!tpu.dma_semaphore, #tpu.memory_space<semaphore_mem>>) src(%dma_wait3A_597 : memref<48x512xf32, #tpu.memory_space<hbm>>) dst(%arg11 : memref<48x512xf32, #tpu.memory_space<vmem>>)
      %scan3A_598 = arith.constant 0 : i32
      %scan3A_599 = arith.constant 48 : i32
      %scan3A_600 = arith.addi %scan3A_598, %scan3A_599 : i32
      %scan3A_601 = arith.constant 1 : i32
      scf.for %scan3A_904 = %scan3A_598 to %scan3A_600 step %scan3A_601  : i32 {
        %mul3A_905 = arith.constant 1 : i32
        %mul3A_906 = arith.muli %scan3A_904, %mul3A_905 : i32
        %add3A_907 = arith.constant 0 : i32
        %add3A_908 = arith.addi %add3A_907, %mul3A_906 : i32
        %get3A_909 = arith.index_cast %add3A_908 : i32 to index
        %get3A_910 = arith.constant 0 : index
        %get3A_911 = tpu.vector_load %arg10[%get3A_909, %get3A_910] {strides = array<i32>} : memref<48x512xf32, #tpu.memory_space<vmem>>, vector<1x16xf32>,
        %get3A_912 = vector.shape_cast %get3A_911 : vector<1x16xf32> to vector<16xf32>
        %get3A_913 = arith.index_cast %add3A_908 : i32 to index
        %get3A_914 = arith.constant 0 : index
        %get3A_915 = tpu.vector_load %arg11[%get3A_913, %get3A_914] {strides = array<i32>} : memref<48x512xf32, #tpu.memory_space<vmem>>, vector<1x16xf32>,
        %get3A_916 = vector.shape_cast %get3A_915 : vector<1x16xf32> to vector<16xf32>
        %add3A_917 = arith.addf %get3A_912, %get3A_916 : vector<16xf32>
        %swap3A_918 = arith.index_cast %add3A_908 : i32 to index
        %swap3A_919 = arith.constant 0 : index
        %swap3A_920 = tpu.vector_load %arg10[%swap3A_918, %swap3A_919] {strides = array<i32>} : memref<48x512xf32, #tpu.memory_space<vmem>>, vector<1x16xf32>,
        %swap3A_921 = vector.shape_cast %swap3A_920 : vector<1x16xf32> to vector<16xf32>
        %swap3A_922 = vector.shape_cast %add3A_917 : vector<16xf32> to vector<1x16xf32>
        tpu.vector_store %arg10[%swap3A_918, %swap3A_919], %swap3A_922 {strides = array<i32>} : memref<48x512xf32, #tpu.memory_space<vmem>>, vector<1x16xf32>,
        %get3A_923 = arith.index_cast %add3A_908 : i32 to index
        %get3A_924 = arith.constant 16 : index
        %get3A_925 = tpu.vector_load %arg10[%get3A_923, %get3A_924] {strides = array<i32>} : memref<48x512xf32, #tpu.memory_space<vmem>>, vector<1x16xf32>,
        %get3A_926 = vector.shape_cast %get3A_925 : vector<1x16xf32> to vector<16xf32>
        %get3A_927 = arith.index_cast %add3A_908 : i32 to index
        %get3A_928 = arith.constant 16 : index
        %get3A_929 = tpu.vector_load %arg11[%get3A_927, %get3A_928] {strides = array<i32>} : memref<48x512xf32, #tpu.memory_space<vmem>>, vector<1x16xf32>,
        %get3A_930 = vector.shape_cast %get3A_929 : vector<1x16xf32> to vector<16xf32>
        %add3A_931 = arith.addf %get3A_926, %get3A_930 : vector<16xf32>
        %swap3A_932 = arith.index_cast %add3A_908 : i32 to index
        %swap3A_933 = arith.constant 16 : index
        %swap3A_934 = tpu.vector_load %arg10[%swap3A_932, %swap3A_933] {strides = array<i32>} : memref<48x512xf32, #tpu.memory_space<vmem>>, vector<1x16xf32>,
        %swap3A_935 = vector.shape_cast %swap3A_934 : vector<1x16xf32> to vector<16xf32>
        %swap3A_936 = vector.shape_cast %add3A_931 : vector<16xf32> to vector<1x16xf32>
        tpu.vector_store %arg10[%swap3A_932, %swap3A_933], %swap3A_936 {strides = array<i32>} : memref<48x512xf32, #tpu.memory_space<vmem>>, vector<1x16xf32>,
        %get3A_937 = arith.index_cast %add3A_908 : i32 to index
        %get3A_938 = arith.constant 32 : index
        %get3A_939 = tpu.vector_load %arg10[%get3A_937, %get3A_938] {strides = array<i32>} : memref<48x512xf32, #tpu.memory_space<vmem>>, vector<1x16xf32>,
        %get3A_940 = vector.shape_cast %get3A_939 : vector<1x16xf32> to vector<16xf32>
        %get3A_941 = arith.index_cast %add3A_908 : i32 to index
        %get3A_942 = arith.constant 32 : index
        %get3A_943 = tpu.vector_load %arg11[%get3A_941, %get3A_942] {strides = array<i32>} : memref<48x512xf32, #tpu.memory_space<vmem>>, vector<1x16xf32>,
        %get3A_944 = vector.shape_cast %get3A_943 : vector<1x16xf32> to vector<16xf32>
        %add3A_945 = arith.addf %get3A_940, %get3A_944 : vector<16xf32>
        %swap3A_946 = arith.index_cast %add3A_908 : i32 to index
        %swap3A_947 = arith.constant 32 : index
        %swap3A_948 = tpu.vector_load %arg10[%swap3A_946, %swap3A_947] {strides = array<i32>} : memref<48x512xf32, #tpu.memory_space<vmem>>, vector<1x16xf32>,
        %swap3A_949 = vector.shape_cast %swap3A_948 : vector<1x16xf32> to vector<16xf32>
        %swap3A_950 = vector.shape_cast %add3A_945 : vector<16xf32> to vector<1x16xf32>
        tpu.vector_store %arg10[%swap3A_946, %swap3A_947], %swap3A_950 {strides = array<i32>} : memref<48x512xf32, #tpu.memory_space<vmem>>, vector<1x16xf32>,
        %get3A_951 = arith.index_cast %add3A_908 : i32 to index
        %get3A_952 = arith.constant 48 : index
        %get3A_953 = tpu.vector_load %arg10[%get3A_951, %get3A_952] {strides = array<i32>} : memref<48x512xf32, #tpu.memory_space<vmem>>, vector<1x16xf32>,
        %get3A_954 = vector.shape_cast %get3A_953 : vector<1x16xf32> to vector<16xf32>
        %get3A_955 = arith.index_cast %add3A_908 : i32 to index
        %get3A_956 = arith.constant 48 : index
        %get3A_957 = tpu.vector_load %arg11[%get3A_955, %get3A_956] {strides = array<i32>} : memref<48x512xf32, #tpu.memory_space<vmem>>, vector<1x16xf32>,
        %get3A_958 = vector.shape_cast %get3A_957 : vector<1x16xf32> to vector<16xf32>
        %add3A_959 = arith.addf %get3A_954, %get3A_958 : vector<16xf32>
        %swap3A_960 = arith.index_cast %add3A_908 : i32 to index
        %swap3A_961 = arith.constant 48 : index
        %swap3A_962 = tpu.vector_load %arg10[%swap3A_960, %swap3A_961] {strides = array<i32>} : memref<48x512xf32, #tpu.memory_space<vmem>>, vector<1x16xf32>,
        %swap3A_963 = vector.shape_cast %swap3A_962 : vector<1x16xf32> to vector<16xf32>
        %swap3A_964 = vector.shape_cast %add3A_959 : vector<16xf32> to vector<1x16xf32>
        tpu.vector_store %arg10[%swap3A_960, %swap3A_961], %swap3A_964 {strides = array<i32>} : memref<48x512xf32, #tpu.memory_space<vmem>>, vector<1x16xf32>,
        %get3A_965 = arith.index_cast %add3A_908 : i32 to index
        %get3A_966 = arith.constant 64 : index
        %get3A_967 = tpu.vector_load %arg10[%get3A_965, %get3A_966] {strides = array<i32>} : memref<48x512xf32, #tpu.memory_space<vmem>>, vector<1x16xf32>,
        %get3A_968 = vector.shape_cast %get3A_967 : vector<1x16xf32> to vector<16xf32>
        %get3A_969 = arith.index_cast %add3A_908 : i32 to index
        %get3A_970 = arith.constant 64 : index
        %get3A_971 = tpu.vector_load %arg11[%get3A_969, %get3A_970] {strides = array<i32>} : memref<48x512xf32, #tpu.memory_space<vmem>>, vector<1x16xf32>,
        %get3A_972 = vector.shape_cast %get3A_971 : vector<1x16xf32> to vector<16xf32>
        %add3A_973 = arith.addf %get3A_968, %get3A_972 : vector<16xf32>
        %swap3A_974 = arith.index_cast %add3A_908 : i32 to index
        %swap3A_975 = arith.constant 64 : index
        %swap3A_976 = tpu.vector_load %arg10[%swap3A_974, %swap3A_975] {strides = array<i32>} : memref<48x512xf32, #tpu.memory_space<vmem>>, vector<1x16xf32>,
        %swap3A_977 = vector.shape_cast %swap3A_976 : vector<1x16xf32> to vector<16xf32>
        %swap3A_978 = vector.shape_cast %add3A_973 : vector<16xf32> to vector<1x16xf32>
        tpu.vector_store %arg10[%swap3A_974, %swap3A_975], %swap3A_978 {strides = array<i32>} : memref<48x512xf32, #tpu.memory_space<vmem>>, vector<1x16xf32>,
        %get3A_979 = arith.index_cast %add3A_908 : i32 to index
        %get3A_980 = arith.constant 80 : index
        %get3A_981 = tpu.vector_load %arg10[%get3A_979, %get3A_980] {strides = array<i32>} : memref<48x512xf32, #tpu.memory_space<vmem>>, vector<1x16xf32>,
        %get3A_982 = vector.shape_cast %get3A_981 : vector<1x16xf32> to vector<16xf32>
        %get3A_983 = arith.index_cast %add3A_908 : i32 to index
        %get3A_984 = arith.constant 80 : index
        %get3A_985 = tpu.vector_load %arg11[%get3A_983, %get3A_984] {strides = array<i32>} : memref<48x512xf32, #tpu.memory_space<vmem>>, vector<1x16xf32>,
        %get3A_986 = vector.shape_cast %get3A_985 : vector<1x16xf32> to vector<16xf32>
        %add3A_987 = arith.addf %get3A_982, %get3A_986 : vector<16xf32>
        %swap3A_988 = arith.index_cast %add3A_908 : i32 to index
        %swap3A_989 = arith.constant 80 : index
        %swap3A_990 = tpu.vector_load %arg10[%swap3A_988, %swap3A_989] {strides = array<i32>} : memref<48x512xf32, #tpu.memory_space<vmem>>, vector<1x16xf32>,
        %swap3A_991 = vector.shape_cast %swap3A_990 : vector<1x16xf32> to vector<16xf32>
        %swap3A_992 = vector.shape_cast %add3A_987 : vector<16xf32> to vector<1x16xf32>
        tpu.vector_store %arg10[%swap3A_988, %swap3A_989], %swap3A_992 {strides = array<i32>} : memref<48x512xf32, #tpu.memory_space<vmem>>, vector<1x16xf32>,
        %get3A_993 = arith.index_cast %add3A_908 : i32 to index
        %get3A_994 = arith.constant 96 : index
        %get3A_995 = tpu.vector_load %arg10[%get3A_993, %get3A_994] {strides = array<i32>} : memref<48x512xf32, #tpu.memory_space<vmem>>, vector<1x16xf32>,
        %get3A_996 = vector.shape_cast %get3A_995 : vector<1x16xf32> to vector<16xf32>
        %get3A_997 = arith.index_cast %add3A_908 : i32 to index
        %get3A_998 = arith.constant 96 : index
        %get3A_999 = tpu.vector_load %arg11[%get3A_997, %get3A_998] {strides = array<i32>} : memref<48x512xf32, #tpu.memory_space<vmem>>, vector<1x16xf32>,
        %get3A_1000 = vector.shape_cast %get3A_999 : vector<1x16xf32> to vector<16xf32>
        %add3A_1001 = arith.addf %get3A_996, %get3A_1000 : vector<16xf32>
        %swap3A_1002 = arith.index_cast %add3A_908 : i32 to index
        %swap3A_1003 = arith.constant 96 : index
        %swap3A_1004 = tpu.vector_load %arg10[%swap3A_1002, %swap3A_1003] {strides = array<i32>} : memref<48x512xf32, #tpu.memory_space<vmem>>, vector<1x16xf32>,
        %swap3A_1005 = vector.shape_cast %swap3A_1004 : vector<1x16xf32> to vector<16xf32>
        %swap3A_1006 = vector.shape_cast %add3A_1001 : vector<16xf32> to vector<1x16xf32>
        tpu.vector_store %arg10[%swap3A_1002, %swap3A_1003], %swap3A_1006 {strides = array<i32>} : memref<48x512xf32, #tpu.memory_space<vmem>>, vector<1x16xf32>,
        %get3A_1007 = arith.index_cast %add3A_908 : i32 to index
        %get3A_1008 = arith.constant 112 : index
        %get3A_1009 = tpu.vector_load %arg10[%get3A_1007, %get3A_1008] {strides = array<i32>} : memref<48x512xf32, #tpu.memory_space<vmem>>, vector<1x16xf32>,
        %get3A_1010 = vector.shape_cast %get3A_1009 : vector<1x16xf32> to vector<16xf32>
        %get3A_1011 = arith.index_cast %add3A_908 : i32 to index
        %get3A_1012 = arith.constant 112 : index
        %get3A_1013 = tpu.vector_load %arg11[%get3A_1011, %get3A_1012] {strides = array<i32>} : memref<48x512xf32, #tpu.memory_space<vmem>>, vector<1x16xf32>,
        %get3A_1014 = vector.shape_cast %get3A_1013 : vector<1x16xf32> to vector<16xf32>
        %add3A_1015 = arith.addf %get3A_1010, %get3A_1014 : vector<16xf32>
        %swap3A_1016 = arith.index_cast %add3A_908 : i32 to index
        %swap3A_1017 = arith.constant 112 : index
        %swap3A_1018 = tpu.vector_load %arg10[%swap3A_1016, %swap3A_1017] {strides = array<i32>} : memref<48x512xf32, #tpu.memory_space<vmem>>, vector<1x16xf32>,
        %swap3A_1019 = vector.shape_cast %swap3A_1018 : vector<1x16xf32> to vector<16xf32>
        %swap3A_1020 = vector.shape_cast %add3A_1015 : vector<16xf32> to vector<1x16xf32>
        tpu.vector_store %arg10[%swap3A_1016, %swap3A_1017], %swap3A_1020 {strides = array<i32>} : memref<48x512xf32, #tpu.memory_space<vmem>>, vector<1x16xf32>,
        %get3A_1021 = arith.index_cast %add3A_908 : i32 to index
        %get3A_1022 = arith.constant 128 : index
        %get3A_1023 = tpu.vector_load %arg10[%get3A_1021, %get3A_1022] {strides = array<i32>} : memref<48x512xf32, #tpu.memory_space<vmem>>, vector<1x16xf32>,
        %get3A_1024 = vector.shape_cast %get3A_1023 : vector<1x16xf32> to vector<16xf32>
        %get3A_1025 = arith.index_cast %add3A_908 : i32 to index
        %get3A_1026 = arith.constant 128 : index
        %get3A_1027 = tpu.vector_load %arg11[%get3A_1025, %get3A_1026] {strides = array<i32>} : memref<48x512xf32, #tpu.memory_space<vmem>>, vector<1x16xf32>,
        %get3A_1028 = vector.shape_cast %get3A_1027 : vector<1x16xf32> to vector<16xf32>
        %add3A_1029 = arith.addf %get3A_1024, %get3A_1028 : vector<16xf32>
        %swap3A_1030 = arith.index_cast %add3A_908 : i32 to index
        %swap3A_1031 = arith.constant 128 : index
        %swap3A_1032 = tpu.vector_load %arg10[%swap3A_1030, %swap3A_1031] {strides = array<i32>} : memref<48x512xf32, #tpu.memory_space<vmem>>, vector<1x16xf32>,
        %swap3A_1033 = vector.shape_cast %swap3A_1032 : vector<1x16xf32> to vector<16xf32>
        %swap3A_1034 = vector.shape_cast %add3A_1029 : vector<16xf32> to vector<1x16xf32>
        tpu.vector_store %arg10[%swap3A_1030, %swap3A_1031], %swap3A_1034 {strides = array<i32>} : memref<48x512xf32, #tpu.memory_space<vmem>>, vector<1x16xf32>,
        %get3A_1035 = arith.index_cast %add3A_908 : i32 to index
        %get3A_1036 = arith.constant 144 : index
        %get3A_1037 = tpu.vector_load %arg10[%get3A_1035, %get3A_1036] {strides = array<i32>} : memref<48x512xf32, #tpu.memory_space<vmem>>, vector<1x16xf32>,
        %get3A_1038 = vector.shape_cast %get3A_1037 : vector<1x16xf32> to vector<16xf32>
        %get3A_1039 = arith.index_cast %add3A_908 : i32 to index
        %get3A_1040 = arith.constant 144 : index
        %get3A_1041 = tpu.vector_load %arg11[%get3A_1039, %get3A_1040] {strides = array<i32>} : memref<48x512xf32, #tpu.memory_space<vmem>>, vector<1x16xf32>,
        %get3A_1042 = vector.shape_cast %get3A_1041 : vector<1x16xf32> to vector<16xf32>
        %add3A_1043 = arith.addf %get3A_1038, %get3A_1042 : vector<16xf32>
        %swap3A_1044 = arith.index_cast %add3A_908 : i32 to index
        %swap3A_1045 = arith.constant 144 : index
        %swap3A_1046 = tpu.vector_load %arg10[%swap3A_1044, %swap3A_1045] {strides = array<i32>} : memref<48x512xf32, #tpu.memory_space<vmem>>, vector<1x16xf32>,
        %swap3A_1047 = vector.shape_cast %swap3A_1046 : vector<1x16xf32> to vector<16xf32>
        %swap3A_1048 = vector.shape_cast %add3A_1043 : vector<16xf32> to vector<1x16xf32>
        tpu.vector_store %arg10[%swap3A_1044, %swap3A_1045], %swap3A_1048 {strides = array<i32>} : memref<48x512xf32, #tpu.memory_space<vmem>>, vector<1x16xf32>,
        %get3A_1049 = arith.index_cast %add3A_908 : i32 to index
        %get3A_1050 = arith.constant 160 : index
        %get3A_1051 = tpu.vector_load %arg10[%get3A_1049, %get3A_1050] {strides = array<i32>} : memref<48x512xf32, #tpu.memory_space<vmem>>, vector<1x16xf32>,
        %get3A_1052 = vector.shape_cast %get3A_1051 : vector<1x16xf32> to vector<16xf32>
        %get3A_1053 = arith.index_cast %add3A_908 : i32 to index
        %get3A_1054 = arith.constant 160 : index
        %get3A_1055 = tpu.vector_load %arg11[%get3A_1053, %get3A_1054] {strides = array<i32>} : memref<48x512xf32, #tpu.memory_space<vmem>>, vector<1x16xf32>,
        %get3A_1056 = vector.shape_cast %get3A_1055 : vector<1x16xf32> to vector<16xf32>
        %add3A_1057 = arith.addf %get3A_1052, %get3A_1056 : vector<16xf32>
        %swap3A_1058 = arith.index_cast %add3A_908 : i32 to index
        %swap3A_1059 = arith.constant 160 : index
        %swap3A_1060 = tpu.vector_load %arg10[%swap3A_1058, %swap3A_1059] {strides = array<i32>} : memref<48x512xf32, #tpu.memory_space<vmem>>, vector<1x16xf32>,
        %swap3A_1061 = vector.shape_cast %swap3A_1060 : vector<1x16xf32> to vector<16xf32>
        %swap3A_1062 = vector.shape_cast %add3A_1057 : vector<16xf32> to vector<1x16xf32>
        tpu.vector_store %arg10[%swap3A_1058, %swap3A_1059], %swap3A_1062 {strides = array<i32>} : memref<48x512xf32, #tpu.memory_space<vmem>>, vector<1x16xf32>,
        %get3A_1063 = arith.index_cast %add3A_908 : i32 to index
        %get3A_1064 = arith.constant 176 : index
        %get3A_1065 = tpu.vector_load %arg10[%get3A_1063, %get3A_1064] {strides = array<i32>} : memref<48x512xf32, #tpu.memory_space<vmem>>, vector<1x16xf32>,
        %get3A_1066 = vector.shape_cast %get3A_1065 : vector<1x16xf32> to vector<16xf32>
        %get3A_1067 = arith.index_cast %add3A_908 : i32 to index
        %get3A_1068 = arith.constant 176 : index
        %get3A_1069 = tpu.vector_load %arg11[%get3A_1067, %get3A_1068] {strides = array<i32>} : memref<48x512xf32, #tpu.memory_space<vmem>>, vector<1x16xf32>,
        %get3A_1070 = vector.shape_cast %get3A_1069 : vector<1x16xf32> to vector<16xf32>
        %add3A_1071 = arith.addf %get3A_1066, %get3A_1070 : vector<16xf32>
        %swap3A_1072 = arith.index_cast %add3A_908 : i32 to index
        %swap3A_1073 = arith.constant 176 : index
        %swap3A_1074 = tpu.vector_load %arg10[%swap3A_1072, %swap3A_1073] {strides = array<i32>} : memref<48x512xf32, #tpu.memory_space<vmem>>, vector<1x16xf32>,
        %swap3A_1075 = vector.shape_cast %swap3A_1074 : vector<1x16xf32> to vector<16xf32>
        %swap3A_1076 = vector.shape_cast %add3A_1071 : vector<16xf32> to vector<1x16xf32>
        tpu.vector_store %arg10[%swap3A_1072, %swap3A_1073], %swap3A_1076 {strides = array<i32>} : memref<48x512xf32, #tpu.memory_space<vmem>>, vector<1x16xf32>,
        %get3A_1077 = arith.index_cast %add3A_908 : i32 to index
        %get3A_1078 = arith.constant 192 : index
        %get3A_1079 = tpu.vector_load %arg10[%get3A_1077, %get3A_1078] {strides = array<i32>} : memref<48x512xf32, #tpu.memory_space<vmem>>, vector<1x16xf32>,
        %get3A_1080 = vector.shape_cast %get3A_1079 : vector<1x16xf32> to vector<16xf32>
        %get3A_1081 = arith.index_cast %add3A_908 : i32 to index
        %get3A_1082 = arith.constant 192 : index
        %get3A_1083 = tpu.vector_load %arg11[%get3A_1081, %get3A_1082] {strides = array<i32>} : memref<48x512xf32, #tpu.memory_space<vmem>>, vector<1x16xf32>,
        %get3A_1084 = vector.shape_cast %get3A_1083 : vector<1x16xf32> to vector<16xf32>
        %add3A_1085 = arith.addf %get3A_1080, %get3A_1084 : vector<16xf32>
        %swap3A_1086 = arith.index_cast %add3A_908 : i32 to index
        %swap3A_1087 = arith.constant 192 : index
        %swap3A_1088 = tpu.vector_load %arg10[%swap3A_1086, %swap3A_1087] {strides = array<i32>} : memref<48x512xf32, #tpu.memory_space<vmem>>, vector<1x16xf32>,
        %swap3A_1089 = vector.shape_cast %swap3A_1088 : vector<1x16xf32> to vector<16xf32>
        %swap3A_1090 = vector.shape_cast %add3A_1085 : vector<16xf32> to vector<1x16xf32>
        tpu.vector_store %arg10[%swap3A_1086, %swap3A_1087], %swap3A_1090 {strides = array<i32>} : memref<48x512xf32, #tpu.memory_space<vmem>>, vector<1x16xf32>,
        %get3A_1091 = arith.index_cast %add3A_908 : i32 to index
        %get3A_1092 = arith.constant 208 : index
        %get3A_1093 = tpu.vector_load %arg10[%get3A_1091, %get3A_1092] {strides = array<i32>} : memref<48x512xf32, #tpu.memory_space<vmem>>, vector<1x16xf32>,
        %get3A_1094 = vector.shape_cast %get3A_1093 : vector<1x16xf32> to vector<16xf32>
        %get3A_1095 = arith.index_cast %add3A_908 : i32 to index
        %get3A_1096 = arith.constant 208 : index
        %get3A_1097 = tpu.vector_load %arg11[%get3A_1095, %get3A_1096] {strides = array<i32>} : memref<48x512xf32, #tpu.memory_space<vmem>>, vector<1x16xf32>,
        %get3A_1098 = vector.shape_cast %get3A_1097 : vector<1x16xf32> to vector<16xf32>
        %add3A_1099 = arith.addf %get3A_1094, %get3A_1098 : vector<16xf32>
        %swap3A_1100 = arith.index_cast %add3A_908 : i32 to index
        %swap3A_1101 = arith.constant 208 : index
        %swap3A_1102 = tpu.vector_load %arg10[%swap3A_1100, %swap3A_1101] {strides = array<i32>} : memref<48x512xf32, #tpu.memory_space<vmem>>, vector<1x16xf32>,
        %swap3A_1103 = vector.shape_cast %swap3A_1102 : vector<1x16xf32> to vector<16xf32>
        %swap3A_1104 = vector.shape_cast %add3A_1099 : vector<16xf32> to vector<1x16xf32>
        tpu.vector_store %arg10[%swap3A_1100, %swap3A_1101], %swap3A_1104 {strides = array<i32>} : memref<48x512xf32, #tpu.memory_space<vmem>>, vector<1x16xf32>,
        %get3A_1105 = arith.index_cast %add3A_908 : i32 to index
        %get3A_1106 = arith.constant 224 : index
        %get3A_1107 = tpu.vector_load %arg10[%get3A_1105, %get3A_1106] {strides = array<i32>} : memref<48x512xf32, #tpu.memory_space<vmem>>, vector<1x16xf32>,
        %get3A_1108 = vector.shape_cast %get3A_1107 : vector<1x16xf32> to vector<16xf32>
        %get3A_1109 = arith.index_cast %add3A_908 : i32 to index
        %get3A_1110 = arith.constant 224 : index
        %get3A_1111 = tpu.vector_load %arg11[%get3A_1109, %get3A_1110] {strides = array<i32>} : memref<48x512xf32, #tpu.memory_space<vmem>>, vector<1x16xf32>,
        %get3A_1112 = vector.shape_cast %get3A_1111 : vector<1x16xf32> to vector<16xf32>
        %add3A_1113 = arith.addf %get3A_1108, %get3A_1112 : vector<16xf32>
        %swap3A_1114 = arith.index_cast %add3A_908 : i32 to index
        %swap3A_1115 = arith.constant 224 : index
        %swap3A_1116 = tpu.vector_load %arg10[%swap3A_1114, %swap3A_1115] {strides = array<i32>} : memref<48x512xf32, #tpu.memory_space<vmem>>, vector<1x16xf32>,
        %swap3A_1117 = vector.shape_cast %swap3A_1116 : vector<1x16xf32> to vector<16xf32>
        %swap3A_1118 = vector.shape_cast %add3A_1113 : vector<16xf32> to vector<1x16xf32>
        tpu.vector_store %arg10[%swap3A_1114, %swap3A_1115], %swap3A_1118 {strides = array<i32>} : memref<48x512xf32, #tpu.memory_space<vmem>>, vector<1x16xf32>,
        %get3A_1119 = arith.index_cast %add3A_908 : i32 to index
        %get3A_1120 = arith.constant 240 : index
        %get3A_1121 = tpu.vector_load %arg10[%get3A_1119, %get3A_1120] {strides = array<i32>} : memref<48x512xf32, #tpu.memory_space<vmem>>, vector<1x16xf32>,
        %get3A_1122 = vector.shape_cast %get3A_1121 : vector<1x16xf32> to vector<16xf32>
        %get3A_1123 = arith.index_cast %add3A_908 : i32 to index
        %get3A_1124 = arith.constant 240 : index
        %get3A_1125 = tpu.vector_load %arg11[%get3A_1123, %get3A_1124] {strides = array<i32>} : memref<48x512xf32, #tpu.memory_space<vmem>>, vector<1x16xf32>,
        %get3A_1126 = vector.shape_cast %get3A_1125 : vector<1x16xf32> to vector<16xf32>
        %add3A_1127 = arith.addf %get3A_1122, %get3A_1126 : vector<16xf32>
        %swap3A_1128 = arith.index_cast %add3A_908 : i32 to index
        %swap3A_1129 = arith.constant 240 : index
        %swap3A_1130 = tpu.vector_load %arg10[%swap3A_1128, %swap3A_1129] {strides = array<i32>} : memref<48x512xf32, #tpu.memory_space<vmem>>, vector<1x16xf32>,
        %swap3A_1131 = vector.shape_cast %swap3A_1130 : vector<1x16xf32> to vector<16xf32>
        %swap3A_1132 = vector.shape_cast %add3A_1127 : vector<16xf32> to vector<1x16xf32>
        tpu.vector_store %arg10[%swap3A_1128, %swap3A_1129], %swap3A_1132 {strides = array<i32>} : memref<48x512xf32, #tpu.memory_space<vmem>>, vector<1x16xf32>,
        %get3A_1133 = arith.index_cast %add3A_908 : i32 to index
        %get3A_1134 = arith.constant 256 : index
        %get3A_1135 = tpu.vector_load %arg10[%get3A_1133, %get3A_1134] {strides = array<i32>} : memref<48x512xf32, #tpu.memory_space<vmem>>, vector<1x16xf32>,
        %get3A_1136 = vector.shape_cast %get3A_1135 : vector<1x16xf32> to vector<16xf32>
        %get3A_1137 = arith.index_cast %add3A_908 : i32 to index
        %get3A_1138 = arith.constant 256 : index
        %get3A_1139 = tpu.vector_load %arg11[%get3A_1137, %get3A_1138] {strides = array<i32>} : memref<48x512xf32, #tpu.memory_space<vmem>>, vector<1x16xf32>,
        %get3A_1140 = vector.shape_cast %get3A_1139 : vector<1x16xf32> to vector<16xf32>
        %add3A_1141 = arith.addf %get3A_1136, %get3A_1140 : vector<16xf32>
        %swap3A_1142 = arith.index_cast %add3A_908 : i32 to index
        %swap3A_1143 = arith.constant 256 : index
        %swap3A_1144 = tpu.vector_load %arg10[%swap3A_1142, %swap3A_1143] {strides = array<i32>} : memref<48x512xf32, #tpu.memory_space<vmem>>, vector<1x16xf32>,
        %swap3A_1145 = vector.shape_cast %swap3A_1144 : vector<1x16xf32> to vector<16xf32>
        %swap3A_1146 = vector.shape_cast %add3A_1141 : vector<16xf32> to vector<1x16xf32>
        tpu.vector_store %arg10[%swap3A_1142, %swap3A_1143], %swap3A_1146 {strides = array<i32>} : memref<48x512xf32, #tpu.memory_space<vmem>>, vector<1x16xf32>,
        %get3A_1147 = arith.index_cast %add3A_908 : i32 to index
        %get3A_1148 = arith.constant 272 : index
        %get3A_1149 = tpu.vector_load %arg10[%get3A_1147, %get3A_1148] {strides = array<i32>} : memref<48x512xf32, #tpu.memory_space<vmem>>, vector<1x16xf32>,
        %get3A_1150 = vector.shape_cast %get3A_1149 : vector<1x16xf32> to vector<16xf32>
        %get3A_1151 = arith.index_cast %add3A_908 : i32 to index
        %get3A_1152 = arith.constant 272 : index
        %get3A_1153 = tpu.vector_load %arg11[%get3A_1151, %get3A_1152] {strides = array<i32>} : memref<48x512xf32, #tpu.memory_space<vmem>>, vector<1x16xf32>,
        %get3A_1154 = vector.shape_cast %get3A_1153 : vector<1x16xf32> to vector<16xf32>
        %add3A_1155 = arith.addf %get3A_1150, %get3A_1154 : vector<16xf32>
        %swap3A_1156 = arith.index_cast %add3A_908 : i32 to index
        %swap3A_1157 = arith.constant 272 : index
        %swap3A_1158 = tpu.vector_load %arg10[%swap3A_1156, %swap3A_1157] {strides = array<i32>} : memref<48x512xf32, #tpu.memory_space<vmem>>, vector<1x16xf32>,
        %swap3A_1159 = vector.shape_cast %swap3A_1158 : vector<1x16xf32> to vector<16xf32>
        %swap3A_1160 = vector.shape_cast %add3A_1155 : vector<16xf32> to vector<1x16xf32>
        tpu.vector_store %arg10[%swap3A_1156, %swap3A_1157], %swap3A_1160 {strides = array<i32>} : memref<48x512xf32, #tpu.memory_space<vmem>>, vector<1x16xf32>,
        %get3A_1161 = arith.index_cast %add3A_908 : i32 to index
        %get3A_1162 = arith.constant 288 : index
        %get3A_1163 = tpu.vector_load %arg10[%get3A_1161, %get3A_1162] {strides = array<i32>} : memref<48x512xf32, #tpu.memory_space<vmem>>, vector<1x16xf32>,
        %get3A_1164 = vector.shape_cast %get3A_1163 : vector<1x16xf32> to vector<16xf32>
        %get3A_1165 = arith.index_cast %add3A_908 : i32 to index
        %get3A_1166 = arith.constant 288 : index
        %get3A_1167 = tpu.vector_load %arg11[%get3A_1165, %get3A_1166] {strides = array<i32>} : memref<48x512xf32, #tpu.memory_space<vmem>>, vector<1x16xf32>,
        %get3A_1168 = vector.shape_cast %get3A_1167 : vector<1x16xf32> to vector<16xf32>
        %add3A_1169 = arith.addf %get3A_1164, %get3A_1168 : vector<16xf32>
        %swap3A_1170 = arith.index_cast %add3A_908 : i32 to index
        %swap3A_1171 = arith.constant 288 : index
        %swap3A_1172 = tpu.vector_load %arg10[%swap3A_1170, %swap3A_1171] {strides = array<i32>} : memref<48x512xf32, #tpu.memory_space<vmem>>, vector<1x16xf32>,
        %swap3A_1173 = vector.shape_cast %swap3A_1172 : vector<1x16xf32> to vector<16xf32>
        %swap3A_1174 = vector.shape_cast %add3A_1169 : vector<16xf32> to vector<1x16xf32>
        tpu.vector_store %arg10[%swap3A_1170, %swap3A_1171], %swap3A_1174 {strides = array<i32>} : memref<48x512xf32, #tpu.memory_space<vmem>>, vector<1x16xf32>,
        %get3A_1175 = arith.index_cast %add3A_908 : i32 to index
        %get3A_1176 = arith.constant 304 : index
        %get3A_1177 = tpu.vector_load %arg10[%get3A_1175, %get3A_1176] {strides = array<i32>} : memref<48x512xf32, #tpu.memory_space<vmem>>, vector<1x16xf32>,
        %get3A_1178 = vector.shape_cast %get3A_1177 : vector<1x16xf32> to vector<16xf32>
        %get3A_1179 = arith.index_cast %add3A_908 : i32 to index
        %get3A_1180 = arith.constant 304 : index
        %get3A_1181 = tpu.vector_load %arg11[%get3A_1179, %get3A_1180] {strides = array<i32>} : memref<48x512xf32, #tpu.memory_space<vmem>>, vector<1x16xf32>,
        %get3A_1182 = vector.shape_cast %get3A_1181 : vector<1x16xf32> to vector<16xf32>
        %add3A_1183 = arith.addf %get3A_1178, %get3A_1182 : vector<16xf32>
        %swap3A_1184 = arith.index_cast %add3A_908 : i32 to index
        %swap3A_1185 = arith.constant 304 : index
        %swap3A_1186 = tpu.vector_load %arg10[%swap3A_1184, %swap3A_1185] {strides = array<i32>} : memref<48x512xf32, #tpu.memory_space<vmem>>, vector<1x16xf32>,
        %swap3A_1187 = vector.shape_cast %swap3A_1186 : vector<1x16xf32> to vector<16xf32>
        %swap3A_1188 = vector.shape_cast %add3A_1183 : vector<16xf32> to vector<1x16xf32>
        tpu.vector_store %arg10[%swap3A_1184, %swap3A_1185], %swap3A_1188 {strides = array<i32>} : memref<48x512xf32, #tpu.memory_space<vmem>>, vector<1x16xf32>,
        %get3A_1189 = arith.index_cast %add3A_908 : i32 to index
        %get3A_1190 = arith.constant 320 : index
        %get3A_1191 = tpu.vector_load %arg10[%get3A_1189, %get3A_1190] {strides = array<i32>} : memref<48x512xf32, #tpu.memory_space<vmem>>, vector<1x16xf32>,
        %get3A_1192 = vector.shape_cast %get3A_1191 : vector<1x16xf32> to vector<16xf32>
        %get3A_1193 = arith.index_cast %add3A_908 : i32 to index
        %get3A_1194 = arith.constant 320 : index
        %get3A_1195 = tpu.vector_load %arg11[%get3A_1193, %get3A_1194] {strides = array<i32>} : memref<48x512xf32, #tpu.memory_space<vmem>>, vector<1x16xf32>,
        %get3A_1196 = vector.shape_cast %get3A_1195 : vector<1x16xf32> to vector<16xf32>
        %add3A_1197 = arith.addf %get3A_1192, %get3A_1196 : vector<16xf32>
        %swap3A_1198 = arith.index_cast %add3A_908 : i32 to index
        %swap3A_1199 = arith.constant 320 : index
        %swap3A_1200 = tpu.vector_load %arg10[%swap3A_1198, %swap3A_1199] {strides = array<i32>} : memref<48x512xf32, #tpu.memory_space<vmem>>, vector<1x16xf32>,
        %swap3A_1201 = vector.shape_cast %swap3A_1200 : vector<1x16xf32> to vector<16xf32>
        %swap3A_1202 = vector.shape_cast %add3A_1197 : vector<16xf32> to vector<1x16xf32>
        tpu.vector_store %arg10[%swap3A_1198, %swap3A_1199], %swap3A_1202 {strides = array<i32>} : memref<48x512xf32, #tpu.memory_space<vmem>>, vector<1x16xf32>,
        %get3A_1203 = arith.index_cast %add3A_908 : i32 to index
        %get3A_1204 = arith.constant 336 : index
        %get3A_1205 = tpu.vector_load %arg10[%get3A_1203, %get3A_1204] {strides = array<i32>} : memref<48x512xf32, #tpu.memory_space<vmem>>, vector<1x16xf32>,
        %get3A_1206 = vector.shape_cast %get3A_1205 : vector<1x16xf32> to vector<16xf32>
        %get3A_1207 = arith.index_cast %add3A_908 : i32 to index
        %get3A_1208 = arith.constant 336 : index
        %get3A_1209 = tpu.vector_load %arg11[%get3A_1207, %get3A_1208] {strides = array<i32>} : memref<48x512xf32, #tpu.memory_space<vmem>>, vector<1x16xf32>,
        %get3A_1210 = vector.shape_cast %get3A_1209 : vector<1x16xf32> to vector<16xf32>
        %add3A_1211 = arith.addf %get3A_1206, %get3A_1210 : vector<16xf32>
        %swap3A_1212 = arith.index_cast %add3A_908 : i32 to index
        %swap3A_1213 = arith.constant 336 : index
        %swap3A_1214 = tpu.vector_load %arg10[%swap3A_1212, %swap3A_1213] {strides = array<i32>} : memref<48x512xf32, #tpu.memory_space<vmem>>, vector<1x16xf32>,
        %swap3A_1215 = vector.shape_cast %swap3A_1214 : vector<1x16xf32> to vector<16xf32>
        %swap3A_1216 = vector.shape_cast %add3A_1211 : vector<16xf32> to vector<1x16xf32>
        tpu.vector_store %arg10[%swap3A_1212, %swap3A_1213], %swap3A_1216 {strides = array<i32>} : memref<48x512xf32, #tpu.memory_space<vmem>>, vector<1x16xf32>,
        %get3A_1217 = arith.index_cast %add3A_908 : i32 to index
        %get3A_1218 = arith.constant 352 : index
        %get3A_1219 = tpu.vector_load %arg10[%get3A_1217, %get3A_1218] {strides = array<i32>} : memref<48x512xf32, #tpu.memory_space<vmem>>, vector<1x16xf32>,
        %get3A_1220 = vector.shape_cast %get3A_1219 : vector<1x16xf32> to vector<16xf32>
        %get3A_1221 = arith.index_cast %add3A_908 : i32 to index
        %get3A_1222 = arith.constant 352 : index
        %get3A_1223 = tpu.vector_load %arg11[%get3A_1221, %get3A_1222] {strides = array<i32>} : memref<48x512xf32, #tpu.memory_space<vmem>>, vector<1x16xf32>,
        %get3A_1224 = vector.shape_cast %get3A_1223 : vector<1x16xf32> to vector<16xf32>
        %add3A_1225 = arith.addf %get3A_1220, %get3A_1224 : vector<16xf32>
        %swap3A_1226 = arith.index_cast %add3A_908 : i32 to index
        %swap3A_1227 = arith.constant 352 : index
        %swap3A_1228 = tpu.vector_load %arg10[%swap3A_1226, %swap3A_1227] {strides = array<i32>} : memref<48x512xf32, #tpu.memory_space<vmem>>, vector<1x16xf32>,
        %swap3A_1229 = vector.shape_cast %swap3A_1228 : vector<1x16xf32> to vector<16xf32>
        %swap3A_1230 = vector.shape_cast %add3A_1225 : vector<16xf32> to vector<1x16xf32>
        tpu.vector_store %arg10[%swap3A_1226, %swap3A_1227], %swap3A_1230 {strides = array<i32>} : memref<48x512xf32, #tpu.memory_space<vmem>>, vector<1x16xf32>,
        %get3A_1231 = arith.index_cast %add3A_908 : i32 to index
        %get3A_1232 = arith.constant 368 : index
        %get3A_1233 = tpu.vector_load %arg10[%get3A_1231, %get3A_1232] {strides = array<i32>} : memref<48x512xf32, #tpu.memory_space<vmem>>, vector<1x16xf32>,
        %get3A_1234 = vector.shape_cast %get3A_1233 : vector<1x16xf32> to vector<16xf32>
        %get3A_1235 = arith.index_cast %add3A_908 : i32 to index
        %get3A_1236 = arith.constant 368 : index
        %get3A_1237 = tpu.vector_load %arg11[%get3A_1235, %get3A_1236] {strides = array<i32>} : memref<48x512xf32, #tpu.memory_space<vmem>>, vector<1x16xf32>,
        %get3A_1238 = vector.shape_cast %get3A_1237 : vector<1x16xf32> to vector<16xf32>
        %add3A_1239 = arith.addf %get3A_1234, %get3A_1238 : vector<16xf32>
        %swap3A_1240 = arith.index_cast %add3A_908 : i32 to index
        %swap3A_1241 = arith.constant 368 : index
        %swap3A_1242 = tpu.vector_load %arg10[%swap3A_1240, %swap3A_1241] {strides = array<i32>} : memref<48x512xf32, #tpu.memory_space<vmem>>, vector<1x16xf32>,
        %swap3A_1243 = vector.shape_cast %swap3A_1242 : vector<1x16xf32> to vector<16xf32>
        %swap3A_1244 = vector.shape_cast %add3A_1239 : vector<16xf32> to vector<1x16xf32>
        tpu.vector_store %arg10[%swap3A_1240, %swap3A_1241], %swap3A_1244 {strides = array<i32>} : memref<48x512xf32, #tpu.memory_space<vmem>>, vector<1x16xf32>,
        %get3A_1245 = arith.index_cast %add3A_908 : i32 to index
        %get3A_1246 = arith.constant 384 : index
        %get3A_1247 = tpu.vector_load %arg10[%get3A_1245, %get3A_1246] {strides = array<i32>} : memref<48x512xf32, #tpu.memory_space<vmem>>, vector<1x16xf32>,
        %get3A_1248 = vector.shape_cast %get3A_1247 : vector<1x16xf32> to vector<16xf32>
        %get3A_1249 = arith.index_cast %add3A_908 : i32 to index
        %get3A_1250 = arith.constant 384 : index
        %get3A_1251 = tpu.vector_load %arg11[%get3A_1249, %get3A_1250] {strides = array<i32>} : memref<48x512xf32, #tpu.memory_space<vmem>>, vector<1x16xf32>,
        %get3A_1252 = vector.shape_cast %get3A_1251 : vector<1x16xf32> to vector<16xf32>
        %add3A_1253 = arith.addf %get3A_1248, %get3A_1252 : vector<16xf32>
        %swap3A_1254 = arith.index_cast %add3A_908 : i32 to index
        %swap3A_1255 = arith.constant 384 : index
        %swap3A_1256 = tpu.vector_load %arg10[%swap3A_1254, %swap3A_1255] {strides = array<i32>} : memref<48x512xf32, #tpu.memory_space<vmem>>, vector<1x16xf32>,
        %swap3A_1257 = vector.shape_cast %swap3A_1256 : vector<1x16xf32> to vector<16xf32>
        %swap3A_1258 = vector.shape_cast %add3A_1253 : vector<16xf32> to vector<1x16xf32>
        tpu.vector_store %arg10[%swap3A_1254, %swap3A_1255], %swap3A_1258 {strides = array<i32>} : memref<48x512xf32, #tpu.memory_space<vmem>>, vector<1x16xf32>,
        %get3A_1259 = arith.index_cast %add3A_908 : i32 to index
        %get3A_1260 = arith.constant 400 : index
        %get3A_1261 = tpu.vector_load %arg10[%get3A_1259, %get3A_1260] {strides = array<i32>} : memref<48x512xf32, #tpu.memory_space<vmem>>, vector<1x16xf32>,
        %get3A_1262 = vector.shape_cast %get3A_1261 : vector<1x16xf32> to vector<16xf32>
        %get3A_1263 = arith.index_cast %add3A_908 : i32 to index
        %get3A_1264 = arith.constant 400 : index
        %get3A_1265 = tpu.vector_load %arg11[%get3A_1263, %get3A_1264] {strides = array<i32>} : memref<48x512xf32, #tpu.memory_space<vmem>>, vector<1x16xf32>,
        %get3A_1266 = vector.shape_cast %get3A_1265 : vector<1x16xf32> to vector<16xf32>
        %add3A_1267 = arith.addf %get3A_1262, %get3A_1266 : vector<16xf32>
        %swap3A_1268 = arith.index_cast %add3A_908 : i32 to index
        %swap3A_1269 = arith.constant 400 : index
        %swap3A_1270 = tpu.vector_load %arg10[%swap3A_1268, %swap3A_1269] {strides = array<i32>} : memref<48x512xf32, #tpu.memory_space<vmem>>, vector<1x16xf32>,
        %swap3A_1271 = vector.shape_cast %swap3A_1270 : vector<1x16xf32> to vector<16xf32>
        %swap3A_1272 = vector.shape_cast %add3A_1267 : vector<16xf32> to vector<1x16xf32>
        tpu.vector_store %arg10[%swap3A_1268, %swap3A_1269], %swap3A_1272 {strides = array<i32>} : memref<48x512xf32, #tpu.memory_space<vmem>>, vector<1x16xf32>,
        %get3A_1273 = arith.index_cast %add3A_908 : i32 to index
        %get3A_1274 = arith.constant 416 : index
        %get3A_1275 = tpu.vector_load %arg10[%get3A_1273, %get3A_1274] {strides = array<i32>} : memref<48x512xf32, #tpu.memory_space<vmem>>, vector<1x16xf32>,
        %get3A_1276 = vector.shape_cast %get3A_1275 : vector<1x16xf32> to vector<16xf32>
        %get3A_1277 = arith.index_cast %add3A_908 : i32 to index
        %get3A_1278 = arith.constant 416 : index
        %get3A_1279 = tpu.vector_load %arg11[%get3A_1277, %get3A_1278] {strides = array<i32>} : memref<48x512xf32, #tpu.memory_space<vmem>>, vector<1x16xf32>,
        %get3A_1280 = vector.shape_cast %get3A_1279 : vector<1x16xf32> to vector<16xf32>
        %add3A_1281 = arith.addf %get3A_1276, %get3A_1280 : vector<16xf32>
        %swap3A_1282 = arith.index_cast %add3A_908 : i32 to index
        %swap3A_1283 = arith.constant 416 : index
        %swap3A_1284 = tpu.vector_load %arg10[%swap3A_1282, %swap3A_1283] {strides = array<i32>} : memref<48x512xf32, #tpu.memory_space<vmem>>, vector<1x16xf32>,
        %swap3A_1285 = vector.shape_cast %swap3A_1284 : vector<1x16xf32> to vector<16xf32>
        %swap3A_1286 = vector.shape_cast %add3A_1281 : vector<16xf32> to vector<1x16xf32>
        tpu.vector_store %arg10[%swap3A_1282, %swap3A_1283], %swap3A_1286 {strides = array<i32>} : memref<48x512xf32, #tpu.memory_space<vmem>>, vector<1x16xf32>,
        %get3A_1287 = arith.index_cast %add3A_908 : i32 to index
        %get3A_1288 = arith.constant 432 : index
        %get3A_1289 = tpu.vector_load %arg10[%get3A_1287, %get3A_1288] {strides = array<i32>} : memref<48x512xf32, #tpu.memory_space<vmem>>, vector<1x16xf32>,
        %get3A_1290 = vector.shape_cast %get3A_1289 : vector<1x16xf32> to vector<16xf32>
        %get3A_1291 = arith.index_cast %add3A_908 : i32 to index
        %get3A_1292 = arith.constant 432 : index
        %get3A_1293 = tpu.vector_load %arg11[%get3A_1291, %get3A_1292] {strides = array<i32>} : memref<48x512xf32, #tpu.memory_space<vmem>>, vector<1x16xf32>,
        %get3A_1294 = vector.shape_cast %get3A_1293 : vector<1x16xf32> to vector<16xf32>
        %add3A_1295 = arith.addf %get3A_1290, %get3A_1294 : vector<16xf32>
        %swap3A_1296 = arith.index_cast %add3A_908 : i32 to index
        %swap3A_1297 = arith.constant 432 : index
        %swap3A_1298 = tpu.vector_load %arg10[%swap3A_1296, %swap3A_1297] {strides = array<i32>} : memref<48x512xf32, #tpu.memory_space<vmem>>, vector<1x16xf32>,
        %swap3A_1299 = vector.shape_cast %swap3A_1298 : vector<1x16xf32> to vector<16xf32>
        %swap3A_1300 = vector.shape_cast %add3A_1295 : vector<16xf32> to vector<1x16xf32>
        tpu.vector_store %arg10[%swap3A_1296, %swap3A_1297], %swap3A_1300 {strides = array<i32>} : memref<48x512xf32, #tpu.memory_space<vmem>>, vector<1x16xf32>,
        %get3A_1301 = arith.index_cast %add3A_908 : i32 to index
        %get3A_1302 = arith.constant 448 : index
        %get3A_1303 = tpu.vector_load %arg10[%get3A_1301, %get3A_1302] {strides = array<i32>} : memref<48x512xf32, #tpu.memory_space<vmem>>, vector<1x16xf32>,
        %get3A_1304 = vector.shape_cast %get3A_1303 : vector<1x16xf32> to vector<16xf32>
        %get3A_1305 = arith.index_cast %add3A_908 : i32 to index
        %get3A_1306 = arith.constant 448 : index
        %get3A_1307 = tpu.vector_load %arg11[%get3A_1305, %get3A_1306] {strides = array<i32>} : memref<48x512xf32, #tpu.memory_space<vmem>>, vector<1x16xf32>,
        %get3A_1308 = vector.shape_cast %get3A_1307 : vector<1x16xf32> to vector<16xf32>
        %add3A_1309 = arith.addf %get3A_1304, %get3A_1308 : vector<16xf32>
        %swap3A_1310 = arith.index_cast %add3A_908 : i32 to index
        %swap3A_1311 = arith.constant 448 : index
        %swap3A_1312 = tpu.vector_load %arg10[%swap3A_1310, %swap3A_1311] {strides = array<i32>} : memref<48x512xf32, #tpu.memory_space<vmem>>, vector<1x16xf32>,
        %swap3A_1313 = vector.shape_cast %swap3A_1312 : vector<1x16xf32> to vector<16xf32>
        %swap3A_1314 = vector.shape_cast %add3A_1309 : vector<16xf32> to vector<1x16xf32>
        tpu.vector_store %arg10[%swap3A_1310, %swap3A_1311], %swap3A_1314 {strides = array<i32>} : memref<48x512xf32, #tpu.memory_space<vmem>>, vector<1x16xf32>,
        %get3A_1315 = arith.index_cast %add3A_908 : i32 to index
        %get3A_1316 = arith.constant 464 : index
        %get3A_1317 = tpu.vector_load %arg10[%get3A_1315, %get3A_1316] {strides = array<i32>} : memref<48x512xf32, #tpu.memory_space<vmem>>, vector<1x16xf32>,
        %get3A_1318 = vector.shape_cast %get3A_1317 : vector<1x16xf32> to vector<16xf32>
        %get3A_1319 = arith.index_cast %add3A_908 : i32 to index
        %get3A_1320 = arith.constant 464 : index
        %get3A_1321 = tpu.vector_load %arg11[%get3A_1319, %get3A_1320] {strides = array<i32>} : memref<48x512xf32, #tpu.memory_space<vmem>>, vector<1x16xf32>,
        %get3A_1322 = vector.shape_cast %get3A_1321 : vector<1x16xf32> to vector<16xf32>
        %add3A_1323 = arith.addf %get3A_1318, %get3A_1322 : vector<16xf32>
        %swap3A_1324 = arith.index_cast %add3A_908 : i32 to index
        %swap3A_1325 = arith.constant 464 : index
        %swap3A_1326 = tpu.vector_load %arg10[%swap3A_1324, %swap3A_1325] {strides = array<i32>} : memref<48x512xf32, #tpu.memory_space<vmem>>, vector<1x16xf32>,
        %swap3A_1327 = vector.shape_cast %swap3A_1326 : vector<1x16xf32> to vector<16xf32>
        %swap3A_1328 = vector.shape_cast %add3A_1323 : vector<16xf32> to vector<1x16xf32>
        tpu.vector_store %arg10[%swap3A_1324, %swap3A_1325], %swap3A_1328 {strides = array<i32>} : memref<48x512xf32, #tpu.memory_space<vmem>>, vector<1x16xf32>,
        %get3A_1329 = arith.index_cast %add3A_908 : i32 to index
        %get3A_1330 = arith.constant 480 : index
        %get3A_1331 = tpu.vector_load %arg10[%get3A_1329, %get3A_1330] {strides = array<i32>} : memref<48x512xf32, #tpu.memory_space<vmem>>, vector<1x16xf32>,
        %get3A_1332 = vector.shape_cast %get3A_1331 : vector<1x16xf32> to vector<16xf32>
        %get3A_1333 = arith.index_cast %add3A_908 : i32 to index
        %get3A_1334 = arith.constant 480 : index
        %get3A_1335 = tpu.vector_load %arg11[%get3A_1333, %get3A_1334] {strides = array<i32>} : memref<48x512xf32, #tpu.memory_space<vmem>>, vector<1x16xf32>,
        %get3A_1336 = vector.shape_cast %get3A_1335 : vector<1x16xf32> to vector<16xf32>
        %add3A_1337 = arith.addf %get3A_1332, %get3A_1336 : vector<16xf32>
        %swap3A_1338 = arith.index_cast %add3A_908 : i32 to index
        %swap3A_1339 = arith.constant 480 : index
        %swap3A_1340 = tpu.vector_load %arg10[%swap3A_1338, %swap3A_1339] {strides = array<i32>} : memref<48x512xf32, #tpu.memory_space<vmem>>, vector<1x16xf32>,
        %swap3A_1341 = vector.shape_cast %swap3A_1340 : vector<1x16xf32> to vector<16xf32>
        %swap3A_1342 = vector.shape_cast %add3A_1337 : vector<16xf32> to vector<1x16xf32>
        tpu.vector_store %arg10[%swap3A_1338, %swap3A_1339], %swap3A_1342 {strides = array<i32>} : memref<48x512xf32, #tpu.memory_space<vmem>>, vector<1x16xf32>,
        %get3A_1343 = arith.index_cast %add3A_908 : i32 to index
        %get3A_1344 = arith.constant 496 : index
        %get3A_1345 = tpu.vector_load %arg10[%get3A_1343, %get3A_1344] {strides = array<i32>} : memref<48x512xf32, #tpu.memory_space<vmem>>, vector<1x16xf32>,
        %get3A_1346 = vector.shape_cast %get3A_1345 : vector<1x16xf32> to vector<16xf32>
        %get3A_1347 = arith.index_cast %add3A_908 : i32 to index
        %get3A_1348 = arith.constant 496 : index
        %get3A_1349 = tpu.vector_load %arg11[%get3A_1347, %get3A_1348] {strides = array<i32>} : memref<48x512xf32, #tpu.memory_space<vmem>>, vector<1x16xf32>,
        %get3A_1350 = vector.shape_cast %get3A_1349 : vector<1x16xf32> to vector<16xf32>
        %add3A_1351 = arith.addf %get3A_1346, %get3A_1350 : vector<16xf32>
        %swap3A_1352 = arith.index_cast %add3A_908 : i32 to index
        %swap3A_1353 = arith.constant 496 : index
        %swap3A_1354 = tpu.vector_load %arg10[%swap3A_1352, %swap3A_1353] {strides = array<i32>} : memref<48x512xf32, #tpu.memory_space<vmem>>, vector<1x16xf32>,
        %swap3A_1355 = vector.shape_cast %swap3A_1354 : vector<1x16xf32> to vector<16xf32>
        %swap3A_1356 = vector.shape_cast %add3A_1351 : vector<16xf32> to vector<1x16xf32>
        tpu.vector_store %arg10[%swap3A_1352, %swap3A_1353], %swap3A_1356 {strides = array<i32>} : memref<48x512xf32, #tpu.memory_space<vmem>>, vector<1x16xf32>,
      }
      %scan3A_602 = arith.constant 48 : i32
      %mul3A_603 = arith.constant 48 : i32
      %mul3A_604 = arith.muli %add3A_311, %mul3A_603 : i32
      %add3A_605 = arith.addi %sub3A_9, %mul3A_604 : i32
      %min3A_606 = arith.minsi %add3A_605, %sub3A_14 : i32
      "tpu.region"() ({
        %run_scoped3A = tpu.sem_alloc : memref<!tpu.dma_semaphore, #tpu.memory_space<semaphore_mem>>
        %dma_start3A_904 = arith.constant 0 : i32
        %dma_start3A_905 = tpu.memref_slice %arg5[%min3A_606, %dma_start3A_904] : memref<100000x512xf32, #tpu.memory_space<hbm>> -> memref<48x512xf32, #tpu.memory_space<hbm>>
        %dma_start3A_906 = arith.constant 0 : i32
        %dma_start3A_907 = tpu.memref_slice %arg5[%min3A_606, %dma_start3A_906] : memref<100000x512xf32, #tpu.memory_space<hbm>> -> memref<48x512xf32, #tpu.memory_space<hbm>>
        tpu.enqueue_dma source(%arg10 : memref<48x512xf32, #tpu.memory_space<vmem>>) target(%dma_start3A_907 : memref<48x512xf32, #tpu.memory_space<hbm>>) target_semaphore(%run_scoped3A : memref<!tpu.dma_semaphore, #tpu.memory_space<semaphore_mem>>)
        %dma_wait3A_908 = arith.constant 0 : i32
        %dma_wait3A_909 = tpu.memref_slice %arg5[%min3A_606, %dma_wait3A_908] : memref<100000x512xf32, #tpu.memory_space<hbm>> -> memref<48x512xf32, #tpu.memory_space<hbm>>
        %dma_wait3A_910 = arith.constant 0 : i32
        %dma_wait3A_911 = tpu.memref_slice %arg5[%min3A_606, %dma_wait3A_910] : memref<100000x512xf32, #tpu.memory_space<hbm>> -> memref<48x512xf32, #tpu.memory_space<hbm>>
        tpu.wait_dma2 semaphore(%run_scoped3A : memref<!tpu.dma_semaphore, #tpu.memory_space<semaphore_mem>>) src(%arg10 : memref<48x512xf32, #tpu.memory_space<vmem>>) dst(%dma_wait3A_911 : memref<48x512xf32, #tpu.memory_space<hbm>>)
        tpu.yield
      }) : () -> ()
      %add3A_607 = arith.constant 2 : i32
      %add3A_608 = arith.addi %add3A_311, %add3A_607 : i32
      %mul3A_609 = arith.constant 19 : i32
      %mul3A_610 = arith.muli %add3A, %mul3A_609 : i32
      %add3A_611 = arith.addi %mul3A_610, %add3A_608 : i32
      "tpu.region"() ({
        %run_scoped3A = tpu.sem_alloc : memref<!tpu.dma_semaphore, #tpu.memory_space<semaphore_mem>>
        %dma_start3A_904 = arith.constant 0 : i32
        %dma_start3A_905 = arith.constant 0 : i32
        %dma_start3A_906 = tpu.memref_slice %arg2[%add3A_611, %dma_start3A_904, %dma_start3A_905] : memref<608x9x48xi32, #tpu.memory_space<hbm>> -> memref<1x9x48xi32, #tpu.memory_space<hbm>>
        %dma_start3A_907 = tpu.memref_squeeze %dma_start3A_906 : memref<1x9x48xi32, #tpu.memory_space<hbm>> -> memref<9x48xi32, #tpu.memory_space<hbm>>
        %dma_start3A_908 = arith.constant 0 : i32
        %dma_start3A_909 = arith.constant 0 : i32
        %dma_start3A_910 = tpu.memref_slice %arg2[%add3A_611, %dma_start3A_908, %dma_start3A_909] : memref<608x9x48xi32, #tpu.memory_space<hbm>> -> memref<1x9x48xi32, #tpu.memory_space<hbm>>
        %dma_start3A_911 = tpu.memref_squeeze %dma_start3A_910 : memref<1x9x48xi32, #tpu.memory_space<hbm>> -> memref<9x48xi32, #tpu.memory_space<hbm>>
        tpu.enqueue_dma source(%dma_start3A_911 : memref<9x48xi32, #tpu.memory_space<hbm>>) target(%arg6 : memref<9x48xi32, #tpu.memory_space<vmem>>) target_semaphore(%run_scoped3A : memref<!tpu.dma_semaphore, #tpu.memory_space<semaphore_mem>>)
        %dma_wait3A_912 = arith.constant 0 : i32
        %dma_wait3A_913 = arith.constant 0 : i32
        %dma_wait3A_914 = tpu.memref_slice %arg2[%add3A_611, %dma_wait3A_912, %dma_wait3A_913] : memref<608x9x48xi32, #tpu.memory_space<hbm>> -> memref<1x9x48xi32, #tpu.memory_space<hbm>>
        %dma_wait3A_915 = tpu.memref_squeeze %dma_wait3A_914 : memref<1x9x48xi32, #tpu.memory_space<hbm>> -> memref<9x48xi32, #tpu.memory_space<hbm>>
        %dma_wait3A_916 = arith.constant 0 : i32
        %dma_wait3A_917 = arith.constant 0 : i32
        %dma_wait3A_918 = tpu.memref_slice %arg2[%add3A_611, %dma_wait3A_916, %dma_wait3A_917] : memref<608x9x48xi32, #tpu.memory_space<hbm>> -> memref<1x9x48xi32, #tpu.memory_space<hbm>>
        %dma_wait3A_919 = tpu.memref_squeeze %dma_wait3A_918 : memref<1x9x48xi32, #tpu.memory_space<hbm>> -> memref<9x48xi32, #tpu.memory_space<hbm>>
        tpu.wait_dma2 semaphore(%run_scoped3A : memref<!tpu.dma_semaphore, #tpu.memory_space<semaphore_mem>>) src(%dma_wait3A_919 : memref<9x48xi32, #tpu.memory_space<hbm>>) dst(%arg6 : memref<9x48xi32, #tpu.memory_space<vmem>>)
        tpu.yield
      }) : () -> ()
      %get3A_612 = arith.constant 0 : i32
      %get3A_613 = arith.index_cast %get3A_612 : i32 to index
      %get3A_614 = arith.constant 0 : index
      %get3A_615 = tpu.vector_load %arg6[%get3A_613, %get3A_614] {strides = array<i32>} : memref<9x48xi32, #tpu.memory_space<vmem>>, vector<1x16xi32>,
      %get3A_616 = vector.shape_cast %get3A_615 : vector<1x16xi32> to vector<16xi32>
      %mul3A_617 = arith.constant 32 : i32
      %mul3A_618 = vector.broadcast %mul3A_617 : i32 to vector<16xi32>
      %mul3A_619 = arith.muli %get3A_616, %mul3A_618 : vector<16xi32>
      %get3A_620 = arith.constant 6 : i32
      %get3A_621 = arith.index_cast %get3A_620 : i32 to index
      %get3A_622 = arith.constant 0 : index
      %get3A_623 = tpu.vector_load %arg6[%get3A_621, %get3A_622] {strides = array<i32>} : memref<9x48xi32, #tpu.memory_space<vmem>>, vector<1x16xi32>,
      %get3A_624 = vector.shape_cast %get3A_623 : vector<1x16xi32> to vector<16xi32>
      %mul3A_625 = arith.constant 4 : i32
      %mul3A_626 = vector.broadcast %mul3A_625 : i32 to vector<16xi32>
      %mul3A_627 = arith.muli %get3A_624, %mul3A_626 : vector<16xi32>
      %add3A_628 = arith.addi %mul3A_619, %mul3A_627 : vector<16xi32>
      %get3A_629 = arith.constant 7 : i32
      %get3A_630 = arith.index_cast %get3A_629 : i32 to index
      %get3A_631 = arith.constant 0 : index
      %get3A_632 = tpu.vector_load %arg6[%get3A_630, %get3A_631] {strides = array<i32>} : memref<9x48xi32, #tpu.memory_space<vmem>>, vector<1x16xi32>,
      %get3A_633 = vector.shape_cast %get3A_632 : vector<1x16xi32> to vector<16xi32>
      %mul3A_634 = arith.constant 2 : i32
      %mul3A_635 = vector.broadcast %mul3A_634 : i32 to vector<16xi32>
      %mul3A_636 = arith.muli %get3A_633, %mul3A_635 : vector<16xi32>
      %get3A_637 = arith.constant 8 : i32
      %get3A_638 = arith.index_cast %get3A_637 : i32 to index
      %get3A_639 = arith.constant 0 : index
      %get3A_640 = tpu.vector_load %arg6[%get3A_638, %get3A_639] {strides = array<i32>} : memref<9x48xi32, #tpu.memory_space<vmem>>, vector<1x16xi32>,
      %get3A_641 = vector.shape_cast %get3A_640 : vector<1x16xi32> to vector<16xi32>
      %add3A_642 = arith.addi %mul3A_636, %get3A_641 : vector<16xi32>
      %add3A_643 = arith.addi %add3A_628, %add3A_642 : vector<16xi32>
      %swap3A_644 = arith.constant 0 : i32
      %swap3A_645 = arith.index_cast %swap3A_644 : i32 to index
      %swap3A_646 = arith.constant 0 : index
      %swap3A_647 = tpu.vector_load %arg8[%swap3A_645, %swap3A_646] {strides = array<i32>} : memref<2x48xi32, #tpu.memory_space<vmem>>, vector<1x16xi32>,
      %swap3A_648 = vector.shape_cast %swap3A_647 : vector<1x16xi32> to vector<16xi32>
      %swap3A_649 = vector.shape_cast %add3A_643 : vector<16xi32> to vector<1x16xi32>
      tpu.vector_store %arg8[%swap3A_645, %swap3A_646], %swap3A_649 {strides = array<i32>} : memref<2x48xi32, #tpu.memory_space<vmem>>, vector<1x16xi32>,
      %get3A_650 = arith.constant 1 : i32
      %get3A_651 = arith.index_cast %get3A_650 : i32 to index
      %get3A_652 = arith.constant 0 : index
      %get3A_653 = tpu.vector_load %arg6[%get3A_651, %get3A_652] {strides = array<i32>} : memref<9x48xi32, #tpu.memory_space<vmem>>, vector<1x16xi32>,
      %get3A_654 = vector.shape_cast %get3A_653 : vector<1x16xi32> to vector<16xi32>
      %mul3A_655 = arith.constant 5940 : i32
      %mul3A_656 = vector.broadcast %mul3A_655 : i32 to vector<16xi32>
      %mul3A_657 = arith.muli %get3A_654, %mul3A_656 : vector<16xi32>
      %get3A_658 = arith.constant 2 : i32
      %get3A_659 = arith.index_cast %get3A_658 : i32 to index
      %get3A_660 = arith.constant 0 : index
      %get3A_661 = tpu.vector_load %arg6[%get3A_659, %get3A_660] {strides = array<i32>} : memref<9x48xi32, #tpu.memory_space<vmem>>, vector<1x16xi32>,
      %get3A_662 = vector.shape_cast %get3A_661 : vector<1x16xi32> to vector<16xi32>
      %mul3A_663 = arith.constant 540 : i32
      %mul3A_664 = vector.broadcast %mul3A_663 : i32 to vector<16xi32>
      %mul3A_665 = arith.muli %get3A_662, %mul3A_664 : vector<16xi32>
      %add3A_666 = arith.addi %mul3A_657, %mul3A_665 : vector<16xi32>
      %get3A_667 = arith.constant 3 : i32
      %get3A_668 = arith.index_cast %get3A_667 : i32 to index
      %get3A_669 = arith.constant 0 : index
      %get3A_670 = tpu.vector_load %arg6[%get3A_668, %get3A_669] {strides = array<i32>} : memref<9x48xi32, #tpu.memory_space<vmem>>, vector<1x16xi32>,
      %get3A_671 = vector.shape_cast %get3A_670 : vector<1x16xi32> to vector<16xi32>
      %mul3A_672 = arith.constant 45 : i32
      %mul3A_673 = vector.broadcast %mul3A_672 : i32 to vector<16xi32>
      %mul3A_674 = arith.muli %get3A_671, %mul3A_673 : vector<16xi32>
      %get3A_675 = arith.constant 4 : i32
      %get3A_676 = arith.index_cast %get3A_675 : i32 to index
      %get3A_677 = arith.constant 0 : index
      %get3A_678 = tpu.vector_load %arg6[%get3A_676, %get3A_677] {strides = array<i32>} : memref<9x48xi32, #tpu.memory_space<vmem>>, vector<1x16xi32>,
      %get3A_679 = vector.shape_cast %get3A_678 : vector<1x16xi32> to vector<16xi32>
      %mul3A_680 = arith.constant 5 : i32
      %mul3A_681 = vector.broadcast %mul3A_680 : i32 to vector<16xi32>
      %mul3A_682 = arith.muli %get3A_679, %mul3A_681 : vector<16xi32>
      %add3A_683 = arith.addi %mul3A_674, %mul3A_682 : vector<16xi32>
      %get3A_684 = arith.constant 5 : i32
      %get3A_685 = arith.index_cast %get3A_684 : i32 to index
      %get3A_686 = arith.constant 0 : index
      %get3A_687 = tpu.vector_load %arg6[%get3A_685, %get3A_686] {strides = array<i32>} : memref<9x48xi32, #tpu.memory_space<vmem>>, vector<1x16xi32>,
      %get3A_688 = vector.shape_cast %get3A_687 : vector<1x16xi32> to vector<16xi32>
      %add3A_689 = arith.addi %add3A_683, %get3A_688 : vector<16xi32>
      %add3A_690 = arith.addi %add3A_666, %add3A_689 : vector<16xi32>
      %swap3A_691 = arith.constant 1 : i32
      %swap3A_692 = arith.index_cast %swap3A_691 : i32 to index
      %swap3A_693 = arith.constant 0 : index
      %swap3A_694 = tpu.vector_load %arg8[%swap3A_692, %swap3A_693] {strides = array<i32>} : memref<2x48xi32, #tpu.memory_space<vmem>>, vector<1x16xi32>,
      %swap3A_695 = vector.shape_cast %swap3A_694 : vector<1x16xi32> to vector<16xi32>
      %swap3A_696 = vector.shape_cast %add3A_690 : vector<16xi32> to vector<1x16xi32>
      tpu.vector_store %arg8[%swap3A_692, %swap3A_693], %swap3A_696 {strides = array<i32>} : memref<2x48xi32, #tpu.memory_space<vmem>>, vector<1x16xi32>,
      %get3A_697 = arith.constant 0 : i32
      %get3A_698 = arith.index_cast %get3A_697 : i32 to index
      %get3A_699 = arith.constant 16 : index
      %get3A_700 = tpu.vector_load %arg6[%get3A_698, %get3A_699] {strides = array<i32>} : memref<9x48xi32, #tpu.memory_space<vmem>>, vector<1x16xi32>,
      %get3A_701 = vector.shape_cast %get3A_700 : vector<1x16xi32> to vector<16xi32>
      %mul3A_702 = arith.constant 32 : i32
      %mul3A_703 = vector.broadcast %mul3A_702 : i32 to vector<16xi32>
      %mul3A_704 = arith.muli %get3A_701, %mul3A_703 : vector<16xi32>
      %get3A_705 = arith.constant 6 : i32
      %get3A_706 = arith.index_cast %get3A_705 : i32 to index
      %get3A_707 = arith.constant 16 : index
      %get3A_708 = tpu.vector_load %arg6[%get3A_706, %get3A_707] {strides = array<i32>} : memref<9x48xi32, #tpu.memory_space<vmem>>, vector<1x16xi32>,
      %get3A_709 = vector.shape_cast %get3A_708 : vector<1x16xi32> to vector<16xi32>
      %mul3A_710 = arith.constant 4 : i32
      %mul3A_711 = vector.broadcast %mul3A_710 : i32 to vector<16xi32>
      %mul3A_712 = arith.muli %get3A_709, %mul3A_711 : vector<16xi32>
      %add3A_713 = arith.addi %mul3A_704, %mul3A_712 : vector<16xi32>
      %get3A_714 = arith.constant 7 : i32
      %get3A_715 = arith.index_cast %get3A_714 : i32 to index
      %get3A_716 = arith.constant 16 : index
      %get3A_717 = tpu.vector_load %arg6[%get3A_715, %get3A_716] {strides = array<i32>} : memref<9x48xi32, #tpu.memory_space<vmem>>, vector<1x16xi32>,
      %get3A_718 = vector.shape_cast %get3A_717 : vector<1x16xi32> to vector<16xi32>
      %mul3A_719 = arith.constant 2 : i32
      %mul3A_720 = vector.broadcast %mul3A_719 : i32 to vector<16xi32>
      %mul3A_721 = arith.muli %get3A_718, %mul3A_720 : vector<16xi32>
      %get3A_722 = arith.constant 8 : i32
      %get3A_723 = arith.index_cast %get3A_722 : i32 to index
      %get3A_724 = arith.constant 16 : index
      %get3A_725 = tpu.vector_load %arg6[%get3A_723, %get3A_724] {strides = array<i32>} : memref<9x48xi32, #tpu.memory_space<vmem>>, vector<1x16xi32>,
      %get3A_726 = vector.shape_cast %get3A_725 : vector<1x16xi32> to vector<16xi32>
      %add3A_727 = arith.addi %mul3A_721, %get3A_726 : vector<16xi32>
      %add3A_728 = arith.addi %add3A_713, %add3A_727 : vector<16xi32>
      %swap3A_729 = arith.constant 0 : i32
      %swap3A_730 = arith.index_cast %swap3A_729 : i32 to index
      %swap3A_731 = arith.constant 16 : index
      %swap3A_732 = tpu.vector_load %arg8[%swap3A_730, %swap3A_731] {strides = array<i32>} : memref<2x48xi32, #tpu.memory_space<vmem>>, vector<1x16xi32>,
      %swap3A_733 = vector.shape_cast %swap3A_732 : vector<1x16xi32> to vector<16xi32>
      %swap3A_734 = vector.shape_cast %add3A_728 : vector<16xi32> to vector<1x16xi32>
      tpu.vector_store %arg8[%swap3A_730, %swap3A_731], %swap3A_734 {strides = array<i32>} : memref<2x48xi32, #tpu.memory_space<vmem>>, vector<1x16xi32>,
      %get3A_735 = arith.constant 1 : i32
      %get3A_736 = arith.index_cast %get3A_735 : i32 to index
      %get3A_737 = arith.constant 16 : index
      %get3A_738 = tpu.vector_load %arg6[%get3A_736, %get3A_737] {strides = array<i32>} : memref<9x48xi32, #tpu.memory_space<vmem>>, vector<1x16xi32>,
      %get3A_739 = vector.shape_cast %get3A_738 : vector<1x16xi32> to vector<16xi32>
      %mul3A_740 = arith.constant 5940 : i32
      %mul3A_741 = vector.broadcast %mul3A_740 : i32 to vector<16xi32>
      %mul3A_742 = arith.muli %get3A_739, %mul3A_741 : vector<16xi32>
      %get3A_743 = arith.constant 2 : i32
      %get3A_744 = arith.index_cast %get3A_743 : i32 to index
      %get3A_745 = arith.constant 16 : index
      %get3A_746 = tpu.vector_load %arg6[%get3A_744, %get3A_745] {strides = array<i32>} : memref<9x48xi32, #tpu.memory_space<vmem>>, vector<1x16xi32>,
      %get3A_747 = vector.shape_cast %get3A_746 : vector<1x16xi32> to vector<16xi32>
      %mul3A_748 = arith.constant 540 : i32
      %mul3A_749 = vector.broadcast %mul3A_748 : i32 to vector<16xi32>
      %mul3A_750 = arith.muli %get3A_747, %mul3A_749 : vector<16xi32>
      %add3A_751 = arith.addi %mul3A_742, %mul3A_750 : vector<16xi32>
      %get3A_752 = arith.constant 3 : i32
      %get3A_753 = arith.index_cast %get3A_752 : i32 to index
      %get3A_754 = arith.constant 16 : index
      %get3A_755 = tpu.vector_load %arg6[%get3A_753, %get3A_754] {strides = array<i32>} : memref<9x48xi32, #tpu.memory_space<vmem>>, vector<1x16xi32>,
      %get3A_756 = vector.shape_cast %get3A_755 : vector<1x16xi32> to vector<16xi32>
      %mul3A_757 = arith.constant 45 : i32
      %mul3A_758 = vector.broadcast %mul3A_757 : i32 to vector<16xi32>
      %mul3A_759 = arith.muli %get3A_756, %mul3A_758 : vector<16xi32>
      %get3A_760 = arith.constant 4 : i32
      %get3A_761 = arith.index_cast %get3A_760 : i32 to index
      %get3A_762 = arith.constant 16 : index
      %get3A_763 = tpu.vector_load %arg6[%get3A_761, %get3A_762] {strides = array<i32>} : memref<9x48xi32, #tpu.memory_space<vmem>>, vector<1x16xi32>,
      %get3A_764 = vector.shape_cast %get3A_763 : vector<1x16xi32> to vector<16xi32>
      %mul3A_765 = arith.constant 5 : i32
      %mul3A_766 = vector.broadcast %mul3A_765 : i32 to vector<16xi32>
      %mul3A_767 = arith.muli %get3A_764, %mul3A_766 : vector<16xi32>
      %add3A_768 = arith.addi %mul3A_759, %mul3A_767 : vector<16xi32>
      %get3A_769 = arith.constant 5 : i32
      %get3A_770 = arith.index_cast %get3A_769 : i32 to index
      %get3A_771 = arith.constant 16 : index
      %get3A_772 = tpu.vector_load %arg6[%get3A_770, %get3A_771] {strides = array<i32>} : memref<9x48xi32, #tpu.memory_space<vmem>>, vector<1x16xi32>,
      %get3A_773 = vector.shape_cast %get3A_772 : vector<1x16xi32> to vector<16xi32>
      %add3A_774 = arith.addi %add3A_768, %get3A_773 : vector<16xi32>
      %add3A_775 = arith.addi %add3A_751, %add3A_774 : vector<16xi32>
      %swap3A_776 = arith.constant 1 : i32
      %swap3A_777 = arith.index_cast %swap3A_776 : i32 to index
      %swap3A_778 = arith.constant 16 : index
      %swap3A_779 = tpu.vector_load %arg8[%swap3A_777, %swap3A_778] {strides = array<i32>} : memref<2x48xi32, #tpu.memory_space<vmem>>, vector<1x16xi32>,
      %swap3A_780 = vector.shape_cast %swap3A_779 : vector<1x16xi32> to vector<16xi32>
      %swap3A_781 = vector.shape_cast %add3A_775 : vector<16xi32> to vector<1x16xi32>
      tpu.vector_store %arg8[%swap3A_777, %swap3A_778], %swap3A_781 {strides = array<i32>} : memref<2x48xi32, #tpu.memory_space<vmem>>, vector<1x16xi32>,
      %get3A_782 = arith.constant 0 : i32
      %get3A_783 = arith.index_cast %get3A_782 : i32 to index
      %get3A_784 = arith.constant 32 : index
      %get3A_785 = tpu.vector_load %arg6[%get3A_783, %get3A_784] {strides = array<i32>} : memref<9x48xi32, #tpu.memory_space<vmem>>, vector<1x16xi32>,
      %get3A_786 = vector.shape_cast %get3A_785 : vector<1x16xi32> to vector<16xi32>
      %mul3A_787 = arith.constant 32 : i32
      %mul3A_788 = vector.broadcast %mul3A_787 : i32 to vector<16xi32>
      %mul3A_789 = arith.muli %get3A_786, %mul3A_788 : vector<16xi32>
      %get3A_790 = arith.constant 6 : i32
      %get3A_791 = arith.index_cast %get3A_790 : i32 to index
      %get3A_792 = arith.constant 32 : index
      %get3A_793 = tpu.vector_load %arg6[%get3A_791, %get3A_792] {strides = array<i32>} : memref<9x48xi32, #tpu.memory_space<vmem>>, vector<1x16xi32>,
      %get3A_794 = vector.shape_cast %get3A_793 : vector<1x16xi32> to vector<16xi32>
      %mul3A_795 = arith.constant 4 : i32
      %mul3A_796 = vector.broadcast %mul3A_795 : i32 to vector<16xi32>
      %mul3A_797 = arith.muli %get3A_794, %mul3A_796 : vector<16xi32>
      %add3A_798 = arith.addi %mul3A_789, %mul3A_797 : vector<16xi32>
      %get3A_799 = arith.constant 7 : i32
      %get3A_800 = arith.index_cast %get3A_799 : i32 to index
      %get3A_801 = arith.constant 32 : index
      %get3A_802 = tpu.vector_load %arg6[%get3A_800, %get3A_801] {strides = array<i32>} : memref<9x48xi32, #tpu.memory_space<vmem>>, vector<1x16xi32>,
      %get3A_803 = vector.shape_cast %get3A_802 : vector<1x16xi32> to vector<16xi32>
      %mul3A_804 = arith.constant 2 : i32
      %mul3A_805 = vector.broadcast %mul3A_804 : i32 to vector<16xi32>
      %mul3A_806 = arith.muli %get3A_803, %mul3A_805 : vector<16xi32>
      %get3A_807 = arith.constant 8 : i32
      %get3A_808 = arith.index_cast %get3A_807 : i32 to index
      %get3A_809 = arith.constant 32 : index
      %get3A_810 = tpu.vector_load %arg6[%get3A_808, %get3A_809] {strides = array<i32>} : memref<9x48xi32, #tpu.memory_space<vmem>>, vector<1x16xi32>,
      %get3A_811 = vector.shape_cast %get3A_810 : vector<1x16xi32> to vector<16xi32>
      %add3A_812 = arith.addi %mul3A_806, %get3A_811 : vector<16xi32>
      %add3A_813 = arith.addi %add3A_798, %add3A_812 : vector<16xi32>
      %swap3A_814 = arith.constant 0 : i32
      %swap3A_815 = arith.index_cast %swap3A_814 : i32 to index
      %swap3A_816 = arith.constant 32 : index
      %swap3A_817 = tpu.vector_load %arg8[%swap3A_815, %swap3A_816] {strides = array<i32>} : memref<2x48xi32, #tpu.memory_space<vmem>>, vector<1x16xi32>,
      %swap3A_818 = vector.shape_cast %swap3A_817 : vector<1x16xi32> to vector<16xi32>
      %swap3A_819 = vector.shape_cast %add3A_813 : vector<16xi32> to vector<1x16xi32>
      tpu.vector_store %arg8[%swap3A_815, %swap3A_816], %swap3A_819 {strides = array<i32>} : memref<2x48xi32, #tpu.memory_space<vmem>>, vector<1x16xi32>,
      %get3A_820 = arith.constant 1 : i32
      %get3A_821 = arith.index_cast %get3A_820 : i32 to index
      %get3A_822 = arith.constant 32 : index
      %get3A_823 = tpu.vector_load %arg6[%get3A_821, %get3A_822] {strides = array<i32>} : memref<9x48xi32, #tpu.memory_space<vmem>>, vector<1x16xi32>,
      %get3A_824 = vector.shape_cast %get3A_823 : vector<1x16xi32> to vector<16xi32>
      %mul3A_825 = arith.constant 5940 : i32
      %mul3A_826 = vector.broadcast %mul3A_825 : i32 to vector<16xi32>
      %mul3A_827 = arith.muli %get3A_824, %mul3A_826 : vector<16xi32>
      %get3A_828 = arith.constant 2 : i32
      %get3A_829 = arith.index_cast %get3A_828 : i32 to index
      %get3A_830 = arith.constant 32 : index
      %get3A_831 = tpu.vector_load %arg6[%get3A_829, %get3A_830] {strides = array<i32>} : memref<9x48xi32, #tpu.memory_space<vmem>>, vector<1x16xi32>,
      %get3A_832 = vector.shape_cast %get3A_831 : vector<1x16xi32> to vector<16xi32>
      %mul3A_833 = arith.constant 540 : i32
      %mul3A_834 = vector.broadcast %mul3A_833 : i32 to vector<16xi32>
      %mul3A_835 = arith.muli %get3A_832, %mul3A_834 : vector<16xi32>
      %add3A_836 = arith.addi %mul3A_827, %mul3A_835 : vector<16xi32>
      %get3A_837 = arith.constant 3 : i32
      %get3A_838 = arith.index_cast %get3A_837 : i32 to index
      %get3A_839 = arith.constant 32 : index
      %get3A_840 = tpu.vector_load %arg6[%get3A_838, %get3A_839] {strides = array<i32>} : memref<9x48xi32, #tpu.memory_space<vmem>>, vector<1x16xi32>,
      %get3A_841 = vector.shape_cast %get3A_840 : vector<1x16xi32> to vector<16xi32>
      %mul3A_842 = arith.constant 45 : i32
      %mul3A_843 = vector.broadcast %mul3A_842 : i32 to vector<16xi32>
      %mul3A_844 = arith.muli %get3A_841, %mul3A_843 : vector<16xi32>
      %get3A_845 = arith.constant 4 : i32
      %get3A_846 = arith.index_cast %get3A_845 : i32 to index
      %get3A_847 = arith.constant 32 : index
      %get3A_848 = tpu.vector_load %arg6[%get3A_846, %get3A_847] {strides = array<i32>} : memref<9x48xi32, #tpu.memory_space<vmem>>, vector<1x16xi32>,
      %get3A_849 = vector.shape_cast %get3A_848 : vector<1x16xi32> to vector<16xi32>
      %mul3A_850 = arith.constant 5 : i32
      %mul3A_851 = vector.broadcast %mul3A_850 : i32 to vector<16xi32>
      %mul3A_852 = arith.muli %get3A_849, %mul3A_851 : vector<16xi32>
      %add3A_853 = arith.addi %mul3A_844, %mul3A_852 : vector<16xi32>
      %get3A_854 = arith.constant 5 : i32
      %get3A_855 = arith.index_cast %get3A_854 : i32 to index
      %get3A_856 = arith.constant 32 : index
      %get3A_857 = tpu.vector_load %arg6[%get3A_855, %get3A_856] {strides = array<i32>} : memref<9x48xi32, #tpu.memory_space<vmem>>, vector<1x16xi32>,
      %get3A_858 = vector.shape_cast %get3A_857 : vector<1x16xi32> to vector<16xi32>
      %add3A_859 = arith.addi %add3A_853, %get3A_858 : vector<16xi32>
      %add3A_860 = arith.addi %add3A_836, %add3A_859 : vector<16xi32>
      %swap3A_861 = arith.constant 1 : i32
      %swap3A_862 = arith.index_cast %swap3A_861 : i32 to index
      %swap3A_863 = arith.constant 32 : index
      %swap3A_864 = tpu.vector_load %arg8[%swap3A_862, %swap3A_863] {strides = array<i32>} : memref<2x48xi32, #tpu.memory_space<vmem>>, vector<1x16xi32>,
      %swap3A_865 = vector.shape_cast %swap3A_864 : vector<1x16xi32> to vector<16xi32>
      %swap3A_866 = vector.shape_cast %add3A_860 : vector<16xi32> to vector<1x16xi32>
      tpu.vector_store %arg8[%swap3A_862, %swap3A_863], %swap3A_866 {strides = array<i32>} : memref<2x48xi32, #tpu.memory_space<vmem>>, vector<1x16xi32>,
      %dma_start3A_867 = arith.constant 0 : i32
      %dma_start3A_868 = arith.constant 0 : i32
      %dma_start3A_869 = tpu.memref_slice %arg8[%dma_start3A_867, %dma_start3A_868] : memref<2x48xi32, #tpu.memory_space<vmem>> -> memref<1x48xi32, #tpu.memory_space<vmem>>
      %dma_start3A_870 = tpu.memref_squeeze %dma_start3A_869 : memref<1x48xi32, #tpu.memory_space<vmem>> -> memref<48xi32, #tpu.memory_space<vmem>>
      %dma_start3A_871 = arith.constant 0 : i32
      %dma_start3A_872 = arith.constant 0 : i32
      %dma_start3A_873 = tpu.memref_slice %arg3[%dma_start3A_871, %dma_start3A_872] : memref<3808x512xf32, #tpu.memory_space<hbm>> -> memref<3808x512xf32, #tpu.memory_space<hbm>>
      tpu.enqueue_indirect_dma source(%dma_start3A_873 : memref<3808x512xf32, #tpu.memory_space<hbm>>) target(%arg10 : memref<48x512xf32, #tpu.memory_space<vmem>>) offsets(%dma_start3A_870 : memref<48xi32, #tpu.memory_space<vmem>>) semaphore(%arg14 : memref<!tpu.dma_semaphore, #tpu.memory_space<semaphore_mem>>)
      %dma_start3A_874 = arith.constant 1 : i32
      %dma_start3A_875 = arith.constant 0 : i32
      %dma_start3A_876 = tpu.memref_slice %arg8[%dma_start3A_874, %dma_start3A_875] : memref<2x48xi32, #tpu.memory_space<vmem>> -> memref<1x48xi32, #tpu.memory_space<vmem>>
      %dma_start3A_877 = tpu.memref_squeeze %dma_start3A_876 : memref<1x48xi32, #tpu.memory_space<vmem>> -> memref<48xi32, #tpu.memory_space<vmem>>
      %dma_start3A_878 = arith.constant 0 : i32
      %dma_start3A_879 = arith.constant 0 : i32
      %dma_start3A_880 = tpu.memref_slice %arg4[%dma_start3A_878, %dma_start3A_879] : memref<23760x512xf32, #tpu.memory_space<hbm>> -> memref<23760x512xf32, #tpu.memory_space<hbm>>
      tpu.enqueue_indirect_dma source(%dma_start3A_880 : memref<23760x512xf32, #tpu.memory_space<hbm>>) target(%arg11 : memref<48x512xf32, #tpu.memory_space<vmem>>) offsets(%dma_start3A_877 : memref<48xi32, #tpu.memory_space<vmem>>) semaphore(%arg14 : memref<!tpu.dma_semaphore, #tpu.memory_space<semaphore_mem>>)
      %add3A_881 = arith.constant 1 : i32
      %add3A_882 = arith.addi %add3A_311, %add3A_881 : i32
      %dma_wait3A_883 = arith.constant 0 : i32
      %dma_wait3A_884 = arith.constant 0 : i32
      %dma_wait3A_885 = tpu.memref_slice %arg3[%dma_wait3A_883, %dma_wait3A_884] : memref<3808x512xf32, #tpu.memory_space<hbm>> -> memref<48x512xf32, #tpu.memory_space<hbm>>
      %dma_wait3A_886 = arith.constant 0 : i32
      %dma_wait3A_887 = arith.constant 0 : i32
      %dma_wait3A_888 = tpu.memref_slice %arg3[%dma_wait3A_886, %dma_wait3A_887] : memref<3808x512xf32, #tpu.memory_space<hbm>> -> memref<48x512xf32, #tpu.memory_space<hbm>>
      tpu.wait_dma2 semaphore(%arg15 : memref<!tpu.dma_semaphore, #tpu.memory_space<semaphore_mem>>) src(%dma_wait3A_888 : memref<48x512xf32, #tpu.memory_space<hbm>>) dst(%arg12 : memref<48x512xf32, #tpu.memory_space<vmem>>)
      %dma_wait3A_889 = arith.constant 0 : i32
      %dma_wait3A_890 = arith.constant 0 : i32
      %dma_wait3A_891 = tpu.memref_slice %arg4[%dma_wait3A_889, %dma_wait3A_890] : memref<23760x512xf32, #tpu.memory_space<hbm>> -> memref<48x512xf32, #tpu.memory_space<hbm>>
      %dma_wait3A_892 = arith.constant 0 : i32
      %dma_wait3A_893 = arith.constant 0 : i32
      %dma_wait3A_894 = tpu.memref_slice %arg4[%dma_wait3A_892, %dma_wait3A_893] : memref<23760x512xf32, #tpu.memory_space<hbm>> -> memref<48x512xf32, #tpu.memory_space<hbm>>
      tpu.wait_dma2 semaphore(%arg15 : memref<!tpu.dma_semaphore, #tpu.memory_space<semaphore_mem>>) src(%dma_wait3A_894 : memref<48x512xf32, #tpu.memory_space<hbm>>) dst(%arg13 : memref<48x512xf32, #tpu.memory_space<vmem>>)
      %scan3A_895 = arith.constant 0 : i32
      %scan3A_896 = arith.constant 48 : i32
      %scan3A_897 = arith.addi %scan3A_895, %scan3A_896 : i32
      %scan3A_898 = arith.constant 1 : i32
      scf.for %scan3A_904 = %scan3A_895 to %scan3A_897 step %scan3A_898  : i32 {
        %mul3A_905 = arith.constant 1 : i32
        %mul3A_906 = arith.muli %scan3A_904, %mul3A_905 : i32
        %add3A_907 = arith.constant 0 : i32
        %add3A_908 = arith.addi %add3A_907, %mul3A_906 : i32
        %get3A_909 = arith.index_cast %add3A_908 : i32 to index
        %get3A_910 = arith.constant 0 : index
        %get3A_911 = tpu.vector_load %arg12[%get3A_909, %get3A_910] {strides = array<i32>} : memref<48x512xf32, #tpu.memory_space<vmem>>, vector<1x16xf32>,
        %get3A_912 = vector.shape_cast %get3A_911 : vector<1x16xf32> to vector<16xf32>
        %get3A_913 = arith.index_cast %add3A_908 : i32 to index
        %get3A_914 = arith.constant 0 : index
        %get3A_915 = tpu.vector_load %arg13[%get3A_913, %get3A_914] {strides = array<i32>} : memref<48x512xf32, #tpu.memory_space<vmem>>, vector<1x16xf32>,
        %get3A_916 = vector.shape_cast %get3A_915 : vector<1x16xf32> to vector<16xf32>
        %add3A_917 = arith.addf %get3A_912, %get3A_916 : vector<16xf32>
        %swap3A_918 = arith.index_cast %add3A_908 : i32 to index
        %swap3A_919 = arith.constant 0 : index
        %swap3A_920 = tpu.vector_load %arg12[%swap3A_918, %swap3A_919] {strides = array<i32>} : memref<48x512xf32, #tpu.memory_space<vmem>>, vector<1x16xf32>,
        %swap3A_921 = vector.shape_cast %swap3A_920 : vector<1x16xf32> to vector<16xf32>
        %swap3A_922 = vector.shape_cast %add3A_917 : vector<16xf32> to vector<1x16xf32>
        tpu.vector_store %arg12[%swap3A_918, %swap3A_919], %swap3A_922 {strides = array<i32>} : memref<48x512xf32, #tpu.memory_space<vmem>>, vector<1x16xf32>,
        %get3A_923 = arith.index_cast %add3A_908 : i32 to index
        %get3A_924 = arith.constant 16 : index
        %get3A_925 = tpu.vector_load %arg12[%get3A_923, %get3A_924] {strides = array<i32>} : memref<48x512xf32, #tpu.memory_space<vmem>>, vector<1x16xf32>,
        %get3A_926 = vector.shape_cast %get3A_925 : vector<1x16xf32> to vector<16xf32>
        %get3A_927 = arith.index_cast %add3A_908 : i32 to index
        %get3A_928 = arith.constant 16 : index
        %get3A_929 = tpu.vector_load %arg13[%get3A_927, %get3A_928] {strides = array<i32>} : memref<48x512xf32, #tpu.memory_space<vmem>>, vector<1x16xf32>,
        %get3A_930 = vector.shape_cast %get3A_929 : vector<1x16xf32> to vector<16xf32>
        %add3A_931 = arith.addf %get3A_926, %get3A_930 : vector<16xf32>
        %swap3A_932 = arith.index_cast %add3A_908 : i32 to index
        %swap3A_933 = arith.constant 16 : index
        %swap3A_934 = tpu.vector_load %arg12[%swap3A_932, %swap3A_933] {strides = array<i32>} : memref<48x512xf32, #tpu.memory_space<vmem>>, vector<1x16xf32>,
        %swap3A_935 = vector.shape_cast %swap3A_934 : vector<1x16xf32> to vector<16xf32>
        %swap3A_936 = vector.shape_cast %add3A_931 : vector<16xf32> to vector<1x16xf32>
        tpu.vector_store %arg12[%swap3A_932, %swap3A_933], %swap3A_936 {strides = array<i32>} : memref<48x512xf32, #tpu.memory_space<vmem>>, vector<1x16xf32>,
        %get3A_937 = arith.index_cast %add3A_908 : i32 to index
        %get3A_938 = arith.constant 32 : index
        %get3A_939 = tpu.vector_load %arg12[%get3A_937, %get3A_938] {strides = array<i32>} : memref<48x512xf32, #tpu.memory_space<vmem>>, vector<1x16xf32>,
        %get3A_940 = vector.shape_cast %get3A_939 : vector<1x16xf32> to vector<16xf32>
        %get3A_941 = arith.index_cast %add3A_908 : i32 to index
        %get3A_942 = arith.constant 32 : index
        %get3A_943 = tpu.vector_load %arg13[%get3A_941, %get3A_942] {strides = array<i32>} : memref<48x512xf32, #tpu.memory_space<vmem>>, vector<1x16xf32>,
        %get3A_944 = vector.shape_cast %get3A_943 : vector<1x16xf32> to vector<16xf32>
        %add3A_945 = arith.addf %get3A_940, %get3A_944 : vector<16xf32>
        %swap3A_946 = arith.index_cast %add3A_908 : i32 to index
        %swap3A_947 = arith.constant 32 : index
        %swap3A_948 = tpu.vector_load %arg12[%swap3A_946, %swap3A_947] {strides = array<i32>} : memref<48x512xf32, #tpu.memory_space<vmem>>, vector<1x16xf32>,
        %swap3A_949 = vector.shape_cast %swap3A_948 : vector<1x16xf32> to vector<16xf32>
        %swap3A_950 = vector.shape_cast %add3A_945 : vector<16xf32> to vector<1x16xf32>
        tpu.vector_store %arg12[%swap3A_946, %swap3A_947], %swap3A_950 {strides = array<i32>} : memref<48x512xf32, #tpu.memory_space<vmem>>, vector<1x16xf32>,
        %get3A_951 = arith.index_cast %add3A_908 : i32 to index
        %get3A_952 = arith.constant 48 : index
        %get3A_953 = tpu.vector_load %arg12[%get3A_951, %get3A_952] {strides = array<i32>} : memref<48x512xf32, #tpu.memory_space<vmem>>, vector<1x16xf32>,
        %get3A_954 = vector.shape_cast %get3A_953 : vector<1x16xf32> to vector<16xf32>
        %get3A_955 = arith.index_cast %add3A_908 : i32 to index
        %get3A_956 = arith.constant 48 : index
        %get3A_957 = tpu.vector_load %arg13[%get3A_955, %get3A_956] {strides = array<i32>} : memref<48x512xf32, #tpu.memory_space<vmem>>, vector<1x16xf32>,
        %get3A_958 = vector.shape_cast %get3A_957 : vector<1x16xf32> to vector<16xf32>
        %add3A_959 = arith.addf %get3A_954, %get3A_958 : vector<16xf32>
        %swap3A_960 = arith.index_cast %add3A_908 : i32 to index
        %swap3A_961 = arith.constant 48 : index
        %swap3A_962 = tpu.vector_load %arg12[%swap3A_960, %swap3A_961] {strides = array<i32>} : memref<48x512xf32, #tpu.memory_space<vmem>>, vector<1x16xf32>,
        %swap3A_963 = vector.shape_cast %swap3A_962 : vector<1x16xf32> to vector<16xf32>
        %swap3A_964 = vector.shape_cast %add3A_959 : vector<16xf32> to vector<1x16xf32>
        tpu.vector_store %arg12[%swap3A_960, %swap3A_961], %swap3A_964 {strides = array<i32>} : memref<48x512xf32, #tpu.memory_space<vmem>>, vector<1x16xf32>,
        %get3A_965 = arith.index_cast %add3A_908 : i32 to index
        %get3A_966 = arith.constant 64 : index
        %get3A_967 = tpu.vector_load %arg12[%get3A_965, %get3A_966] {strides = array<i32>} : memref<48x512xf32, #tpu.memory_space<vmem>>, vector<1x16xf32>,
        %get3A_968 = vector.shape_cast %get3A_967 : vector<1x16xf32> to vector<16xf32>
        %get3A_969 = arith.index_cast %add3A_908 : i32 to index
        %get3A_970 = arith.constant 64 : index
        %get3A_971 = tpu.vector_load %arg13[%get3A_969, %get3A_970] {strides = array<i32>} : memref<48x512xf32, #tpu.memory_space<vmem>>, vector<1x16xf32>,
        %get3A_972 = vector.shape_cast %get3A_971 : vector<1x16xf32> to vector<16xf32>
        %add3A_973 = arith.addf %get3A_968, %get3A_972 : vector<16xf32>
        %swap3A_974 = arith.index_cast %add3A_908 : i32 to index
        %swap3A_975 = arith.constant 64 : index
        %swap3A_976 = tpu.vector_load %arg12[%swap3A_974, %swap3A_975] {strides = array<i32>} : memref<48x512xf32, #tpu.memory_space<vmem>>, vector<1x16xf32>,
        %swap3A_977 = vector.shape_cast %swap3A_976 : vector<1x16xf32> to vector<16xf32>
        %swap3A_978 = vector.shape_cast %add3A_973 : vector<16xf32> to vector<1x16xf32>
        tpu.vector_store %arg12[%swap3A_974, %swap3A_975], %swap3A_978 {strides = array<i32>} : memref<48x512xf32, #tpu.memory_space<vmem>>, vector<1x16xf32>,
        %get3A_979 = arith.index_cast %add3A_908 : i32 to index
        %get3A_980 = arith.constant 80 : index
        %get3A_981 = tpu.vector_load %arg12[%get3A_979, %get3A_980] {strides = array<i32>} : memref<48x512xf32, #tpu.memory_space<vmem>>, vector<1x16xf32>,
        %get3A_982 = vector.shape_cast %get3A_981 : vector<1x16xf32> to vector<16xf32>
        %get3A_983 = arith.index_cast %add3A_908 : i32 to index
        %get3A_984 = arith.constant 80 : index
        %get3A_985 = tpu.vector_load %arg13[%get3A_983, %get3A_984] {strides = array<i32>} : memref<48x512xf32, #tpu.memory_space<vmem>>, vector<1x16xf32>,
        %get3A_986 = vector.shape_cast %get3A_985 : vector<1x16xf32> to vector<16xf32>
        %add3A_987 = arith.addf %get3A_982, %get3A_986 : vector<16xf32>
        %swap3A_988 = arith.index_cast %add3A_908 : i32 to index
        %swap3A_989 = arith.constant 80 : index
        %swap3A_990 = tpu.vector_load %arg12[%swap3A_988, %swap3A_989] {strides = array<i32>} : memref<48x512xf32, #tpu.memory_space<vmem>>, vector<1x16xf32>,
        %swap3A_991 = vector.shape_cast %swap3A_990 : vector<1x16xf32> to vector<16xf32>
        %swap3A_992 = vector.shape_cast %add3A_987 : vector<16xf32> to vector<1x16xf32>
        tpu.vector_store %arg12[%swap3A_988, %swap3A_989], %swap3A_992 {strides = array<i32>} : memref<48x512xf32, #tpu.memory_space<vmem>>, vector<1x16xf32>,
        %get3A_993 = arith.index_cast %add3A_908 : i32 to index
        %get3A_994 = arith.constant 96 : index
        %get3A_995 = tpu.vector_load %arg12[%get3A_993, %get3A_994] {strides = array<i32>} : memref<48x512xf32, #tpu.memory_space<vmem>>, vector<1x16xf32>,
        %get3A_996 = vector.shape_cast %get3A_995 : vector<1x16xf32> to vector<16xf32>
        %get3A_997 = arith.index_cast %add3A_908 : i32 to index
        %get3A_998 = arith.constant 96 : index
        %get3A_999 = tpu.vector_load %arg13[%get3A_997, %get3A_998] {strides = array<i32>} : memref<48x512xf32, #tpu.memory_space<vmem>>, vector<1x16xf32>,
        %get3A_1000 = vector.shape_cast %get3A_999 : vector<1x16xf32> to vector<16xf32>
        %add3A_1001 = arith.addf %get3A_996, %get3A_1000 : vector<16xf32>
        %swap3A_1002 = arith.index_cast %add3A_908 : i32 to index
        %swap3A_1003 = arith.constant 96 : index
        %swap3A_1004 = tpu.vector_load %arg12[%swap3A_1002, %swap3A_1003] {strides = array<i32>} : memref<48x512xf32, #tpu.memory_space<vmem>>, vector<1x16xf32>,
        %swap3A_1005 = vector.shape_cast %swap3A_1004 : vector<1x16xf32> to vector<16xf32>
        %swap3A_1006 = vector.shape_cast %add3A_1001 : vector<16xf32> to vector<1x16xf32>
        tpu.vector_store %arg12[%swap3A_1002, %swap3A_1003], %swap3A_1006 {strides = array<i32>} : memref<48x512xf32, #tpu.memory_space<vmem>>, vector<1x16xf32>,
        %get3A_1007 = arith.index_cast %add3A_908 : i32 to index
        %get3A_1008 = arith.constant 112 : index
        %get3A_1009 = tpu.vector_load %arg12[%get3A_1007, %get3A_1008] {strides = array<i32>} : memref<48x512xf32, #tpu.memory_space<vmem>>, vector<1x16xf32>,
        %get3A_1010 = vector.shape_cast %get3A_1009 : vector<1x16xf32> to vector<16xf32>
        %get3A_1011 = arith.index_cast %add3A_908 : i32 to index
        %get3A_1012 = arith.constant 112 : index
        %get3A_1013 = tpu.vector_load %arg13[%get3A_1011, %get3A_1012] {strides = array<i32>} : memref<48x512xf32, #tpu.memory_space<vmem>>, vector<1x16xf32>,
        %get3A_1014 = vector.shape_cast %get3A_1013 : vector<1x16xf32> to vector<16xf32>
        %add3A_1015 = arith.addf %get3A_1010, %get3A_1014 : vector<16xf32>
        %swap3A_1016 = arith.index_cast %add3A_908 : i32 to index
        %swap3A_1017 = arith.constant 112 : index
        %swap3A_1018 = tpu.vector_load %arg12[%swap3A_1016, %swap3A_1017] {strides = array<i32>} : memref<48x512xf32, #tpu.memory_space<vmem>>, vector<1x16xf32>,
        %swap3A_1019 = vector.shape_cast %swap3A_1018 : vector<1x16xf32> to vector<16xf32>
        %swap3A_1020 = vector.shape_cast %add3A_1015 : vector<16xf32> to vector<1x16xf32>
        tpu.vector_store %arg12[%swap3A_1016, %swap3A_1017], %swap3A_1020 {strides = array<i32>} : memref<48x512xf32, #tpu.memory_space<vmem>>, vector<1x16xf32>,
        %get3A_1021 = arith.index_cast %add3A_908 : i32 to index
        %get3A_1022 = arith.constant 128 : index
        %get3A_1023 = tpu.vector_load %arg12[%get3A_1021, %get3A_1022] {strides = array<i32>} : memref<48x512xf32, #tpu.memory_space<vmem>>, vector<1x16xf32>,
        %get3A_1024 = vector.shape_cast %get3A_1023 : vector<1x16xf32> to vector<16xf32>
        %get3A_1025 = arith.index_cast %add3A_908 : i32 to index
        %get3A_1026 = arith.constant 128 : index
        %get3A_1027 = tpu.vector_load %arg13[%get3A_1025, %get3A_1026] {strides = array<i32>} : memref<48x512xf32, #tpu.memory_space<vmem>>, vector<1x16xf32>,
        %get3A_1028 = vector.shape_cast %get3A_1027 : vector<1x16xf32> to vector<16xf32>
        %add3A_1029 = arith.addf %get3A_1024, %get3A_1028 : vector<16xf32>
        %swap3A_1030 = arith.index_cast %add3A_908 : i32 to index
        %swap3A_1031 = arith.constant 128 : index
        %swap3A_1032 = tpu.vector_load %arg12[%swap3A_1030, %swap3A_1031] {strides = array<i32>} : memref<48x512xf32, #tpu.memory_space<vmem>>, vector<1x16xf32>,
        %swap3A_1033 = vector.shape_cast %swap3A_1032 : vector<1x16xf32> to vector<16xf32>
        %swap3A_1034 = vector.shape_cast %add3A_1029 : vector<16xf32> to vector<1x16xf32>
        tpu.vector_store %arg12[%swap3A_1030, %swap3A_1031], %swap3A_1034 {strides = array<i32>} : memref<48x512xf32, #tpu.memory_space<vmem>>, vector<1x16xf32>,
        %get3A_1035 = arith.index_cast %add3A_908 : i32 to index
        %get3A_1036 = arith.constant 144 : index
        %get3A_1037 = tpu.vector_load %arg12[%get3A_1035, %get3A_1036] {strides = array<i32>} : memref<48x512xf32, #tpu.memory_space<vmem>>, vector<1x16xf32>,
        %get3A_1038 = vector.shape_cast %get3A_1037 : vector<1x16xf32> to vector<16xf32>
        %get3A_1039 = arith.index_cast %add3A_908 : i32 to index
        %get3A_1040 = arith.constant 144 : index
        %get3A_1041 = tpu.vector_load %arg13[%get3A_1039, %get3A_1040] {strides = array<i32>} : memref<48x512xf32, #tpu.memory_space<vmem>>, vector<1x16xf32>,
        %get3A_1042 = vector.shape_cast %get3A_1041 : vector<1x16xf32> to vector<16xf32>
        %add3A_1043 = arith.addf %get3A_1038, %get3A_1042 : vector<16xf32>
        %swap3A_1044 = arith.index_cast %add3A_908 : i32 to index
        %swap3A_1045 = arith.constant 144 : index
        %swap3A_1046 = tpu.vector_load %arg12[%swap3A_1044, %swap3A_1045] {strides = array<i32>} : memref<48x512xf32, #tpu.memory_space<vmem>>, vector<1x16xf32>,
        %swap3A_1047 = vector.shape_cast %swap3A_1046 : vector<1x16xf32> to vector<16xf32>
        %swap3A_1048 = vector.shape_cast %add3A_1043 : vector<16xf32> to vector<1x16xf32>
        tpu.vector_store %arg12[%swap3A_1044, %swap3A_1045], %swap3A_1048 {strides = array<i32>} : memref<48x512xf32, #tpu.memory_space<vmem>>, vector<1x16xf32>,
        %get3A_1049 = arith.index_cast %add3A_908 : i32 to index
        %get3A_1050 = arith.constant 160 : index
        %get3A_1051 = tpu.vector_load %arg12[%get3A_1049, %get3A_1050] {strides = array<i32>} : memref<48x512xf32, #tpu.memory_space<vmem>>, vector<1x16xf32>,
        %get3A_1052 = vector.shape_cast %get3A_1051 : vector<1x16xf32> to vector<16xf32>
        %get3A_1053 = arith.index_cast %add3A_908 : i32 to index
        %get3A_1054 = arith.constant 160 : index
        %get3A_1055 = tpu.vector_load %arg13[%get3A_1053, %get3A_1054] {strides = array<i32>} : memref<48x512xf32, #tpu.memory_space<vmem>>, vector<1x16xf32>,
        %get3A_1056 = vector.shape_cast %get3A_1055 : vector<1x16xf32> to vector<16xf32>
        %add3A_1057 = arith.addf %get3A_1052, %get3A_1056 : vector<16xf32>
        %swap3A_1058 = arith.index_cast %add3A_908 : i32 to index
        %swap3A_1059 = arith.constant 160 : index
        %swap3A_1060 = tpu.vector_load %arg12[%swap3A_1058, %swap3A_1059] {strides = array<i32>} : memref<48x512xf32, #tpu.memory_space<vmem>>, vector<1x16xf32>,
        %swap3A_1061 = vector.shape_cast %swap3A_1060 : vector<1x16xf32> to vector<16xf32>
        %swap3A_1062 = vector.shape_cast %add3A_1057 : vector<16xf32> to vector<1x16xf32>
        tpu.vector_store %arg12[%swap3A_1058, %swap3A_1059], %swap3A_1062 {strides = array<i32>} : memref<48x512xf32, #tpu.memory_space<vmem>>, vector<1x16xf32>,
        %get3A_1063 = arith.index_cast %add3A_908 : i32 to index
        %get3A_1064 = arith.constant 176 : index
        %get3A_1065 = tpu.vector_load %arg12[%get3A_1063, %get3A_1064] {strides = array<i32>} : memref<48x512xf32, #tpu.memory_space<vmem>>, vector<1x16xf32>,
        %get3A_1066 = vector.shape_cast %get3A_1065 : vector<1x16xf32> to vector<16xf32>
        %get3A_1067 = arith.index_cast %add3A_908 : i32 to index
        %get3A_1068 = arith.constant 176 : index
        %get3A_1069 = tpu.vector_load %arg13[%get3A_1067, %get3A_1068] {strides = array<i32>} : memref<48x512xf32, #tpu.memory_space<vmem>>, vector<1x16xf32>,
        %get3A_1070 = vector.shape_cast %get3A_1069 : vector<1x16xf32> to vector<16xf32>
        %add3A_1071 = arith.addf %get3A_1066, %get3A_1070 : vector<16xf32>
        %swap3A_1072 = arith.index_cast %add3A_908 : i32 to index
        %swap3A_1073 = arith.constant 176 : index
        %swap3A_1074 = tpu.vector_load %arg12[%swap3A_1072, %swap3A_1073] {strides = array<i32>} : memref<48x512xf32, #tpu.memory_space<vmem>>, vector<1x16xf32>,
        %swap3A_1075 = vector.shape_cast %swap3A_1074 : vector<1x16xf32> to vector<16xf32>
        %swap3A_1076 = vector.shape_cast %add3A_1071 : vector<16xf32> to vector<1x16xf32>
        tpu.vector_store %arg12[%swap3A_1072, %swap3A_1073], %swap3A_1076 {strides = array<i32>} : memref<48x512xf32, #tpu.memory_space<vmem>>, vector<1x16xf32>,
        %get3A_1077 = arith.index_cast %add3A_908 : i32 to index
        %get3A_1078 = arith.constant 192 : index
        %get3A_1079 = tpu.vector_load %arg12[%get3A_1077, %get3A_1078] {strides = array<i32>} : memref<48x512xf32, #tpu.memory_space<vmem>>, vector<1x16xf32>,
        %get3A_1080 = vector.shape_cast %get3A_1079 : vector<1x16xf32> to vector<16xf32>
        %get3A_1081 = arith.index_cast %add3A_908 : i32 to index
        %get3A_1082 = arith.constant 192 : index
        %get3A_1083 = tpu.vector_load %arg13[%get3A_1081, %get3A_1082] {strides = array<i32>} : memref<48x512xf32, #tpu.memory_space<vmem>>, vector<1x16xf32>,
        %get3A_1084 = vector.shape_cast %get3A_1083 : vector<1x16xf32> to vector<16xf32>
        %add3A_1085 = arith.addf %get3A_1080, %get3A_1084 : vector<16xf32>
        %swap3A_1086 = arith.index_cast %add3A_908 : i32 to index
        %swap3A_1087 = arith.constant 192 : index
        %swap3A_1088 = tpu.vector_load %arg12[%swap3A_1086, %swap3A_1087] {strides = array<i32>} : memref<48x512xf32, #tpu.memory_space<vmem>>, vector<1x16xf32>,
        %swap3A_1089 = vector.shape_cast %swap3A_1088 : vector<1x16xf32> to vector<16xf32>
        %swap3A_1090 = vector.shape_cast %add3A_1085 : vector<16xf32> to vector<1x16xf32>
        tpu.vector_store %arg12[%swap3A_1086, %swap3A_1087], %swap3A_1090 {strides = array<i32>} : memref<48x512xf32, #tpu.memory_space<vmem>>, vector<1x16xf32>,
        %get3A_1091 = arith.index_cast %add3A_908 : i32 to index
        %get3A_1092 = arith.constant 208 : index
        %get3A_1093 = tpu.vector_load %arg12[%get3A_1091, %get3A_1092] {strides = array<i32>} : memref<48x512xf32, #tpu.memory_space<vmem>>, vector<1x16xf32>,
        %get3A_1094 = vector.shape_cast %get3A_1093 : vector<1x16xf32> to vector<16xf32>
        %get3A_1095 = arith.index_cast %add3A_908 : i32 to index
        %get3A_1096 = arith.constant 208 : index
        %get3A_1097 = tpu.vector_load %arg13[%get3A_1095, %get3A_1096] {strides = array<i32>} : memref<48x512xf32, #tpu.memory_space<vmem>>, vector<1x16xf32>,
        %get3A_1098 = vector.shape_cast %get3A_1097 : vector<1x16xf32> to vector<16xf32>
        %add3A_1099 = arith.addf %get3A_1094, %get3A_1098 : vector<16xf32>
        %swap3A_1100 = arith.index_cast %add3A_908 : i32 to index
        %swap3A_1101 = arith.constant 208 : index
        %swap3A_1102 = tpu.vector_load %arg12[%swap3A_1100, %swap3A_1101] {strides = array<i32>} : memref<48x512xf32, #tpu.memory_space<vmem>>, vector<1x16xf32>,
        %swap3A_1103 = vector.shape_cast %swap3A_1102 : vector<1x16xf32> to vector<16xf32>
        %swap3A_1104 = vector.shape_cast %add3A_1099 : vector<16xf32> to vector<1x16xf32>
        tpu.vector_store %arg12[%swap3A_1100, %swap3A_1101], %swap3A_1104 {strides = array<i32>} : memref<48x512xf32, #tpu.memory_space<vmem>>, vector<1x16xf32>,
        %get3A_1105 = arith.index_cast %add3A_908 : i32 to index
        %get3A_1106 = arith.constant 224 : index
        %get3A_1107 = tpu.vector_load %arg12[%get3A_1105, %get3A_1106] {strides = array<i32>} : memref<48x512xf32, #tpu.memory_space<vmem>>, vector<1x16xf32>,
        %get3A_1108 = vector.shape_cast %get3A_1107 : vector<1x16xf32> to vector<16xf32>
        %get3A_1109 = arith.index_cast %add3A_908 : i32 to index
        %get3A_1110 = arith.constant 224 : index
        %get3A_1111 = tpu.vector_load %arg13[%get3A_1109, %get3A_1110] {strides = array<i32>} : memref<48x512xf32, #tpu.memory_space<vmem>>, vector<1x16xf32>,
        %get3A_1112 = vector.shape_cast %get3A_1111 : vector<1x16xf32> to vector<16xf32>
        %add3A_1113 = arith.addf %get3A_1108, %get3A_1112 : vector<16xf32>
        %swap3A_1114 = arith.index_cast %add3A_908 : i32 to index
        %swap3A_1115 = arith.constant 224 : index
        %swap3A_1116 = tpu.vector_load %arg12[%swap3A_1114, %swap3A_1115] {strides = array<i32>} : memref<48x512xf32, #tpu.memory_space<vmem>>, vector<1x16xf32>,
        %swap3A_1117 = vector.shape_cast %swap3A_1116 : vector<1x16xf32> to vector<16xf32>
        %swap3A_1118 = vector.shape_cast %add3A_1113 : vector<16xf32> to vector<1x16xf32>
        tpu.vector_store %arg12[%swap3A_1114, %swap3A_1115], %swap3A_1118 {strides = array<i32>} : memref<48x512xf32, #tpu.memory_space<vmem>>, vector<1x16xf32>,
        %get3A_1119 = arith.index_cast %add3A_908 : i32 to index
        %get3A_1120 = arith.constant 240 : index
        %get3A_1121 = tpu.vector_load %arg12[%get3A_1119, %get3A_1120] {strides = array<i32>} : memref<48x512xf32, #tpu.memory_space<vmem>>, vector<1x16xf32>,
        %get3A_1122 = vector.shape_cast %get3A_1121 : vector<1x16xf32> to vector<16xf32>
        %get3A_1123 = arith.index_cast %add3A_908 : i32 to index
        %get3A_1124 = arith.constant 240 : index
        %get3A_1125 = tpu.vector_load %arg13[%get3A_1123, %get3A_1124] {strides = array<i32>} : memref<48x512xf32, #tpu.memory_space<vmem>>, vector<1x16xf32>,
        %get3A_1126 = vector.shape_cast %get3A_1125 : vector<1x16xf32> to vector<16xf32>
        %add3A_1127 = arith.addf %get3A_1122, %get3A_1126 : vector<16xf32>
        %swap3A_1128 = arith.index_cast %add3A_908 : i32 to index
        %swap3A_1129 = arith.constant 240 : index
        %swap3A_1130 = tpu.vector_load %arg12[%swap3A_1128, %swap3A_1129] {strides = array<i32>} : memref<48x512xf32, #tpu.memory_space<vmem>>, vector<1x16xf32>,
        %swap3A_1131 = vector.shape_cast %swap3A_1130 : vector<1x16xf32> to vector<16xf32>
        %swap3A_1132 = vector.shape_cast %add3A_1127 : vector<16xf32> to vector<1x16xf32>
        tpu.vector_store %arg12[%swap3A_1128, %swap3A_1129], %swap3A_1132 {strides = array<i32>} : memref<48x512xf32, #tpu.memory_space<vmem>>, vector<1x16xf32>,
        %get3A_1133 = arith.index_cast %add3A_908 : i32 to index
        %get3A_1134 = arith.constant 256 : index
        %get3A_1135 = tpu.vector_load %arg12[%get3A_1133, %get3A_1134] {strides = array<i32>} : memref<48x512xf32, #tpu.memory_space<vmem>>, vector<1x16xf32>,
        %get3A_1136 = vector.shape_cast %get3A_1135 : vector<1x16xf32> to vector<16xf32>
        %get3A_1137 = arith.index_cast %add3A_908 : i32 to index
        %get3A_1138 = arith.constant 256 : index
        %get3A_1139 = tpu.vector_load %arg13[%get3A_1137, %get3A_1138] {strides = array<i32>} : memref<48x512xf32, #tpu.memory_space<vmem>>, vector<1x16xf32>,
        %get3A_1140 = vector.shape_cast %get3A_1139 : vector<1x16xf32> to vector<16xf32>
        %add3A_1141 = arith.addf %get3A_1136, %get3A_1140 : vector<16xf32>
        %swap3A_1142 = arith.index_cast %add3A_908 : i32 to index
        %swap3A_1143 = arith.constant 256 : index
        %swap3A_1144 = tpu.vector_load %arg12[%swap3A_1142, %swap3A_1143] {strides = array<i32>} : memref<48x512xf32, #tpu.memory_space<vmem>>, vector<1x16xf32>,
        %swap3A_1145 = vector.shape_cast %swap3A_1144 : vector<1x16xf32> to vector<16xf32>
        %swap3A_1146 = vector.shape_cast %add3A_1141 : vector<16xf32> to vector<1x16xf32>
        tpu.vector_store %arg12[%swap3A_1142, %swap3A_1143], %swap3A_1146 {strides = array<i32>} : memref<48x512xf32, #tpu.memory_space<vmem>>, vector<1x16xf32>,
        %get3A_1147 = arith.index_cast %add3A_908 : i32 to index
        %get3A_1148 = arith.constant 272 : index
        %get3A_1149 = tpu.vector_load %arg12[%get3A_1147, %get3A_1148] {strides = array<i32>} : memref<48x512xf32, #tpu.memory_space<vmem>>, vector<1x16xf32>,
        %get3A_1150 = vector.shape_cast %get3A_1149 : vector<1x16xf32> to vector<16xf32>
        %get3A_1151 = arith.index_cast %add3A_908 : i32 to index
        %get3A_1152 = arith.constant 272 : index
        %get3A_1153 = tpu.vector_load %arg13[%get3A_1151, %get3A_1152] {strides = array<i32>} : memref<48x512xf32, #tpu.memory_space<vmem>>, vector<1x16xf32>,
        %get3A_1154 = vector.shape_cast %get3A_1153 : vector<1x16xf32> to vector<16xf32>
        %add3A_1155 = arith.addf %get3A_1150, %get3A_1154 : vector<16xf32>
        %swap3A_1156 = arith.index_cast %add3A_908 : i32 to index
        %swap3A_1157 = arith.constant 272 : index
        %swap3A_1158 = tpu.vector_load %arg12[%swap3A_1156, %swap3A_1157] {strides = array<i32>} : memref<48x512xf32, #tpu.memory_space<vmem>>, vector<1x16xf32>,
        %swap3A_1159 = vector.shape_cast %swap3A_1158 : vector<1x16xf32> to vector<16xf32>
        %swap3A_1160 = vector.shape_cast %add3A_1155 : vector<16xf32> to vector<1x16xf32>
        tpu.vector_store %arg12[%swap3A_1156, %swap3A_1157], %swap3A_1160 {strides = array<i32>} : memref<48x512xf32, #tpu.memory_space<vmem>>, vector<1x16xf32>,
        %get3A_1161 = arith.index_cast %add3A_908 : i32 to index
        %get3A_1162 = arith.constant 288 : index
        %get3A_1163 = tpu.vector_load %arg12[%get3A_1161, %get3A_1162] {strides = array<i32>} : memref<48x512xf32, #tpu.memory_space<vmem>>, vector<1x16xf32>,
        %get3A_1164 = vector.shape_cast %get3A_1163 : vector<1x16xf32> to vector<16xf32>
        %get3A_1165 = arith.index_cast %add3A_908 : i32 to index
        %get3A_1166 = arith.constant 288 : index
        %get3A_1167 = tpu.vector_load %arg13[%get3A_1165, %get3A_1166] {strides = array<i32>} : memref<48x512xf32, #tpu.memory_space<vmem>>, vector<1x16xf32>,
        %get3A_1168 = vector.shape_cast %get3A_1167 : vector<1x16xf32> to vector<16xf32>
        %add3A_1169 = arith.addf %get3A_1164, %get3A_1168 : vector<16xf32>
        %swap3A_1170 = arith.index_cast %add3A_908 : i32 to index
        %swap3A_1171 = arith.constant 288 : index
        %swap3A_1172 = tpu.vector_load %arg12[%swap3A_1170, %swap3A_1171] {strides = array<i32>} : memref<48x512xf32, #tpu.memory_space<vmem>>, vector<1x16xf32>,
        %swap3A_1173 = vector.shape_cast %swap3A_1172 : vector<1x16xf32> to vector<16xf32>
        %swap3A_1174 = vector.shape_cast %add3A_1169 : vector<16xf32> to vector<1x16xf32>
        tpu.vector_store %arg12[%swap3A_1170, %swap3A_1171], %swap3A_1174 {strides = array<i32>} : memref<48x512xf32, #tpu.memory_space<vmem>>, vector<1x16xf32>,
        %get3A_1175 = arith.index_cast %add3A_908 : i32 to index
        %get3A_1176 = arith.constant 304 : index
        %get3A_1177 = tpu.vector_load %arg12[%get3A_1175, %get3A_1176] {strides = array<i32>} : memref<48x512xf32, #tpu.memory_space<vmem>>, vector<1x16xf32>,
        %get3A_1178 = vector.shape_cast %get3A_1177 : vector<1x16xf32> to vector<16xf32>
        %get3A_1179 = arith.index_cast %add3A_908 : i32 to index
        %get3A_1180 = arith.constant 304 : index
        %get3A_1181 = tpu.vector_load %arg13[%get3A_1179, %get3A_1180] {strides = array<i32>} : memref<48x512xf32, #tpu.memory_space<vmem>>, vector<1x16xf32>,
        %get3A_1182 = vector.shape_cast %get3A_1181 : vector<1x16xf32> to vector<16xf32>
        %add3A_1183 = arith.addf %get3A_1178, %get3A_1182 : vector<16xf32>
        %swap3A_1184 = arith.index_cast %add3A_908 : i32 to index
        %swap3A_1185 = arith.constant 304 : index
        %swap3A_1186 = tpu.vector_load %arg12[%swap3A_1184, %swap3A_1185] {strides = array<i32>} : memref<48x512xf32, #tpu.memory_space<vmem>>, vector<1x16xf32>,
        %swap3A_1187 = vector.shape_cast %swap3A_1186 : vector<1x16xf32> to vector<16xf32>
        %swap3A_1188 = vector.shape_cast %add3A_1183 : vector<16xf32> to vector<1x16xf32>
        tpu.vector_store %arg12[%swap3A_1184, %swap3A_1185], %swap3A_1188 {strides = array<i32>} : memref<48x512xf32, #tpu.memory_space<vmem>>, vector<1x16xf32>,
        %get3A_1189 = arith.index_cast %add3A_908 : i32 to index
        %get3A_1190 = arith.constant 320 : index
        %get3A_1191 = tpu.vector_load %arg12[%get3A_1189, %get3A_1190] {strides = array<i32>} : memref<48x512xf32, #tpu.memory_space<vmem>>, vector<1x16xf32>,
        %get3A_1192 = vector.shape_cast %get3A_1191 : vector<1x16xf32> to vector<16xf32>
        %get3A_1193 = arith.index_cast %add3A_908 : i32 to index
        %get3A_1194 = arith.constant 320 : index
        %get3A_1195 = tpu.vector_load %arg13[%get3A_1193, %get3A_1194] {strides = array<i32>} : memref<48x512xf32, #tpu.memory_space<vmem>>, vector<1x16xf32>,
        %get3A_1196 = vector.shape_cast %get3A_1195 : vector<1x16xf32> to vector<16xf32>
        %add3A_1197 = arith.addf %get3A_1192, %get3A_1196 : vector<16xf32>
        %swap3A_1198 = arith.index_cast %add3A_908 : i32 to index
        %swap3A_1199 = arith.constant 320 : index
        %swap3A_1200 = tpu.vector_load %arg12[%swap3A_1198, %swap3A_1199] {strides = array<i32>} : memref<48x512xf32, #tpu.memory_space<vmem>>, vector<1x16xf32>,
        %swap3A_1201 = vector.shape_cast %swap3A_1200 : vector<1x16xf32> to vector<16xf32>
        %swap3A_1202 = vector.shape_cast %add3A_1197 : vector<16xf32> to vector<1x16xf32>
        tpu.vector_store %arg12[%swap3A_1198, %swap3A_1199], %swap3A_1202 {strides = array<i32>} : memref<48x512xf32, #tpu.memory_space<vmem>>, vector<1x16xf32>,
        %get3A_1203 = arith.index_cast %add3A_908 : i32 to index
        %get3A_1204 = arith.constant 336 : index
        %get3A_1205 = tpu.vector_load %arg12[%get3A_1203, %get3A_1204] {strides = array<i32>} : memref<48x512xf32, #tpu.memory_space<vmem>>, vector<1x16xf32>,
        %get3A_1206 = vector.shape_cast %get3A_1205 : vector<1x16xf32> to vector<16xf32>
        %get3A_1207 = arith.index_cast %add3A_908 : i32 to index
        %get3A_1208 = arith.constant 336 : index
        %get3A_1209 = tpu.vector_load %arg13[%get3A_1207, %get3A_1208] {strides = array<i32>} : memref<48x512xf32, #tpu.memory_space<vmem>>, vector<1x16xf32>,
        %get3A_1210 = vector.shape_cast %get3A_1209 : vector<1x16xf32> to vector<16xf32>
        %add3A_1211 = arith.addf %get3A_1206, %get3A_1210 : vector<16xf32>
        %swap3A_1212 = arith.index_cast %add3A_908 : i32 to index
        %swap3A_1213 = arith.constant 336 : index
        %swap3A_1214 = tpu.vector_load %arg12[%swap3A_1212, %swap3A_1213] {strides = array<i32>} : memref<48x512xf32, #tpu.memory_space<vmem>>, vector<1x16xf32>,
        %swap3A_1215 = vector.shape_cast %swap3A_1214 : vector<1x16xf32> to vector<16xf32>
        %swap3A_1216 = vector.shape_cast %add3A_1211 : vector<16xf32> to vector<1x16xf32>
        tpu.vector_store %arg12[%swap3A_1212, %swap3A_1213], %swap3A_1216 {strides = array<i32>} : memref<48x512xf32, #tpu.memory_space<vmem>>, vector<1x16xf32>,
        %get3A_1217 = arith.index_cast %add3A_908 : i32 to index
        %get3A_1218 = arith.constant 352 : index
        %get3A_1219 = tpu.vector_load %arg12[%get3A_1217, %get3A_1218] {strides = array<i32>} : memref<48x512xf32, #tpu.memory_space<vmem>>, vector<1x16xf32>,
        %get3A_1220 = vector.shape_cast %get3A_1219 : vector<1x16xf32> to vector<16xf32>
        %get3A_1221 = arith.index_cast %add3A_908 : i32 to index
        %get3A_1222 = arith.constant 352 : index
        %get3A_1223 = tpu.vector_load %arg13[%get3A_1221, %get3A_1222] {strides = array<i32>} : memref<48x512xf32, #tpu.memory_space<vmem>>, vector<1x16xf32>,
        %get3A_1224 = vector.shape_cast %get3A_1223 : vector<1x16xf32> to vector<16xf32>
        %add3A_1225 = arith.addf %get3A_1220, %get3A_1224 : vector<16xf32>
        %swap3A_1226 = arith.index_cast %add3A_908 : i32 to index
        %swap3A_1227 = arith.constant 352 : index
        %swap3A_1228 = tpu.vector_load %arg12[%swap3A_1226, %swap3A_1227] {strides = array<i32>} : memref<48x512xf32, #tpu.memory_space<vmem>>, vector<1x16xf32>,
        %swap3A_1229 = vector.shape_cast %swap3A_1228 : vector<1x16xf32> to vector<16xf32>
        %swap3A_1230 = vector.shape_cast %add3A_1225 : vector<16xf32> to vector<1x16xf32>
        tpu.vector_store %arg12[%swap3A_1226, %swap3A_1227], %swap3A_1230 {strides = array<i32>} : memref<48x512xf32, #tpu.memory_space<vmem>>, vector<1x16xf32>,
        %get3A_1231 = arith.index_cast %add3A_908 : i32 to index
        %get3A_1232 = arith.constant 368 : index
        %get3A_1233 = tpu.vector_load %arg12[%get3A_1231, %get3A_1232] {strides = array<i32>} : memref<48x512xf32, #tpu.memory_space<vmem>>, vector<1x16xf32>,
        %get3A_1234 = vector.shape_cast %get3A_1233 : vector<1x16xf32> to vector<16xf32>
        %get3A_1235 = arith.index_cast %add3A_908 : i32 to index
        %get3A_1236 = arith.constant 368 : index
        %get3A_1237 = tpu.vector_load %arg13[%get3A_1235, %get3A_1236] {strides = array<i32>} : memref<48x512xf32, #tpu.memory_space<vmem>>, vector<1x16xf32>,
        %get3A_1238 = vector.shape_cast %get3A_1237 : vector<1x16xf32> to vector<16xf32>
        %add3A_1239 = arith.addf %get3A_1234, %get3A_1238 : vector<16xf32>
        %swap3A_1240 = arith.index_cast %add3A_908 : i32 to index
        %swap3A_1241 = arith.constant 368 : index
        %swap3A_1242 = tpu.vector_load %arg12[%swap3A_1240, %swap3A_1241] {strides = array<i32>} : memref<48x512xf32, #tpu.memory_space<vmem>>, vector<1x16xf32>,
        %swap3A_1243 = vector.shape_cast %swap3A_1242 : vector<1x16xf32> to vector<16xf32>
        %swap3A_1244 = vector.shape_cast %add3A_1239 : vector<16xf32> to vector<1x16xf32>
        tpu.vector_store %arg12[%swap3A_1240, %swap3A_1241], %swap3A_1244 {strides = array<i32>} : memref<48x512xf32, #tpu.memory_space<vmem>>, vector<1x16xf32>,
        %get3A_1245 = arith.index_cast %add3A_908 : i32 to index
        %get3A_1246 = arith.constant 384 : index
        %get3A_1247 = tpu.vector_load %arg12[%get3A_1245, %get3A_1246] {strides = array<i32>} : memref<48x512xf32, #tpu.memory_space<vmem>>, vector<1x16xf32>,
        %get3A_1248 = vector.shape_cast %get3A_1247 : vector<1x16xf32> to vector<16xf32>
        %get3A_1249 = arith.index_cast %add3A_908 : i32 to index
        %get3A_1250 = arith.constant 384 : index
        %get3A_1251 = tpu.vector_load %arg13[%get3A_1249, %get3A_1250] {strides = array<i32>} : memref<48x512xf32, #tpu.memory_space<vmem>>, vector<1x16xf32>,
        %get3A_1252 = vector.shape_cast %get3A_1251 : vector<1x16xf32> to vector<16xf32>
        %add3A_1253 = arith.addf %get3A_1248, %get3A_1252 : vector<16xf32>
        %swap3A_1254 = arith.index_cast %add3A_908 : i32 to index
        %swap3A_1255 = arith.constant 384 : index
        %swap3A_1256 = tpu.vector_load %arg12[%swap3A_1254, %swap3A_1255] {strides = array<i32>} : memref<48x512xf32, #tpu.memory_space<vmem>>, vector<1x16xf32>,
        %swap3A_1257 = vector.shape_cast %swap3A_1256 : vector<1x16xf32> to vector<16xf32>
        %swap3A_1258 = vector.shape_cast %add3A_1253 : vector<16xf32> to vector<1x16xf32>
        tpu.vector_store %arg12[%swap3A_1254, %swap3A_1255], %swap3A_1258 {strides = array<i32>} : memref<48x512xf32, #tpu.memory_space<vmem>>, vector<1x16xf32>,
        %get3A_1259 = arith.index_cast %add3A_908 : i32 to index
        %get3A_1260 = arith.constant 400 : index
        %get3A_1261 = tpu.vector_load %arg12[%get3A_1259, %get3A_1260] {strides = array<i32>} : memref<48x512xf32, #tpu.memory_space<vmem>>, vector<1x16xf32>,
        %get3A_1262 = vector.shape_cast %get3A_1261 : vector<1x16xf32> to vector<16xf32>
        %get3A_1263 = arith.index_cast %add3A_908 : i32 to index
        %get3A_1264 = arith.constant 400 : index
        %get3A_1265 = tpu.vector_load %arg13[%get3A_1263, %get3A_1264] {strides = array<i32>} : memref<48x512xf32, #tpu.memory_space<vmem>>, vector<1x16xf32>,
        %get3A_1266 = vector.shape_cast %get3A_1265 : vector<1x16xf32> to vector<16xf32>
        %add3A_1267 = arith.addf %get3A_1262, %get3A_1266 : vector<16xf32>
        %swap3A_1268 = arith.index_cast %add3A_908 : i32 to index
        %swap3A_1269 = arith.constant 400 : index
        %swap3A_1270 = tpu.vector_load %arg12[%swap3A_1268, %swap3A_1269] {strides = array<i32>} : memref<48x512xf32, #tpu.memory_space<vmem>>, vector<1x16xf32>,
        %swap3A_1271 = vector.shape_cast %swap3A_1270 : vector<1x16xf32> to vector<16xf32>
        %swap3A_1272 = vector.shape_cast %add3A_1267 : vector<16xf32> to vector<1x16xf32>
        tpu.vector_store %arg12[%swap3A_1268, %swap3A_1269], %swap3A_1272 {strides = array<i32>} : memref<48x512xf32, #tpu.memory_space<vmem>>, vector<1x16xf32>,
        %get3A_1273 = arith.index_cast %add3A_908 : i32 to index
        %get3A_1274 = arith.constant 416 : index
        %get3A_1275 = tpu.vector_load %arg12[%get3A_1273, %get3A_1274] {strides = array<i32>} : memref<48x512xf32, #tpu.memory_space<vmem>>, vector<1x16xf32>,
        %get3A_1276 = vector.shape_cast %get3A_1275 : vector<1x16xf32> to vector<16xf32>
        %get3A_1277 = arith.index_cast %add3A_908 : i32 to index
        %get3A_1278 = arith.constant 416 : index
        %get3A_1279 = tpu.vector_load %arg13[%get3A_1277, %get3A_1278] {strides = array<i32>} : memref<48x512xf32, #tpu.memory_space<vmem>>, vector<1x16xf32>,
        %get3A_1280 = vector.shape_cast %get3A_1279 : vector<1x16xf32> to vector<16xf32>
        %add3A_1281 = arith.addf %get3A_1276, %get3A_1280 : vector<16xf32>
        %swap3A_1282 = arith.index_cast %add3A_908 : i32 to index
        %swap3A_1283 = arith.constant 416 : index
        %swap3A_1284 = tpu.vector_load %arg12[%swap3A_1282, %swap3A_1283] {strides = array<i32>} : memref<48x512xf32, #tpu.memory_space<vmem>>, vector<1x16xf32>,
        %swap3A_1285 = vector.shape_cast %swap3A_1284 : vector<1x16xf32> to vector<16xf32>
        %swap3A_1286 = vector.shape_cast %add3A_1281 : vector<16xf32> to vector<1x16xf32>
        tpu.vector_store %arg12[%swap3A_1282, %swap3A_1283], %swap3A_1286 {strides = array<i32>} : memref<48x512xf32, #tpu.memory_space<vmem>>, vector<1x16xf32>,
        %get3A_1287 = arith.index_cast %add3A_908 : i32 to index
        %get3A_1288 = arith.constant 432 : index
        %get3A_1289 = tpu.vector_load %arg12[%get3A_1287, %get3A_1288] {strides = array<i32>} : memref<48x512xf32, #tpu.memory_space<vmem>>, vector<1x16xf32>,
        %get3A_1290 = vector.shape_cast %get3A_1289 : vector<1x16xf32> to vector<16xf32>
        %get3A_1291 = arith.index_cast %add3A_908 : i32 to index
        %get3A_1292 = arith.constant 432 : index
        %get3A_1293 = tpu.vector_load %arg13[%get3A_1291, %get3A_1292] {strides = array<i32>} : memref<48x512xf32, #tpu.memory_space<vmem>>, vector<1x16xf32>,
        %get3A_1294 = vector.shape_cast %get3A_1293 : vector<1x16xf32> to vector<16xf32>
        %add3A_1295 = arith.addf %get3A_1290, %get3A_1294 : vector<16xf32>
        %swap3A_1296 = arith.index_cast %add3A_908 : i32 to index
        %swap3A_1297 = arith.constant 432 : index
        %swap3A_1298 = tpu.vector_load %arg12[%swap3A_1296, %swap3A_1297] {strides = array<i32>} : memref<48x512xf32, #tpu.memory_space<vmem>>, vector<1x16xf32>,
        %swap3A_1299 = vector.shape_cast %swap3A_1298 : vector<1x16xf32> to vector<16xf32>
        %swap3A_1300 = vector.shape_cast %add3A_1295 : vector<16xf32> to vector<1x16xf32>
        tpu.vector_store %arg12[%swap3A_1296, %swap3A_1297], %swap3A_1300 {strides = array<i32>} : memref<48x512xf32, #tpu.memory_space<vmem>>, vector<1x16xf32>,
        %get3A_1301 = arith.index_cast %add3A_908 : i32 to index
        %get3A_1302 = arith.constant 448 : index
        %get3A_1303 = tpu.vector_load %arg12[%get3A_1301, %get3A_1302] {strides = array<i32>} : memref<48x512xf32, #tpu.memory_space<vmem>>, vector<1x16xf32>,
        %get3A_1304 = vector.shape_cast %get3A_1303 : vector<1x16xf32> to vector<16xf32>
        %get3A_1305 = arith.index_cast %add3A_908 : i32 to index
        %get3A_1306 = arith.constant 448 : index
        %get3A_1307 = tpu.vector_load %arg13[%get3A_1305, %get3A_1306] {strides = array<i32>} : memref<48x512xf32, #tpu.memory_space<vmem>>, vector<1x16xf32>,
        %get3A_1308 = vector.shape_cast %get3A_1307 : vector<1x16xf32> to vector<16xf32>
        %add3A_1309 = arith.addf %get3A_1304, %get3A_1308 : vector<16xf32>
        %swap3A_1310 = arith.index_cast %add3A_908 : i32 to index
        %swap3A_1311 = arith.constant 448 : index
        %swap3A_1312 = tpu.vector_load %arg12[%swap3A_1310, %swap3A_1311] {strides = array<i32>} : memref<48x512xf32, #tpu.memory_space<vmem>>, vector<1x16xf32>,
        %swap3A_1313 = vector.shape_cast %swap3A_1312 : vector<1x16xf32> to vector<16xf32>
        %swap3A_1314 = vector.shape_cast %add3A_1309 : vector<16xf32> to vector<1x16xf32>
        tpu.vector_store %arg12[%swap3A_1310, %swap3A_1311], %swap3A_1314 {strides = array<i32>} : memref<48x512xf32, #tpu.memory_space<vmem>>, vector<1x16xf32>,
        %get3A_1315 = arith.index_cast %add3A_908 : i32 to index
        %get3A_1316 = arith.constant 464 : index
        %get3A_1317 = tpu.vector_load %arg12[%get3A_1315, %get3A_1316] {strides = array<i32>} : memref<48x512xf32, #tpu.memory_space<vmem>>, vector<1x16xf32>,
        %get3A_1318 = vector.shape_cast %get3A_1317 : vector<1x16xf32> to vector<16xf32>
        %get3A_1319 = arith.index_cast %add3A_908 : i32 to index
        %get3A_1320 = arith.constant 464 : index
        %get3A_1321 = tpu.vector_load %arg13[%get3A_1319, %get3A_1320] {strides = array<i32>} : memref<48x512xf32, #tpu.memory_space<vmem>>, vector<1x16xf32>,
        %get3A_1322 = vector.shape_cast %get3A_1321 : vector<1x16xf32> to vector<16xf32>
        %add3A_1323 = arith.addf %get3A_1318, %get3A_1322 : vector<16xf32>
        %swap3A_1324 = arith.index_cast %add3A_908 : i32 to index
        %swap3A_1325 = arith.constant 464 : index
        %swap3A_1326 = tpu.vector_load %arg12[%swap3A_1324, %swap3A_1325] {strides = array<i32>} : memref<48x512xf32, #tpu.memory_space<vmem>>, vector<1x16xf32>,
        %swap3A_1327 = vector.shape_cast %swap3A_1326 : vector<1x16xf32> to vector<16xf32>
        %swap3A_1328 = vector.shape_cast %add3A_1323 : vector<16xf32> to vector<1x16xf32>
        tpu.vector_store %arg12[%swap3A_1324, %swap3A_1325], %swap3A_1328 {strides = array<i32>} : memref<48x512xf32, #tpu.memory_space<vmem>>, vector<1x16xf32>,
        %get3A_1329 = arith.index_cast %add3A_908 : i32 to index
        %get3A_1330 = arith.constant 480 : index
        %get3A_1331 = tpu.vector_load %arg12[%get3A_1329, %get3A_1330] {strides = array<i32>} : memref<48x512xf32, #tpu.memory_space<vmem>>, vector<1x16xf32>,
        %get3A_1332 = vector.shape_cast %get3A_1331 : vector<1x16xf32> to vector<16xf32>
        %get3A_1333 = arith.index_cast %add3A_908 : i32 to index
        %get3A_1334 = arith.constant 480 : index
        %get3A_1335 = tpu.vector_load %arg13[%get3A_1333, %get3A_1334] {strides = array<i32>} : memref<48x512xf32, #tpu.memory_space<vmem>>, vector<1x16xf32>,
        %get3A_1336 = vector.shape_cast %get3A_1335 : vector<1x16xf32> to vector<16xf32>
        %add3A_1337 = arith.addf %get3A_1332, %get3A_1336 : vector<16xf32>
        %swap3A_1338 = arith.index_cast %add3A_908 : i32 to index
        %swap3A_1339 = arith.constant 480 : index
        %swap3A_1340 = tpu.vector_load %arg12[%swap3A_1338, %swap3A_1339] {strides = array<i32>} : memref<48x512xf32, #tpu.memory_space<vmem>>, vector<1x16xf32>,
        %swap3A_1341 = vector.shape_cast %swap3A_1340 : vector<1x16xf32> to vector<16xf32>
        %swap3A_1342 = vector.shape_cast %add3A_1337 : vector<16xf32> to vector<1x16xf32>
        tpu.vector_store %arg12[%swap3A_1338, %swap3A_1339], %swap3A_1342 {strides = array<i32>} : memref<48x512xf32, #tpu.memory_space<vmem>>, vector<1x16xf32>,
        %get3A_1343 = arith.index_cast %add3A_908 : i32 to index
        %get3A_1344 = arith.constant 496 : index
        %get3A_1345 = tpu.vector_load %arg12[%get3A_1343, %get3A_1344] {strides = array<i32>} : memref<48x512xf32, #tpu.memory_space<vmem>>, vector<1x16xf32>,
        %get3A_1346 = vector.shape_cast %get3A_1345 : vector<1x16xf32> to vector<16xf32>
        %get3A_1347 = arith.index_cast %add3A_908 : i32 to index
        %get3A_1348 = arith.constant 496 : index
        %get3A_1349 = tpu.vector_load %arg13[%get3A_1347, %get3A_1348] {strides = array<i32>} : memref<48x512xf32, #tpu.memory_space<vmem>>, vector<1x16xf32>,
        %get3A_1350 = vector.shape_cast %get3A_1349 : vector<1x16xf32> to vector<16xf32>
        %add3A_1351 = arith.addf %get3A_1346, %get3A_1350 : vector<16xf32>
        %swap3A_1352 = arith.index_cast %add3A_908 : i32 to index
        %swap3A_1353 = arith.constant 496 : index
        %swap3A_1354 = tpu.vector_load %arg12[%swap3A_1352, %swap3A_1353] {strides = array<i32>} : memref<48x512xf32, #tpu.memory_space<vmem>>, vector<1x16xf32>,
        %swap3A_1355 = vector.shape_cast %swap3A_1354 : vector<1x16xf32> to vector<16xf32>
        %swap3A_1356 = vector.shape_cast %add3A_1351 : vector<16xf32> to vector<1x16xf32>
        tpu.vector_store %arg12[%swap3A_1352, %swap3A_1353], %swap3A_1356 {strides = array<i32>} : memref<48x512xf32, #tpu.memory_space<vmem>>, vector<1x16xf32>,
      }
      %scan3A_899 = arith.constant 48 : i32
      %mul3A_900 = arith.constant 48 : i32
      %mul3A_901 = arith.muli %add3A_882, %mul3A_900 : i32
      %add3A_902 = arith.addi %sub3A_9, %mul3A_901 : i32
      %min3A_903 = arith.minsi %add3A_902, %sub3A_14 : i32
      "tpu.region"() ({
        %run_scoped3A = tpu.sem_alloc : memref<!tpu.dma_semaphore, #tpu.memory_space<semaphore_mem>>
        %dma_start3A_904 = arith.constant 0 : i32
        %dma_start3A_905 = tpu.memref_slice %arg5[%min3A_903, %dma_start3A_904] : memref<100000x512xf32, #tpu.memory_space<hbm>> -> memref<48x512xf32, #tpu.memory_space<hbm>>
        %dma_start3A_906 = arith.constant 0 : i32
        %dma_start3A_907 = tpu.memref_slice %arg5[%min3A_903, %dma_start3A_906] : memref<100000x512xf32, #tpu.memory_space<hbm>> -> memref<48x512xf32, #tpu.memory_space<hbm>>
        tpu.enqueue_dma source(%arg12 : memref<48x512xf32, #tpu.memory_space<vmem>>) target(%dma_start3A_907 : memref<48x512xf32, #tpu.memory_space<hbm>>) target_semaphore(%run_scoped3A : memref<!tpu.dma_semaphore, #tpu.memory_space<semaphore_mem>>)
        %dma_wait3A_908 = arith.constant 0 : i32
        %dma_wait3A_909 = tpu.memref_slice %arg5[%min3A_903, %dma_wait3A_908] : memref<100000x512xf32, #tpu.memory_space<hbm>> -> memref<48x512xf32, #tpu.memory_space<hbm>>
        %dma_wait3A_910 = arith.constant 0 : i32
        %dma_wait3A_911 = tpu.memref_slice %arg5[%min3A_903, %dma_wait3A_910] : memref<100000x512xf32, #tpu.memory_space<hbm>> -> memref<48x512xf32, #tpu.memory_space<hbm>>
        tpu.wait_dma2 semaphore(%run_scoped3A : memref<!tpu.dma_semaphore, #tpu.memory_space<semaphore_mem>>) src(%arg12 : memref<48x512xf32, #tpu.memory_space<vmem>>) dst(%dma_wait3A_911 : memref<48x512xf32, #tpu.memory_space<hbm>>)
        tpu.yield
      }) : () -> ()
    }
    %scan3A_288 = arith.constant 9 : i32
    %dma_wait3A = arith.constant 0 : i32
    %dma_wait3A_289 = arith.constant 0 : i32
    %dma_wait3A_290 = tpu.memref_slice %arg3[%dma_wait3A, %dma_wait3A_289] : memref<3808x512xf32, #tpu.memory_space<hbm>> -> memref<48x512xf32, #tpu.memory_space<hbm>>
    %dma_wait3A_291 = arith.constant 0 : i32
    %dma_wait3A_292 = arith.constant 0 : i32
    %dma_wait3A_293 = tpu.memref_slice %arg3[%dma_wait3A_291, %dma_wait3A_292] : memref<3808x512xf32, #tpu.memory_space<hbm>> -> memref<48x512xf32, #tpu.memory_space<hbm>>
    tpu.wait_dma2 semaphore(%arg14 : memref<!tpu.dma_semaphore, #tpu.memory_space<semaphore_mem>>) src(%dma_wait3A_293 : memref<48x512xf32, #tpu.memory_space<hbm>>) dst(%arg10 : memref<48x512xf32, #tpu.memory_space<vmem>>)
    %dma_wait3A_294 = arith.constant 0 : i32
    %dma_wait3A_295 = arith.constant 0 : i32
    %dma_wait3A_296 = tpu.memref_slice %arg4[%dma_wait3A_294, %dma_wait3A_295] : memref<23760x512xf32, #tpu.memory_space<hbm>> -> memref<48x512xf32, #tpu.memory_space<hbm>>
    %dma_wait3A_297 = arith.constant 0 : i32
    %dma_wait3A_298 = arith.constant 0 : i32
    %dma_wait3A_299 = tpu.memref_slice %arg4[%dma_wait3A_297, %dma_wait3A_298] : memref<23760x512xf32, #tpu.memory_space<hbm>> -> memref<48x512xf32, #tpu.memory_space<hbm>>
    tpu.wait_dma2 semaphore(%arg14 : memref<!tpu.dma_semaphore, #tpu.memory_space<semaphore_mem>>) src(%dma_wait3A_299 : memref<48x512xf32, #tpu.memory_space<hbm>>) dst(%arg11 : memref<48x512xf32, #tpu.memory_space<vmem>>)
    %scan3A_300 = arith.constant 0 : i32
    %scan3A_301 = arith.constant 48 : i32
    %scan3A_302 = arith.addi %scan3A_300, %scan3A_301 : i32
    %scan3A_303 = arith.constant 1 : i32
    scf.for %scan3A_307 = %scan3A_300 to %scan3A_302 step %scan3A_303  : i32 {
      %mul3A_308 = arith.constant 1 : i32
      %mul3A_309 = arith.muli %scan3A_307, %mul3A_308 : i32
      %add3A_310 = arith.constant 0 : i32
      %add3A_311 = arith.addi %add3A_310, %mul3A_309 : i32
      %get3A_312 = arith.index_cast %add3A_311 : i32 to index
      %get3A_313 = arith.constant 0 : index
      %get3A_314 = tpu.vector_load %arg10[%get3A_312, %get3A_313] {strides = array<i32>} : memref<48x512xf32, #tpu.memory_space<vmem>>, vector<1x16xf32>,
      %get3A_315 = vector.shape_cast %get3A_314 : vector<1x16xf32> to vector<16xf32>
      %get3A_316 = arith.index_cast %add3A_311 : i32 to index
      %get3A_317 = arith.constant 0 : index
      %get3A_318 = tpu.vector_load %arg11[%get3A_316, %get3A_317] {strides = array<i32>} : memref<48x512xf32, #tpu.memory_space<vmem>>, vector<1x16xf32>,
      %get3A_319 = vector.shape_cast %get3A_318 : vector<1x16xf32> to vector<16xf32>
      %add3A_320 = arith.addf %get3A_315, %get3A_319 : vector<16xf32>
      %swap3A_321 = arith.index_cast %add3A_311 : i32 to index
      %swap3A_322 = arith.constant 0 : index
      %swap3A_323 = tpu.vector_load %arg10[%swap3A_321, %swap3A_322] {strides = array<i32>} : memref<48x512xf32, #tpu.memory_space<vmem>>, vector<1x16xf32>,
      %swap3A_324 = vector.shape_cast %swap3A_323 : vector<1x16xf32> to vector<16xf32>
      %swap3A_325 = vector.shape_cast %add3A_320 : vector<16xf32> to vector<1x16xf32>
      tpu.vector_store %arg10[%swap3A_321, %swap3A_322], %swap3A_325 {strides = array<i32>} : memref<48x512xf32, #tpu.memory_space<vmem>>, vector<1x16xf32>,
      %get3A_326 = arith.index_cast %add3A_311 : i32 to index
      %get3A_327 = arith.constant 16 : index
      %get3A_328 = tpu.vector_load %arg10[%get3A_326, %get3A_327] {strides = array<i32>} : memref<48x512xf32, #tpu.memory_space<vmem>>, vector<1x16xf32>,
      %get3A_329 = vector.shape_cast %get3A_328 : vector<1x16xf32> to vector<16xf32>
      %get3A_330 = arith.index_cast %add3A_311 : i32 to index
      %get3A_331 = arith.constant 16 : index
      %get3A_332 = tpu.vector_load %arg11[%get3A_330, %get3A_331] {strides = array<i32>} : memref<48x512xf32, #tpu.memory_space<vmem>>, vector<1x16xf32>,
      %get3A_333 = vector.shape_cast %get3A_332 : vector<1x16xf32> to vector<16xf32>
      %add3A_334 = arith.addf %get3A_329, %get3A_333 : vector<16xf32>
      %swap3A_335 = arith.index_cast %add3A_311 : i32 to index
      %swap3A_336 = arith.constant 16 : index
      %swap3A_337 = tpu.vector_load %arg10[%swap3A_335, %swap3A_336] {strides = array<i32>} : memref<48x512xf32, #tpu.memory_space<vmem>>, vector<1x16xf32>,
      %swap3A_338 = vector.shape_cast %swap3A_337 : vector<1x16xf32> to vector<16xf32>
      %swap3A_339 = vector.shape_cast %add3A_334 : vector<16xf32> to vector<1x16xf32>
      tpu.vector_store %arg10[%swap3A_335, %swap3A_336], %swap3A_339 {strides = array<i32>} : memref<48x512xf32, #tpu.memory_space<vmem>>, vector<1x16xf32>,
      %get3A_340 = arith.index_cast %add3A_311 : i32 to index
      %get3A_341 = arith.constant 32 : index
      %get3A_342 = tpu.vector_load %arg10[%get3A_340, %get3A_341] {strides = array<i32>} : memref<48x512xf32, #tpu.memory_space<vmem>>, vector<1x16xf32>,
      %get3A_343 = vector.shape_cast %get3A_342 : vector<1x16xf32> to vector<16xf32>
      %get3A_344 = arith.index_cast %add3A_311 : i32 to index
      %get3A_345 = arith.constant 32 : index
      %get3A_346 = tpu.vector_load %arg11[%get3A_344, %get3A_345] {strides = array<i32>} : memref<48x512xf32, #tpu.memory_space<vmem>>, vector<1x16xf32>,
      %get3A_347 = vector.shape_cast %get3A_346 : vector<1x16xf32> to vector<16xf32>
      %add3A_348 = arith.addf %get3A_343, %get3A_347 : vector<16xf32>
      %swap3A_349 = arith.index_cast %add3A_311 : i32 to index
      %swap3A_350 = arith.constant 32 : index
      %swap3A_351 = tpu.vector_load %arg10[%swap3A_349, %swap3A_350] {strides = array<i32>} : memref<48x512xf32, #tpu.memory_space<vmem>>, vector<1x16xf32>,
      %swap3A_352 = vector.shape_cast %swap3A_351 : vector<1x16xf32> to vector<16xf32>
      %swap3A_353 = vector.shape_cast %add3A_348 : vector<16xf32> to vector<1x16xf32>
      tpu.vector_store %arg10[%swap3A_349, %swap3A_350], %swap3A_353 {strides = array<i32>} : memref<48x512xf32, #tpu.memory_space<vmem>>, vector<1x16xf32>,
      %get3A_354 = arith.index_cast %add3A_311 : i32 to index
      %get3A_355 = arith.constant 48 : index
      %get3A_356 = tpu.vector_load %arg10[%get3A_354, %get3A_355] {strides = array<i32>} : memref<48x512xf32, #tpu.memory_space<vmem>>, vector<1x16xf32>,
      %get3A_357 = vector.shape_cast %get3A_356 : vector<1x16xf32> to vector<16xf32>
      %get3A_358 = arith.index_cast %add3A_311 : i32 to index
      %get3A_359 = arith.constant 48 : index
      %get3A_360 = tpu.vector_load %arg11[%get3A_358, %get3A_359] {strides = array<i32>} : memref<48x512xf32, #tpu.memory_space<vmem>>, vector<1x16xf32>,
      %get3A_361 = vector.shape_cast %get3A_360 : vector<1x16xf32> to vector<16xf32>
      %add3A_362 = arith.addf %get3A_357, %get3A_361 : vector<16xf32>
      %swap3A_363 = arith.index_cast %add3A_311 : i32 to index
      %swap3A_364 = arith.constant 48 : index
      %swap3A_365 = tpu.vector_load %arg10[%swap3A_363, %swap3A_364] {strides = array<i32>} : memref<48x512xf32, #tpu.memory_space<vmem>>, vector<1x16xf32>,
      %swap3A_366 = vector.shape_cast %swap3A_365 : vector<1x16xf32> to vector<16xf32>
      %swap3A_367 = vector.shape_cast %add3A_362 : vector<16xf32> to vector<1x16xf32>
      tpu.vector_store %arg10[%swap3A_363, %swap3A_364], %swap3A_367 {strides = array<i32>} : memref<48x512xf32, #tpu.memory_space<vmem>>, vector<1x16xf32>,
      %get3A_368 = arith.index_cast %add3A_311 : i32 to index
      %get3A_369 = arith.constant 64 : index
      %get3A_370 = tpu.vector_load %arg10[%get3A_368, %get3A_369] {strides = array<i32>} : memref<48x512xf32, #tpu.memory_space<vmem>>, vector<1x16xf32>,
      %get3A_371 = vector.shape_cast %get3A_370 : vector<1x16xf32> to vector<16xf32>
      %get3A_372 = arith.index_cast %add3A_311 : i32 to index
      %get3A_373 = arith.constant 64 : index
      %get3A_374 = tpu.vector_load %arg11[%get3A_372, %get3A_373] {strides = array<i32>} : memref<48x512xf32, #tpu.memory_space<vmem>>, vector<1x16xf32>,
      %get3A_375 = vector.shape_cast %get3A_374 : vector<1x16xf32> to vector<16xf32>
      %add3A_376 = arith.addf %get3A_371, %get3A_375 : vector<16xf32>
      %swap3A_377 = arith.index_cast %add3A_311 : i32 to index
      %swap3A_378 = arith.constant 64 : index
      %swap3A_379 = tpu.vector_load %arg10[%swap3A_377, %swap3A_378] {strides = array<i32>} : memref<48x512xf32, #tpu.memory_space<vmem>>, vector<1x16xf32>,
      %swap3A_380 = vector.shape_cast %swap3A_379 : vector<1x16xf32> to vector<16xf32>
      %swap3A_381 = vector.shape_cast %add3A_376 : vector<16xf32> to vector<1x16xf32>
      tpu.vector_store %arg10[%swap3A_377, %swap3A_378], %swap3A_381 {strides = array<i32>} : memref<48x512xf32, #tpu.memory_space<vmem>>, vector<1x16xf32>,
      %get3A_382 = arith.index_cast %add3A_311 : i32 to index
      %get3A_383 = arith.constant 80 : index
      %get3A_384 = tpu.vector_load %arg10[%get3A_382, %get3A_383] {strides = array<i32>} : memref<48x512xf32, #tpu.memory_space<vmem>>, vector<1x16xf32>,
      %get3A_385 = vector.shape_cast %get3A_384 : vector<1x16xf32> to vector<16xf32>
      %get3A_386 = arith.index_cast %add3A_311 : i32 to index
      %get3A_387 = arith.constant 80 : index
      %get3A_388 = tpu.vector_load %arg11[%get3A_386, %get3A_387] {strides = array<i32>} : memref<48x512xf32, #tpu.memory_space<vmem>>, vector<1x16xf32>,
      %get3A_389 = vector.shape_cast %get3A_388 : vector<1x16xf32> to vector<16xf32>
      %add3A_390 = arith.addf %get3A_385, %get3A_389 : vector<16xf32>
      %swap3A_391 = arith.index_cast %add3A_311 : i32 to index
      %swap3A_392 = arith.constant 80 : index
      %swap3A_393 = tpu.vector_load %arg10[%swap3A_391, %swap3A_392] {strides = array<i32>} : memref<48x512xf32, #tpu.memory_space<vmem>>, vector<1x16xf32>,
      %swap3A_394 = vector.shape_cast %swap3A_393 : vector<1x16xf32> to vector<16xf32>
      %swap3A_395 = vector.shape_cast %add3A_390 : vector<16xf32> to vector<1x16xf32>
      tpu.vector_store %arg10[%swap3A_391, %swap3A_392], %swap3A_395 {strides = array<i32>} : memref<48x512xf32, #tpu.memory_space<vmem>>, vector<1x16xf32>,
      %get3A_396 = arith.index_cast %add3A_311 : i32 to index
      %get3A_397 = arith.constant 96 : index
      %get3A_398 = tpu.vector_load %arg10[%get3A_396, %get3A_397] {strides = array<i32>} : memref<48x512xf32, #tpu.memory_space<vmem>>, vector<1x16xf32>,
      %get3A_399 = vector.shape_cast %get3A_398 : vector<1x16xf32> to vector<16xf32>
      %get3A_400 = arith.index_cast %add3A_311 : i32 to index
      %get3A_401 = arith.constant 96 : index
      %get3A_402 = tpu.vector_load %arg11[%get3A_400, %get3A_401] {strides = array<i32>} : memref<48x512xf32, #tpu.memory_space<vmem>>, vector<1x16xf32>,
      %get3A_403 = vector.shape_cast %get3A_402 : vector<1x16xf32> to vector<16xf32>
      %add3A_404 = arith.addf %get3A_399, %get3A_403 : vector<16xf32>
      %swap3A_405 = arith.index_cast %add3A_311 : i32 to index
      %swap3A_406 = arith.constant 96 : index
      %swap3A_407 = tpu.vector_load %arg10[%swap3A_405, %swap3A_406] {strides = array<i32>} : memref<48x512xf32, #tpu.memory_space<vmem>>, vector<1x16xf32>,
      %swap3A_408 = vector.shape_cast %swap3A_407 : vector<1x16xf32> to vector<16xf32>
      %swap3A_409 = vector.shape_cast %add3A_404 : vector<16xf32> to vector<1x16xf32>
      tpu.vector_store %arg10[%swap3A_405, %swap3A_406], %swap3A_409 {strides = array<i32>} : memref<48x512xf32, #tpu.memory_space<vmem>>, vector<1x16xf32>,
      %get3A_410 = arith.index_cast %add3A_311 : i32 to index
      %get3A_411 = arith.constant 112 : index
      %get3A_412 = tpu.vector_load %arg10[%get3A_410, %get3A_411] {strides = array<i32>} : memref<48x512xf32, #tpu.memory_space<vmem>>, vector<1x16xf32>,
      %get3A_413 = vector.shape_cast %get3A_412 : vector<1x16xf32> to vector<16xf32>
      %get3A_414 = arith.index_cast %add3A_311 : i32 to index
      %get3A_415 = arith.constant 112 : index
      %get3A_416 = tpu.vector_load %arg11[%get3A_414, %get3A_415] {strides = array<i32>} : memref<48x512xf32, #tpu.memory_space<vmem>>, vector<1x16xf32>,
      %get3A_417 = vector.shape_cast %get3A_416 : vector<1x16xf32> to vector<16xf32>
      %add3A_418 = arith.addf %get3A_413, %get3A_417 : vector<16xf32>
      %swap3A_419 = arith.index_cast %add3A_311 : i32 to index
      %swap3A_420 = arith.constant 112 : index
      %swap3A_421 = tpu.vector_load %arg10[%swap3A_419, %swap3A_420] {strides = array<i32>} : memref<48x512xf32, #tpu.memory_space<vmem>>, vector<1x16xf32>,
      %swap3A_422 = vector.shape_cast %swap3A_421 : vector<1x16xf32> to vector<16xf32>
      %swap3A_423 = vector.shape_cast %add3A_418 : vector<16xf32> to vector<1x16xf32>
      tpu.vector_store %arg10[%swap3A_419, %swap3A_420], %swap3A_423 {strides = array<i32>} : memref<48x512xf32, #tpu.memory_space<vmem>>, vector<1x16xf32>,
      %get3A_424 = arith.index_cast %add3A_311 : i32 to index
      %get3A_425 = arith.constant 128 : index
      %get3A_426 = tpu.vector_load %arg10[%get3A_424, %get3A_425] {strides = array<i32>} : memref<48x512xf32, #tpu.memory_space<vmem>>, vector<1x16xf32>,
      %get3A_427 = vector.shape_cast %get3A_426 : vector<1x16xf32> to vector<16xf32>
      %get3A_428 = arith.index_cast %add3A_311 : i32 to index
      %get3A_429 = arith.constant 128 : index
      %get3A_430 = tpu.vector_load %arg11[%get3A_428, %get3A_429] {strides = array<i32>} : memref<48x512xf32, #tpu.memory_space<vmem>>, vector<1x16xf32>,
      %get3A_431 = vector.shape_cast %get3A_430 : vector<1x16xf32> to vector<16xf32>
      %add3A_432 = arith.addf %get3A_427, %get3A_431 : vector<16xf32>
      %swap3A_433 = arith.index_cast %add3A_311 : i32 to index
      %swap3A_434 = arith.constant 128 : index
      %swap3A_435 = tpu.vector_load %arg10[%swap3A_433, %swap3A_434] {strides = array<i32>} : memref<48x512xf32, #tpu.memory_space<vmem>>, vector<1x16xf32>,
      %swap3A_436 = vector.shape_cast %swap3A_435 : vector<1x16xf32> to vector<16xf32>
      %swap3A_437 = vector.shape_cast %add3A_432 : vector<16xf32> to vector<1x16xf32>
      tpu.vector_store %arg10[%swap3A_433, %swap3A_434], %swap3A_437 {strides = array<i32>} : memref<48x512xf32, #tpu.memory_space<vmem>>, vector<1x16xf32>,
      %get3A_438 = arith.index_cast %add3A_311 : i32 to index
      %get3A_439 = arith.constant 144 : index
      %get3A_440 = tpu.vector_load %arg10[%get3A_438, %get3A_439] {strides = array<i32>} : memref<48x512xf32, #tpu.memory_space<vmem>>, vector<1x16xf32>,
      %get3A_441 = vector.shape_cast %get3A_440 : vector<1x16xf32> to vector<16xf32>
      %get3A_442 = arith.index_cast %add3A_311 : i32 to index
      %get3A_443 = arith.constant 144 : index
      %get3A_444 = tpu.vector_load %arg11[%get3A_442, %get3A_443] {strides = array<i32>} : memref<48x512xf32, #tpu.memory_space<vmem>>, vector<1x16xf32>,
      %get3A_445 = vector.shape_cast %get3A_444 : vector<1x16xf32> to vector<16xf32>
      %add3A_446 = arith.addf %get3A_441, %get3A_445 : vector<16xf32>
      %swap3A_447 = arith.index_cast %add3A_311 : i32 to index
      %swap3A_448 = arith.constant 144 : index
      %swap3A_449 = tpu.vector_load %arg10[%swap3A_447, %swap3A_448] {strides = array<i32>} : memref<48x512xf32, #tpu.memory_space<vmem>>, vector<1x16xf32>,
      %swap3A_450 = vector.shape_cast %swap3A_449 : vector<1x16xf32> to vector<16xf32>
      %swap3A_451 = vector.shape_cast %add3A_446 : vector<16xf32> to vector<1x16xf32>
      tpu.vector_store %arg10[%swap3A_447, %swap3A_448], %swap3A_451 {strides = array<i32>} : memref<48x512xf32, #tpu.memory_space<vmem>>, vector<1x16xf32>,
      %get3A_452 = arith.index_cast %add3A_311 : i32 to index
      %get3A_453 = arith.constant 160 : index
      %get3A_454 = tpu.vector_load %arg10[%get3A_452, %get3A_453] {strides = array<i32>} : memref<48x512xf32, #tpu.memory_space<vmem>>, vector<1x16xf32>,
      %get3A_455 = vector.shape_cast %get3A_454 : vector<1x16xf32> to vector<16xf32>
      %get3A_456 = arith.index_cast %add3A_311 : i32 to index
      %get3A_457 = arith.constant 160 : index
      %get3A_458 = tpu.vector_load %arg11[%get3A_456, %get3A_457] {strides = array<i32>} : memref<48x512xf32, #tpu.memory_space<vmem>>, vector<1x16xf32>,
      %get3A_459 = vector.shape_cast %get3A_458 : vector<1x16xf32> to vector<16xf32>
      %add3A_460 = arith.addf %get3A_455, %get3A_459 : vector<16xf32>
      %swap3A_461 = arith.index_cast %add3A_311 : i32 to index
      %swap3A_462 = arith.constant 160 : index
      %swap3A_463 = tpu.vector_load %arg10[%swap3A_461, %swap3A_462] {strides = array<i32>} : memref<48x512xf32, #tpu.memory_space<vmem>>, vector<1x16xf32>,
      %swap3A_464 = vector.shape_cast %swap3A_463 : vector<1x16xf32> to vector<16xf32>
      %swap3A_465 = vector.shape_cast %add3A_460 : vector<16xf32> to vector<1x16xf32>
      tpu.vector_store %arg10[%swap3A_461, %swap3A_462], %swap3A_465 {strides = array<i32>} : memref<48x512xf32, #tpu.memory_space<vmem>>, vector<1x16xf32>,
      %get3A_466 = arith.index_cast %add3A_311 : i32 to index
      %get3A_467 = arith.constant 176 : index
      %get3A_468 = tpu.vector_load %arg10[%get3A_466, %get3A_467] {strides = array<i32>} : memref<48x512xf32, #tpu.memory_space<vmem>>, vector<1x16xf32>,
      %get3A_469 = vector.shape_cast %get3A_468 : vector<1x16xf32> to vector<16xf32>
      %get3A_470 = arith.index_cast %add3A_311 : i32 to index
      %get3A_471 = arith.constant 176 : index
      %get3A_472 = tpu.vector_load %arg11[%get3A_470, %get3A_471] {strides = array<i32>} : memref<48x512xf32, #tpu.memory_space<vmem>>, vector<1x16xf32>,
      %get3A_473 = vector.shape_cast %get3A_472 : vector<1x16xf32> to vector<16xf32>
      %add3A_474 = arith.addf %get3A_469, %get3A_473 : vector<16xf32>
      %swap3A_475 = arith.index_cast %add3A_311 : i32 to index
      %swap3A_476 = arith.constant 176 : index
      %swap3A_477 = tpu.vector_load %arg10[%swap3A_475, %swap3A_476] {strides = array<i32>} : memref<48x512xf32, #tpu.memory_space<vmem>>, vector<1x16xf32>,
      %swap3A_478 = vector.shape_cast %swap3A_477 : vector<1x16xf32> to vector<16xf32>
      %swap3A_479 = vector.shape_cast %add3A_474 : vector<16xf32> to vector<1x16xf32>
      tpu.vector_store %arg10[%swap3A_475, %swap3A_476], %swap3A_479 {strides = array<i32>} : memref<48x512xf32, #tpu.memory_space<vmem>>, vector<1x16xf32>,
      %get3A_480 = arith.index_cast %add3A_311 : i32 to index
      %get3A_481 = arith.constant 192 : index
      %get3A_482 = tpu.vector_load %arg10[%get3A_480, %get3A_481] {strides = array<i32>} : memref<48x512xf32, #tpu.memory_space<vmem>>, vector<1x16xf32>,
      %get3A_483 = vector.shape_cast %get3A_482 : vector<1x16xf32> to vector<16xf32>
      %get3A_484 = arith.index_cast %add3A_311 : i32 to index
      %get3A_485 = arith.constant 192 : index
      %get3A_486 = tpu.vector_load %arg11[%get3A_484, %get3A_485] {strides = array<i32>} : memref<48x512xf32, #tpu.memory_space<vmem>>, vector<1x16xf32>,
      %get3A_487 = vector.shape_cast %get3A_486 : vector<1x16xf32> to vector<16xf32>
      %add3A_488 = arith.addf %get3A_483, %get3A_487 : vector<16xf32>
      %swap3A_489 = arith.index_cast %add3A_311 : i32 to index
      %swap3A_490 = arith.constant 192 : index
      %swap3A_491 = tpu.vector_load %arg10[%swap3A_489, %swap3A_490] {strides = array<i32>} : memref<48x512xf32, #tpu.memory_space<vmem>>, vector<1x16xf32>,
      %swap3A_492 = vector.shape_cast %swap3A_491 : vector<1x16xf32> to vector<16xf32>
      %swap3A_493 = vector.shape_cast %add3A_488 : vector<16xf32> to vector<1x16xf32>
      tpu.vector_store %arg10[%swap3A_489, %swap3A_490], %swap3A_493 {strides = array<i32>} : memref<48x512xf32, #tpu.memory_space<vmem>>, vector<1x16xf32>,
      %get3A_494 = arith.index_cast %add3A_311 : i32 to index
      %get3A_495 = arith.constant 208 : index
      %get3A_496 = tpu.vector_load %arg10[%get3A_494, %get3A_495] {strides = array<i32>} : memref<48x512xf32, #tpu.memory_space<vmem>>, vector<1x16xf32>,
      %get3A_497 = vector.shape_cast %get3A_496 : vector<1x16xf32> to vector<16xf32>
      %get3A_498 = arith.index_cast %add3A_311 : i32 to index
      %get3A_499 = arith.constant 208 : index
      %get3A_500 = tpu.vector_load %arg11[%get3A_498, %get3A_499] {strides = array<i32>} : memref<48x512xf32, #tpu.memory_space<vmem>>, vector<1x16xf32>,
      %get3A_501 = vector.shape_cast %get3A_500 : vector<1x16xf32> to vector<16xf32>
      %add3A_502 = arith.addf %get3A_497, %get3A_501 : vector<16xf32>
      %swap3A_503 = arith.index_cast %add3A_311 : i32 to index
      %swap3A_504 = arith.constant 208 : index
      %swap3A_505 = tpu.vector_load %arg10[%swap3A_503, %swap3A_504] {strides = array<i32>} : memref<48x512xf32, #tpu.memory_space<vmem>>, vector<1x16xf32>,
      %swap3A_506 = vector.shape_cast %swap3A_505 : vector<1x16xf32> to vector<16xf32>
      %swap3A_507 = vector.shape_cast %add3A_502 : vector<16xf32> to vector<1x16xf32>
      tpu.vector_store %arg10[%swap3A_503, %swap3A_504], %swap3A_507 {strides = array<i32>} : memref<48x512xf32, #tpu.memory_space<vmem>>, vector<1x16xf32>,
      %get3A_508 = arith.index_cast %add3A_311 : i32 to index
      %get3A_509 = arith.constant 224 : index
      %get3A_510 = tpu.vector_load %arg10[%get3A_508, %get3A_509] {strides = array<i32>} : memref<48x512xf32, #tpu.memory_space<vmem>>, vector<1x16xf32>,
      %get3A_511 = vector.shape_cast %get3A_510 : vector<1x16xf32> to vector<16xf32>
      %get3A_512 = arith.index_cast %add3A_311 : i32 to index
      %get3A_513 = arith.constant 224 : index
      %get3A_514 = tpu.vector_load %arg11[%get3A_512, %get3A_513] {strides = array<i32>} : memref<48x512xf32, #tpu.memory_space<vmem>>, vector<1x16xf32>,
      %get3A_515 = vector.shape_cast %get3A_514 : vector<1x16xf32> to vector<16xf32>
      %add3A_516 = arith.addf %get3A_511, %get3A_515 : vector<16xf32>
      %swap3A_517 = arith.index_cast %add3A_311 : i32 to index
      %swap3A_518 = arith.constant 224 : index
      %swap3A_519 = tpu.vector_load %arg10[%swap3A_517, %swap3A_518] {strides = array<i32>} : memref<48x512xf32, #tpu.memory_space<vmem>>, vector<1x16xf32>,
      %swap3A_520 = vector.shape_cast %swap3A_519 : vector<1x16xf32> to vector<16xf32>
      %swap3A_521 = vector.shape_cast %add3A_516 : vector<16xf32> to vector<1x16xf32>
      tpu.vector_store %arg10[%swap3A_517, %swap3A_518], %swap3A_521 {strides = array<i32>} : memref<48x512xf32, #tpu.memory_space<vmem>>, vector<1x16xf32>,
      %get3A_522 = arith.index_cast %add3A_311 : i32 to index
      %get3A_523 = arith.constant 240 : index
      %get3A_524 = tpu.vector_load %arg10[%get3A_522, %get3A_523] {strides = array<i32>} : memref<48x512xf32, #tpu.memory_space<vmem>>, vector<1x16xf32>,
      %get3A_525 = vector.shape_cast %get3A_524 : vector<1x16xf32> to vector<16xf32>
      %get3A_526 = arith.index_cast %add3A_311 : i32 to index
      %get3A_527 = arith.constant 240 : index
      %get3A_528 = tpu.vector_load %arg11[%get3A_526, %get3A_527] {strides = array<i32>} : memref<48x512xf32, #tpu.memory_space<vmem>>, vector<1x16xf32>,
      %get3A_529 = vector.shape_cast %get3A_528 : vector<1x16xf32> to vector<16xf32>
      %add3A_530 = arith.addf %get3A_525, %get3A_529 : vector<16xf32>
      %swap3A_531 = arith.index_cast %add3A_311 : i32 to index
      %swap3A_532 = arith.constant 240 : index
      %swap3A_533 = tpu.vector_load %arg10[%swap3A_531, %swap3A_532] {strides = array<i32>} : memref<48x512xf32, #tpu.memory_space<vmem>>, vector<1x16xf32>,
      %swap3A_534 = vector.shape_cast %swap3A_533 : vector<1x16xf32> to vector<16xf32>
      %swap3A_535 = vector.shape_cast %add3A_530 : vector<16xf32> to vector<1x16xf32>
      tpu.vector_store %arg10[%swap3A_531, %swap3A_532], %swap3A_535 {strides = array<i32>} : memref<48x512xf32, #tpu.memory_space<vmem>>, vector<1x16xf32>,
      %get3A_536 = arith.index_cast %add3A_311 : i32 to index
      %get3A_537 = arith.constant 256 : index
      %get3A_538 = tpu.vector_load %arg10[%get3A_536, %get3A_537] {strides = array<i32>} : memref<48x512xf32, #tpu.memory_space<vmem>>, vector<1x16xf32>,
      %get3A_539 = vector.shape_cast %get3A_538 : vector<1x16xf32> to vector<16xf32>
      %get3A_540 = arith.index_cast %add3A_311 : i32 to index
      %get3A_541 = arith.constant 256 : index
      %get3A_542 = tpu.vector_load %arg11[%get3A_540, %get3A_541] {strides = array<i32>} : memref<48x512xf32, #tpu.memory_space<vmem>>, vector<1x16xf32>,
      %get3A_543 = vector.shape_cast %get3A_542 : vector<1x16xf32> to vector<16xf32>
      %add3A_544 = arith.addf %get3A_539, %get3A_543 : vector<16xf32>
      %swap3A_545 = arith.index_cast %add3A_311 : i32 to index
      %swap3A_546 = arith.constant 256 : index
      %swap3A_547 = tpu.vector_load %arg10[%swap3A_545, %swap3A_546] {strides = array<i32>} : memref<48x512xf32, #tpu.memory_space<vmem>>, vector<1x16xf32>,
      %swap3A_548 = vector.shape_cast %swap3A_547 : vector<1x16xf32> to vector<16xf32>
      %swap3A_549 = vector.shape_cast %add3A_544 : vector<16xf32> to vector<1x16xf32>
      tpu.vector_store %arg10[%swap3A_545, %swap3A_546], %swap3A_549 {strides = array<i32>} : memref<48x512xf32, #tpu.memory_space<vmem>>, vector<1x16xf32>,
      %get3A_550 = arith.index_cast %add3A_311 : i32 to index
      %get3A_551 = arith.constant 272 : index
      %get3A_552 = tpu.vector_load %arg10[%get3A_550, %get3A_551] {strides = array<i32>} : memref<48x512xf32, #tpu.memory_space<vmem>>, vector<1x16xf32>,
      %get3A_553 = vector.shape_cast %get3A_552 : vector<1x16xf32> to vector<16xf32>
      %get3A_554 = arith.index_cast %add3A_311 : i32 to index
      %get3A_555 = arith.constant 272 : index
      %get3A_556 = tpu.vector_load %arg11[%get3A_554, %get3A_555] {strides = array<i32>} : memref<48x512xf32, #tpu.memory_space<vmem>>, vector<1x16xf32>,
      %get3A_557 = vector.shape_cast %get3A_556 : vector<1x16xf32> to vector<16xf32>
      %add3A_558 = arith.addf %get3A_553, %get3A_557 : vector<16xf32>
      %swap3A_559 = arith.index_cast %add3A_311 : i32 to index
      %swap3A_560 = arith.constant 272 : index
      %swap3A_561 = tpu.vector_load %arg10[%swap3A_559, %swap3A_560] {strides = array<i32>} : memref<48x512xf32, #tpu.memory_space<vmem>>, vector<1x16xf32>,
      %swap3A_562 = vector.shape_cast %swap3A_561 : vector<1x16xf32> to vector<16xf32>
      %swap3A_563 = vector.shape_cast %add3A_558 : vector<16xf32> to vector<1x16xf32>
      tpu.vector_store %arg10[%swap3A_559, %swap3A_560], %swap3A_563 {strides = array<i32>} : memref<48x512xf32, #tpu.memory_space<vmem>>, vector<1x16xf32>,
      %get3A_564 = arith.index_cast %add3A_311 : i32 to index
      %get3A_565 = arith.constant 288 : index
      %get3A_566 = tpu.vector_load %arg10[%get3A_564, %get3A_565] {strides = array<i32>} : memref<48x512xf32, #tpu.memory_space<vmem>>, vector<1x16xf32>,
      %get3A_567 = vector.shape_cast %get3A_566 : vector<1x16xf32> to vector<16xf32>
      %get3A_568 = arith.index_cast %add3A_311 : i32 to index
      %get3A_569 = arith.constant 288 : index
      %get3A_570 = tpu.vector_load %arg11[%get3A_568, %get3A_569] {strides = array<i32>} : memref<48x512xf32, #tpu.memory_space<vmem>>, vector<1x16xf32>,
      %get3A_571 = vector.shape_cast %get3A_570 : vector<1x16xf32> to vector<16xf32>
      %add3A_572 = arith.addf %get3A_567, %get3A_571 : vector<16xf32>
      %swap3A_573 = arith.index_cast %add3A_311 : i32 to index
      %swap3A_574 = arith.constant 288 : index
      %swap3A_575 = tpu.vector_load %arg10[%swap3A_573, %swap3A_574] {strides = array<i32>} : memref<48x512xf32, #tpu.memory_space<vmem>>, vector<1x16xf32>,
      %swap3A_576 = vector.shape_cast %swap3A_575 : vector<1x16xf32> to vector<16xf32>
      %swap3A_577 = vector.shape_cast %add3A_572 : vector<16xf32> to vector<1x16xf32>
      tpu.vector_store %arg10[%swap3A_573, %swap3A_574], %swap3A_577 {strides = array<i32>} : memref<48x512xf32, #tpu.memory_space<vmem>>, vector<1x16xf32>,
      %get3A_578 = arith.index_cast %add3A_311 : i32 to index
      %get3A_579 = arith.constant 304 : index
      %get3A_580 = tpu.vector_load %arg10[%get3A_578, %get3A_579] {strides = array<i32>} : memref<48x512xf32, #tpu.memory_space<vmem>>, vector<1x16xf32>,
      %get3A_581 = vector.shape_cast %get3A_580 : vector<1x16xf32> to vector<16xf32>
      %get3A_582 = arith.index_cast %add3A_311 : i32 to index
      %get3A_583 = arith.constant 304 : index
      %get3A_584 = tpu.vector_load %arg11[%get3A_582, %get3A_583] {strides = array<i32>} : memref<48x512xf32, #tpu.memory_space<vmem>>, vector<1x16xf32>,
      %get3A_585 = vector.shape_cast %get3A_584 : vector<1x16xf32> to vector<16xf32>
      %add3A_586 = arith.addf %get3A_581, %get3A_585 : vector<16xf32>
      %swap3A_587 = arith.index_cast %add3A_311 : i32 to index
      %swap3A_588 = arith.constant 304 : index
      %swap3A_589 = tpu.vector_load %arg10[%swap3A_587, %swap3A_588] {strides = array<i32>} : memref<48x512xf32, #tpu.memory_space<vmem>>, vector<1x16xf32>,
      %swap3A_590 = vector.shape_cast %swap3A_589 : vector<1x16xf32> to vector<16xf32>
      %swap3A_591 = vector.shape_cast %add3A_586 : vector<16xf32> to vector<1x16xf32>
      tpu.vector_store %arg10[%swap3A_587, %swap3A_588], %swap3A_591 {strides = array<i32>} : memref<48x512xf32, #tpu.memory_space<vmem>>, vector<1x16xf32>,
      %get3A_592 = arith.index_cast %add3A_311 : i32 to index
      %get3A_593 = arith.constant 320 : index
      %get3A_594 = tpu.vector_load %arg10[%get3A_592, %get3A_593] {strides = array<i32>} : memref<48x512xf32, #tpu.memory_space<vmem>>, vector<1x16xf32>,
      %get3A_595 = vector.shape_cast %get3A_594 : vector<1x16xf32> to vector<16xf32>
      %get3A_596 = arith.index_cast %add3A_311 : i32 to index
      %get3A_597 = arith.constant 320 : index
      %get3A_598 = tpu.vector_load %arg11[%get3A_596, %get3A_597] {strides = array<i32>} : memref<48x512xf32, #tpu.memory_space<vmem>>, vector<1x16xf32>,
      %get3A_599 = vector.shape_cast %get3A_598 : vector<1x16xf32> to vector<16xf32>
      %add3A_600 = arith.addf %get3A_595, %get3A_599 : vector<16xf32>
      %swap3A_601 = arith.index_cast %add3A_311 : i32 to index
      %swap3A_602 = arith.constant 320 : index
      %swap3A_603 = tpu.vector_load %arg10[%swap3A_601, %swap3A_602] {strides = array<i32>} : memref<48x512xf32, #tpu.memory_space<vmem>>, vector<1x16xf32>,
      %swap3A_604 = vector.shape_cast %swap3A_603 : vector<1x16xf32> to vector<16xf32>
      %swap3A_605 = vector.shape_cast %add3A_600 : vector<16xf32> to vector<1x16xf32>
      tpu.vector_store %arg10[%swap3A_601, %swap3A_602], %swap3A_605 {strides = array<i32>} : memref<48x512xf32, #tpu.memory_space<vmem>>, vector<1x16xf32>,
      %get3A_606 = arith.index_cast %add3A_311 : i32 to index
      %get3A_607 = arith.constant 336 : index
      %get3A_608 = tpu.vector_load %arg10[%get3A_606, %get3A_607] {strides = array<i32>} : memref<48x512xf32, #tpu.memory_space<vmem>>, vector<1x16xf32>,
      %get3A_609 = vector.shape_cast %get3A_608 : vector<1x16xf32> to vector<16xf32>
      %get3A_610 = arith.index_cast %add3A_311 : i32 to index
      %get3A_611 = arith.constant 336 : index
      %get3A_612 = tpu.vector_load %arg11[%get3A_610, %get3A_611] {strides = array<i32>} : memref<48x512xf32, #tpu.memory_space<vmem>>, vector<1x16xf32>,
      %get3A_613 = vector.shape_cast %get3A_612 : vector<1x16xf32> to vector<16xf32>
      %add3A_614 = arith.addf %get3A_609, %get3A_613 : vector<16xf32>
      %swap3A_615 = arith.index_cast %add3A_311 : i32 to index
      %swap3A_616 = arith.constant 336 : index
      %swap3A_617 = tpu.vector_load %arg10[%swap3A_615, %swap3A_616] {strides = array<i32>} : memref<48x512xf32, #tpu.memory_space<vmem>>, vector<1x16xf32>,
      %swap3A_618 = vector.shape_cast %swap3A_617 : vector<1x16xf32> to vector<16xf32>
      %swap3A_619 = vector.shape_cast %add3A_614 : vector<16xf32> to vector<1x16xf32>
      tpu.vector_store %arg10[%swap3A_615, %swap3A_616], %swap3A_619 {strides = array<i32>} : memref<48x512xf32, #tpu.memory_space<vmem>>, vector<1x16xf32>,
      %get3A_620 = arith.index_cast %add3A_311 : i32 to index
      %get3A_621 = arith.constant 352 : index
      %get3A_622 = tpu.vector_load %arg10[%get3A_620, %get3A_621] {strides = array<i32>} : memref<48x512xf32, #tpu.memory_space<vmem>>, vector<1x16xf32>,
      %get3A_623 = vector.shape_cast %get3A_622 : vector<1x16xf32> to vector<16xf32>
      %get3A_624 = arith.index_cast %add3A_311 : i32 to index
      %get3A_625 = arith.constant 352 : index
      %get3A_626 = tpu.vector_load %arg11[%get3A_624, %get3A_625] {strides = array<i32>} : memref<48x512xf32, #tpu.memory_space<vmem>>, vector<1x16xf32>,
      %get3A_627 = vector.shape_cast %get3A_626 : vector<1x16xf32> to vector<16xf32>
      %add3A_628 = arith.addf %get3A_623, %get3A_627 : vector<16xf32>
      %swap3A_629 = arith.index_cast %add3A_311 : i32 to index
      %swap3A_630 = arith.constant 352 : index
      %swap3A_631 = tpu.vector_load %arg10[%swap3A_629, %swap3A_630] {strides = array<i32>} : memref<48x512xf32, #tpu.memory_space<vmem>>, vector<1x16xf32>,
      %swap3A_632 = vector.shape_cast %swap3A_631 : vector<1x16xf32> to vector<16xf32>
      %swap3A_633 = vector.shape_cast %add3A_628 : vector<16xf32> to vector<1x16xf32>
      tpu.vector_store %arg10[%swap3A_629, %swap3A_630], %swap3A_633 {strides = array<i32>} : memref<48x512xf32, #tpu.memory_space<vmem>>, vector<1x16xf32>,
      %get3A_634 = arith.index_cast %add3A_311 : i32 to index
      %get3A_635 = arith.constant 368 : index
      %get3A_636 = tpu.vector_load %arg10[%get3A_634, %get3A_635] {strides = array<i32>} : memref<48x512xf32, #tpu.memory_space<vmem>>, vector<1x16xf32>,
      %get3A_637 = vector.shape_cast %get3A_636 : vector<1x16xf32> to vector<16xf32>
      %get3A_638 = arith.index_cast %add3A_311 : i32 to index
      %get3A_639 = arith.constant 368 : index
      %get3A_640 = tpu.vector_load %arg11[%get3A_638, %get3A_639] {strides = array<i32>} : memref<48x512xf32, #tpu.memory_space<vmem>>, vector<1x16xf32>,
      %get3A_641 = vector.shape_cast %get3A_640 : vector<1x16xf32> to vector<16xf32>
      %add3A_642 = arith.addf %get3A_637, %get3A_641 : vector<16xf32>
      %swap3A_643 = arith.index_cast %add3A_311 : i32 to index
      %swap3A_644 = arith.constant 368 : index
      %swap3A_645 = tpu.vector_load %arg10[%swap3A_643, %swap3A_644] {strides = array<i32>} : memref<48x512xf32, #tpu.memory_space<vmem>>, vector<1x16xf32>,
      %swap3A_646 = vector.shape_cast %swap3A_645 : vector<1x16xf32> to vector<16xf32>
      %swap3A_647 = vector.shape_cast %add3A_642 : vector<16xf32> to vector<1x16xf32>
      tpu.vector_store %arg10[%swap3A_643, %swap3A_644], %swap3A_647 {strides = array<i32>} : memref<48x512xf32, #tpu.memory_space<vmem>>, vector<1x16xf32>,
      %get3A_648 = arith.index_cast %add3A_311 : i32 to index
      %get3A_649 = arith.constant 384 : index
      %get3A_650 = tpu.vector_load %arg10[%get3A_648, %get3A_649] {strides = array<i32>} : memref<48x512xf32, #tpu.memory_space<vmem>>, vector<1x16xf32>,
      %get3A_651 = vector.shape_cast %get3A_650 : vector<1x16xf32> to vector<16xf32>
      %get3A_652 = arith.index_cast %add3A_311 : i32 to index
      %get3A_653 = arith.constant 384 : index
      %get3A_654 = tpu.vector_load %arg11[%get3A_652, %get3A_653] {strides = array<i32>} : memref<48x512xf32, #tpu.memory_space<vmem>>, vector<1x16xf32>,
      %get3A_655 = vector.shape_cast %get3A_654 : vector<1x16xf32> to vector<16xf32>
      %add3A_656 = arith.addf %get3A_651, %get3A_655 : vector<16xf32>
      %swap3A_657 = arith.index_cast %add3A_311 : i32 to index
      %swap3A_658 = arith.constant 384 : index
      %swap3A_659 = tpu.vector_load %arg10[%swap3A_657, %swap3A_658] {strides = array<i32>} : memref<48x512xf32, #tpu.memory_space<vmem>>, vector<1x16xf32>,
      %swap3A_660 = vector.shape_cast %swap3A_659 : vector<1x16xf32> to vector<16xf32>
      %swap3A_661 = vector.shape_cast %add3A_656 : vector<16xf32> to vector<1x16xf32>
      tpu.vector_store %arg10[%swap3A_657, %swap3A_658], %swap3A_661 {strides = array<i32>} : memref<48x512xf32, #tpu.memory_space<vmem>>, vector<1x16xf32>,
      %get3A_662 = arith.index_cast %add3A_311 : i32 to index
      %get3A_663 = arith.constant 400 : index
      %get3A_664 = tpu.vector_load %arg10[%get3A_662, %get3A_663] {strides = array<i32>} : memref<48x512xf32, #tpu.memory_space<vmem>>, vector<1x16xf32>,
      %get3A_665 = vector.shape_cast %get3A_664 : vector<1x16xf32> to vector<16xf32>
      %get3A_666 = arith.index_cast %add3A_311 : i32 to index
      %get3A_667 = arith.constant 400 : index
      %get3A_668 = tpu.vector_load %arg11[%get3A_666, %get3A_667] {strides = array<i32>} : memref<48x512xf32, #tpu.memory_space<vmem>>, vector<1x16xf32>,
      %get3A_669 = vector.shape_cast %get3A_668 : vector<1x16xf32> to vector<16xf32>
      %add3A_670 = arith.addf %get3A_665, %get3A_669 : vector<16xf32>
      %swap3A_671 = arith.index_cast %add3A_311 : i32 to index
      %swap3A_672 = arith.constant 400 : index
      %swap3A_673 = tpu.vector_load %arg10[%swap3A_671, %swap3A_672] {strides = array<i32>} : memref<48x512xf32, #tpu.memory_space<vmem>>, vector<1x16xf32>,
      %swap3A_674 = vector.shape_cast %swap3A_673 : vector<1x16xf32> to vector<16xf32>
      %swap3A_675 = vector.shape_cast %add3A_670 : vector<16xf32> to vector<1x16xf32>
      tpu.vector_store %arg10[%swap3A_671, %swap3A_672], %swap3A_675 {strides = array<i32>} : memref<48x512xf32, #tpu.memory_space<vmem>>, vector<1x16xf32>,
      %get3A_676 = arith.index_cast %add3A_311 : i32 to index
      %get3A_677 = arith.constant 416 : index
      %get3A_678 = tpu.vector_load %arg10[%get3A_676, %get3A_677] {strides = array<i32>} : memref<48x512xf32, #tpu.memory_space<vmem>>, vector<1x16xf32>,
      %get3A_679 = vector.shape_cast %get3A_678 : vector<1x16xf32> to vector<16xf32>
      %get3A_680 = arith.index_cast %add3A_311 : i32 to index
      %get3A_681 = arith.constant 416 : index
      %get3A_682 = tpu.vector_load %arg11[%get3A_680, %get3A_681] {strides = array<i32>} : memref<48x512xf32, #tpu.memory_space<vmem>>, vector<1x16xf32>,
      %get3A_683 = vector.shape_cast %get3A_682 : vector<1x16xf32> to vector<16xf32>
      %add3A_684 = arith.addf %get3A_679, %get3A_683 : vector<16xf32>
      %swap3A_685 = arith.index_cast %add3A_311 : i32 to index
      %swap3A_686 = arith.constant 416 : index
      %swap3A_687 = tpu.vector_load %arg10[%swap3A_685, %swap3A_686] {strides = array<i32>} : memref<48x512xf32, #tpu.memory_space<vmem>>, vector<1x16xf32>,
      %swap3A_688 = vector.shape_cast %swap3A_687 : vector<1x16xf32> to vector<16xf32>
      %swap3A_689 = vector.shape_cast %add3A_684 : vector<16xf32> to vector<1x16xf32>
      tpu.vector_store %arg10[%swap3A_685, %swap3A_686], %swap3A_689 {strides = array<i32>} : memref<48x512xf32, #tpu.memory_space<vmem>>, vector<1x16xf32>,
      %get3A_690 = arith.index_cast %add3A_311 : i32 to index
      %get3A_691 = arith.constant 432 : index
      %get3A_692 = tpu.vector_load %arg10[%get3A_690, %get3A_691] {strides = array<i32>} : memref<48x512xf32, #tpu.memory_space<vmem>>, vector<1x16xf32>,
      %get3A_693 = vector.shape_cast %get3A_692 : vector<1x16xf32> to vector<16xf32>
      %get3A_694 = arith.index_cast %add3A_311 : i32 to index
      %get3A_695 = arith.constant 432 : index
      %get3A_696 = tpu.vector_load %arg11[%get3A_694, %get3A_695] {strides = array<i32>} : memref<48x512xf32, #tpu.memory_space<vmem>>, vector<1x16xf32>,
      %get3A_697 = vector.shape_cast %get3A_696 : vector<1x16xf32> to vector<16xf32>
      %add3A_698 = arith.addf %get3A_693, %get3A_697 : vector<16xf32>
      %swap3A_699 = arith.index_cast %add3A_311 : i32 to index
      %swap3A_700 = arith.constant 432 : index
      %swap3A_701 = tpu.vector_load %arg10[%swap3A_699, %swap3A_700] {strides = array<i32>} : memref<48x512xf32, #tpu.memory_space<vmem>>, vector<1x16xf32>,
      %swap3A_702 = vector.shape_cast %swap3A_701 : vector<1x16xf32> to vector<16xf32>
      %swap3A_703 = vector.shape_cast %add3A_698 : vector<16xf32> to vector<1x16xf32>
      tpu.vector_store %arg10[%swap3A_699, %swap3A_700], %swap3A_703 {strides = array<i32>} : memref<48x512xf32, #tpu.memory_space<vmem>>, vector<1x16xf32>,
      %get3A_704 = arith.index_cast %add3A_311 : i32 to index
      %get3A_705 = arith.constant 448 : index
      %get3A_706 = tpu.vector_load %arg10[%get3A_704, %get3A_705] {strides = array<i32>} : memref<48x512xf32, #tpu.memory_space<vmem>>, vector<1x16xf32>,
      %get3A_707 = vector.shape_cast %get3A_706 : vector<1x16xf32> to vector<16xf32>
      %get3A_708 = arith.index_cast %add3A_311 : i32 to index
      %get3A_709 = arith.constant 448 : index
      %get3A_710 = tpu.vector_load %arg11[%get3A_708, %get3A_709] {strides = array<i32>} : memref<48x512xf32, #tpu.memory_space<vmem>>, vector<1x16xf32>,
      %get3A_711 = vector.shape_cast %get3A_710 : vector<1x16xf32> to vector<16xf32>
      %add3A_712 = arith.addf %get3A_707, %get3A_711 : vector<16xf32>
      %swap3A_713 = arith.index_cast %add3A_311 : i32 to index
      %swap3A_714 = arith.constant 448 : index
      %swap3A_715 = tpu.vector_load %arg10[%swap3A_713, %swap3A_714] {strides = array<i32>} : memref<48x512xf32, #tpu.memory_space<vmem>>, vector<1x16xf32>,
      %swap3A_716 = vector.shape_cast %swap3A_715 : vector<1x16xf32> to vector<16xf32>
      %swap3A_717 = vector.shape_cast %add3A_712 : vector<16xf32> to vector<1x16xf32>
      tpu.vector_store %arg10[%swap3A_713, %swap3A_714], %swap3A_717 {strides = array<i32>} : memref<48x512xf32, #tpu.memory_space<vmem>>, vector<1x16xf32>,
      %get3A_718 = arith.index_cast %add3A_311 : i32 to index
      %get3A_719 = arith.constant 464 : index
      %get3A_720 = tpu.vector_load %arg10[%get3A_718, %get3A_719] {strides = array<i32>} : memref<48x512xf32, #tpu.memory_space<vmem>>, vector<1x16xf32>,
      %get3A_721 = vector.shape_cast %get3A_720 : vector<1x16xf32> to vector<16xf32>
      %get3A_722 = arith.index_cast %add3A_311 : i32 to index
      %get3A_723 = arith.constant 464 : index
      %get3A_724 = tpu.vector_load %arg11[%get3A_722, %get3A_723] {strides = array<i32>} : memref<48x512xf32, #tpu.memory_space<vmem>>, vector<1x16xf32>,
      %get3A_725 = vector.shape_cast %get3A_724 : vector<1x16xf32> to vector<16xf32>
      %add3A_726 = arith.addf %get3A_721, %get3A_725 : vector<16xf32>
      %swap3A_727 = arith.index_cast %add3A_311 : i32 to index
      %swap3A_728 = arith.constant 464 : index
      %swap3A_729 = tpu.vector_load %arg10[%swap3A_727, %swap3A_728] {strides = array<i32>} : memref<48x512xf32, #tpu.memory_space<vmem>>, vector<1x16xf32>,
      %swap3A_730 = vector.shape_cast %swap3A_729 : vector<1x16xf32> to vector<16xf32>
      %swap3A_731 = vector.shape_cast %add3A_726 : vector<16xf32> to vector<1x16xf32>
      tpu.vector_store %arg10[%swap3A_727, %swap3A_728], %swap3A_731 {strides = array<i32>} : memref<48x512xf32, #tpu.memory_space<vmem>>, vector<1x16xf32>,
      %get3A_732 = arith.index_cast %add3A_311 : i32 to index
      %get3A_733 = arith.constant 480 : index
      %get3A_734 = tpu.vector_load %arg10[%get3A_732, %get3A_733] {strides = array<i32>} : memref<48x512xf32, #tpu.memory_space<vmem>>, vector<1x16xf32>,
      %get3A_735 = vector.shape_cast %get3A_734 : vector<1x16xf32> to vector<16xf32>
      %get3A_736 = arith.index_cast %add3A_311 : i32 to index
      %get3A_737 = arith.constant 480 : index
      %get3A_738 = tpu.vector_load %arg11[%get3A_736, %get3A_737] {strides = array<i32>} : memref<48x512xf32, #tpu.memory_space<vmem>>, vector<1x16xf32>,
      %get3A_739 = vector.shape_cast %get3A_738 : vector<1x16xf32> to vector<16xf32>
      %add3A_740 = arith.addf %get3A_735, %get3A_739 : vector<16xf32>
      %swap3A_741 = arith.index_cast %add3A_311 : i32 to index
      %swap3A_742 = arith.constant 480 : index
      %swap3A_743 = tpu.vector_load %arg10[%swap3A_741, %swap3A_742] {strides = array<i32>} : memref<48x512xf32, #tpu.memory_space<vmem>>, vector<1x16xf32>,
      %swap3A_744 = vector.shape_cast %swap3A_743 : vector<1x16xf32> to vector<16xf32>
      %swap3A_745 = vector.shape_cast %add3A_740 : vector<16xf32> to vector<1x16xf32>
      tpu.vector_store %arg10[%swap3A_741, %swap3A_742], %swap3A_745 {strides = array<i32>} : memref<48x512xf32, #tpu.memory_space<vmem>>, vector<1x16xf32>,
      %get3A_746 = arith.index_cast %add3A_311 : i32 to index
      %get3A_747 = arith.constant 496 : index
      %get3A_748 = tpu.vector_load %arg10[%get3A_746, %get3A_747] {strides = array<i32>} : memref<48x512xf32, #tpu.memory_space<vmem>>, vector<1x16xf32>,
      %get3A_749 = vector.shape_cast %get3A_748 : vector<1x16xf32> to vector<16xf32>
      %get3A_750 = arith.index_cast %add3A_311 : i32 to index
      %get3A_751 = arith.constant 496 : index
      %get3A_752 = tpu.vector_load %arg11[%get3A_750, %get3A_751] {strides = array<i32>} : memref<48x512xf32, #tpu.memory_space<vmem>>, vector<1x16xf32>,
      %get3A_753 = vector.shape_cast %get3A_752 : vector<1x16xf32> to vector<16xf32>
      %add3A_754 = arith.addf %get3A_749, %get3A_753 : vector<16xf32>
      %swap3A_755 = arith.index_cast %add3A_311 : i32 to index
      %swap3A_756 = arith.constant 496 : index
      %swap3A_757 = tpu.vector_load %arg10[%swap3A_755, %swap3A_756] {strides = array<i32>} : memref<48x512xf32, #tpu.memory_space<vmem>>, vector<1x16xf32>,
      %swap3A_758 = vector.shape_cast %swap3A_757 : vector<1x16xf32> to vector<16xf32>
      %swap3A_759 = vector.shape_cast %add3A_754 : vector<16xf32> to vector<1x16xf32>
      tpu.vector_store %arg10[%swap3A_755, %swap3A_756], %swap3A_759 {strides = array<i32>} : memref<48x512xf32, #tpu.memory_space<vmem>>, vector<1x16xf32>,
    }
    %scan3A_304 = arith.constant 48 : i32
    %add3A_305 = arith.constant 864 : i32
    %add3A_306 = arith.addi %sub3A_9, %add3A_305 : i32
    %min3A = arith.minsi %add3A_306, %sub3A_14 : i32
    "tpu.region"() ({
      %run_scoped3A = tpu.sem_alloc : memref<!tpu.dma_semaphore, #tpu.memory_space<semaphore_mem>>
      %dma_start3A_307 = arith.constant 0 : i32
      %dma_start3A_308 = tpu.memref_slice %arg5[%min3A, %dma_start3A_307] : memref<100000x512xf32, #tpu.memory_space<hbm>> -> memref<48x512xf32, #tpu.memory_space<hbm>>
      %dma_start3A_309 = arith.constant 0 : i32
      %dma_start3A_310 = tpu.memref_slice %arg5[%min3A, %dma_start3A_309] : memref<100000x512xf32, #tpu.memory_space<hbm>> -> memref<48x512xf32, #tpu.memory_space<hbm>>
      tpu.enqueue_dma source(%arg10 : memref<48x512xf32, #tpu.memory_space<vmem>>) target(%dma_start3A_310 : memref<48x512xf32, #tpu.memory_space<hbm>>) target_semaphore(%run_scoped3A : memref<!tpu.dma_semaphore, #tpu.memory_space<semaphore_mem>>)
      %dma_wait3A_311 = arith.constant 0 : i32
      %dma_wait3A_312 = tpu.memref_slice %arg5[%min3A, %dma_wait3A_311] : memref<100000x512xf32, #tpu.memory_space<hbm>> -> memref<48x512xf32, #tpu.memory_space<hbm>>
      %dma_wait3A_313 = arith.constant 0 : i32
      %dma_wait3A_314 = tpu.memref_slice %arg5[%min3A, %dma_wait3A_313] : memref<100000x512xf32, #tpu.memory_space<hbm>> -> memref<48x512xf32, #tpu.memory_space<hbm>>
      tpu.wait_dma2 semaphore(%run_scoped3A : memref<!tpu.dma_semaphore, #tpu.memory_space<semaphore_mem>>) src(%arg10 : memref<48x512xf32, #tpu.memory_space<vmem>>) dst(%dma_wait3A_314 : memref<48x512xf32, #tpu.memory_space<hbm>>)
      tpu.yield
    }) : () -> ()
    return
  }
}

module attributes {stable_mosaic.version = 14 : i64} {
  func.func @_build1_body(%arg0: memref<119x512xf32, #tpu.memory_space<vmem>>, %arg1: memref<4x512xf32, #tpu.memory_space<vmem>>, %arg2: memref<11x512xf32, #tpu.memory_space<vmem>>, %arg3: memref<12x512xf32, #tpu.memory_space<vmem>>, %arg4: memref<9x512xf32, #tpu.memory_space<vmem>>, %arg5: memref<5x512xf32, #tpu.memory_space<vmem>>, %arg6: memref<8x512xf32, #tpu.memory_space<vmem>>, %arg7: memref<2x512xf32, #tpu.memory_space<vmem>>, %arg8: memref<2x512xf32, #tpu.memory_space<vmem>>, %arg9: memref<3808x512xf32, #tpu.memory_space<vmem>>, %arg10: memref<528x512xf32, #tpu.memory_space<vmem>>, %arg11: memref<45x512xf32, #tpu.memory_space<vmem>>) attributes {dimension_semantics = [], scalar_prefetch = 0 : i64, scratch_operands = 0 : i64, tpu.core_type = #tpu.core_type<tc>} {
    %get3A = arith.constant 0 : index
    %get3A_0 = arith.constant 0 : index
    %get3A_1 = vector.load %arg0[%get3A, %get3A_0] : memref<119x512xf32, #tpu.memory_space<vmem>>, vector<119x512xf32>
    %get3A_2 = arith.constant 0 : index
    %get3A_3 = arith.constant 0 : index
    %get3A_4 = vector.load %arg6[%get3A_2, %get3A_3] : memref<8x512xf32, #tpu.memory_space<vmem>>, vector<8x512xf32>
    %get3A_5 = arith.constant 0 : index
    %get3A_6 = arith.constant 0 : index
    %get3A_7 = vector.load %arg7[%get3A_5, %get3A_6] : memref<2x512xf32, #tpu.memory_space<vmem>>, vector<2x512xf32>
    %get3A_8 = arith.constant 0 : index
    %get3A_9 = arith.constant 0 : index
    %get3A_10 = vector.load %arg8[%get3A_8, %get3A_9] : memref<2x512xf32, #tpu.memory_space<vmem>>, vector<2x512xf32>
    %broadcast_in_dim3A = vector.shape_cast %get3A_1 : vector<119x512xf32> to vector<119x1x512xf32>
    %broadcast_in_dim3A_11 = vector.broadcast %broadcast_in_dim3A : vector<119x1x512xf32> to vector<119x8x512xf32>
    %reshape3A = vector.shape_cast %broadcast_in_dim3A_11 : vector<119x8x512xf32> to vector<952x512xf32>
    %tile3A = tpu.concatenate %get3A_4, %get3A_4, %get3A_4, %get3A_4, %get3A_4, %get3A_4, %get3A_4, %get3A_4, %get3A_4, %get3A_4, %get3A_4, %get3A_4, %get3A_4, %get3A_4, %get3A_4, %get3A_4, %get3A_4, %get3A_4, %get3A_4, %get3A_4, %get3A_4, %get3A_4, %get3A_4, %get3A_4, %get3A_4, %get3A_4, %get3A_4, %get3A_4, %get3A_4, %get3A_4, %get3A_4, %get3A_4, %get3A_4, %get3A_4, %get3A_4, %get3A_4, %get3A_4, %get3A_4, %get3A_4, %get3A_4, %get3A_4, %get3A_4, %get3A_4, %get3A_4, %get3A_4, %get3A_4, %get3A_4, %get3A_4, %get3A_4, %get3A_4, %get3A_4, %get3A_4, %get3A_4, %get3A_4, %get3A_4, %get3A_4, %get3A_4, %get3A_4, %get3A_4, %get3A_4, %get3A_4, %get3A_4, %get3A_4, %get3A_4, %get3A_4, %get3A_4, %get3A_4, %get3A_4, %get3A_4, %get3A_4, %get3A_4, %get3A_4, %get3A_4, %get3A_4, %get3A_4, %get3A_4, %get3A_4, %get3A_4, %get3A_4, %get3A_4, %get3A_4, %get3A_4, %get3A_4, %get3A_4, %get3A_4, %get3A_4, %get3A_4, %get3A_4, %get3A_4, %get3A_4, %get3A_4, %get3A_4, %get3A_4, %get3A_4, %get3A_4, %get3A_4, %get3A_4, %get3A_4, %get3A_4, %get3A_4, %get3A_4, %get3A_4, %get3A_4, %get3A_4, %get3A_4, %get3A_4, %get3A_4, %get3A_4, %get3A_4, %get3A_4, %get3A_4, %get3A_4, %get3A_4, %get3A_4, %get3A_4, %get3A_4, %get3A_4, %get3A_4, %get3A_4 in 0 : vector<8x512xf32>, vector<8x512xf32>, vector<8x512xf32>, vector<8x512xf32>, vector<8x512xf32>, vector<8x512xf32>, vector<8x512xf32>, vector<8x512xf32>, vector<8x512xf32>, vector<8x512xf32>, vector<8x512xf32>, vector<8x512xf32>, vector<8x512xf32>, vector<8x512xf32>, vector<8x512xf32>, vector<8x512xf32>, vector<8x512xf32>, vector<8x512xf32>, vector<8x512xf32>, vector<8x512xf32>, vector<8x512xf32>, vector<8x512xf32>, vector<8x512xf32>, vector<8x512xf32>, vector<8x512xf32>, vector<8x512xf32>, vector<8x512xf32>, vector<8x512xf32>, vector<8x512xf32>, vector<8x512xf32>, vector<8x512xf32>, vector<8x512xf32>, vector<8x512xf32>, vector<8x512xf32>, vector<8x512xf32>, vector<8x512xf32>, vector<8x512xf32>, vector<8x512xf32>, vector<8x512xf32>, vector<8x512xf32>, vector<8x512xf32>, vector<8x512xf32>, vector<8x512xf32>, vector<8x512xf32>, vector<8x512xf32>, vector<8x512xf32>, vector<8x512xf32>, vector<8x512xf32>, vector<8x512xf32>, vector<8x512xf32>, vector<8x512xf32>, vector<8x512xf32>, vector<8x512xf32>, vector<8x512xf32>, vector<8x512xf32>, vector<8x512xf32>, vector<8x512xf32>, vector<8x512xf32>, vector<8x512xf32>, vector<8x512xf32>, vector<8x512xf32>, vector<8x512xf32>, vector<8x512xf32>, vector<8x512xf32>, vector<8x512xf32>, vector<8x512xf32>, vector<8x512xf32>, vector<8x512xf32>, vector<8x512xf32>, vector<8x512xf32>, vector<8x512xf32>, vector<8x512xf32>, vector<8x512xf32>, vector<8x512xf32>, vector<8x512xf32>, vector<8x512xf32>, vector<8x512xf32>, vector<8x512xf32>, vector<8x512xf32>, vector<8x512xf32>, vector<8x512xf32>, vector<8x512xf32>, vector<8x512xf32>, vector<8x512xf32>, vector<8x512xf32>, vector<8x512xf32>, vector<8x512xf32>, vector<8x512xf32>, vector<8x512xf32>, vector<8x512xf32>, vector<8x512xf32>, vector<8x512xf32>, vector<8x512xf32>, vector<8x512xf32>, vector<8x512xf32>, vector<8x512xf32>, vector<8x512xf32>, vector<8x512xf32>, vector<8x512xf32>, vector<8x512xf32>, vector<8x512xf32>, vector<8x512xf32>, vector<8x512xf32>, vector<8x512xf32>, vector<8x512xf32>, vector<8x512xf32>, vector<8x512xf32>, vector<8x512xf32>, vector<8x512xf32>, vector<8x512xf32>, vector<8x512xf32>, vector<8x512xf32>, vector<8x512xf32>, vector<8x512xf32>, vector<8x512xf32>, vector<8x512xf32>, vector<8x512xf32>, vector<8x512xf32>, vector<8x512xf32> -> vector<952x512xf32>
    %add3A = arith.addf %reshape3A, %tile3A : vector<952x512xf32>
    %broadcast_in_dim3A_12 = vector.shape_cast %add3A : vector<952x512xf32> to vector<952x1x512xf32>
    %broadcast_in_dim3A_13 = vector.broadcast %broadcast_in_dim3A_12 : vector<952x1x512xf32> to vector<952x2x512xf32>
    %reshape3A_14 = vector.shape_cast %broadcast_in_dim3A_13 : vector<952x2x512xf32> to vector<1904x512xf32>
    %tile3A_15 = tpu.concatenate %get3A_7, %get3A_7, %get3A_7, %get3A_7, %get3A_7, %get3A_7, %get3A_7, %get3A_7, %get3A_7, %get3A_7, %get3A_7, %get3A_7, %get3A_7, %get3A_7, %get3A_7, %get3A_7, %get3A_7, %get3A_7, %get3A_7, %get3A_7, %get3A_7, %get3A_7, %get3A_7, %get3A_7, %get3A_7, %get3A_7, %get3A_7, %get3A_7, %get3A_7, %get3A_7, %get3A_7, %get3A_7, %get3A_7, %get3A_7, %get3A_7, %get3A_7, %get3A_7, %get3A_7, %get3A_7, %get3A_7, %get3A_7, %get3A_7, %get3A_7, %get3A_7, %get3A_7, %get3A_7, %get3A_7, %get3A_7, %get3A_7, %get3A_7, %get3A_7, %get3A_7, %get3A_7, %get3A_7, %get3A_7, %get3A_7, %get3A_7, %get3A_7, %get3A_7, %get3A_7, %get3A_7, %get3A_7, %get3A_7, %get3A_7, %get3A_7, %get3A_7, %get3A_7, %get3A_7, %get3A_7, %get3A_7, %get3A_7, %get3A_7, %get3A_7, %get3A_7, %get3A_7, %get3A_7, %get3A_7, %get3A_7, %get3A_7, %get3A_7, %get3A_7, %get3A_7, %get3A_7, %get3A_7, %get3A_7, %get3A_7, %get3A_7, %get3A_7, %get3A_7, %get3A_7, %get3A_7, %get3A_7, %get3A_7, %get3A_7, %get3A_7, %get3A_7, %get3A_7, %get3A_7, %get3A_7, %get3A_7, %get3A_7, %get3A_7, %get3A_7, %get3A_7, %get3A_7, %get3A_7, %get3A_7, %get3A_7, %get3A_7, %get3A_7, %get3A_7, %get3A_7, %get3A_7, %get3A_7, %get3A_7, %get3A_7, %get3A_7, %get3A_7, %get3A_7, %get3A_7, %get3A_7, %get3A_7, %get3A_7, %get3A_7, %get3A_7, %get3A_7, %get3A_7, %get3A_7, %get3A_7, %get3A_7, %get3A_7, %get3A_7, %get3A_7, %get3A_7, %get3A_7, %get3A_7, %get3A_7, %get3A_7, %get3A_7, %get3A_7, %get3A_7, %get3A_7, %get3A_7, %get3A_7, %get3A_7, %get3A_7, %get3A_7, %get3A_7, %get3A_7, %get3A_7, %get3A_7, %get3A_7, %get3A_7, %get3A_7, %get3A_7, %get3A_7, %get3A_7, %get3A_7, %get3A_7, %get3A_7, %get3A_7, %get3A_7, %get3A_7, %get3A_7, %get3A_7, %get3A_7, %get3A_7, %get3A_7, %get3A_7, %get3A_7, %get3A_7, %get3A_7, %get3A_7, %get3A_7, %get3A_7, %get3A_7, %get3A_7, %get3A_7, %get3A_7, %get3A_7, %get3A_7, %get3A_7, %get3A_7, %get3A_7, %get3A_7, %get3A_7, %get3A_7, %get3A_7, %get3A_7, %get3A_7, %get3A_7, %get3A_7, %get3A_7, %get3A_7, %get3A_7, %get3A_7, %get3A_7, %get3A_7, %get3A_7, %get3A_7, %get3A_7, %get3A_7, %get3A_7, %get3A_7, %get3A_7, %get3A_7, %get3A_7, %get3A_7, %get3A_7, %get3A_7, %get3A_7, %get3A_7, %get3A_7, %get3A_7, %get3A_7, %get3A_7, %get3A_7, %get3A_7, %get3A_7, %get3A_7, %get3A_7, %get3A_7, %get3A_7, %get3A_7, %get3A_7, %get3A_7, %get3A_7, %get3A_7, %get3A_7, %get3A_7, %get3A_7, %get3A_7, %get3A_7, %get3A_7, %get3A_7, %get3A_7, %get3A_7, %get3A_7, %get3A_7, %get3A_7, %get3A_7, %get3A_7, %get3A_7, %get3A_7, %get3A_7, %get3A_7, %get3A_7, %get3A_7, %get3A_7, %get3A_7, %get3A_7, %get3A_7, %get3A_7, %get3A_7, %get3A_7, %get3A_7, %get3A_7, %get3A_7, %get3A_7, %get3A_7, %get3A_7, %get3A_7, %get3A_7, %get3A_7, %get3A_7, %get3A_7, %get3A_7, %get3A_7, %get3A_7, %get3A_7, %get3A_7, %get3A_7, %get3A_7, %get3A_7, %get3A_7, %get3A_7, %get3A_7, %get3A_7, %get3A_7, %get3A_7, %get3A_7, %get3A_7, %get3A_7, %get3A_7, %get3A_7, %get3A_7, %get3A_7, %get3A_7, %get3A_7, %get3A_7, %get3A_7, %get3A_7, %get3A_7, %get3A_7, %get3A_7, %get3A_7, %get3A_7, %get3A_7, %get3A_7, %get3A_7, %get3A_7, %get3A_7, %get3A_7, %get3A_7, %get3A_7, %get3A_7, %get3A_7, %get3A_7, %get3A_7, %get3A_7, %get3A_7, %get3A_7, %get3A_7, %get3A_7, %get3A_7, %get3A_7, %get3A_7, %get3A_7, %get3A_7, %get3A_7, %get3A_7, %get3A_7, %get3A_7, %get3A_7, %get3A_7, %get3A_7, %get3A_7, %get3A_7, %get3A_7, %get3A_7, %get3A_7, %get3A_7, %get3A_7, %get3A_7, %get3A_7, %get3A_7, %get3A_7, %get3A_7, %get3A_7, %get3A_7, %get3A_7, %get3A_7, %get3A_7, %get3A_7, %get3A_7, %get3A_7, %get3A_7, %get3A_7, %get3A_7, %get3A_7, %get3A_7, %get3A_7, %get3A_7, %get3A_7, %get3A_7, %get3A_7, %get3A_7, %get3A_7, %get3A_7, %get3A_7, %get3A_7, %get3A_7, %get3A_7, %get3A_7, %get3A_7, %get3A_7, %get3A_7, %get3A_7, %get3A_7, %get3A_7, %get3A_7, %get3A_7, %get3A_7, %get3A_7, %get3A_7, %get3A_7, %get3A_7, %get3A_7, %get3A_7, %get3A_7, %get3A_7, %get3A_7, %get3A_7, %get3A_7, %get3A_7, %get3A_7, %get3A_7, %get3A_7, %get3A_7, %get3A_7, %get3A_7, %get3A_7, %get3A_7, %get3A_7, %get3A_7, %get3A_7, %get3A_7, %get3A_7, %get3A_7, %get3A_7, %get3A_7, %get3A_7, %get3A_7, %get3A_7, %get3A_7, %get3A_7, %get3A_7, %get3A_7, %get3A_7, %get3A_7, %get3A_7, %get3A_7, %get3A_7, %get3A_7, %get3A_7, %get3A_7, %get3A_7, %get3A_7, %get3A_7, %get3A_7, %get3A_7, %get3A_7, %get3A_7, %get3A_7, %get3A_7, %get3A_7, %get3A_7, %get3A_7, %get3A_7, %get3A_7, %get3A_7, %get3A_7, %get3A_7, %get3A_7, %get3A_7, %get3A_7, %get3A_7, %get3A_7, %get3A_7, %get3A_7, %get3A_7, %get3A_7, %get3A_7, %get3A_7, %get3A_7, %get3A_7, %get3A_7, %get3A_7, %get3A_7, %get3A_7, %get3A_7, %get3A_7, %get3A_7, %get3A_7, %get3A_7, %get3A_7, %get3A_7, %get3A_7, %get3A_7, %get3A_7, %get3A_7, %get3A_7, %get3A_7, %get3A_7, %get3A_7, %get3A_7, %get3A_7, %get3A_7, %get3A_7, %get3A_7, %get3A_7, %get3A_7, %get3A_7, %get3A_7, %get3A_7, %get3A_7, %get3A_7, %get3A_7, %get3A_7, %get3A_7, %get3A_7, %get3A_7, %get3A_7, %get3A_7, %get3A_7, %get3A_7, %get3A_7, %get3A_7, %get3A_7, %get3A_7, %get3A_7, %get3A_7, %get3A_7, %get3A_7, %get3A_7, %get3A_7, %get3A_7, %get3A_7, %get3A_7, %get3A_7, %get3A_7, %get3A_7, %get3A_7, %get3A_7, %get3A_7, %get3A_7, %get3A_7, %get3A_7, %get3A_7, %get3A_7, %get3A_7, %get3A_7, %get3A_7, %get3A_7, %get3A_7, %get3A_7, %get3A_7, %get3A_7, %get3A_7, %get3A_7, %get3A_7, %get3A_7, %get3A_7, %get3A_7, %get3A_7, %get3A_7, %get3A_7, %get3A_7, %get3A_7, %get3A_7, %get3A_7, %get3A_7, %get3A_7, %get3A_7, %get3A_7, %get3A_7, %get3A_7, %get3A_7, %get3A_7, %get3A_7, %get3A_7, %get3A_7, %get3A_7, %get3A_7, %get3A_7, %get3A_7, %get3A_7, %get3A_7, %get3A_7, %get3A_7, %get3A_7, %get3A_7, %get3A_7, %get3A_7, %get3A_7, %get3A_7, %get3A_7, %get3A_7, %get3A_7, %get3A_7, %get3A_7, %get3A_7, %get3A_7, %get3A_7, %get3A_7, %get3A_7, %get3A_7, %get3A_7, %get3A_7, %get3A_7, %get3A_7, %get3A_7, %get3A_7, %get3A_7, %get3A_7, %get3A_7, %get3A_7, %get3A_7, %get3A_7, %get3A_7, %get3A_7, %get3A_7, %get3A_7, %get3A_7, %get3A_7, %get3A_7, %get3A_7, %get3A_7, %get3A_7, %get3A_7, %get3A_7, %get3A_7, %get3A_7, %get3A_7, %get3A_7, %get3A_7, %get3A_7, %get3A_7, %get3A_7, %get3A_7, %get3A_7, %get3A_7, %get3A_7, %get3A_7, %get3A_7, %get3A_7, %get3A_7, %get3A_7, %get3A_7, %get3A_7, %get3A_7, %get3A_7, %get3A_7, %get3A_7, %get3A_7, %get3A_7, %get3A_7, %get3A_7, %get3A_7, %get3A_7, %get3A_7, %get3A_7, %get3A_7, %get3A_7, %get3A_7, %get3A_7, %get3A_7, %get3A_7, %get3A_7, %get3A_7, %get3A_7, %get3A_7, %get3A_7, %get3A_7, %get3A_7, %get3A_7, %get3A_7, %get3A_7, %get3A_7, %get3A_7, %get3A_7, %get3A_7, %get3A_7, %get3A_7, %get3A_7, %get3A_7, %get3A_7, %get3A_7, %get3A_7, %get3A_7, %get3A_7, %get3A_7, %get3A_7, %get3A_7, %get3A_7, %get3A_7, %get3A_7, %get3A_7, %get3A_7, %get3A_7, %get3A_7, %get3A_7, %get3A_7, %get3A_7, %get3A_7, %get3A_7, %get3A_7, %get3A_7, %get3A_7, %get3A_7, %get3A_7, %get3A_7, %get3A_7, %get3A_7, %get3A_7, %get3A_7, %get3A_7, %get3A_7, %get3A_7, %get3A_7, %get3A_7, %get3A_7, %get3A_7, %get3A_7, %get3A_7, %get3A_7, %get3A_7, %get3A_7, %get3A_7, %get3A_7, %get3A_7, %get3A_7, %get3A_7, %get3A_7, %get3A_7, %get3A_7, %get3A_7, %get3A_7, %get3A_7, %get3A_7, %get3A_7, %get3A_7, %get3A_7, %get3A_7, %get3A_7, %get3A_7, %get3A_7, %get3A_7, %get3A_7, %get3A_7, %get3A_7, %get3A_7, %get3A_7, %get3A_7, %get3A_7, %get3A_7, %get3A_7, %get3A_7, %get3A_7, %get3A_7, %get3A_7, %get3A_7, %get3A_7, %get3A_7, %get3A_7, %get3A_7, %get3A_7, %get3A_7, %get3A_7, %get3A_7, %get3A_7, %get3A_7, %get3A_7, %get3A_7, %get3A_7, %get3A_7, %get3A_7, %get3A_7, %get3A_7, %get3A_7, %get3A_7, %get3A_7, %get3A_7, %get3A_7, %get3A_7, %get3A_7, %get3A_7, %get3A_7, %get3A_7, %get3A_7, %get3A_7, %get3A_7, %get3A_7, %get3A_7, %get3A_7, %get3A_7, %get3A_7, %get3A_7, %get3A_7, %get3A_7, %get3A_7, %get3A_7, %get3A_7, %get3A_7, %get3A_7, %get3A_7, %get3A_7, %get3A_7, %get3A_7, %get3A_7, %get3A_7, %get3A_7, %get3A_7, %get3A_7, %get3A_7, %get3A_7, %get3A_7, %get3A_7, %get3A_7, %get3A_7, %get3A_7, %get3A_7, %get3A_7, %get3A_7, %get3A_7, %get3A_7, %get3A_7, %get3A_7, %get3A_7, %get3A_7, %get3A_7, %get3A_7, %get3A_7, %get3A_7, %get3A_7, %get3A_7, %get3A_7, %get3A_7, %get3A_7, %get3A_7, %get3A_7, %get3A_7, %get3A_7, %get3A_7, %get3A_7, %get3A_7, %get3A_7, %get3A_7, %get3A_7, %get3A_7, %get3A_7, %get3A_7, %get3A_7, %get3A_7, %get3A_7, %get3A_7, %get3A_7, %get3A_7, %get3A_7, %get3A_7, %get3A_7, %get3A_7, %get3A_7, %get3A_7, %get3A_7, %get3A_7, %get3A_7, %get3A_7, %get3A_7, %get3A_7, %get3A_7, %get3A_7, %get3A_7, %get3A_7, %get3A_7, %get3A_7, %get3A_7, %get3A_7, %get3A_7, %get3A_7, %get3A_7, %get3A_7, %get3A_7, %get3A_7, %get3A_7, %get3A_7, %get3A_7, %get3A_7, %get3A_7, %get3A_7, %get3A_7, %get3A_7, %get3A_7, %get3A_7, %get3A_7, %get3A_7, %get3A_7, %get3A_7, %get3A_7, %get3A_7, %get3A_7, %get3A_7, %get3A_7, %get3A_7, %get3A_7, %get3A_7, %get3A_7, %get3A_7, %get3A_7, %get3A_7, %get3A_7, %get3A_7, %get3A_7, %get3A_7, %get3A_7, %get3A_7, %get3A_7, %get3A_7, %get3A_7, %get3A_7, %get3A_7, %get3A_7, %get3A_7, %get3A_7, %get3A_7, %get3A_7, %get3A_7, %get3A_7, %get3A_7, %get3A_7, %get3A_7, %get3A_7, %get3A_7, %get3A_7, %get3A_7, %get3A_7, %get3A_7, %get3A_7, %get3A_7, %get3A_7, %get3A_7, %get3A_7, %get3A_7, %get3A_7, %get3A_7, %get3A_7, %get3A_7, %get3A_7, %get3A_7, %get3A_7, %get3A_7, %get3A_7, %get3A_7, %get3A_7, %get3A_7, %get3A_7, %get3A_7, %get3A_7, %get3A_7, %get3A_7, %get3A_7, %get3A_7, %get3A_7, %get3A_7, %get3A_7, %get3A_7, %get3A_7, %get3A_7, %get3A_7, %get3A_7, %get3A_7, %get3A_7, %get3A_7, %get3A_7, %get3A_7, %get3A_7, %get3A_7, %get3A_7, %get3A_7, %get3A_7, %get3A_7, %get3A_7, %get3A_7, %get3A_7, %get3A_7, %get3A_7, %get3A_7, %get3A_7, %get3A_7, %get3A_7, %get3A_7, %get3A_7 in 0 : vector<2x512xf32>, vector<2x512xf32>, vector<2x512xf32>, vector<2x512xf32>, vector<2x512xf32>, vector<2x512xf32>, vector<2x512xf32>, vector<2x512xf32>, vector<2x512xf32>, vector<2x512xf32>, vector<2x512xf32>, vector<2x512xf32>, vector<2x512xf32>, vector<2x512xf32>, vector<2x512xf32>, vector<2x512xf32>, vector<2x512xf32>, vector<2x512xf32>, vector<2x512xf32>, vector<2x512xf32>, vector<2x512xf32>, vector<2x512xf32>, vector<2x512xf32>, vector<2x512xf32>, vector<2x512xf32>, vector<2x512xf32>, vector<2x512xf32>, vector<2x512xf32>, vector<2x512xf32>, vector<2x512xf32>, vector<2x512xf32>, vector<2x512xf32>, vector<2x512xf32>, vector<2x512xf32>, vector<2x512xf32>, vector<2x512xf32>, vector<2x512xf32>, vector<2x512xf32>, vector<2x512xf32>, vector<2x512xf32>, vector<2x512xf32>, vector<2x512xf32>, vector<2x512xf32>, vector<2x512xf32>, vector<2x512xf32>, vector<2x512xf32>, vector<2x512xf32>, vector<2x512xf32>, vector<2x512xf32>, vector<2x512xf32>, vector<2x512xf32>, vector<2x512xf32>, vector<2x512xf32>, vector<2x512xf32>, vector<2x512xf32>, vector<2x512xf32>, vector<2x512xf32>, vector<2x512xf32>, vector<2x512xf32>, vector<2x512xf32>, vector<2x512xf32>, vector<2x512xf32>, vector<2x512xf32>, vector<2x512xf32>, vector<2x512xf32>, vector<2x512xf32>, vector<2x512xf32>, vector<2x512xf32>, vector<2x512xf32>, vector<2x512xf32>, vector<2x512xf32>, vector<2x512xf32>, vector<2x512xf32>, vector<2x512xf32>, vector<2x512xf32>, vector<2x512xf32>, vector<2x512xf32>, vector<2x512xf32>, vector<2x512xf32>, vector<2x512xf32>, vector<2x512xf32>, vector<2x512xf32>, vector<2x512xf32>, vector<2x512xf32>, vector<2x512xf32>, vector<2x512xf32>, vector<2x512xf32>, vector<2x512xf32>, vector<2x512xf32>, vector<2x512xf32>, vector<2x512xf32>, vector<2x512xf32>, vector<2x512xf32>, vector<2x512xf32>, vector<2x512xf32>, vector<2x512xf32>, vector<2x512xf32>, vector<2x512xf32>, vector<2x512xf32>, vector<2x512xf32>, vector<2x512xf32>, vector<2x512xf32>, vector<2x512xf32>, vector<2x512xf32>, vector<2x512xf32>, vector<2x512xf32>, vector<2x512xf32>, vector<2x512xf32>, vector<2x512xf32>, vector<2x512xf32>, vector<2x512xf32>, vector<2x512xf32>, vector<2x512xf32>, vector<2x512xf32>, vector<2x512xf32>, vector<2x512xf32>, vector<2x512xf32>, vector<2x512xf32>, vector<2x512xf32>, vector<2x512xf32>, vector<2x512xf32>, vector<2x512xf32>, vector<2x512xf32>, vector<2x512xf32>, vector<2x512xf32>, vector<2x512xf32>, vector<2x512xf32>, vector<2x512xf32>, vector<2x512xf32>, vector<2x512xf32>, vector<2x512xf32>, vector<2x512xf32>, vector<2x512xf32>, vector<2x512xf32>, vector<2x512xf32>, vector<2x512xf32>, vector<2x512xf32>, vector<2x512xf32>, vector<2x512xf32>, vector<2x512xf32>, vector<2x512xf32>, vector<2x512xf32>, vector<2x512xf32>, vector<2x512xf32>, vector<2x512xf32>, vector<2x512xf32>, vector<2x512xf32>, vector<2x512xf32>, vector<2x512xf32>, vector<2x512xf32>, vector<2x512xf32>, vector<2x512xf32>, vector<2x512xf32>, vector<2x512xf32>, vector<2x512xf32>, vector<2x512xf32>, vector<2x512xf32>, vector<2x512xf32>, vector<2x512xf32>, vector<2x512xf32>, vector<2x512xf32>, vector<2x512xf32>, vector<2x512xf32>, vector<2x512xf32>, vector<2x512xf32>, vector<2x512xf32>, vector<2x512xf32>, vector<2x512xf32>, vector<2x512xf32>, vector<2x512xf32>, vector<2x512xf32>, vector<2x512xf32>, vector<2x512xf32>, vector<2x512xf32>, vector<2x512xf32>, vector<2x512xf32>, vector<2x512xf32>, vector<2x512xf32>, vector<2x512xf32>, vector<2x512xf32>, vector<2x512xf32>, vector<2x512xf32>, vector<2x512xf32>, vector<2x512xf32>, vector<2x512xf32>, vector<2x512xf32>, vector<2x512xf32>, vector<2x512xf32>, vector<2x512xf32>, vector<2x512xf32>, vector<2x512xf32>, vector<2x512xf32>, vector<2x512xf32>, vector<2x512xf32>, vector<2x512xf32>, vector<2x512xf32>, vector<2x512xf32>, vector<2x512xf32>, vector<2x512xf32>, vector<2x512xf32>, vector<2x512xf32>, vector<2x512xf32>, vector<2x512xf32>, vector<2x512xf32>, vector<2x512xf32>, vector<2x512xf32>, vector<2x512xf32>, vector<2x512xf32>, vector<2x512xf32>, vector<2x512xf32>, vector<2x512xf32>, vector<2x512xf32>, vector<2x512xf32>, vector<2x512xf32>, vector<2x512xf32>, vector<2x512xf32>, vector<2x512xf32>, vector<2x512xf32>, vector<2x512xf32>, vector<2x512xf32>, vector<2x512xf32>, vector<2x512xf32>, vector<2x512xf32>, vector<2x512xf32>, vector<2x512xf32>, vector<2x512xf32>, vector<2x512xf32>, vector<2x512xf32>, vector<2x512xf32>, vector<2x512xf32>, vector<2x512xf32>, vector<2x512xf32>, vector<2x512xf32>, vector<2x512xf32>, vector<2x512xf32>, vector<2x512xf32>, vector<2x512xf32>, vector<2x512xf32>, vector<2x512xf32>, vector<2x512xf32>, vector<2x512xf32>, vector<2x512xf32>, vector<2x512xf32>, vector<2x512xf32>, vector<2x512xf32>, vector<2x512xf32>, vector<2x512xf32>, vector<2x512xf32>, vector<2x512xf32>, vector<2x512xf32>, vector<2x512xf32>, vector<2x512xf32>, vector<2x512xf32>, vector<2x512xf32>, vector<2x512xf32>, vector<2x512xf32>, vector<2x512xf32>, vector<2x512xf32>, vector<2x512xf32>, vector<2x512xf32>, vector<2x512xf32>, vector<2x512xf32>, vector<2x512xf32>, vector<2x512xf32>, vector<2x512xf32>, vector<2x512xf32>, vector<2x512xf32>, vector<2x512xf32>, vector<2x512xf32>, vector<2x512xf32>, vector<2x512xf32>, vector<2x512xf32>, vector<2x512xf32>, vector<2x512xf32>, vector<2x512xf32>, vector<2x512xf32>, vector<2x512xf32>, vector<2x512xf32>, vector<2x512xf32>, vector<2x512xf32>, vector<2x512xf32>, vector<2x512xf32>, vector<2x512xf32>, vector<2x512xf32>, vector<2x512xf32>, vector<2x512xf32>, vector<2x512xf32>, vector<2x512xf32>, vector<2x512xf32>, vector<2x512xf32>, vector<2x512xf32>, vector<2x512xf32>, vector<2x512xf32>, vector<2x512xf32>, vector<2x512xf32>, vector<2x512xf32>, vector<2x512xf32>, vector<2x512xf32>, vector<2x512xf32>, vector<2x512xf32>, vector<2x512xf32>, vector<2x512xf32>, vector<2x512xf32>, vector<2x512xf32>, vector<2x512xf32>, vector<2x512xf32>, vector<2x512xf32>, vector<2x512xf32>, vector<2x512xf32>, vector<2x512xf32>, vector<2x512xf32>, vector<2x512xf32>, vector<2x512xf32>, vector<2x512xf32>, vector<2x512xf32>, vector<2x512xf32>, vector<2x512xf32>, vector<2x512xf32>, vector<2x512xf32>, vector<2x512xf32>, vector<2x512xf32>, vector<2x512xf32>, vector<2x512xf32>, vector<2x512xf32>, vector<2x512xf32>, vector<2x512xf32>, vector<2x512xf32>, vector<2x512xf32>, vector<2x512xf32>, vector<2x512xf32>, vector<2x512xf32>, vector<2x512xf32>, vector<2x512xf32>, vector<2x512xf32>, vector<2x512xf32>, vector<2x512xf32>, vector<2x512xf32>, vector<2x512xf32>, vector<2x512xf32>, vector<2x512xf32>, vector<2x512xf32>, vector<2x512xf32>, vector<2x512xf32>, vector<2x512xf32>, vector<2x512xf32>, vector<2x512xf32>, vector<2x512xf32>, vector<2x512xf32>, vector<2x512xf32>, vector<2x512xf32>, vector<2x512xf32>, vector<2x512xf32>, vector<2x512xf32>, vector<2x512xf32>, vector<2x512xf32>, vector<2x512xf32>, vector<2x512xf32>, vector<2x512xf32>, vector<2x512xf32>, vector<2x512xf32>, vector<2x512xf32>, vector<2x512xf32>, vector<2x512xf32>, vector<2x512xf32>, vector<2x512xf32>, vector<2x512xf32>, vector<2x512xf32>, vector<2x512xf32>, vector<2x512xf32>, vector<2x512xf32>, vector<2x512xf32>, vector<2x512xf32>, vector<2x512xf32>, vector<2x512xf32>, vector<2x512xf32>, vector<2x512xf32>, vector<2x512xf32>, vector<2x512xf32>, vector<2x512xf32>, vector<2x512xf32>, vector<2x512xf32>, vector<2x512xf32>, vector<2x512xf32>, vector<2x512xf32>, vector<2x512xf32>, vector<2x512xf32>, vector<2x512xf32>, vector<2x512xf32>, vector<2x512xf32>, vector<2x512xf32>, vector<2x512xf32>, vector<2x512xf32>, vector<2x512xf32>, vector<2x512xf32>, vector<2x512xf32>, vector<2x512xf32>, vector<2x512xf32>, vector<2x512xf32>, vector<2x512xf32>, vector<2x512xf32>, vector<2x512xf32>, vector<2x512xf32>, vector<2x512xf32>, vector<2x512xf32>, vector<2x512xf32>, vector<2x512xf32>, vector<2x512xf32>, vector<2x512xf32>, vector<2x512xf32>, vector<2x512xf32>, vector<2x512xf32>, vector<2x512xf32>, vector<2x512xf32>, vector<2x512xf32>, vector<2x512xf32>, vector<2x512xf32>, vector<2x512xf32>, vector<2x512xf32>, vector<2x512xf32>, vector<2x512xf32>, vector<2x512xf32>, vector<2x512xf32>, vector<2x512xf32>, vector<2x512xf32>, vector<2x512xf32>, vector<2x512xf32>, vector<2x512xf32>, vector<2x512xf32>, vector<2x512xf32>, vector<2x512xf32>, vector<2x512xf32>, vector<2x512xf32>, vector<2x512xf32>, vector<2x512xf32>, vector<2x512xf32>, vector<2x512xf32>, vector<2x512xf32>, vector<2x512xf32>, vector<2x512xf32>, vector<2x512xf32>, vector<2x512xf32>, vector<2x512xf32>, vector<2x512xf32>, vector<2x512xf32>, vector<2x512xf32>, vector<2x512xf32>, vector<2x512xf32>, vector<2x512xf32>, vector<2x512xf32>, vector<2x512xf32>, vector<2x512xf32>, vector<2x512xf32>, vector<2x512xf32>, vector<2x512xf32>, vector<2x512xf32>, vector<2x512xf32>, vector<2x512xf32>, vector<2x512xf32>, vector<2x512xf32>, vector<2x512xf32>, vector<2x512xf32>, vector<2x512xf32>, vector<2x512xf32>, vector<2x512xf32>, vector<2x512xf32>, vector<2x512xf32>, vector<2x512xf32>, vector<2x512xf32>, vector<2x512xf32>, vector<2x512xf32>, vector<2x512xf32>, vector<2x512xf32>, vector<2x512xf32>, vector<2x512xf32>, vector<2x512xf32>, vector<2x512xf32>, vector<2x512xf32>, vector<2x512xf32>, vector<2x512xf32>, vector<2x512xf32>, vector<2x512xf32>, vector<2x512xf32>, vector<2x512xf32>, vector<2x512xf32>, vector<2x512xf32>, vector<2x512xf32>, vector<2x512xf32>, vector<2x512xf32>, vector<2x512xf32>, vector<2x512xf32>, vector<2x512xf32>, vector<2x512xf32>, vector<2x512xf32>, vector<2x512xf32>, vector<2x512xf32>, vector<2x512xf32>, vector<2x512xf32>, vector<2x512xf32>, vector<2x512xf32>, vector<2x512xf32>, vector<2x512xf32>, vector<2x512xf32>, vector<2x512xf32>, vector<2x512xf32>, vector<2x512xf32>, vector<2x512xf32>, vector<2x512xf32>, vector<2x512xf32>, vector<2x512xf32>, vector<2x512xf32>, vector<2x512xf32>, vector<2x512xf32>, vector<2x512xf32>, vector<2x512xf32>, vector<2x512xf32>, vector<2x512xf32>, vector<2x512xf32>, vector<2x512xf32>, vector<2x512xf32>, vector<2x512xf32>, vector<2x512xf32>, vector<2x512xf32>, vector<2x512xf32>, vector<2x512xf32>, vector<2x512xf32>, vector<2x512xf32>, vector<2x512xf32>, vector<2x512xf32>, vector<2x512xf32>, vector<2x512xf32>, vector<2x512xf32>, vector<2x512xf32>, vector<2x512xf32>, vector<2x512xf32>, vector<2x512xf32>, vector<2x512xf32>, vector<2x512xf32>, vector<2x512xf32>, vector<2x512xf32>, vector<2x512xf32>, vector<2x512xf32>, vector<2x512xf32>, vector<2x512xf32>, vector<2x512xf32>, vector<2x512xf32>, vector<2x512xf32>, vector<2x512xf32>, vector<2x512xf32>, vector<2x512xf32>, vector<2x512xf32>, vector<2x512xf32>, vector<2x512xf32>, vector<2x512xf32>, vector<2x512xf32>, vector<2x512xf32>, vector<2x512xf32>, vector<2x512xf32>, vector<2x512xf32>, vector<2x512xf32>, vector<2x512xf32>, vector<2x512xf32>, vector<2x512xf32>, vector<2x512xf32>, vector<2x512xf32>, vector<2x512xf32>, vector<2x512xf32>, vector<2x512xf32>, vector<2x512xf32>, vector<2x512xf32>, vector<2x512xf32>, vector<2x512xf32>, vector<2x512xf32>, vector<2x512xf32>, vector<2x512xf32>, vector<2x512xf32>, vector<2x512xf32>, vector<2x512xf32>, vector<2x512xf32>, vector<2x512xf32>, vector<2x512xf32>, vector<2x512xf32>, vector<2x512xf32>, vector<2x512xf32>, vector<2x512xf32>, vector<2x512xf32>, vector<2x512xf32>, vector<2x512xf32>, vector<2x512xf32>, vector<2x512xf32>, vector<2x512xf32>, vector<2x512xf32>, vector<2x512xf32>, vector<2x512xf32>, vector<2x512xf32>, vector<2x512xf32>, vector<2x512xf32>, vector<2x512xf32>, vector<2x512xf32>, vector<2x512xf32>, vector<2x512xf32>, vector<2x512xf32>, vector<2x512xf32>, vector<2x512xf32>, vector<2x512xf32>, vector<2x512xf32>, vector<2x512xf32>, vector<2x512xf32>, vector<2x512xf32>, vector<2x512xf32>, vector<2x512xf32>, vector<2x512xf32>, vector<2x512xf32>, vector<2x512xf32>, vector<2x512xf32>, vector<2x512xf32>, vector<2x512xf32>, vector<2x512xf32>, vector<2x512xf32>, vector<2x512xf32>, vector<2x512xf32>, vector<2x512xf32>, vector<2x512xf32>, vector<2x512xf32>, vector<2x512xf32>, vector<2x512xf32>, vector<2x512xf32>, vector<2x512xf32>, vector<2x512xf32>, vector<2x512xf32>, vector<2x512xf32>, vector<2x512xf32>, vector<2x512xf32>, vector<2x512xf32>, vector<2x512xf32>, vector<2x512xf32>, vector<2x512xf32>, vector<2x512xf32>, vector<2x512xf32>, vector<2x512xf32>, vector<2x512xf32>, vector<2x512xf32>, vector<2x512xf32>, vector<2x512xf32>, vector<2x512xf32>, vector<2x512xf32>, vector<2x512xf32>, vector<2x512xf32>, vector<2x512xf32>, vector<2x512xf32>, vector<2x512xf32>, vector<2x512xf32>, vector<2x512xf32>, vector<2x512xf32>, vector<2x512xf32>, vector<2x512xf32>, vector<2x512xf32>, vector<2x512xf32>, vector<2x512xf32>, vector<2x512xf32>, vector<2x512xf32>, vector<2x512xf32>, vector<2x512xf32>, vector<2x512xf32>, vector<2x512xf32>, vector<2x512xf32>, vector<2x512xf32>, vector<2x512xf32>, vector<2x512xf32>, vector<2x512xf32>, vector<2x512xf32>, vector<2x512xf32>, vector<2x512xf32>, vector<2x512xf32>, vector<2x512xf32>, vector<2x512xf32>, vector<2x512xf32>, vector<2x512xf32>, vector<2x512xf32>, vector<2x512xf32>, vector<2x512xf32>, vector<2x512xf32>, vector<2x512xf32>, vector<2x512xf32>, vector<2x512xf32>, vector<2x512xf32>, vector<2x512xf32>, vector<2x512xf32>, vector<2x512xf32>, vector<2x512xf32>, vector<2x512xf32>, vector<2x512xf32>, vector<2x512xf32>, vector<2x512xf32>, vector<2x512xf32>, vector<2x512xf32>, vector<2x512xf32>, vector<2x512xf32>, vector<2x512xf32>, vector<2x512xf32>, vector<2x512xf32>, vector<2x512xf32>, vector<2x512xf32>, vector<2x512xf32>, vector<2x512xf32>, vector<2x512xf32>, vector<2x512xf32>, vector<2x512xf32>, vector<2x512xf32>, vector<2x512xf32>, vector<2x512xf32>, vector<2x512xf32>, vector<2x512xf32>, vector<2x512xf32>, vector<2x512xf32>, vector<2x512xf32>, vector<2x512xf32>, vector<2x512xf32>, vector<2x512xf32>, vector<2x512xf32>, vector<2x512xf32>, vector<2x512xf32>, vector<2x512xf32>, vector<2x512xf32>, vector<2x512xf32>, vector<2x512xf32>, vector<2x512xf32>, vector<2x512xf32>, vector<2x512xf32>, vector<2x512xf32>, vector<2x512xf32>, vector<2x512xf32>, vector<2x512xf32>, vector<2x512xf32>, vector<2x512xf32>, vector<2x512xf32>, vector<2x512xf32>, vector<2x512xf32>, vector<2x512xf32>, vector<2x512xf32>, vector<2x512xf32>, vector<2x512xf32>, vector<2x512xf32>, vector<2x512xf32>, vector<2x512xf32>, vector<2x512xf32>, vector<2x512xf32>, vector<2x512xf32>, vector<2x512xf32>, vector<2x512xf32>, vector<2x512xf32>, vector<2x512xf32>, vector<2x512xf32>, vector<2x512xf32>, vector<2x512xf32>, vector<2x512xf32>, vector<2x512xf32>, vector<2x512xf32>, vector<2x512xf32>, vector<2x512xf32>, vector<2x512xf32>, vector<2x512xf32>, vector<2x512xf32>, vector<2x512xf32>, vector<2x512xf32>, vector<2x512xf32>, vector<2x512xf32>, vector<2x512xf32>, vector<2x512xf32>, vector<2x512xf32>, vector<2x512xf32>, vector<2x512xf32>, vector<2x512xf32>, vector<2x512xf32>, vector<2x512xf32>, vector<2x512xf32>, vector<2x512xf32>, vector<2x512xf32>, vector<2x512xf32>, vector<2x512xf32>, vector<2x512xf32>, vector<2x512xf32>, vector<2x512xf32>, vector<2x512xf32>, vector<2x512xf32>, vector<2x512xf32>, vector<2x512xf32>, vector<2x512xf32>, vector<2x512xf32>, vector<2x512xf32>, vector<2x512xf32>, vector<2x512xf32>, vector<2x512xf32>, vector<2x512xf32>, vector<2x512xf32>, vector<2x512xf32>, vector<2x512xf32>, vector<2x512xf32>, vector<2x512xf32>, vector<2x512xf32>, vector<2x512xf32>, vector<2x512xf32>, vector<2x512xf32>, vector<2x512xf32>, vector<2x512xf32>, vector<2x512xf32>, vector<2x512xf32>, vector<2x512xf32>, vector<2x512xf32>, vector<2x512xf32>, vector<2x512xf32>, vector<2x512xf32>, vector<2x512xf32>, vector<2x512xf32>, vector<2x512xf32>, vector<2x512xf32>, vector<2x512xf32>, vector<2x512xf32>, vector<2x512xf32>, vector<2x512xf32>, vector<2x512xf32>, vector<2x512xf32>, vector<2x512xf32>, vector<2x512xf32>, vector<2x512xf32>, vector<2x512xf32>, vector<2x512xf32>, vector<2x512xf32>, vector<2x512xf32>, vector<2x512xf32>, vector<2x512xf32>, vector<2x512xf32>, vector<2x512xf32>, vector<2x512xf32>, vector<2x512xf32>, vector<2x512xf32>, vector<2x512xf32>, vector<2x512xf32>, vector<2x512xf32>, vector<2x512xf32>, vector<2x512xf32>, vector<2x512xf32>, vector<2x512xf32>, vector<2x512xf32>, vector<2x512xf32>, vector<2x512xf32>, vector<2x512xf32>, vector<2x512xf32>, vector<2x512xf32>, vector<2x512xf32>, vector<2x512xf32>, vector<2x512xf32>, vector<2x512xf32>, vector<2x512xf32>, vector<2x512xf32>, vector<2x512xf32>, vector<2x512xf32>, vector<2x512xf32>, vector<2x512xf32>, vector<2x512xf32>, vector<2x512xf32>, vector<2x512xf32>, vector<2x512xf32>, vector<2x512xf32>, vector<2x512xf32>, vector<2x512xf32>, vector<2x512xf32>, vector<2x512xf32>, vector<2x512xf32>, vector<2x512xf32>, vector<2x512xf32>, vector<2x512xf32>, vector<2x512xf32>, vector<2x512xf32>, vector<2x512xf32>, vector<2x512xf32>, vector<2x512xf32>, vector<2x512xf32>, vector<2x512xf32>, vector<2x512xf32>, vector<2x512xf32>, vector<2x512xf32>, vector<2x512xf32>, vector<2x512xf32>, vector<2x512xf32>, vector<2x512xf32>, vector<2x512xf32>, vector<2x512xf32>, vector<2x512xf32>, vector<2x512xf32>, vector<2x512xf32>, vector<2x512xf32>, vector<2x512xf32>, vector<2x512xf32>, vector<2x512xf32>, vector<2x512xf32>, vector<2x512xf32>, vector<2x512xf32>, vector<2x512xf32>, vector<2x512xf32>, vector<2x512xf32>, vector<2x512xf32>, vector<2x512xf32>, vector<2x512xf32>, vector<2x512xf32>, vector<2x512xf32>, vector<2x512xf32>, vector<2x512xf32>, vector<2x512xf32>, vector<2x512xf32>, vector<2x512xf32>, vector<2x512xf32>, vector<2x512xf32>, vector<2x512xf32>, vector<2x512xf32>, vector<2x512xf32>, vector<2x512xf32>, vector<2x512xf32>, vector<2x512xf32>, vector<2x512xf32>, vector<2x512xf32>, vector<2x512xf32>, vector<2x512xf32>, vector<2x512xf32>, vector<2x512xf32>, vector<2x512xf32>, vector<2x512xf32>, vector<2x512xf32>, vector<2x512xf32>, vector<2x512xf32>, vector<2x512xf32>, vector<2x512xf32>, vector<2x512xf32>, vector<2x512xf32>, vector<2x512xf32>, vector<2x512xf32>, vector<2x512xf32>, vector<2x512xf32>, vector<2x512xf32>, vector<2x512xf32>, vector<2x512xf32>, vector<2x512xf32>, vector<2x512xf32>, vector<2x512xf32>, vector<2x512xf32>, vector<2x512xf32>, vector<2x512xf32>, vector<2x512xf32>, vector<2x512xf32>, vector<2x512xf32>, vector<2x512xf32>, vector<2x512xf32>, vector<2x512xf32> -> vector<1904x512xf32>
    %add3A_16 = arith.addf %reshape3A_14, %tile3A_15 : vector<1904x512xf32>
    %broadcast_in_dim3A_17 = vector.shape_cast %add3A_16 : vector<1904x512xf32> to vector<1904x1x512xf32>
    %broadcast_in_dim3A_18 = vector.broadcast %broadcast_in_dim3A_17 : vector<1904x1x512xf32> to vector<1904x2x512xf32>
    %reshape3A_19 = vector.shape_cast %broadcast_in_dim3A_18 : vector<1904x2x512xf32> to vector<3808x512xf32>
    %tile3A_20 = tpu.concatenate %get3A_10, %get3A_10, %get3A_10, %get3A_10, %get3A_10, %get3A_10, %get3A_10, %get3A_10, %get3A_10, %get3A_10, %get3A_10, %get3A_10, %get3A_10, %get3A_10, %get3A_10, %get3A_10, %get3A_10, %get3A_10, %get3A_10, %get3A_10, %get3A_10, %get3A_10, %get3A_10, %get3A_10, %get3A_10, %get3A_10, %get3A_10, %get3A_10, %get3A_10, %get3A_10, %get3A_10, %get3A_10, %get3A_10, %get3A_10, %get3A_10, %get3A_10, %get3A_10, %get3A_10, %get3A_10, %get3A_10, %get3A_10, %get3A_10, %get3A_10, %get3A_10, %get3A_10, %get3A_10, %get3A_10, %get3A_10, %get3A_10, %get3A_10, %get3A_10, %get3A_10, %get3A_10, %get3A_10, %get3A_10, %get3A_10, %get3A_10, %get3A_10, %get3A_10, %get3A_10, %get3A_10, %get3A_10, %get3A_10, %get3A_10, %get3A_10, %get3A_10, %get3A_10, %get3A_10, %get3A_10, %get3A_10, %get3A_10, %get3A_10, %get3A_10, %get3A_10, %get3A_10, %get3A_10, %get3A_10, %get3A_10, %get3A_10, %get3A_10, %get3A_10, %get3A_10, %get3A_10, %get3A_10, %get3A_10, %get3A_10, %get3A_10, %get3A_10, %get3A_10, %get3A_10, %get3A_10, %get3A_10, %get3A_10, %get3A_10, %get3A_10, %get3A_10, %get3A_10, %get3A_10, %get3A_10, %get3A_10, %get3A_10, %get3A_10, %get3A_10, %get3A_10, %get3A_10, %get3A_10, %get3A_10, %get3A_10, %get3A_10, %get3A_10, %get3A_10, %get3A_10, %get3A_10, %get3A_10, %get3A_10, %get3A_10, %get3A_10, %get3A_10, %get3A_10, %get3A_10, %get3A_10, %get3A_10, %get3A_10, %get3A_10, %get3A_10, %get3A_10, %get3A_10, %get3A_10, %get3A_10, %get3A_10, %get3A_10, %get3A_10, %get3A_10, %get3A_10, %get3A_10, %get3A_10, %get3A_10, %get3A_10, %get3A_10, %get3A_10, %get3A_10, %get3A_10, %get3A_10, %get3A_10, %get3A_10, %get3A_10, %get3A_10, %get3A_10, %get3A_10, %get3A_10, %get3A_10, %get3A_10, %get3A_10, %get3A_10, %get3A_10, %get3A_10, %get3A_10, %get3A_10, %get3A_10, %get3A_10, %get3A_10, %get3A_10, %get3A_10, %get3A_10, %get3A_10, %get3A_10, %get3A_10, %get3A_10, %get3A_10, %get3A_10, %get3A_10, %get3A_10, %get3A_10, %get3A_10, %get3A_10, %get3A_10, %get3A_10, %get3A_10, %get3A_10, %get3A_10, %get3A_10, %get3A_10, %get3A_10, %get3A_10, %get3A_10, %get3A_10, %get3A_10, %get3A_10, %get3A_10, %get3A_10, %get3A_10, %get3A_10, %get3A_10, %get3A_10, %get3A_10, %get3A_10, %get3A_10, %get3A_10, %get3A_10, %get3A_10, %get3A_10, %get3A_10, %get3A_10, %get3A_10, %get3A_10, %get3A_10, %get3A_10, %get3A_10, %get3A_10, %get3A_10, %get3A_10, %get3A_10, %get3A_10, %get3A_10, %get3A_10, %get3A_10, %get3A_10, %get3A_10, %get3A_10, %get3A_10, %get3A_10, %get3A_10, %get3A_10, %get3A_10, %get3A_10, %get3A_10, %get3A_10, %get3A_10, %get3A_10, %get3A_10, %get3A_10, %get3A_10, %get3A_10, %get3A_10, %get3A_10, %get3A_10, %get3A_10, %get3A_10, %get3A_10, %get3A_10, %get3A_10, %get3A_10, %get3A_10, %get3A_10, %get3A_10, %get3A_10, %get3A_10, %get3A_10, %get3A_10, %get3A_10, %get3A_10, %get3A_10, %get3A_10, %get3A_10, %get3A_10, %get3A_10, %get3A_10, %get3A_10, %get3A_10, %get3A_10, %get3A_10, %get3A_10, %get3A_10, %get3A_10, %get3A_10, %get3A_10, %get3A_10, %get3A_10, %get3A_10, %get3A_10, %get3A_10, %get3A_10, %get3A_10, %get3A_10, %get3A_10, %get3A_10, %get3A_10, %get3A_10, %get3A_10, %get3A_10, %get3A_10, %get3A_10, %get3A_10, %get3A_10, %get3A_10, %get3A_10, %get3A_10, %get3A_10, %get3A_10, %get3A_10, %get3A_10, %get3A_10, %get3A_10, %get3A_10, %get3A_10, %get3A_10, %get3A_10, %get3A_10, %get3A_10, %get3A_10, %get3A_10, %get3A_10, %get3A_10, %get3A_10, %get3A_10, %get3A_10, %get3A_10, %get3A_10, %get3A_10, %get3A_10, %get3A_10, %get3A_10, %get3A_10, %get3A_10, %get3A_10, %get3A_10, %get3A_10, %get3A_10, %get3A_10, %get3A_10, %get3A_10, %get3A_10, %get3A_10, %get3A_10, %get3A_10, %get3A_10, %get3A_10, %get3A_10, %get3A_10, %get3A_10, %get3A_10, %get3A_10, %get3A_10, %get3A_10, %get3A_10, %get3A_10, %get3A_10, %get3A_10, %get3A_10, %get3A_10, %get3A_10, %get3A_10, %get3A_10, %get3A_10, %get3A_10, %get3A_10, %get3A_10, %get3A_10, %get3A_10, %get3A_10, %get3A_10, %get3A_10, %get3A_10, %get3A_10, %get3A_10, %get3A_10, %get3A_10, %get3A_10, %get3A_10, %get3A_10, %get3A_10, %get3A_10, %get3A_10, %get3A_10, %get3A_10, %get3A_10, %get3A_10, %get3A_10, %get3A_10, %get3A_10, %get3A_10, %get3A_10, %get3A_10, %get3A_10, %get3A_10, %get3A_10, %get3A_10, %get3A_10, %get3A_10, %get3A_10, %get3A_10, %get3A_10, %get3A_10, %get3A_10, %get3A_10, %get3A_10, %get3A_10, %get3A_10, %get3A_10, %get3A_10, %get3A_10, %get3A_10, %get3A_10, %get3A_10, %get3A_10, %get3A_10, %get3A_10, %get3A_10, %get3A_10, %get3A_10, %get3A_10, %get3A_10, %get3A_10, %get3A_10, %get3A_10, %get3A_10, %get3A_10, %get3A_10, %get3A_10, %get3A_10, %get3A_10, %get3A_10, %get3A_10, %get3A_10, %get3A_10, %get3A_10, %get3A_10, %get3A_10, %get3A_10, %get3A_10, %get3A_10, %get3A_10, %get3A_10, %get3A_10, %get3A_10, %get3A_10, %get3A_10, %get3A_10, %get3A_10, %get3A_10, %get3A_10, %get3A_10, %get3A_10, %get3A_10, %get3A_10, %get3A_10, %get3A_10, %get3A_10, %get3A_10, %get3A_10, %get3A_10, %get3A_10, %get3A_10, %get3A_10, %get3A_10, %get3A_10, %get3A_10, %get3A_10, %get3A_10, %get3A_10, %get3A_10, %get3A_10, %get3A_10, %get3A_10, %get3A_10, %get3A_10, %get3A_10, %get3A_10, %get3A_10, %get3A_10, %get3A_10, %get3A_10, %get3A_10, %get3A_10, %get3A_10, %get3A_10, %get3A_10, %get3A_10, %get3A_10, %get3A_10, %get3A_10, %get3A_10, %get3A_10, %get3A_10, %get3A_10, %get3A_10, %get3A_10, %get3A_10, %get3A_10, %get3A_10, %get3A_10, %get3A_10, %get3A_10, %get3A_10, %get3A_10, %get3A_10, %get3A_10, %get3A_10, %get3A_10, %get3A_10, %get3A_10, %get3A_10, %get3A_10, %get3A_10, %get3A_10, %get3A_10, %get3A_10, %get3A_10, %get3A_10, %get3A_10, %get3A_10, %get3A_10, %get3A_10, %get3A_10, %get3A_10, %get3A_10, %get3A_10, %get3A_10, %get3A_10, %get3A_10, %get3A_10, %get3A_10, %get3A_10, %get3A_10, %get3A_10, %get3A_10, %get3A_10, %get3A_10, %get3A_10, %get3A_10, %get3A_10, %get3A_10, %get3A_10, %get3A_10, %get3A_10, %get3A_10, %get3A_10, %get3A_10, %get3A_10, %get3A_10, %get3A_10, %get3A_10, %get3A_10, %get3A_10, %get3A_10, %get3A_10, %get3A_10, %get3A_10, %get3A_10, %get3A_10, %get3A_10, %get3A_10, %get3A_10, %get3A_10, %get3A_10, %get3A_10, %get3A_10, %get3A_10, %get3A_10, %get3A_10, %get3A_10, %get3A_10, %get3A_10, %get3A_10, %get3A_10, %get3A_10, %get3A_10, %get3A_10, %get3A_10, %get3A_10, %get3A_10, %get3A_10, %get3A_10, %get3A_10, %get3A_10, %get3A_10, %get3A_10, %get3A_10, %get3A_10, %get3A_10, %get3A_10, %get3A_10, %get3A_10, %get3A_10, %get3A_10, %get3A_10, %get3A_10, %get3A_10, %get3A_10, %get3A_10, %get3A_10, %get3A_10, %get3A_10, %get3A_10, %get3A_10, %get3A_10, %get3A_10, %get3A_10, %get3A_10, %get3A_10, %get3A_10, %get3A_10, %get3A_10, %get3A_10, %get3A_10, %get3A_10, %get3A_10, %get3A_10, %get3A_10, %get3A_10, %get3A_10, %get3A_10, %get3A_10, %get3A_10, %get3A_10, %get3A_10, %get3A_10, %get3A_10, %get3A_10, %get3A_10, %get3A_10, %get3A_10, %get3A_10, %get3A_10, %get3A_10, %get3A_10, %get3A_10, %get3A_10, %get3A_10, %get3A_10, %get3A_10, %get3A_10, %get3A_10, %get3A_10, %get3A_10, %get3A_10, %get3A_10, %get3A_10, %get3A_10, %get3A_10, %get3A_10, %get3A_10, %get3A_10, %get3A_10, %get3A_10, %get3A_10, %get3A_10, %get3A_10, %get3A_10, %get3A_10, %get3A_10, %get3A_10, %get3A_10, %get3A_10, %get3A_10, %get3A_10, %get3A_10, %get3A_10, %get3A_10, %get3A_10, %get3A_10, %get3A_10, %get3A_10, %get3A_10, %get3A_10, %get3A_10, %get3A_10, %get3A_10, %get3A_10, %get3A_10, %get3A_10, %get3A_10, %get3A_10, %get3A_10, %get3A_10, %get3A_10, %get3A_10, %get3A_10, %get3A_10, %get3A_10, %get3A_10, %get3A_10, %get3A_10, %get3A_10, %get3A_10, %get3A_10, %get3A_10, %get3A_10, %get3A_10, %get3A_10, %get3A_10, %get3A_10, %get3A_10, %get3A_10, %get3A_10, %get3A_10, %get3A_10, %get3A_10, %get3A_10, %get3A_10, %get3A_10, %get3A_10, %get3A_10, %get3A_10, %get3A_10, %get3A_10, %get3A_10, %get3A_10, %get3A_10, %get3A_10, %get3A_10, %get3A_10, %get3A_10, %get3A_10, %get3A_10, %get3A_10, %get3A_10, %get3A_10, %get3A_10, %get3A_10, %get3A_10, %get3A_10, %get3A_10, %get3A_10, %get3A_10, %get3A_10, %get3A_10, %get3A_10, %get3A_10, %get3A_10, %get3A_10, %get3A_10, %get3A_10, %get3A_10, %get3A_10, %get3A_10, %get3A_10, %get3A_10, %get3A_10, %get3A_10, %get3A_10, %get3A_10, %get3A_10, %get3A_10, %get3A_10, %get3A_10, %get3A_10, %get3A_10, %get3A_10, %get3A_10, %get3A_10, %get3A_10, %get3A_10, %get3A_10, %get3A_10, %get3A_10, %get3A_10, %get3A_10, %get3A_10, %get3A_10, %get3A_10, %get3A_10, %get3A_10, %get3A_10, %get3A_10, %get3A_10, %get3A_10, %get3A_10, %get3A_10, %get3A_10, %get3A_10, %get3A_10, %get3A_10, %get3A_10, %get3A_10, %get3A_10, %get3A_10, %get3A_10, %get3A_10, %get3A_10, %get3A_10, %get3A_10, %get3A_10, %get3A_10, %get3A_10, %get3A_10, %get3A_10, %get3A_10, %get3A_10, %get3A_10, %get3A_10, %get3A_10, %get3A_10, %get3A_10, %get3A_10, %get3A_10, %get3A_10, %get3A_10, %get3A_10, %get3A_10, %get3A_10, %get3A_10, %get3A_10, %get3A_10, %get3A_10, %get3A_10, %get3A_10, %get3A_10, %get3A_10, %get3A_10, %get3A_10, %get3A_10, %get3A_10, %get3A_10, %get3A_10, %get3A_10, %get3A_10, %get3A_10, %get3A_10, %get3A_10, %get3A_10, %get3A_10, %get3A_10, %get3A_10, %get3A_10, %get3A_10, %get3A_10, %get3A_10, %get3A_10, %get3A_10, %get3A_10, %get3A_10, %get3A_10, %get3A_10, %get3A_10, %get3A_10, %get3A_10, %get3A_10, %get3A_10, %get3A_10, %get3A_10, %get3A_10, %get3A_10, %get3A_10, %get3A_10, %get3A_10, %get3A_10, %get3A_10, %get3A_10, %get3A_10, %get3A_10, %get3A_10, %get3A_10, %get3A_10, %get3A_10, %get3A_10, %get3A_10, %get3A_10, %get3A_10, %get3A_10, %get3A_10, %get3A_10, %get3A_10, %get3A_10, %get3A_10, %get3A_10, %get3A_10, %get3A_10, %get3A_10, %get3A_10, %get3A_10, %get3A_10, %get3A_10, %get3A_10, %get3A_10, %get3A_10, %get3A_10, %get3A_10, %get3A_10, %get3A_10, %get3A_10, %get3A_10, %get3A_10, %get3A_10, %get3A_10, %get3A_10, %get3A_10, %get3A_10, %get3A_10, %get3A_10, %get3A_10, %get3A_10, %get3A_10, %get3A_10, %get3A_10, %get3A_10, %get3A_10, %get3A_10, %get3A_10, %get3A_10, %get3A_10, %get3A_10, %get3A_10, %get3A_10, %get3A_10, %get3A_10, %get3A_10, %get3A_10, %get3A_10, %get3A_10, %get3A_10, %get3A_10, %get3A_10, %get3A_10, %get3A_10, %get3A_10, %get3A_10, %get3A_10, %get3A_10, %get3A_10, %get3A_10, %get3A_10, %get3A_10, %get3A_10, %get3A_10, %get3A_10, %get3A_10, %get3A_10, %get3A_10, %get3A_10, %get3A_10, %get3A_10, %get3A_10, %get3A_10, %get3A_10, %get3A_10, %get3A_10, %get3A_10, %get3A_10, %get3A_10, %get3A_10, %get3A_10, %get3A_10, %get3A_10, %get3A_10, %get3A_10, %get3A_10, %get3A_10, %get3A_10, %get3A_10, %get3A_10, %get3A_10, %get3A_10, %get3A_10, %get3A_10, %get3A_10, %get3A_10, %get3A_10, %get3A_10, %get3A_10, %get3A_10, %get3A_10, %get3A_10, %get3A_10, %get3A_10, %get3A_10, %get3A_10, %get3A_10, %get3A_10, %get3A_10, %get3A_10, %get3A_10, %get3A_10, %get3A_10, %get3A_10, %get3A_10, %get3A_10, %get3A_10, %get3A_10, %get3A_10, %get3A_10, %get3A_10, %get3A_10, %get3A_10, %get3A_10, %get3A_10, %get3A_10, %get3A_10, %get3A_10, %get3A_10, %get3A_10, %get3A_10, %get3A_10, %get3A_10, %get3A_10, %get3A_10, %get3A_10, %get3A_10, %get3A_10, %get3A_10, %get3A_10, %get3A_10, %get3A_10, %get3A_10, %get3A_10, %get3A_10, %get3A_10, %get3A_10, %get3A_10, %get3A_10, %get3A_10, %get3A_10, %get3A_10, %get3A_10, %get3A_10, %get3A_10, %get3A_10, %get3A_10, %get3A_10, %get3A_10, %get3A_10, %get3A_10, %get3A_10, %get3A_10, %get3A_10, %get3A_10, %get3A_10, %get3A_10, %get3A_10, %get3A_10, %get3A_10, %get3A_10, %get3A_10, %get3A_10, %get3A_10, %get3A_10, %get3A_10, %get3A_10, %get3A_10, %get3A_10, %get3A_10, %get3A_10, %get3A_10, %get3A_10, %get3A_10, %get3A_10, %get3A_10, %get3A_10, %get3A_10, %get3A_10, %get3A_10, %get3A_10, %get3A_10, %get3A_10, %get3A_10, %get3A_10, %get3A_10, %get3A_10, %get3A_10, %get3A_10, %get3A_10, %get3A_10, %get3A_10, %get3A_10, %get3A_10, %get3A_10, %get3A_10, %get3A_10, %get3A_10, %get3A_10, %get3A_10, %get3A_10, %get3A_10, %get3A_10, %get3A_10, %get3A_10, %get3A_10, %get3A_10, %get3A_10, %get3A_10, %get3A_10, %get3A_10, %get3A_10, %get3A_10, %get3A_10, %get3A_10, %get3A_10, %get3A_10, %get3A_10, %get3A_10, %get3A_10, %get3A_10, %get3A_10, %get3A_10, %get3A_10, %get3A_10, %get3A_10, %get3A_10, %get3A_10, %get3A_10, %get3A_10, %get3A_10, %get3A_10, %get3A_10, %get3A_10, %get3A_10, %get3A_10, %get3A_10, %get3A_10, %get3A_10, %get3A_10, %get3A_10, %get3A_10, %get3A_10, %get3A_10, %get3A_10, %get3A_10, %get3A_10, %get3A_10, %get3A_10, %get3A_10, %get3A_10, %get3A_10, %get3A_10, %get3A_10, %get3A_10, %get3A_10, %get3A_10, %get3A_10, %get3A_10, %get3A_10, %get3A_10, %get3A_10, %get3A_10, %get3A_10, %get3A_10, %get3A_10, %get3A_10, %get3A_10, %get3A_10, %get3A_10, %get3A_10, %get3A_10, %get3A_10, %get3A_10, %get3A_10, %get3A_10, %get3A_10, %get3A_10, %get3A_10, %get3A_10, %get3A_10, %get3A_10, %get3A_10, %get3A_10, %get3A_10, %get3A_10, %get3A_10, %get3A_10, %get3A_10, %get3A_10, %get3A_10, %get3A_10, %get3A_10, %get3A_10, %get3A_10, %get3A_10, %get3A_10, %get3A_10, %get3A_10, %get3A_10, %get3A_10, %get3A_10, %get3A_10, %get3A_10, %get3A_10, %get3A_10, %get3A_10, %get3A_10, %get3A_10, %get3A_10, %get3A_10, %get3A_10, %get3A_10, %get3A_10, %get3A_10, %get3A_10, %get3A_10, %get3A_10, %get3A_10, %get3A_10, %get3A_10, %get3A_10, %get3A_10, %get3A_10, %get3A_10, %get3A_10, %get3A_10, %get3A_10, %get3A_10, %get3A_10, %get3A_10, %get3A_10, %get3A_10, %get3A_10, %get3A_10, %get3A_10, %get3A_10, %get3A_10, %get3A_10, %get3A_10, %get3A_10, %get3A_10, %get3A_10, %get3A_10, %get3A_10, %get3A_10, %get3A_10, %get3A_10, %get3A_10, %get3A_10, %get3A_10, %get3A_10, %get3A_10, %get3A_10, %get3A_10, %get3A_10, %get3A_10, %get3A_10, %get3A_10, %get3A_10, %get3A_10, %get3A_10, %get3A_10, %get3A_10, %get3A_10, %get3A_10, %get3A_10, %get3A_10, %get3A_10, %get3A_10, %get3A_10, %get3A_10, %get3A_10, %get3A_10, %get3A_10, %get3A_10, %get3A_10, %get3A_10, %get3A_10, %get3A_10, %get3A_10, %get3A_10, %get3A_10, %get3A_10, %get3A_10, %get3A_10, %get3A_10, %get3A_10, %get3A_10, %get3A_10, %get3A_10, %get3A_10, %get3A_10, %get3A_10, %get3A_10, %get3A_10, %get3A_10, %get3A_10, %get3A_10, %get3A_10, %get3A_10, %get3A_10, %get3A_10, %get3A_10, %get3A_10, %get3A_10, %get3A_10, %get3A_10, %get3A_10, %get3A_10, %get3A_10, %get3A_10, %get3A_10, %get3A_10, %get3A_10, %get3A_10, %get3A_10, %get3A_10, %get3A_10, %get3A_10, %get3A_10, %get3A_10, %get3A_10, %get3A_10, %get3A_10, %get3A_10, %get3A_10, %get3A_10, %get3A_10, %get3A_10, %get3A_10, %get3A_10, %get3A_10, %get3A_10, %get3A_10, %get3A_10, %get3A_10, %get3A_10, %get3A_10, %get3A_10, %get3A_10, %get3A_10, %get3A_10, %get3A_10, %get3A_10, %get3A_10, %get3A_10, %get3A_10, %get3A_10, %get3A_10, %get3A_10, %get3A_10, %get3A_10, %get3A_10, %get3A_10, %get3A_10, %get3A_10, %get3A_10, %get3A_10, %get3A_10, %get3A_10, %get3A_10, %get3A_10, %get3A_10, %get3A_10, %get3A_10, %get3A_10, %get3A_10, %get3A_10, %get3A_10, %get3A_10, %get3A_10, %get3A_10, %get3A_10, %get3A_10, %get3A_10, %get3A_10, %get3A_10, %get3A_10, %get3A_10, %get3A_10, %get3A_10, %get3A_10, %get3A_10, %get3A_10, %get3A_10, %get3A_10, %get3A_10, %get3A_10, %get3A_10, %get3A_10, %get3A_10, %get3A_10, %get3A_10, %get3A_10, %get3A_10, %get3A_10, %get3A_10, %get3A_10, %get3A_10, %get3A_10, %get3A_10, %get3A_10, %get3A_10, %get3A_10, %get3A_10, %get3A_10, %get3A_10, %get3A_10, %get3A_10, %get3A_10, %get3A_10, %get3A_10, %get3A_10, %get3A_10, %get3A_10, %get3A_10, %get3A_10, %get3A_10, %get3A_10, %get3A_10, %get3A_10, %get3A_10, %get3A_10, %get3A_10, %get3A_10, %get3A_10, %get3A_10, %get3A_10, %get3A_10, %get3A_10, %get3A_10, %get3A_10, %get3A_10, %get3A_10, %get3A_10, %get3A_10, %get3A_10, %get3A_10, %get3A_10, %get3A_10, %get3A_10, %get3A_10, %get3A_10, %get3A_10, %get3A_10, %get3A_10, %get3A_10, %get3A_10, %get3A_10, %get3A_10, %get3A_10, %get3A_10, %get3A_10, %get3A_10, %get3A_10, %get3A_10, %get3A_10, %get3A_10, %get3A_10, %get3A_10, %get3A_10, %get3A_10, %get3A_10, %get3A_10, %get3A_10, %get3A_10, %get3A_10, %get3A_10, %get3A_10, %get3A_10, %get3A_10, %get3A_10, %get3A_10, %get3A_10, %get3A_10, %get3A_10, %get3A_10, %get3A_10, %get3A_10, %get3A_10, %get3A_10, %get3A_10, %get3A_10, %get3A_10, %get3A_10, %get3A_10, %get3A_10, %get3A_10, %get3A_10, %get3A_10, %get3A_10, %get3A_10, %get3A_10, %get3A_10, %get3A_10, %get3A_10, %get3A_10, %get3A_10, %get3A_10, %get3A_10, %get3A_10, %get3A_10, %get3A_10, %get3A_10, %get3A_10, %get3A_10, %get3A_10, %get3A_10, %get3A_10, %get3A_10, %get3A_10, %get3A_10, %get3A_10, %get3A_10, %get3A_10, %get3A_10, %get3A_10, %get3A_10, %get3A_10, %get3A_10, %get3A_10, %get3A_10, %get3A_10, %get3A_10, %get3A_10, %get3A_10, %get3A_10, %get3A_10, %get3A_10, %get3A_10, %get3A_10, %get3A_10, %get3A_10, %get3A_10, %get3A_10, %get3A_10, %get3A_10, %get3A_10, %get3A_10, %get3A_10, %get3A_10, %get3A_10, %get3A_10, %get3A_10, %get3A_10, %get3A_10, %get3A_10, %get3A_10, %get3A_10, %get3A_10, %get3A_10, %get3A_10, %get3A_10, %get3A_10, %get3A_10, %get3A_10, %get3A_10, %get3A_10, %get3A_10, %get3A_10, %get3A_10, %get3A_10, %get3A_10, %get3A_10, %get3A_10, %get3A_10, %get3A_10, %get3A_10, %get3A_10, %get3A_10, %get3A_10, %get3A_10, %get3A_10, %get3A_10, %get3A_10, %get3A_10, %get3A_10, %get3A_10, %get3A_10, %get3A_10, %get3A_10, %get3A_10, %get3A_10, %get3A_10, %get3A_10, %get3A_10, %get3A_10, %get3A_10, %get3A_10, %get3A_10, %get3A_10, %get3A_10, %get3A_10, %get3A_10, %get3A_10, %get3A_10, %get3A_10, %get3A_10, %get3A_10, %get3A_10, %get3A_10, %get3A_10, %get3A_10, %get3A_10, %get3A_10, %get3A_10, %get3A_10, %get3A_10, %get3A_10, %get3A_10, %get3A_10, %get3A_10, %get3A_10, %get3A_10, %get3A_10, %get3A_10, %get3A_10, %get3A_10, %get3A_10, %get3A_10, %get3A_10, %get3A_10, %get3A_10, %get3A_10, %get3A_10, %get3A_10, %get3A_10, %get3A_10, %get3A_10, %get3A_10, %get3A_10, %get3A_10, %get3A_10, %get3A_10, %get3A_10, %get3A_10, %get3A_10, %get3A_10, %get3A_10, %get3A_10, %get3A_10, %get3A_10, %get3A_10, %get3A_10, %get3A_10, %get3A_10, %get3A_10, %get3A_10, %get3A_10, %get3A_10, %get3A_10, %get3A_10, %get3A_10, %get3A_10, %get3A_10, %get3A_10, %get3A_10, %get3A_10, %get3A_10, %get3A_10, %get3A_10, %get3A_10, %get3A_10, %get3A_10, %get3A_10, %get3A_10, %get3A_10, %get3A_10, %get3A_10, %get3A_10, %get3A_10, %get3A_10, %get3A_10, %get3A_10, %get3A_10, %get3A_10, %get3A_10, %get3A_10, %get3A_10, %get3A_10, %get3A_10, %get3A_10, %get3A_10, %get3A_10, %get3A_10, %get3A_10, %get3A_10, %get3A_10, %get3A_10, %get3A_10, %get3A_10, %get3A_10, %get3A_10, %get3A_10, %get3A_10, %get3A_10, %get3A_10, %get3A_10, %get3A_10, %get3A_10, %get3A_10, %get3A_10, %get3A_10, %get3A_10, %get3A_10, %get3A_10, %get3A_10, %get3A_10, %get3A_10, %get3A_10, %get3A_10, %get3A_10, %get3A_10, %get3A_10, %get3A_10, %get3A_10, %get3A_10, %get3A_10, %get3A_10, %get3A_10, %get3A_10, %get3A_10, %get3A_10, %get3A_10, %get3A_10, %get3A_10, %get3A_10, %get3A_10, %get3A_10, %get3A_10, %get3A_10, %get3A_10, %get3A_10, %get3A_10, %get3A_10, %get3A_10, %get3A_10, %get3A_10, %get3A_10, %get3A_10, %get3A_10, %get3A_10, %get3A_10, %get3A_10, %get3A_10, %get3A_10, %get3A_10, %get3A_10, %get3A_10, %get3A_10, %get3A_10, %get3A_10, %get3A_10, %get3A_10, %get3A_10, %get3A_10, %get3A_10, %get3A_10, %get3A_10, %get3A_10, %get3A_10, %get3A_10, %get3A_10, %get3A_10, %get3A_10, %get3A_10, %get3A_10, %get3A_10, %get3A_10, %get3A_10, %get3A_10, %get3A_10, %get3A_10, %get3A_10, %get3A_10, %get3A_10, %get3A_10, %get3A_10, %get3A_10, %get3A_10, %get3A_10, %get3A_10, %get3A_10, %get3A_10, %get3A_10, %get3A_10, %get3A_10, %get3A_10, %get3A_10, %get3A_10, %get3A_10, %get3A_10, %get3A_10, %get3A_10, %get3A_10, %get3A_10, %get3A_10, %get3A_10, %get3A_10, %get3A_10, %get3A_10, %get3A_10, %get3A_10, %get3A_10, %get3A_10, %get3A_10, %get3A_10, %get3A_10, %get3A_10, %get3A_10, %get3A_10, %get3A_10, %get3A_10, %get3A_10, %get3A_10, %get3A_10, %get3A_10, %get3A_10, %get3A_10, %get3A_10, %get3A_10, %get3A_10, %get3A_10, %get3A_10, %get3A_10, %get3A_10, %get3A_10, %get3A_10, %get3A_10, %get3A_10, %get3A_10, %get3A_10, %get3A_10, %get3A_10, %get3A_10, %get3A_10, %get3A_10, %get3A_10, %get3A_10, %get3A_10, %get3A_10, %get3A_10, %get3A_10, %get3A_10, %get3A_10, %get3A_10, %get3A_10, %get3A_10, %get3A_10, %get3A_10, %get3A_10, %get3A_10, %get3A_10, %get3A_10, %get3A_10, %get3A_10, %get3A_10, %get3A_10, %get3A_10, %get3A_10, %get3A_10, %get3A_10, %get3A_10, %get3A_10, %get3A_10, %get3A_10, %get3A_10, %get3A_10, %get3A_10, %get3A_10, %get3A_10, %get3A_10, %get3A_10, %get3A_10, %get3A_10, %get3A_10, %get3A_10, %get3A_10, %get3A_10, %get3A_10, %get3A_10, %get3A_10, %get3A_10, %get3A_10, %get3A_10, %get3A_10, %get3A_10, %get3A_10, %get3A_10, %get3A_10, %get3A_10, %get3A_10, %get3A_10, %get3A_10, %get3A_10, %get3A_10, %get3A_10, %get3A_10, %get3A_10, %get3A_10, %get3A_10, %get3A_10, %get3A_10, %get3A_10, %get3A_10, %get3A_10, %get3A_10, %get3A_10, %get3A_10, %get3A_10, %get3A_10, %get3A_10, %get3A_10, %get3A_10, %get3A_10, %get3A_10, %get3A_10, %get3A_10, %get3A_10, %get3A_10, %get3A_10, %get3A_10, %get3A_10, %get3A_10, %get3A_10, %get3A_10, %get3A_10, %get3A_10, %get3A_10, %get3A_10, %get3A_10, %get3A_10, %get3A_10, %get3A_10, %get3A_10, %get3A_10, %get3A_10, %get3A_10, %get3A_10, %get3A_10, %get3A_10, %get3A_10 in 0 : vector<2x512xf32>, vector<2x512xf32>, vector<2x512xf32>, vector<2x512xf32>, vector<2x512xf32>, vector<2x512xf32>, vector<2x512xf32>, vector<2x512xf32>, vector<2x512xf32>, vector<2x512xf32>, vector<2x512xf32>, vector<2x512xf32>, vector<2x512xf32>, vector<2x512xf32>, vector<2x512xf32>, vector<2x512xf32>, vector<2x512xf32>, vector<2x512xf32>, vector<2x512xf32>, vector<2x512xf32>, vector<2x512xf32>, vector<2x512xf32>, vector<2x512xf32>, vector<2x512xf32>, vector<2x512xf32>, vector<2x512xf32>, vector<2x512xf32>, vector<2x512xf32>, vector<2x512xf32>, vector<2x512xf32>, vector<2x512xf32>, vector<2x512xf32>, vector<2x512xf32>, vector<2x512xf32>, vector<2x512xf32>, vector<2x512xf32>, vector<2x512xf32>, vector<2x512xf32>, vector<2x512xf32>, vector<2x512xf32>, vector<2x512xf32>, vector<2x512xf32>, vector<2x512xf32>, vector<2x512xf32>, vector<2x512xf32>, vector<2x512xf32>, vector<2x512xf32>, vector<2x512xf32>, vector<2x512xf32>, vector<2x512xf32>, vector<2x512xf32>, vector<2x512xf32>, vector<2x512xf32>, vector<2x512xf32>, vector<2x512xf32>, vector<2x512xf32>, vector<2x512xf32>, vector<2x512xf32>, vector<2x512xf32>, vector<2x512xf32>, vector<2x512xf32>, vector<2x512xf32>, vector<2x512xf32>, vector<2x512xf32>, vector<2x512xf32>, vector<2x512xf32>, vector<2x512xf32>, vector<2x512xf32>, vector<2x512xf32>, vector<2x512xf32>, vector<2x512xf32>, vector<2x512xf32>, vector<2x512xf32>, vector<2x512xf32>, vector<2x512xf32>, vector<2x512xf32>, vector<2x512xf32>, vector<2x512xf32>, vector<2x512xf32>, vector<2x512xf32>, vector<2x512xf32>, vector<2x512xf32>, vector<2x512xf32>, vector<2x512xf32>, vector<2x512xf32>, vector<2x512xf32>, vector<2x512xf32>, vector<2x512xf32>, vector<2x512xf32>, vector<2x512xf32>, vector<2x512xf32>, vector<2x512xf32>, vector<2x512xf32>, vector<2x512xf32>, vector<2x512xf32>, vector<2x512xf32>, vector<2x512xf32>, vector<2x512xf32>, vector<2x512xf32>, vector<2x512xf32>, vector<2x512xf32>, vector<2x512xf32>, vector<2x512xf32>, vector<2x512xf32>, vector<2x512xf32>, vector<2x512xf32>, vector<2x512xf32>, vector<2x512xf32>, vector<2x512xf32>, vector<2x512xf32>, vector<2x512xf32>, vector<2x512xf32>, vector<2x512xf32>, vector<2x512xf32>, vector<2x512xf32>, vector<2x512xf32>, vector<2x512xf32>, vector<2x512xf32>, vector<2x512xf32>, vector<2x512xf32>, vector<2x512xf32>, vector<2x512xf32>, vector<2x512xf32>, vector<2x512xf32>, vector<2x512xf32>, vector<2x512xf32>, vector<2x512xf32>, vector<2x512xf32>, vector<2x512xf32>, vector<2x512xf32>, vector<2x512xf32>, vector<2x512xf32>, vector<2x512xf32>, vector<2x512xf32>, vector<2x512xf32>, vector<2x512xf32>, vector<2x512xf32>, vector<2x512xf32>, vector<2x512xf32>, vector<2x512xf32>, vector<2x512xf32>, vector<2x512xf32>, vector<2x512xf32>, vector<2x512xf32>, vector<2x512xf32>, vector<2x512xf32>, vector<2x512xf32>, vector<2x512xf32>, vector<2x512xf32>, vector<2x512xf32>, vector<2x512xf32>, vector<2x512xf32>, vector<2x512xf32>, vector<2x512xf32>, vector<2x512xf32>, vector<2x512xf32>, vector<2x512xf32>, vector<2x512xf32>, vector<2x512xf32>, vector<2x512xf32>, vector<2x512xf32>, vector<2x512xf32>, vector<2x512xf32>, vector<2x512xf32>, vector<2x512xf32>, vector<2x512xf32>, vector<2x512xf32>, vector<2x512xf32>, vector<2x512xf32>, vector<2x512xf32>, vector<2x512xf32>, vector<2x512xf32>, vector<2x512xf32>, vector<2x512xf32>, vector<2x512xf32>, vector<2x512xf32>, vector<2x512xf32>, vector<2x512xf32>, vector<2x512xf32>, vector<2x512xf32>, vector<2x512xf32>, vector<2x512xf32>, vector<2x512xf32>, vector<2x512xf32>, vector<2x512xf32>, vector<2x512xf32>, vector<2x512xf32>, vector<2x512xf32>, vector<2x512xf32>, vector<2x512xf32>, vector<2x512xf32>, vector<2x512xf32>, vector<2x512xf32>, vector<2x512xf32>, vector<2x512xf32>, vector<2x512xf32>, vector<2x512xf32>, vector<2x512xf32>, vector<2x512xf32>, vector<2x512xf32>, vector<2x512xf32>, vector<2x512xf32>, vector<2x512xf32>, vector<2x512xf32>, vector<2x512xf32>, vector<2x512xf32>, vector<2x512xf32>, vector<2x512xf32>, vector<2x512xf32>, vector<2x512xf32>, vector<2x512xf32>, vector<2x512xf32>, vector<2x512xf32>, vector<2x512xf32>, vector<2x512xf32>, vector<2x512xf32>, vector<2x512xf32>, vector<2x512xf32>, vector<2x512xf32>, vector<2x512xf32>, vector<2x512xf32>, vector<2x512xf32>, vector<2x512xf32>, vector<2x512xf32>, vector<2x512xf32>, vector<2x512xf32>, vector<2x512xf32>, vector<2x512xf32>, vector<2x512xf32>, vector<2x512xf32>, vector<2x512xf32>, vector<2x512xf32>, vector<2x512xf32>, vector<2x512xf32>, vector<2x512xf32>, vector<2x512xf32>, vector<2x512xf32>, vector<2x512xf32>, vector<2x512xf32>, vector<2x512xf32>, vector<2x512xf32>, vector<2x512xf32>, vector<2x512xf32>, vector<2x512xf32>, vector<2x512xf32>, vector<2x512xf32>, vector<2x512xf32>, vector<2x512xf32>, vector<2x512xf32>, vector<2x512xf32>, vector<2x512xf32>, vector<2x512xf32>, vector<2x512xf32>, vector<2x512xf32>, vector<2x512xf32>, vector<2x512xf32>, vector<2x512xf32>, vector<2x512xf32>, vector<2x512xf32>, vector<2x512xf32>, vector<2x512xf32>, vector<2x512xf32>, vector<2x512xf32>, vector<2x512xf32>, vector<2x512xf32>, vector<2x512xf32>, vector<2x512xf32>, vector<2x512xf32>, vector<2x512xf32>, vector<2x512xf32>, vector<2x512xf32>, vector<2x512xf32>, vector<2x512xf32>, vector<2x512xf32>, vector<2x512xf32>, vector<2x512xf32>, vector<2x512xf32>, vector<2x512xf32>, vector<2x512xf32>, vector<2x512xf32>, vector<2x512xf32>, vector<2x512xf32>, vector<2x512xf32>, vector<2x512xf32>, vector<2x512xf32>, vector<2x512xf32>, vector<2x512xf32>, vector<2x512xf32>, vector<2x512xf32>, vector<2x512xf32>, vector<2x512xf32>, vector<2x512xf32>, vector<2x512xf32>, vector<2x512xf32>, vector<2x512xf32>, vector<2x512xf32>, vector<2x512xf32>, vector<2x512xf32>, vector<2x512xf32>, vector<2x512xf32>, vector<2x512xf32>, vector<2x512xf32>, vector<2x512xf32>, vector<2x512xf32>, vector<2x512xf32>, vector<2x512xf32>, vector<2x512xf32>, vector<2x512xf32>, vector<2x512xf32>, vector<2x512xf32>, vector<2x512xf32>, vector<2x512xf32>, vector<2x512xf32>, vector<2x512xf32>, vector<2x512xf32>, vector<2x512xf32>, vector<2x512xf32>, vector<2x512xf32>, vector<2x512xf32>, vector<2x512xf32>, vector<2x512xf32>, vector<2x512xf32>, vector<2x512xf32>, vector<2x512xf32>, vector<2x512xf32>, vector<2x512xf32>, vector<2x512xf32>, vector<2x512xf32>, vector<2x512xf32>, vector<2x512xf32>, vector<2x512xf32>, vector<2x512xf32>, vector<2x512xf32>, vector<2x512xf32>, vector<2x512xf32>, vector<2x512xf32>, vector<2x512xf32>, vector<2x512xf32>, vector<2x512xf32>, vector<2x512xf32>, vector<2x512xf32>, vector<2x512xf32>, vector<2x512xf32>, vector<2x512xf32>, vector<2x512xf32>, vector<2x512xf32>, vector<2x512xf32>, vector<2x512xf32>, vector<2x512xf32>, vector<2x512xf32>, vector<2x512xf32>, vector<2x512xf32>, vector<2x512xf32>, vector<2x512xf32>, vector<2x512xf32>, vector<2x512xf32>, vector<2x512xf32>, vector<2x512xf32>, vector<2x512xf32>, vector<2x512xf32>, vector<2x512xf32>, vector<2x512xf32>, vector<2x512xf32>, vector<2x512xf32>, vector<2x512xf32>, vector<2x512xf32>, vector<2x512xf32>, vector<2x512xf32>, vector<2x512xf32>, vector<2x512xf32>, vector<2x512xf32>, vector<2x512xf32>, vector<2x512xf32>, vector<2x512xf32>, vector<2x512xf32>, vector<2x512xf32>, vector<2x512xf32>, vector<2x512xf32>, vector<2x512xf32>, vector<2x512xf32>, vector<2x512xf32>, vector<2x512xf32>, vector<2x512xf32>, vector<2x512xf32>, vector<2x512xf32>, vector<2x512xf32>, vector<2x512xf32>, vector<2x512xf32>, vector<2x512xf32>, vector<2x512xf32>, vector<2x512xf32>, vector<2x512xf32>, vector<2x512xf32>, vector<2x512xf32>, vector<2x512xf32>, vector<2x512xf32>, vector<2x512xf32>, vector<2x512xf32>, vector<2x512xf32>, vector<2x512xf32>, vector<2x512xf32>, vector<2x512xf32>, vector<2x512xf32>, vector<2x512xf32>, vector<2x512xf32>, vector<2x512xf32>, vector<2x512xf32>, vector<2x512xf32>, vector<2x512xf32>, vector<2x512xf32>, vector<2x512xf32>, vector<2x512xf32>, vector<2x512xf32>, vector<2x512xf32>, vector<2x512xf32>, vector<2x512xf32>, vector<2x512xf32>, vector<2x512xf32>, vector<2x512xf32>, vector<2x512xf32>, vector<2x512xf32>, vector<2x512xf32>, vector<2x512xf32>, vector<2x512xf32>, vector<2x512xf32>, vector<2x512xf32>, vector<2x512xf32>, vector<2x512xf32>, vector<2x512xf32>, vector<2x512xf32>, vector<2x512xf32>, vector<2x512xf32>, vector<2x512xf32>, vector<2x512xf32>, vector<2x512xf32>, vector<2x512xf32>, vector<2x512xf32>, vector<2x512xf32>, vector<2x512xf32>, vector<2x512xf32>, vector<2x512xf32>, vector<2x512xf32>, vector<2x512xf32>, vector<2x512xf32>, vector<2x512xf32>, vector<2x512xf32>, vector<2x512xf32>, vector<2x512xf32>, vector<2x512xf32>, vector<2x512xf32>, vector<2x512xf32>, vector<2x512xf32>, vector<2x512xf32>, vector<2x512xf32>, vector<2x512xf32>, vector<2x512xf32>, vector<2x512xf32>, vector<2x512xf32>, vector<2x512xf32>, vector<2x512xf32>, vector<2x512xf32>, vector<2x512xf32>, vector<2x512xf32>, vector<2x512xf32>, vector<2x512xf32>, vector<2x512xf32>, vector<2x512xf32>, vector<2x512xf32>, vector<2x512xf32>, vector<2x512xf32>, vector<2x512xf32>, vector<2x512xf32>, vector<2x512xf32>, vector<2x512xf32>, vector<2x512xf32>, vector<2x512xf32>, vector<2x512xf32>, vector<2x512xf32>, vector<2x512xf32>, vector<2x512xf32>, vector<2x512xf32>, vector<2x512xf32>, vector<2x512xf32>, vector<2x512xf32>, vector<2x512xf32>, vector<2x512xf32>, vector<2x512xf32>, vector<2x512xf32>, vector<2x512xf32>, vector<2x512xf32>, vector<2x512xf32>, vector<2x512xf32>, vector<2x512xf32>, vector<2x512xf32>, vector<2x512xf32>, vector<2x512xf32>, vector<2x512xf32>, vector<2x512xf32>, vector<2x512xf32>, vector<2x512xf32>, vector<2x512xf32>, vector<2x512xf32>, vector<2x512xf32>, vector<2x512xf32>, vector<2x512xf32>, vector<2x512xf32>, vector<2x512xf32>, vector<2x512xf32>, vector<2x512xf32>, vector<2x512xf32>, vector<2x512xf32>, vector<2x512xf32>, vector<2x512xf32>, vector<2x512xf32>, vector<2x512xf32>, vector<2x512xf32>, vector<2x512xf32>, vector<2x512xf32>, vector<2x512xf32>, vector<2x512xf32>, vector<2x512xf32>, vector<2x512xf32>, vector<2x512xf32>, vector<2x512xf32>, vector<2x512xf32>, vector<2x512xf32>, vector<2x512xf32>, vector<2x512xf32>, vector<2x512xf32>, vector<2x512xf32>, vector<2x512xf32>, vector<2x512xf32>, vector<2x512xf32>, vector<2x512xf32>, vector<2x512xf32>, vector<2x512xf32>, vector<2x512xf32>, vector<2x512xf32>, vector<2x512xf32>, vector<2x512xf32>, vector<2x512xf32>, vector<2x512xf32>, vector<2x512xf32>, vector<2x512xf32>, vector<2x512xf32>, vector<2x512xf32>, vector<2x512xf32>, vector<2x512xf32>, vector<2x512xf32>, vector<2x512xf32>, vector<2x512xf32>, vector<2x512xf32>, vector<2x512xf32>, vector<2x512xf32>, vector<2x512xf32>, vector<2x512xf32>, vector<2x512xf32>, vector<2x512xf32>, vector<2x512xf32>, vector<2x512xf32>, vector<2x512xf32>, vector<2x512xf32>, vector<2x512xf32>, vector<2x512xf32>, vector<2x512xf32>, vector<2x512xf32>, vector<2x512xf32>, vector<2x512xf32>, vector<2x512xf32>, vector<2x512xf32>, vector<2x512xf32>, vector<2x512xf32>, vector<2x512xf32>, vector<2x512xf32>, vector<2x512xf32>, vector<2x512xf32>, vector<2x512xf32>, vector<2x512xf32>, vector<2x512xf32>, vector<2x512xf32>, vector<2x512xf32>, vector<2x512xf32>, vector<2x512xf32>, vector<2x512xf32>, vector<2x512xf32>, vector<2x512xf32>, vector<2x512xf32>, vector<2x512xf32>, vector<2x512xf32>, vector<2x512xf32>, vector<2x512xf32>, vector<2x512xf32>, vector<2x512xf32>, vector<2x512xf32>, vector<2x512xf32>, vector<2x512xf32>, vector<2x512xf32>, vector<2x512xf32>, vector<2x512xf32>, vector<2x512xf32>, vector<2x512xf32>, vector<2x512xf32>, vector<2x512xf32>, vector<2x512xf32>, vector<2x512xf32>, vector<2x512xf32>, vector<2x512xf32>, vector<2x512xf32>, vector<2x512xf32>, vector<2x512xf32>, vector<2x512xf32>, vector<2x512xf32>, vector<2x512xf32>, vector<2x512xf32>, vector<2x512xf32>, vector<2x512xf32>, vector<2x512xf32>, vector<2x512xf32>, vector<2x512xf32>, vector<2x512xf32>, vector<2x512xf32>, vector<2x512xf32>, vector<2x512xf32>, vector<2x512xf32>, vector<2x512xf32>, vector<2x512xf32>, vector<2x512xf32>, vector<2x512xf32>, vector<2x512xf32>, vector<2x512xf32>, vector<2x512xf32>, vector<2x512xf32>, vector<2x512xf32>, vector<2x512xf32>, vector<2x512xf32>, vector<2x512xf32>, vector<2x512xf32>, vector<2x512xf32>, vector<2x512xf32>, vector<2x512xf32>, vector<2x512xf32>, vector<2x512xf32>, vector<2x512xf32>, vector<2x512xf32>, vector<2x512xf32>, vector<2x512xf32>, vector<2x512xf32>, vector<2x512xf32>, vector<2x512xf32>, vector<2x512xf32>, vector<2x512xf32>, vector<2x512xf32>, vector<2x512xf32>, vector<2x512xf32>, vector<2x512xf32>, vector<2x512xf32>, vector<2x512xf32>, vector<2x512xf32>, vector<2x512xf32>, vector<2x512xf32>, vector<2x512xf32>, vector<2x512xf32>, vector<2x512xf32>, vector<2x512xf32>, vector<2x512xf32>, vector<2x512xf32>, vector<2x512xf32>, vector<2x512xf32>, vector<2x512xf32>, vector<2x512xf32>, vector<2x512xf32>, vector<2x512xf32>, vector<2x512xf32>, vector<2x512xf32>, vector<2x512xf32>, vector<2x512xf32>, vector<2x512xf32>, vector<2x512xf32>, vector<2x512xf32>, vector<2x512xf32>, vector<2x512xf32>, vector<2x512xf32>, vector<2x512xf32>, vector<2x512xf32>, vector<2x512xf32>, vector<2x512xf32>, vector<2x512xf32>, vector<2x512xf32>, vector<2x512xf32>, vector<2x512xf32>, vector<2x512xf32>, vector<2x512xf32>, vector<2x512xf32>, vector<2x512xf32>, vector<2x512xf32>, vector<2x512xf32>, vector<2x512xf32>, vector<2x512xf32>, vector<2x512xf32>, vector<2x512xf32>, vector<2x512xf32>, vector<2x512xf32>, vector<2x512xf32>, vector<2x512xf32>, vector<2x512xf32>, vector<2x512xf32>, vector<2x512xf32>, vector<2x512xf32>, vector<2x512xf32>, vector<2x512xf32>, vector<2x512xf32>, vector<2x512xf32>, vector<2x512xf32>, vector<2x512xf32>, vector<2x512xf32>, vector<2x512xf32>, vector<2x512xf32>, vector<2x512xf32>, vector<2x512xf32>, vector<2x512xf32>, vector<2x512xf32>, vector<2x512xf32>, vector<2x512xf32>, vector<2x512xf32>, vector<2x512xf32>, vector<2x512xf32>, vector<2x512xf32>, vector<2x512xf32>, vector<2x512xf32>, vector<2x512xf32>, vector<2x512xf32>, vector<2x512xf32>, vector<2x512xf32>, vector<2x512xf32>, vector<2x512xf32>, vector<2x512xf32>, vector<2x512xf32>, vector<2x512xf32>, vector<2x512xf32>, vector<2x512xf32>, vector<2x512xf32>, vector<2x512xf32>, vector<2x512xf32>, vector<2x512xf32>, vector<2x512xf32>, vector<2x512xf32>, vector<2x512xf32>, vector<2x512xf32>, vector<2x512xf32>, vector<2x512xf32>, vector<2x512xf32>, vector<2x512xf32>, vector<2x512xf32>, vector<2x512xf32>, vector<2x512xf32>, vector<2x512xf32>, vector<2x512xf32>, vector<2x512xf32>, vector<2x512xf32>, vector<2x512xf32>, vector<2x512xf32>, vector<2x512xf32>, vector<2x512xf32>, vector<2x512xf32>, vector<2x512xf32>, vector<2x512xf32>, vector<2x512xf32>, vector<2x512xf32>, vector<2x512xf32>, vector<2x512xf32>, vector<2x512xf32>, vector<2x512xf32>, vector<2x512xf32>, vector<2x512xf32>, vector<2x512xf32>, vector<2x512xf32>, vector<2x512xf32>, vector<2x512xf32>, vector<2x512xf32>, vector<2x512xf32>, vector<2x512xf32>, vector<2x512xf32>, vector<2x512xf32>, vector<2x512xf32>, vector<2x512xf32>, vector<2x512xf32>, vector<2x512xf32>, vector<2x512xf32>, vector<2x512xf32>, vector<2x512xf32>, vector<2x512xf32>, vector<2x512xf32>, vector<2x512xf32>, vector<2x512xf32>, vector<2x512xf32>, vector<2x512xf32>, vector<2x512xf32>, vector<2x512xf32>, vector<2x512xf32>, vector<2x512xf32>, vector<2x512xf32>, vector<2x512xf32>, vector<2x512xf32>, vector<2x512xf32>, vector<2x512xf32>, vector<2x512xf32>, vector<2x512xf32>, vector<2x512xf32>, vector<2x512xf32>, vector<2x512xf32>, vector<2x512xf32>, vector<2x512xf32>, vector<2x512xf32>, vector<2x512xf32>, vector<2x512xf32>, vector<2x512xf32>, vector<2x512xf32>, vector<2x512xf32>, vector<2x512xf32>, vector<2x512xf32>, vector<2x512xf32>, vector<2x512xf32>, vector<2x512xf32>, vector<2x512xf32>, vector<2x512xf32>, vector<2x512xf32>, vector<2x512xf32>, vector<2x512xf32>, vector<2x512xf32>, vector<2x512xf32>, vector<2x512xf32>, vector<2x512xf32>, vector<2x512xf32>, vector<2x512xf32>, vector<2x512xf32>, vector<2x512xf32>, vector<2x512xf32>, vector<2x512xf32>, vector<2x512xf32>, vector<2x512xf32>, vector<2x512xf32>, vector<2x512xf32>, vector<2x512xf32>, vector<2x512xf32>, vector<2x512xf32>, vector<2x512xf32>, vector<2x512xf32>, vector<2x512xf32>, vector<2x512xf32>, vector<2x512xf32>, vector<2x512xf32>, vector<2x512xf32>, vector<2x512xf32>, vector<2x512xf32>, vector<2x512xf32>, vector<2x512xf32>, vector<2x512xf32>, vector<2x512xf32>, vector<2x512xf32>, vector<2x512xf32>, vector<2x512xf32>, vector<2x512xf32>, vector<2x512xf32>, vector<2x512xf32>, vector<2x512xf32>, vector<2x512xf32>, vector<2x512xf32>, vector<2x512xf32>, vector<2x512xf32>, vector<2x512xf32>, vector<2x512xf32>, vector<2x512xf32>, vector<2x512xf32>, vector<2x512xf32>, vector<2x512xf32>, vector<2x512xf32>, vector<2x512xf32>, vector<2x512xf32>, vector<2x512xf32>, vector<2x512xf32>, vector<2x512xf32>, vector<2x512xf32>, vector<2x512xf32>, vector<2x512xf32>, vector<2x512xf32>, vector<2x512xf32>, vector<2x512xf32>, vector<2x512xf32>, vector<2x512xf32>, vector<2x512xf32>, vector<2x512xf32>, vector<2x512xf32>, vector<2x512xf32>, vector<2x512xf32>, vector<2x512xf32>, vector<2x512xf32>, vector<2x512xf32>, vector<2x512xf32>, vector<2x512xf32>, vector<2x512xf32>, vector<2x512xf32>, vector<2x512xf32>, vector<2x512xf32>, vector<2x512xf32>, vector<2x512xf32>, vector<2x512xf32>, vector<2x512xf32>, vector<2x512xf32>, vector<2x512xf32>, vector<2x512xf32>, vector<2x512xf32>, vector<2x512xf32>, vector<2x512xf32>, vector<2x512xf32>, vector<2x512xf32>, vector<2x512xf32>, vector<2x512xf32>, vector<2x512xf32>, vector<2x512xf32>, vector<2x512xf32>, vector<2x512xf32>, vector<2x512xf32>, vector<2x512xf32>, vector<2x512xf32>, vector<2x512xf32>, vector<2x512xf32>, vector<2x512xf32>, vector<2x512xf32>, vector<2x512xf32>, vector<2x512xf32>, vector<2x512xf32>, vector<2x512xf32>, vector<2x512xf32>, vector<2x512xf32>, vector<2x512xf32>, vector<2x512xf32>, vector<2x512xf32>, vector<2x512xf32>, vector<2x512xf32>, vector<2x512xf32>, vector<2x512xf32>, vector<2x512xf32>, vector<2x512xf32>, vector<2x512xf32>, vector<2x512xf32>, vector<2x512xf32>, vector<2x512xf32>, vector<2x512xf32>, vector<2x512xf32>, vector<2x512xf32>, vector<2x512xf32>, vector<2x512xf32>, vector<2x512xf32>, vector<2x512xf32>, vector<2x512xf32>, vector<2x512xf32>, vector<2x512xf32>, vector<2x512xf32>, vector<2x512xf32>, vector<2x512xf32>, vector<2x512xf32>, vector<2x512xf32>, vector<2x512xf32>, vector<2x512xf32>, vector<2x512xf32>, vector<2x512xf32>, vector<2x512xf32>, vector<2x512xf32>, vector<2x512xf32>, vector<2x512xf32>, vector<2x512xf32>, vector<2x512xf32>, vector<2x512xf32>, vector<2x512xf32>, vector<2x512xf32>, vector<2x512xf32>, vector<2x512xf32>, vector<2x512xf32>, vector<2x512xf32>, vector<2x512xf32>, vector<2x512xf32>, vector<2x512xf32>, vector<2x512xf32>, vector<2x512xf32>, vector<2x512xf32>, vector<2x512xf32>, vector<2x512xf32>, vector<2x512xf32>, vector<2x512xf32>, vector<2x512xf32>, vector<2x512xf32>, vector<2x512xf32>, vector<2x512xf32>, vector<2x512xf32>, vector<2x512xf32>, vector<2x512xf32>, vector<2x512xf32>, vector<2x512xf32>, vector<2x512xf32>, vector<2x512xf32>, vector<2x512xf32>, vector<2x512xf32>, vector<2x512xf32>, vector<2x512xf32>, vector<2x512xf32>, vector<2x512xf32>, vector<2x512xf32>, vector<2x512xf32>, vector<2x512xf32>, vector<2x512xf32>, vector<2x512xf32>, vector<2x512xf32>, vector<2x512xf32>, vector<2x512xf32>, vector<2x512xf32>, vector<2x512xf32>, vector<2x512xf32>, vector<2x512xf32>, vector<2x512xf32>, vector<2x512xf32>, vector<2x512xf32>, vector<2x512xf32>, vector<2x512xf32>, vector<2x512xf32>, vector<2x512xf32>, vector<2x512xf32>, vector<2x512xf32>, vector<2x512xf32>, vector<2x512xf32>, vector<2x512xf32>, vector<2x512xf32>, vector<2x512xf32>, vector<2x512xf32>, vector<2x512xf32>, vector<2x512xf32>, vector<2x512xf32>, vector<2x512xf32>, vector<2x512xf32>, vector<2x512xf32>, vector<2x512xf32>, vector<2x512xf32>, vector<2x512xf32>, vector<2x512xf32>, vector<2x512xf32>, vector<2x512xf32>, vector<2x512xf32>, vector<2x512xf32>, vector<2x512xf32>, vector<2x512xf32>, vector<2x512xf32>, vector<2x512xf32>, vector<2x512xf32>, vector<2x512xf32>, vector<2x512xf32>, vector<2x512xf32>, vector<2x512xf32>, vector<2x512xf32>, vector<2x512xf32>, vector<2x512xf32>, vector<2x512xf32>, vector<2x512xf32>, vector<2x512xf32>, vector<2x512xf32>, vector<2x512xf32>, vector<2x512xf32>, vector<2x512xf32>, vector<2x512xf32>, vector<2x512xf32>, vector<2x512xf32>, vector<2x512xf32>, vector<2x512xf32>, vector<2x512xf32>, vector<2x512xf32>, vector<2x512xf32>, vector<2x512xf32>, vector<2x512xf32>, vector<2x512xf32>, vector<2x512xf32>, vector<2x512xf32>, vector<2x512xf32>, vector<2x512xf32>, vector<2x512xf32>, vector<2x512xf32>, vector<2x512xf32>, vector<2x512xf32>, vector<2x512xf32>, vector<2x512xf32>, vector<2x512xf32>, vector<2x512xf32>, vector<2x512xf32>, vector<2x512xf32>, vector<2x512xf32>, vector<2x512xf32>, vector<2x512xf32>, vector<2x512xf32>, vector<2x512xf32>, vector<2x512xf32>, vector<2x512xf32>, vector<2x512xf32>, vector<2x512xf32>, vector<2x512xf32>, vector<2x512xf32>, vector<2x512xf32>, vector<2x512xf32>, vector<2x512xf32>, vector<2x512xf32>, vector<2x512xf32>, vector<2x512xf32>, vector<2x512xf32>, vector<2x512xf32>, vector<2x512xf32>, vector<2x512xf32>, vector<2x512xf32>, vector<2x512xf32>, vector<2x512xf32>, vector<2x512xf32>, vector<2x512xf32>, vector<2x512xf32>, vector<2x512xf32>, vector<2x512xf32>, vector<2x512xf32>, vector<2x512xf32>, vector<2x512xf32>, vector<2x512xf32>, vector<2x512xf32>, vector<2x512xf32>, vector<2x512xf32>, vector<2x512xf32>, vector<2x512xf32>, vector<2x512xf32>, vector<2x512xf32>, vector<2x512xf32>, vector<2x512xf32>, vector<2x512xf32>, vector<2x512xf32>, vector<2x512xf32>, vector<2x512xf32>, vector<2x512xf32>, vector<2x512xf32>, vector<2x512xf32>, vector<2x512xf32>, vector<2x512xf32>, vector<2x512xf32>, vector<2x512xf32>, vector<2x512xf32>, vector<2x512xf32>, vector<2x512xf32>, vector<2x512xf32>, vector<2x512xf32>, vector<2x512xf32>, vector<2x512xf32>, vector<2x512xf32>, vector<2x512xf32>, vector<2x512xf32>, vector<2x512xf32>, vector<2x512xf32>, vector<2x512xf32>, vector<2x512xf32>, vector<2x512xf32>, vector<2x512xf32>, vector<2x512xf32>, vector<2x512xf32>, vector<2x512xf32>, vector<2x512xf32>, vector<2x512xf32>, vector<2x512xf32>, vector<2x512xf32>, vector<2x512xf32>, vector<2x512xf32>, vector<2x512xf32>, vector<2x512xf32>, vector<2x512xf32>, vector<2x512xf32>, vector<2x512xf32>, vector<2x512xf32>, vector<2x512xf32>, vector<2x512xf32>, vector<2x512xf32>, vector<2x512xf32>, vector<2x512xf32>, vector<2x512xf32>, vector<2x512xf32>, vector<2x512xf32>, vector<2x512xf32>, vector<2x512xf32>, vector<2x512xf32>, vector<2x512xf32>, vector<2x512xf32>, vector<2x512xf32>, vector<2x512xf32>, vector<2x512xf32>, vector<2x512xf32>, vector<2x512xf32>, vector<2x512xf32>, vector<2x512xf32>, vector<2x512xf32>, vector<2x512xf32>, vector<2x512xf32>, vector<2x512xf32>, vector<2x512xf32>, vector<2x512xf32>, vector<2x512xf32>, vector<2x512xf32>, vector<2x512xf32>, vector<2x512xf32>, vector<2x512xf32>, vector<2x512xf32>, vector<2x512xf32>, vector<2x512xf32>, vector<2x512xf32>, vector<2x512xf32>, vector<2x512xf32>, vector<2x512xf32>, vector<2x512xf32>, vector<2x512xf32>, vector<2x512xf32>, vector<2x512xf32>, vector<2x512xf32>, vector<2x512xf32>, vector<2x512xf32>, vector<2x512xf32>, vector<2x512xf32>, vector<2x512xf32>, vector<2x512xf32>, vector<2x512xf32>, vector<2x512xf32>, vector<2x512xf32>, vector<2x512xf32>, vector<2x512xf32>, vector<2x512xf32>, vector<2x512xf32>, vector<2x512xf32>, vector<2x512xf32>, vector<2x512xf32>, vector<2x512xf32>, vector<2x512xf32>, vector<2x512xf32>, vector<2x512xf32>, vector<2x512xf32>, vector<2x512xf32>, vector<2x512xf32>, vector<2x512xf32>, vector<2x512xf32>, vector<2x512xf32>, vector<2x512xf32>, vector<2x512xf32>, vector<2x512xf32>, vector<2x512xf32>, vector<2x512xf32>, vector<2x512xf32>, vector<2x512xf32>, vector<2x512xf32>, vector<2x512xf32>, vector<2x512xf32>, vector<2x512xf32>, vector<2x512xf32>, vector<2x512xf32>, vector<2x512xf32>, vector<2x512xf32>, vector<2x512xf32>, vector<2x512xf32>, vector<2x512xf32>, vector<2x512xf32>, vector<2x512xf32>, vector<2x512xf32>, vector<2x512xf32>, vector<2x512xf32>, vector<2x512xf32>, vector<2x512xf32>, vector<2x512xf32>, vector<2x512xf32>, vector<2x512xf32>, vector<2x512xf32>, vector<2x512xf32>, vector<2x512xf32>, vector<2x512xf32>, vector<2x512xf32>, vector<2x512xf32>, vector<2x512xf32>, vector<2x512xf32>, vector<2x512xf32>, vector<2x512xf32>, vector<2x512xf32>, vector<2x512xf32>, vector<2x512xf32>, vector<2x512xf32>, vector<2x512xf32>, vector<2x512xf32>, vector<2x512xf32>, vector<2x512xf32>, vector<2x512xf32>, vector<2x512xf32>, vector<2x512xf32>, vector<2x512xf32>, vector<2x512xf32>, vector<2x512xf32>, vector<2x512xf32>, vector<2x512xf32>, vector<2x512xf32>, vector<2x512xf32>, vector<2x512xf32>, vector<2x512xf32>, vector<2x512xf32>, vector<2x512xf32>, vector<2x512xf32>, vector<2x512xf32>, vector<2x512xf32>, vector<2x512xf32>, vector<2x512xf32>, vector<2x512xf32>, vector<2x512xf32>, vector<2x512xf32>, vector<2x512xf32>, vector<2x512xf32>, vector<2x512xf32>, vector<2x512xf32>, vector<2x512xf32>, vector<2x512xf32>, vector<2x512xf32>, vector<2x512xf32>, vector<2x512xf32>, vector<2x512xf32>, vector<2x512xf32>, vector<2x512xf32>, vector<2x512xf32>, vector<2x512xf32>, vector<2x512xf32>, vector<2x512xf32>, vector<2x512xf32>, vector<2x512xf32>, vector<2x512xf32>, vector<2x512xf32>, vector<2x512xf32>, vector<2x512xf32>, vector<2x512xf32>, vector<2x512xf32>, vector<2x512xf32>, vector<2x512xf32>, vector<2x512xf32>, vector<2x512xf32>, vector<2x512xf32>, vector<2x512xf32>, vector<2x512xf32>, vector<2x512xf32>, vector<2x512xf32>, vector<2x512xf32>, vector<2x512xf32>, vector<2x512xf32>, vector<2x512xf32>, vector<2x512xf32>, vector<2x512xf32>, vector<2x512xf32>, vector<2x512xf32>, vector<2x512xf32>, vector<2x512xf32>, vector<2x512xf32>, vector<2x512xf32>, vector<2x512xf32>, vector<2x512xf32>, vector<2x512xf32>, vector<2x512xf32>, vector<2x512xf32>, vector<2x512xf32>, vector<2x512xf32>, vector<2x512xf32>, vector<2x512xf32>, vector<2x512xf32>, vector<2x512xf32>, vector<2x512xf32>, vector<2x512xf32>, vector<2x512xf32>, vector<2x512xf32>, vector<2x512xf32>, vector<2x512xf32>, vector<2x512xf32>, vector<2x512xf32>, vector<2x512xf32>, vector<2x512xf32>, vector<2x512xf32>, vector<2x512xf32>, vector<2x512xf32>, vector<2x512xf32>, vector<2x512xf32>, vector<2x512xf32>, vector<2x512xf32>, vector<2x512xf32>, vector<2x512xf32>, vector<2x512xf32>, vector<2x512xf32>, vector<2x512xf32>, vector<2x512xf32>, vector<2x512xf32>, vector<2x512xf32>, vector<2x512xf32>, vector<2x512xf32>, vector<2x512xf32>, vector<2x512xf32>, vector<2x512xf32>, vector<2x512xf32>, vector<2x512xf32>, vector<2x512xf32>, vector<2x512xf32>, vector<2x512xf32>, vector<2x512xf32>, vector<2x512xf32>, vector<2x512xf32>, vector<2x512xf32>, vector<2x512xf32>, vector<2x512xf32>, vector<2x512xf32>, vector<2x512xf32>, vector<2x512xf32>, vector<2x512xf32>, vector<2x512xf32>, vector<2x512xf32>, vector<2x512xf32>, vector<2x512xf32>, vector<2x512xf32>, vector<2x512xf32>, vector<2x512xf32>, vector<2x512xf32>, vector<2x512xf32>, vector<2x512xf32>, vector<2x512xf32>, vector<2x512xf32>, vector<2x512xf32>, vector<2x512xf32>, vector<2x512xf32>, vector<2x512xf32>, vector<2x512xf32>, vector<2x512xf32>, vector<2x512xf32>, vector<2x512xf32>, vector<2x512xf32>, vector<2x512xf32>, vector<2x512xf32>, vector<2x512xf32>, vector<2x512xf32>, vector<2x512xf32>, vector<2x512xf32>, vector<2x512xf32>, vector<2x512xf32>, vector<2x512xf32>, vector<2x512xf32>, vector<2x512xf32>, vector<2x512xf32>, vector<2x512xf32>, vector<2x512xf32>, vector<2x512xf32>, vector<2x512xf32>, vector<2x512xf32>, vector<2x512xf32>, vector<2x512xf32>, vector<2x512xf32>, vector<2x512xf32>, vector<2x512xf32>, vector<2x512xf32>, vector<2x512xf32>, vector<2x512xf32>, vector<2x512xf32>, vector<2x512xf32>, vector<2x512xf32>, vector<2x512xf32>, vector<2x512xf32>, vector<2x512xf32>, vector<2x512xf32>, vector<2x512xf32>, vector<2x512xf32>, vector<2x512xf32>, vector<2x512xf32>, vector<2x512xf32>, vector<2x512xf32>, vector<2x512xf32>, vector<2x512xf32>, vector<2x512xf32>, vector<2x512xf32>, vector<2x512xf32>, vector<2x512xf32>, vector<2x512xf32>, vector<2x512xf32>, vector<2x512xf32>, vector<2x512xf32>, vector<2x512xf32>, vector<2x512xf32>, vector<2x512xf32>, vector<2x512xf32>, vector<2x512xf32>, vector<2x512xf32>, vector<2x512xf32>, vector<2x512xf32>, vector<2x512xf32>, vector<2x512xf32>, vector<2x512xf32>, vector<2x512xf32>, vector<2x512xf32>, vector<2x512xf32>, vector<2x512xf32>, vector<2x512xf32>, vector<2x512xf32>, vector<2x512xf32>, vector<2x512xf32>, vector<2x512xf32>, vector<2x512xf32>, vector<2x512xf32>, vector<2x512xf32>, vector<2x512xf32>, vector<2x512xf32>, vector<2x512xf32>, vector<2x512xf32>, vector<2x512xf32>, vector<2x512xf32>, vector<2x512xf32>, vector<2x512xf32>, vector<2x512xf32>, vector<2x512xf32>, vector<2x512xf32>, vector<2x512xf32>, vector<2x512xf32>, vector<2x512xf32>, vector<2x512xf32>, vector<2x512xf32>, vector<2x512xf32>, vector<2x512xf32>, vector<2x512xf32>, vector<2x512xf32>, vector<2x512xf32>, vector<2x512xf32>, vector<2x512xf32>, vector<2x512xf32>, vector<2x512xf32>, vector<2x512xf32>, vector<2x512xf32>, vector<2x512xf32>, vector<2x512xf32>, vector<2x512xf32>, vector<2x512xf32>, vector<2x512xf32>, vector<2x512xf32>, vector<2x512xf32>, vector<2x512xf32>, vector<2x512xf32>, vector<2x512xf32>, vector<2x512xf32>, vector<2x512xf32>, vector<2x512xf32>, vector<2x512xf32>, vector<2x512xf32>, vector<2x512xf32>, vector<2x512xf32>, vector<2x512xf32>, vector<2x512xf32>, vector<2x512xf32>, vector<2x512xf32>, vector<2x512xf32>, vector<2x512xf32>, vector<2x512xf32>, vector<2x512xf32>, vector<2x512xf32>, vector<2x512xf32>, vector<2x512xf32>, vector<2x512xf32>, vector<2x512xf32>, vector<2x512xf32>, vector<2x512xf32>, vector<2x512xf32>, vector<2x512xf32>, vector<2x512xf32>, vector<2x512xf32>, vector<2x512xf32>, vector<2x512xf32>, vector<2x512xf32>, vector<2x512xf32>, vector<2x512xf32>, vector<2x512xf32>, vector<2x512xf32>, vector<2x512xf32>, vector<2x512xf32>, vector<2x512xf32>, vector<2x512xf32>, vector<2x512xf32>, vector<2x512xf32>, vector<2x512xf32>, vector<2x512xf32>, vector<2x512xf32>, vector<2x512xf32>, vector<2x512xf32>, vector<2x512xf32>, vector<2x512xf32>, vector<2x512xf32>, vector<2x512xf32>, vector<2x512xf32>, vector<2x512xf32>, vector<2x512xf32>, vector<2x512xf32>, vector<2x512xf32>, vector<2x512xf32>, vector<2x512xf32>, vector<2x512xf32>, vector<2x512xf32>, vector<2x512xf32>, vector<2x512xf32>, vector<2x512xf32>, vector<2x512xf32>, vector<2x512xf32>, vector<2x512xf32>, vector<2x512xf32>, vector<2x512xf32>, vector<2x512xf32>, vector<2x512xf32>, vector<2x512xf32>, vector<2x512xf32>, vector<2x512xf32>, vector<2x512xf32>, vector<2x512xf32>, vector<2x512xf32>, vector<2x512xf32>, vector<2x512xf32>, vector<2x512xf32>, vector<2x512xf32>, vector<2x512xf32>, vector<2x512xf32>, vector<2x512xf32>, vector<2x512xf32>, vector<2x512xf32>, vector<2x512xf32>, vector<2x512xf32>, vector<2x512xf32>, vector<2x512xf32>, vector<2x512xf32>, vector<2x512xf32>, vector<2x512xf32>, vector<2x512xf32>, vector<2x512xf32>, vector<2x512xf32>, vector<2x512xf32>, vector<2x512xf32>, vector<2x512xf32>, vector<2x512xf32>, vector<2x512xf32>, vector<2x512xf32>, vector<2x512xf32>, vector<2x512xf32>, vector<2x512xf32>, vector<2x512xf32>, vector<2x512xf32>, vector<2x512xf32>, vector<2x512xf32>, vector<2x512xf32>, vector<2x512xf32>, vector<2x512xf32>, vector<2x512xf32>, vector<2x512xf32>, vector<2x512xf32>, vector<2x512xf32>, vector<2x512xf32>, vector<2x512xf32>, vector<2x512xf32>, vector<2x512xf32>, vector<2x512xf32>, vector<2x512xf32>, vector<2x512xf32>, vector<2x512xf32>, vector<2x512xf32>, vector<2x512xf32>, vector<2x512xf32>, vector<2x512xf32>, vector<2x512xf32>, vector<2x512xf32>, vector<2x512xf32>, vector<2x512xf32>, vector<2x512xf32>, vector<2x512xf32>, vector<2x512xf32>, vector<2x512xf32>, vector<2x512xf32>, vector<2x512xf32>, vector<2x512xf32>, vector<2x512xf32>, vector<2x512xf32>, vector<2x512xf32>, vector<2x512xf32>, vector<2x512xf32>, vector<2x512xf32>, vector<2x512xf32>, vector<2x512xf32>, vector<2x512xf32>, vector<2x512xf32>, vector<2x512xf32>, vector<2x512xf32>, vector<2x512xf32>, vector<2x512xf32>, vector<2x512xf32>, vector<2x512xf32>, vector<2x512xf32>, vector<2x512xf32>, vector<2x512xf32>, vector<2x512xf32>, vector<2x512xf32>, vector<2x512xf32>, vector<2x512xf32>, vector<2x512xf32>, vector<2x512xf32>, vector<2x512xf32>, vector<2x512xf32>, vector<2x512xf32>, vector<2x512xf32>, vector<2x512xf32>, vector<2x512xf32>, vector<2x512xf32>, vector<2x512xf32>, vector<2x512xf32>, vector<2x512xf32>, vector<2x512xf32>, vector<2x512xf32>, vector<2x512xf32>, vector<2x512xf32>, vector<2x512xf32>, vector<2x512xf32>, vector<2x512xf32>, vector<2x512xf32>, vector<2x512xf32>, vector<2x512xf32>, vector<2x512xf32>, vector<2x512xf32>, vector<2x512xf32>, vector<2x512xf32>, vector<2x512xf32>, vector<2x512xf32>, vector<2x512xf32>, vector<2x512xf32>, vector<2x512xf32>, vector<2x512xf32>, vector<2x512xf32>, vector<2x512xf32>, vector<2x512xf32>, vector<2x512xf32>, vector<2x512xf32>, vector<2x512xf32>, vector<2x512xf32>, vector<2x512xf32>, vector<2x512xf32>, vector<2x512xf32>, vector<2x512xf32>, vector<2x512xf32>, vector<2x512xf32>, vector<2x512xf32>, vector<2x512xf32>, vector<2x512xf32>, vector<2x512xf32>, vector<2x512xf32>, vector<2x512xf32>, vector<2x512xf32>, vector<2x512xf32>, vector<2x512xf32>, vector<2x512xf32>, vector<2x512xf32>, vector<2x512xf32>, vector<2x512xf32>, vector<2x512xf32>, vector<2x512xf32>, vector<2x512xf32>, vector<2x512xf32>, vector<2x512xf32>, vector<2x512xf32>, vector<2x512xf32>, vector<2x512xf32>, vector<2x512xf32>, vector<2x512xf32>, vector<2x512xf32>, vector<2x512xf32>, vector<2x512xf32>, vector<2x512xf32>, vector<2x512xf32>, vector<2x512xf32>, vector<2x512xf32>, vector<2x512xf32>, vector<2x512xf32>, vector<2x512xf32>, vector<2x512xf32>, vector<2x512xf32>, vector<2x512xf32>, vector<2x512xf32>, vector<2x512xf32>, vector<2x512xf32>, vector<2x512xf32>, vector<2x512xf32>, vector<2x512xf32>, vector<2x512xf32>, vector<2x512xf32>, vector<2x512xf32>, vector<2x512xf32>, vector<2x512xf32>, vector<2x512xf32>, vector<2x512xf32>, vector<2x512xf32>, vector<2x512xf32>, vector<2x512xf32>, vector<2x512xf32>, vector<2x512xf32>, vector<2x512xf32>, vector<2x512xf32>, vector<2x512xf32>, vector<2x512xf32>, vector<2x512xf32>, vector<2x512xf32>, vector<2x512xf32>, vector<2x512xf32>, vector<2x512xf32>, vector<2x512xf32>, vector<2x512xf32>, vector<2x512xf32>, vector<2x512xf32>, vector<2x512xf32>, vector<2x512xf32>, vector<2x512xf32>, vector<2x512xf32>, vector<2x512xf32>, vector<2x512xf32>, vector<2x512xf32>, vector<2x512xf32>, vector<2x512xf32>, vector<2x512xf32>, vector<2x512xf32>, vector<2x512xf32>, vector<2x512xf32>, vector<2x512xf32>, vector<2x512xf32>, vector<2x512xf32>, vector<2x512xf32>, vector<2x512xf32>, vector<2x512xf32>, vector<2x512xf32>, vector<2x512xf32>, vector<2x512xf32>, vector<2x512xf32>, vector<2x512xf32>, vector<2x512xf32>, vector<2x512xf32>, vector<2x512xf32>, vector<2x512xf32>, vector<2x512xf32>, vector<2x512xf32>, vector<2x512xf32>, vector<2x512xf32>, vector<2x512xf32>, vector<2x512xf32>, vector<2x512xf32>, vector<2x512xf32>, vector<2x512xf32>, vector<2x512xf32>, vector<2x512xf32>, vector<2x512xf32>, vector<2x512xf32>, vector<2x512xf32>, vector<2x512xf32>, vector<2x512xf32>, vector<2x512xf32>, vector<2x512xf32>, vector<2x512xf32>, vector<2x512xf32>, vector<2x512xf32>, vector<2x512xf32>, vector<2x512xf32>, vector<2x512xf32>, vector<2x512xf32>, vector<2x512xf32>, vector<2x512xf32>, vector<2x512xf32>, vector<2x512xf32>, vector<2x512xf32>, vector<2x512xf32>, vector<2x512xf32>, vector<2x512xf32>, vector<2x512xf32>, vector<2x512xf32>, vector<2x512xf32>, vector<2x512xf32>, vector<2x512xf32>, vector<2x512xf32>, vector<2x512xf32>, vector<2x512xf32>, vector<2x512xf32>, vector<2x512xf32>, vector<2x512xf32>, vector<2x512xf32>, vector<2x512xf32>, vector<2x512xf32>, vector<2x512xf32>, vector<2x512xf32>, vector<2x512xf32>, vector<2x512xf32>, vector<2x512xf32>, vector<2x512xf32>, vector<2x512xf32>, vector<2x512xf32>, vector<2x512xf32>, vector<2x512xf32>, vector<2x512xf32>, vector<2x512xf32>, vector<2x512xf32>, vector<2x512xf32>, vector<2x512xf32>, vector<2x512xf32>, vector<2x512xf32> -> vector<3808x512xf32>
    %add3A_21 = arith.addf %reshape3A_19, %tile3A_20 : vector<3808x512xf32>
    %swap3A = arith.constant 0 : index
    %swap3A_22 = arith.constant 0 : index
    %swap3A_23 = vector.load %arg9[%swap3A, %swap3A_22] : memref<3808x512xf32, #tpu.memory_space<vmem>>, vector<3808x512xf32>
    tpu.vector_store %arg9[%swap3A, %swap3A_22], %add3A_21 {strides = array<i32>} : memref<3808x512xf32, #tpu.memory_space<vmem>>, vector<3808x512xf32>,
    %get3A_24 = arith.constant 0 : index
    %get3A_25 = arith.constant 0 : index
    %get3A_26 = vector.load %arg1[%get3A_24, %get3A_25] : memref<4x512xf32, #tpu.memory_space<vmem>>, vector<4x512xf32>
    %get3A_27 = arith.constant 0 : index
    %get3A_28 = arith.constant 0 : index
    %get3A_29 = vector.load %arg2[%get3A_27, %get3A_28] : memref<11x512xf32, #tpu.memory_space<vmem>>, vector<11x512xf32>
    %get3A_30 = arith.constant 0 : index
    %get3A_31 = arith.constant 0 : index
    %get3A_32 = vector.load %arg3[%get3A_30, %get3A_31] : memref<12x512xf32, #tpu.memory_space<vmem>>, vector<12x512xf32>
    %broadcast_in_dim3A_33 = vector.shape_cast %get3A_26 : vector<4x512xf32> to vector<4x1x512xf32>
    %broadcast_in_dim3A_34 = vector.broadcast %broadcast_in_dim3A_33 : vector<4x1x512xf32> to vector<4x11x512xf32>
    %reshape3A_35 = vector.shape_cast %broadcast_in_dim3A_34 : vector<4x11x512xf32> to vector<44x512xf32>
    %tile3A_36 = tpu.concatenate %get3A_29, %get3A_29, %get3A_29, %get3A_29 in 0 : vector<11x512xf32>, vector<11x512xf32>, vector<11x512xf32>, vector<11x512xf32> -> vector<44x512xf32>
    %add3A_37 = arith.addf %reshape3A_35, %tile3A_36 : vector<44x512xf32>
    %broadcast_in_dim3A_38 = vector.shape_cast %add3A_37 : vector<44x512xf32> to vector<44x1x512xf32>
    %broadcast_in_dim3A_39 = vector.broadcast %broadcast_in_dim3A_38 : vector<44x1x512xf32> to vector<44x12x512xf32>
    %reshape3A_40 = vector.shape_cast %broadcast_in_dim3A_39 : vector<44x12x512xf32> to vector<528x512xf32>
    %tile3A_41 = tpu.concatenate %get3A_32, %get3A_32, %get3A_32, %get3A_32, %get3A_32, %get3A_32, %get3A_32, %get3A_32, %get3A_32, %get3A_32, %get3A_32, %get3A_32, %get3A_32, %get3A_32, %get3A_32, %get3A_32, %get3A_32, %get3A_32, %get3A_32, %get3A_32, %get3A_32, %get3A_32, %get3A_32, %get3A_32, %get3A_32, %get3A_32, %get3A_32, %get3A_32, %get3A_32, %get3A_32, %get3A_32, %get3A_32, %get3A_32, %get3A_32, %get3A_32, %get3A_32, %get3A_32, %get3A_32, %get3A_32, %get3A_32, %get3A_32, %get3A_32, %get3A_32, %get3A_32 in 0 : vector<12x512xf32>, vector<12x512xf32>, vector<12x512xf32>, vector<12x512xf32>, vector<12x512xf32>, vector<12x512xf32>, vector<12x512xf32>, vector<12x512xf32>, vector<12x512xf32>, vector<12x512xf32>, vector<12x512xf32>, vector<12x512xf32>, vector<12x512xf32>, vector<12x512xf32>, vector<12x512xf32>, vector<12x512xf32>, vector<12x512xf32>, vector<12x512xf32>, vector<12x512xf32>, vector<12x512xf32>, vector<12x512xf32>, vector<12x512xf32>, vector<12x512xf32>, vector<12x512xf32>, vector<12x512xf32>, vector<12x512xf32>, vector<12x512xf32>, vector<12x512xf32>, vector<12x512xf32>, vector<12x512xf32>, vector<12x512xf32>, vector<12x512xf32>, vector<12x512xf32>, vector<12x512xf32>, vector<12x512xf32>, vector<12x512xf32>, vector<12x512xf32>, vector<12x512xf32>, vector<12x512xf32>, vector<12x512xf32>, vector<12x512xf32>, vector<12x512xf32>, vector<12x512xf32>, vector<12x512xf32> -> vector<528x512xf32>
    %add3A_42 = arith.addf %reshape3A_40, %tile3A_41 : vector<528x512xf32>
    %swap3A_43 = arith.constant 0 : index
    %swap3A_44 = arith.constant 0 : index
    %swap3A_45 = vector.load %arg10[%swap3A_43, %swap3A_44] : memref<528x512xf32, #tpu.memory_space<vmem>>, vector<528x512xf32>
    tpu.vector_store %arg10[%swap3A_43, %swap3A_44], %add3A_42 {strides = array<i32>} : memref<528x512xf32, #tpu.memory_space<vmem>>, vector<528x512xf32>,
    %get3A_46 = arith.constant 0 : index
    %get3A_47 = arith.constant 0 : index
    %get3A_48 = vector.load %arg4[%get3A_46, %get3A_47] : memref<9x512xf32, #tpu.memory_space<vmem>>, vector<9x512xf32>
    %get3A_49 = arith.constant 0 : index
    %get3A_50 = arith.constant 0 : index
    %get3A_51 = vector.load %arg5[%get3A_49, %get3A_50] : memref<5x512xf32, #tpu.memory_space<vmem>>, vector<5x512xf32>
    %broadcast_in_dim3A_52 = vector.shape_cast %get3A_48 : vector<9x512xf32> to vector<9x1x512xf32>
    %broadcast_in_dim3A_53 = vector.broadcast %broadcast_in_dim3A_52 : vector<9x1x512xf32> to vector<9x5x512xf32>
    %reshape3A_54 = vector.shape_cast %broadcast_in_dim3A_53 : vector<9x5x512xf32> to vector<45x512xf32>
    %tile3A_55 = tpu.concatenate %get3A_51, %get3A_51, %get3A_51, %get3A_51, %get3A_51, %get3A_51, %get3A_51, %get3A_51, %get3A_51 in 0 : vector<5x512xf32>, vector<5x512xf32>, vector<5x512xf32>, vector<5x512xf32>, vector<5x512xf32>, vector<5x512xf32>, vector<5x512xf32>, vector<5x512xf32>, vector<5x512xf32> -> vector<45x512xf32>
    %add3A_56 = arith.addf %reshape3A_54, %tile3A_55 : vector<45x512xf32>
    %swap3A_57 = arith.constant 0 : index
    %swap3A_58 = arith.constant 0 : index
    %swap3A_59 = vector.load %arg11[%swap3A_57, %swap3A_58] : memref<45x512xf32, #tpu.memory_space<vmem>>, vector<45x512xf32>
    tpu.vector_store %arg11[%swap3A_57, %swap3A_58], %add3A_56 {strides = array<i32>} : memref<45x512xf32, #tpu.memory_space<vmem>>, vector<45x512xf32>,
    return
  }
}

module attributes {stable_mosaic.version = 14 : i64} {
  func.func @_build2_body(%arg0: i32, %arg1: memref<8x512xf32, #tpu.memory_space<vmem>>, %arg2: memref<45x512xf32, #tpu.memory_space<vmem>>, %arg3: memref<360x512xf32, #tpu.memory_space<vmem>>) attributes {dimension_semantics = [#tpu.dimension_semantics<arbitrary>], iteration_bounds = array<i64: 66>, scalar_prefetch = 0 : i64, scratch_operands = 0 : i64, tpu.core_type = #tpu.core_type<tc>, window_params = [{transform_indices = @transform_0, window_bounds = array<i64: 8, 512>}, {pipeline_mode = #tpu.pipeline_mode<synchronous>, transform_indices = @transform_1, window_bounds = array<i64: 45, 512>}, {transform_indices = @transform_2, window_bounds = array<i64: 360, 512>}]} {
    %get3A = arith.constant 0 : index
    %get3A_0 = arith.constant 0 : index
    %get3A_1 = vector.load %arg1[%get3A, %get3A_0] : memref<8x512xf32, #tpu.memory_space<vmem>>, vector<8x512xf32>
    %broadcast_in_dim3A = vector.shape_cast %get3A_1 : vector<8x512xf32> to vector<8x1x512xf32>
    %broadcast_in_dim3A_2 = vector.broadcast %broadcast_in_dim3A : vector<8x1x512xf32> to vector<8x45x512xf32>
    %reshape3A = vector.shape_cast %broadcast_in_dim3A_2 : vector<8x45x512xf32> to vector<360x512xf32>
    %get3A_3 = arith.constant 0 : index
    %get3A_4 = arith.constant 0 : index
    %get3A_5 = vector.load %arg2[%get3A_3, %get3A_4] : memref<45x512xf32, #tpu.memory_space<vmem>>, vector<45x512xf32>
    %tile3A = tpu.concatenate %get3A_5, %get3A_5, %get3A_5, %get3A_5, %get3A_5, %get3A_5, %get3A_5, %get3A_5 in 0 : vector<45x512xf32>, vector<45x512xf32>, vector<45x512xf32>, vector<45x512xf32>, vector<45x512xf32>, vector<45x512xf32>, vector<45x512xf32>, vector<45x512xf32> -> vector<360x512xf32>
    %add3A = arith.addf %reshape3A, %tile3A : vector<360x512xf32>
    %swap3A = arith.constant 0 : index
    %swap3A_6 = arith.constant 0 : index
    %swap3A_7 = vector.load %arg3[%swap3A, %swap3A_6] : memref<360x512xf32, #tpu.memory_space<vmem>>, vector<360x512xf32>
    tpu.vector_store %arg3[%swap3A, %swap3A_6], %add3A {strides = array<i32>} : memref<360x512xf32, #tpu.memory_space<vmem>>, vector<360x512xf32>,
    return
  }
  func.func @transform_0(%arg0: i32) -> (i32, i32) {
    %c0_i32 = arith.constant 0 : i32
    %c0_i32_0 = arith.constant 0 : i32
    return %arg0, %c0_i32 : i32, i32
  }
  func.func @transform_1(%arg0: i32) -> (i32, i32) {
    %c0_i32 = arith.constant 0 : i32
    %c0_i32_0 = arith.constant 0 : i32
    %c0_i32_1 = arith.constant 0 : i32
    return %c0_i32, %c0_i32_0 : i32, i32
  }
  func.func @transform_2(%arg0: i32) -> (i32, i32) {
    %c0_i32 = arith.constant 0 : i32
    %c0_i32_0 = arith.constant 0 : i32
    return %arg0, %c0_i32 : i32, i32
  }
}

module attributes {stable_mosaic.version = 14 : i64} {
  func.func @_tc_body(%arg0: i32, %arg1: memref<9x512xi32, #tpu.memory_space<vmem>>, %arg2: memref<256x512xbf16, #tpu.memory_space<vmem>>, %arg3: memref<100000x512xf32, #tpu.memory_space<any>>, %arg4: memref<512x512xf32, #tpu.memory_space<vmem>>) attributes {dimension_semantics = [#tpu.dimension_semantics<arbitrary>], iteration_bounds = array<i64: 144>, scalar_prefetch = 0 : i64, scratch_operands = 0 : i64, tpu.core_type = #tpu.core_type<tc>, window_params = [{transform_indices = @transform_0, window_bounds = array<i64: 9, 512>}, {pipeline_mode = #tpu.pipeline_mode<synchronous>, transform_indices = @transform_1, window_bounds = array<i64: 256, 512>}, {}, {transform_indices = @transform_3, window_bounds = array<i64: 512, 512>}]} {
    %get3A = arith.constant 0 : index
    %get3A_0 = arith.constant 0 : index
    %get3A_1 = vector.load %arg1[%get3A, %get3A_0] : memref<9x512xi32, #tpu.memory_space<vmem>>, vector<9x512xi32>
    %iota3A = tpu.iota {dimensions = array<i32: 0>} : vector<256x512xi32>
    %slice3A = vector.extract_strided_slice %get3A_1 {offsets = [0, 0], sizes = [1, 512], strides = [1, 1]} : vector<9x512xi32> to vector<1x512xi32>
    %add3A = arith.constant 0 : i32
    %add3A_2 = vector.broadcast %add3A : i32 to vector<1x512xi32>
    %add3A_3 = arith.addi %slice3A, %add3A_2 : vector<1x512xi32>
    %eq3A = vector.broadcast %add3A_3 : vector<1x512xi32> to vector<256x512xi32>
    %eq3A_4 = arith.cmpi eq, %iota3A, %eq3A : vector<256x512xi32>
    %convert_element_type3A = arith.extui %eq3A_4 : vector<256x512xi1> to vector<256x512xi32>
    %convert_element_type3A_5 = arith.sitofp %convert_element_type3A : vector<256x512xi32> to vector<256x512xf32>
    %slice3A_6 = vector.extract_strided_slice %get3A_1 {offsets = [1, 0], sizes = [1, 512], strides = [1, 1]} : vector<9x512xi32> to vector<1x512xi32>
    %add3A_7 = arith.constant 119 : i32
    %add3A_8 = vector.broadcast %add3A_7 : i32 to vector<1x512xi32>
    %add3A_9 = arith.addi %slice3A_6, %add3A_8 : vector<1x512xi32>
    %eq3A_10 = vector.broadcast %add3A_9 : vector<1x512xi32> to vector<256x512xi32>
    %eq3A_11 = arith.cmpi eq, %iota3A, %eq3A_10 : vector<256x512xi32>
    %convert_element_type3A_12 = arith.extui %eq3A_11 : vector<256x512xi1> to vector<256x512xi32>
    %convert_element_type3A_13 = arith.sitofp %convert_element_type3A_12 : vector<256x512xi32> to vector<256x512xf32>
    %add3A_14 = arith.addf %convert_element_type3A_5, %convert_element_type3A_13 : vector<256x512xf32>
    %slice3A_15 = vector.extract_strided_slice %get3A_1 {offsets = [2, 0], sizes = [1, 512], strides = [1, 1]} : vector<9x512xi32> to vector<1x512xi32>
    %add3A_16 = arith.constant 123 : i32
    %add3A_17 = vector.broadcast %add3A_16 : i32 to vector<1x512xi32>
    %add3A_18 = arith.addi %slice3A_15, %add3A_17 : vector<1x512xi32>
    %eq3A_19 = vector.broadcast %add3A_18 : vector<1x512xi32> to vector<256x512xi32>
    %eq3A_20 = arith.cmpi eq, %iota3A, %eq3A_19 : vector<256x512xi32>
    %convert_element_type3A_21 = arith.extui %eq3A_20 : vector<256x512xi1> to vector<256x512xi32>
    %convert_element_type3A_22 = arith.sitofp %convert_element_type3A_21 : vector<256x512xi32> to vector<256x512xf32>
    %add3A_23 = arith.addf %add3A_14, %convert_element_type3A_22 : vector<256x512xf32>
    %slice3A_24 = vector.extract_strided_slice %get3A_1 {offsets = [3, 0], sizes = [1, 512], strides = [1, 1]} : vector<9x512xi32> to vector<1x512xi32>
    %add3A_25 = arith.constant 134 : i32
    %add3A_26 = vector.broadcast %add3A_25 : i32 to vector<1x512xi32>
    %add3A_27 = arith.addi %slice3A_24, %add3A_26 : vector<1x512xi32>
    %eq3A_28 = vector.broadcast %add3A_27 : vector<1x512xi32> to vector<256x512xi32>
    %eq3A_29 = arith.cmpi eq, %iota3A, %eq3A_28 : vector<256x512xi32>
    %convert_element_type3A_30 = arith.extui %eq3A_29 : vector<256x512xi1> to vector<256x512xi32>
    %convert_element_type3A_31 = arith.sitofp %convert_element_type3A_30 : vector<256x512xi32> to vector<256x512xf32>
    %add3A_32 = arith.addf %add3A_23, %convert_element_type3A_31 : vector<256x512xf32>
    %slice3A_33 = vector.extract_strided_slice %get3A_1 {offsets = [4, 0], sizes = [1, 512], strides = [1, 1]} : vector<9x512xi32> to vector<1x512xi32>
    %add3A_34 = arith.constant 146 : i32
    %add3A_35 = vector.broadcast %add3A_34 : i32 to vector<1x512xi32>
    %add3A_36 = arith.addi %slice3A_33, %add3A_35 : vector<1x512xi32>
    %eq3A_37 = vector.broadcast %add3A_36 : vector<1x512xi32> to vector<256x512xi32>
    %eq3A_38 = arith.cmpi eq, %iota3A, %eq3A_37 : vector<256x512xi32>
    %convert_element_type3A_39 = arith.extui %eq3A_38 : vector<256x512xi1> to vector<256x512xi32>
    %convert_element_type3A_40 = arith.sitofp %convert_element_type3A_39 : vector<256x512xi32> to vector<256x512xf32>
    %add3A_41 = arith.addf %add3A_32, %convert_element_type3A_40 : vector<256x512xf32>
    %slice3A_42 = vector.extract_strided_slice %get3A_1 {offsets = [5, 0], sizes = [1, 512], strides = [1, 1]} : vector<9x512xi32> to vector<1x512xi32>
    %add3A_43 = arith.constant 155 : i32
    %add3A_44 = vector.broadcast %add3A_43 : i32 to vector<1x512xi32>
    %add3A_45 = arith.addi %slice3A_42, %add3A_44 : vector<1x512xi32>
    %eq3A_46 = vector.broadcast %add3A_45 : vector<1x512xi32> to vector<256x512xi32>
    %eq3A_47 = arith.cmpi eq, %iota3A, %eq3A_46 : vector<256x512xi32>
    %convert_element_type3A_48 = arith.extui %eq3A_47 : vector<256x512xi1> to vector<256x512xi32>
    %convert_element_type3A_49 = arith.sitofp %convert_element_type3A_48 : vector<256x512xi32> to vector<256x512xf32>
    %add3A_50 = arith.addf %add3A_41, %convert_element_type3A_49 : vector<256x512xf32>
    %slice3A_51 = vector.extract_strided_slice %get3A_1 {offsets = [6, 0], sizes = [1, 512], strides = [1, 1]} : vector<9x512xi32> to vector<1x512xi32>
    %add3A_52 = arith.constant 160 : i32
    %add3A_53 = vector.broadcast %add3A_52 : i32 to vector<1x512xi32>
    %add3A_54 = arith.addi %slice3A_51, %add3A_53 : vector<1x512xi32>
    %eq3A_55 = vector.broadcast %add3A_54 : vector<1x512xi32> to vector<256x512xi32>
    %eq3A_56 = arith.cmpi eq, %iota3A, %eq3A_55 : vector<256x512xi32>
    %convert_element_type3A_57 = arith.extui %eq3A_56 : vector<256x512xi1> to vector<256x512xi32>
    %convert_element_type3A_58 = arith.sitofp %convert_element_type3A_57 : vector<256x512xi32> to vector<256x512xf32>
    %add3A_59 = arith.addf %add3A_50, %convert_element_type3A_58 : vector<256x512xf32>
    %slice3A_60 = vector.extract_strided_slice %get3A_1 {offsets = [7, 0], sizes = [1, 512], strides = [1, 1]} : vector<9x512xi32> to vector<1x512xi32>
    %add3A_61 = arith.constant 168 : i32
    %add3A_62 = vector.broadcast %add3A_61 : i32 to vector<1x512xi32>
    %add3A_63 = arith.addi %slice3A_60, %add3A_62 : vector<1x512xi32>
    %eq3A_64 = vector.broadcast %add3A_63 : vector<1x512xi32> to vector<256x512xi32>
    %eq3A_65 = arith.cmpi eq, %iota3A, %eq3A_64 : vector<256x512xi32>
    %convert_element_type3A_66 = arith.extui %eq3A_65 : vector<256x512xi1> to vector<256x512xi32>
    %convert_element_type3A_67 = arith.sitofp %convert_element_type3A_66 : vector<256x512xi32> to vector<256x512xf32>
    %add3A_68 = arith.addf %add3A_59, %convert_element_type3A_67 : vector<256x512xf32>
    %slice3A_69 = vector.extract_strided_slice %get3A_1 {offsets = [8, 0], sizes = [1, 512], strides = [1, 1]} : vector<9x512xi32> to vector<1x512xi32>
    %add3A_70 = arith.constant 170 : i32
    %add3A_71 = vector.broadcast %add3A_70 : i32 to vector<1x512xi32>
    %add3A_72 = arith.addi %slice3A_69, %add3A_71 : vector<1x512xi32>
    %eq3A_73 = vector.broadcast %add3A_72 : vector<1x512xi32> to vector<256x512xi32>
    %eq3A_74 = arith.cmpi eq, %iota3A, %eq3A_73 : vector<256x512xi32>
    %convert_element_type3A_75 = arith.extui %eq3A_74 : vector<256x512xi1> to vector<256x512xi32>
    %convert_element_type3A_76 = arith.sitofp %convert_element_type3A_75 : vector<256x512xi32> to vector<256x512xf32>
    %add3A_77 = arith.addf %add3A_68, %convert_element_type3A_76 : vector<256x512xf32>
    %convert_element_type3A_78 = arith.truncf %add3A_77 : vector<256x512xf32> to vector<256x512xbf16>
    %get3A_79 = arith.constant 0 : index
    %get3A_80 = arith.constant 0 : index
    %get3A_81 = vector.load %arg2[%get3A_79, %get3A_80] : memref<256x512xbf16, #tpu.memory_space<vmem>>, vector<256x512xbf16>
    %dot_general3A = arith.constant dense<0.000000e+00> : vector<512x512xf32>
    %dot_general3A_82 = tpu.matmul %convert_element_type3A_78, %get3A_81, %dot_general3A {dimension_numbers = #tpu.dot_dimension_numbers<[0], [0], [1], [1], [0, 1, 1, 1], [], []>, transpose_lhs_hint = false} : vector<256x512xbf16>, vector<256x512xbf16>, vector<512x512xf32> -> vector<512x512xf32>
    %swap3A = arith.constant 0 : index
    %swap3A_83 = arith.constant 0 : index
    %swap3A_84 = vector.load %arg4[%swap3A, %swap3A_83] : memref<512x512xf32, #tpu.memory_space<vmem>>, vector<512x512xf32>
    tpu.vector_store %arg4[%swap3A, %swap3A_83], %dot_general3A_82 {strides = array<i32>} : memref<512x512xf32, #tpu.memory_space<vmem>>, vector<512x512xf32>,
    return
  }
  func.func @transform_0(%arg0: i32) -> (i32, i32) {
    %c0_i32 = arith.constant 0 : i32
    %c0_i32_0 = arith.constant 0 : i32
    return %c0_i32, %arg0 : i32, i32
  }
  func.func @transform_1(%arg0: i32) -> (i32, i32) {
    %c0_i32 = arith.constant 0 : i32
    %c0_i32_0 = arith.constant 0 : i32
    %c0_i32_1 = arith.constant 0 : i32
    return %c0_i32, %c0_i32_0 : i32, i32
  }
  func.func @transform_3(%arg0: i32) -> (i32, i32) {
    %c0_i32 = arith.constant 0 : i32
    %c0_i32_0 = arith.constant 0 : i32
    return %arg0, %c0_i32 : i32, i32
  }
}

</mosaic_0001>

<sc_bundles>
// kernel: gather_offload_async_start
scs
__scs_entry_jumppad:
0x0: {  	(pc) =	sbr.rel $0x88, $3  }
0x1: {  	(tag) =	ssettag $0x0;
	lr =	simm.s32 $0x1  }
0x2: {  	[smem:$0x3F97] =	sst lr;
	_ =	strace $0xD0000000  }
0x3: {  	_ = 	snop  }
0x4: {  	_ = 	snop  }
0x5: {  	_ = 	snop  }
0x6: {  	_ = 	snop  }
0x7: {  	_ = 	snop  }
__scs_overlays_trampoline_lowered:
0x8: {  	[smem:$0x3FA6] =	sst s0  }
0x9: {  	[smem:$0x3FA7] =	sst s1  }
0xa: {  	[smem:$0x3FA8] =	sst s2  }
0xb: {  	[smem:$0x3FA9] =	sst s3  }
0xc: {  	[smem:$0x3FAA] =	sst s4  }
0xd: {  	[smem:$0x3FAB] =	sst s5  }
0xe: {  	[smem:$0x3FAC] =	sst s6  }
0xf: {  	[smem:$0x3FAD] =	sst s7  }
0x10: {  	[smem:$0x3FAE] =	sst s8  }
0x11: {  	[smem:$0x3FAF] =	sst s9;
	s0 =	simm.s32 @!p0 $0x0  }
0x12: {  	s1 =	sld [smem:$0x3F95];
	s0 =	simm.s32 @p0 $0x1  }
0x13: {  	[smem:$0x3FB0] =	sst s0;
	s0 =	simm.s32 @!p1 $0x0  }
0x14: {  	s2 =	sld [smem:$0x3F94];
	s0 =	simm.s32 @p1 $0x1  }
0x15: {  	[smem:$0x3FB1] =	sst s0;
	s0 =	simm.s32 @!p2 $0x0  }
0x16: {  	s3 =	sld [smem:$0x3FDB];
	s0 =	simm.s32 @p2 $0x1  }
0x17: {  	s4 =	simm.s32 $0x1BF5;
	[smem:$0x3FB3] =	sst s0  }
0x18: {  	s0 =	sld [smem:$0x3F96];
	_ =	swait.ge [sflag:s4], $0x0  }
0x19: {  	s7 =	sld [smem:$0x3F97]  }
0x1a: {  	s8 =	sadd.s32 $0xFFFFE003, lr  }
0x1b: {  	s9 =	sadd.s32 $0xFFFFFEF7, lr;
	s5 =	simm.s32 $0xFFFFFFFF;
	p2 =	slt.u32 s8, $0xFFFFF086  }
0x1c: {  	p1 =	slt.u32 s9, $0xF7A;
	s5 =	simm.s32 @!p2 $0x0  }
0x1d: {  	s5 =	simm.s32 @p1 $0x1;
	p0 =	seq.s32 s7, s2  }
0x1e: {  	s7 =	smul.u32 @!p0 $0xF7A, s2;
	p2 =	seq.s32 @!p0 s5, $0x0  }
0x1f: {  	s9 =	smul.u32 $0xF7A, s1;
	s8 =	simm.s32 @!p0 $0x1BF5;
	p2 =	por !p2, p0  }
0x20: {  	[sflag:s8] =	ssyncset.s32 @!p0 $0xFFFFF086;
	s6 =	sadd.s32 @!p0 s3, s7;
	s7 =	simm.s32 @!p0 $0x108  }
0x21: {  	s3 =	sadd.s32 s3, s9;
	s6 =	sadd.s32 @!p0 $0x88, s6;
	s7 =	simm.s32 @p2 $0x1082  }
0x22: {  	[simem:s7], [sflag:s8] =	dma.local @!p0 [hbm:s6], $0xF7A  }
0x23: {  	s9 =	sor.u32 $0xD0000000, s2;
	s6 =	simm.s32 $0x108;
	_ =	swait.ge @!p0 [sflag:s8], $0x0  }
0x24: {  	s3 =	sadd.s32 $0x88, s3;
	s6 =	simm.s32 @!p1 $0x1082;
	[sflag:s4] =	ssyncset.s32 $0xFFFFF086  }
0x25: {  	[simem:s6], [sflag:s4] =	dma.local [hbm:s3], $0xF7A  }
0x26: {  	[smem:$0x3F97] =	sst s1;
	(tag) =	ssettag s2;
	_ =	strace s9  }
0x27: {  	s1 =	sld [smem:$0x3FA7]  }
0x28: {  	s2 =	sld [smem:$0x3FA8]  }
0x29: {  	s4 =	sld [smem:$0x3FAA]  }
0x2a: {  	p0 =	seq.s32 s5, $0x0;
	s5 =	sld [smem:$0x3FAB]  }
0x2b: {  	s6 =	sld [smem:$0x3FAC]  }
0x2c: {  	s7 =	sld [smem:$0x3FAD]  }
0x2d: {  	s3 =	simm.s32 $0x108;
	s8 =	sld [smem:$0x3FAE]  }
0x2e: {  	s3 =	simm.s32 @!p0 $0x1082;
	s9 =	sld [smem:$0x3FAF]  }
0x2f: {  	lr =	sadd.s32 s0, s3;
	s0 =	sld [smem:$0x3FA6]  }
0x30: {  	s3 =	sld [smem:$0x3FA9]  }
0x31: {  	[smem:$0x3FB2] =	sst s10  }
0x32: {  	s10 =	sld [smem:$0x3FB0];
	_ =	sdelay $0x3  }
0x33: {  	p0 =	seq.s32 s10, $0x1;
	s10 =	sld [smem:$0x3FB2];
	_ =	sdelay $0x3  }
0x34: {  	[smem:$0x3FB2] =	sst s10  }
0x35: {  	s10 =	sld [smem:$0x3FB1];
	_ =	sdelay $0x3  }
0x36: {  	p1 =	seq.s32 s10, $0x1;
	s10 =	sld [smem:$0x3FB2];
	_ =	sdelay $0x3  }
0x37: {  	[smem:$0x3FB2] =	sst s10  }
0x38: {  	s10 =	sld [smem:$0x3FB3]  }
0x39: {  	_ = 	snop;
	(pc) =	sbr.ind lr, $3  }
0x3a: {  	_ = 	snop  }
0x3b: {  	_ = 	snop  }
0x3c: {  	p2 =	seq.s32 s10, $0x1;
	s10 =	sld [smem:$0x3FB2]  }
0x3d: {  	_ =	shalt  }
0x3e: {  	_ =	shalt  }
0x3f: {  	_ =	shalt  }
0x40: {  	_ =	shalt  }
0x41: {  	_ =	shalt  }
0x42: {  	_ =	shalt  }
0x43: {  	_ =	shalt  }
0x44: {  	_ =	shalt  }
0x45: {  	_ =	shalt  }
0x46: {  	_ =	shalt  }
0x47: {  	_ =	shalt  }
0x48: {  	_ =	shalt  }
0x49: {  	_ =	shalt  }
0x4a: {  	_ =	shalt  }
0x4b: {  	_ =	shalt  }
0x4c: {  	_ =	shalt  }
0x4d: {  	_ =	shalt  }
0x4e: {  	_ =	shalt  }
0x4f: {  	_ =	shalt  }
0x50: {  	_ =	shalt  }
0x51: {  	_ =	shalt  }
0x52: {  	_ =	shalt  }
0x53: {  	_ =	shalt  }
0x54: {  	_ =	shalt  }
0x55: {  	_ =	shalt  }
0x56: {  	_ =	shalt  }
0x57: {  	_ =	shalt  }
0x58: {  	_ =	shalt  }
0x59: {  	_ =	shalt  }
0x5a: {  	_ =	shalt  }
0x5b: {  	_ =	shalt  }
0x5c: {  	_ =	shalt  }
0x5d: {  	_ =	shalt  }
0x5e: {  	_ =	shalt  }
0x5f: {  	_ =	shalt  }
0x60: {  	_ =	shalt  }
0x61: {  	_ =	shalt  }
0x62: {  	_ =	shalt  }
0x63: {  	_ =	shalt  }
0x64: {  	_ =	shalt  }
0x65: {  	_ =	shalt  }
0x66: {  	_ =	shalt  }
0x67: {  	_ =	shalt  }
0x68: {  	_ =	shalt  }
0x69: {  	_ =	shalt  }
0x6a: {  	_ =	shalt  }
0x6b: {  	_ =	shalt  }
0x6c: {  	_ =	shalt  }
0x6d: {  	_ =	shalt  }
0x6e: {  	_ =	shalt  }
0x6f: {  	_ =	shalt  }
0x70: {  	_ =	shalt  }
0x71: {  	_ =	shalt  }
0x72: {  	_ =	shalt  }
0x73: {  	_ =	shalt  }
0x74: {  	_ =	shalt  }
0x75: {  	_ =	shalt  }
0x76: {  	_ =	shalt  }
0x77: {  	_ =	shalt  }
0x78: {  	_ =	shalt  }
0x79: {  	_ =	shalt  }
0x7a: {  	_ =	shalt  }
0x7b: {  	_ =	shalt  }
0x7c: {  	_ =	shalt  }
0x7d: {  	_ =	shalt  }
0x7e: {  	_ =	shalt  }
0x7f: {  	_ =	shalt  }
0x80: {  	_ =	shalt  }
0x81: {  	_ =	shalt  }
0x82: {  	_ =	shalt  }
0x83: {  	_ =	shalt  }
0x84: {  	_ =	shalt  }
0x85: {  	_ =	shalt  }
0x86: {  	_ =	shalt  }
0x87: {  	_ =	shalt  }
.Lfunc_end0:
.L_simem_size_0:
called_computation_lowered:
.L_overlay_start_0:
0x88: {  	s2 =	sld [smem:$0x3FD9]  }
0x89: {  	s3 =	sld [smem:$0x3FFE];
	_ =	sdelay $0x1  }
0x8a: {  	s1 =	srdreg.scid  }
0x8b: {  	s0 =	sand.u32 $0x1, s1  }
0x8c: {  	s17 =	sshll.u32 s0, $0xA;
	s2 =	sadd.s32 s3, s2  }
0x8d: {  	s2 =	sadd.s32 s2, s17  }
0x8e: {  	[smem:$0x3FBE] =	sst s2  }
0x8f: {  	_ = 	snop  }
0x90: {  	s2 =	sld [smem:$0x3FD0];
	(tm) =	ssettm $0x1  }
0x91: {  	s18 =	sld [smem:$0x3FFB];
	_ =	sdelay $0x3  }
0x92: {  	_ =	strace s18  }
0x93: {  	s3 =	sld [smem:$0x3FFC];
	_ =	sdelay $0x3  }
0x94: {  	_ =	strace s3  }
0x95: {  	s3 =	sld [smem:$0x3FFD];
	_ =	sdelay $0x3  }
0x96: {  	_ =	strace s3  }
0x97: {  	_ =	strace $0x8FFFFFFF  }
0x98: {  	s19 =	sld [smem:$0x3FDB];
	_ =	sdelay $0x1  }
0x99: {  	s4 =	simm.s32 $_scs_section_size  }
0x9a: {  	s5 =	simm.s32 $_size__tile_overlayer_lowered;
	s6 =	simm.s32 $_tile_overlayer_lowered  }
0x9b: {  	s22 =	simm.s32 $0x1BFF;
	s21 =	sshll.u32 s6, $0x1;
	s3 =	sadd.s32 s4, s19  }
0x9c: {  	s7 =	simm.s32 $0x0;
	s20 =	sshll.u32 s5, $0x1;
	s5 =	sadd.s32 s21, s3  }
0x9d: {  	[timem:s7], [sflag:s22] =	dma.local [hbm:s5], s20  }
0x9e: {  	_ =	swait.ge [sflag:s22], s20  }
0x9f: {  	s4 =	ssub.s32 $0x0, s20;
	[sflag:s22] =	ssyncset.done $0x0  }
0xa0: {  	[sflag:s22] =	ssyncadd.s32 s4;
	_ =	sdelay $0x1  }
0xa1: {  	s23 =	simm.s32 $0x1B8B  }
0xa2: {  	_ =	swait.ge [sflag:s23], $0x1  }
0xa3: {  	[sflag:s23] =	ssyncset.done $0x0  }
0xa4: {  	s25 =	simm.s32 $0x1B8E;
	s24 =	sld [smem:$0x3FFE];
	[sflag:s23] =	ssyncadd.s32 $0xFFFFFFFF  }
0xa5: {  	s26 =	simm.s32 $execute0_lowered;
	[smem:$0x3FD2] =	sst s25  }
0xa6: {  	s5 =	sshll.u32 s26, $0x1;
	_ =	strace $0x80000046;
	[dreg:$0x1] =	wrdreg $0xFFFFFFFF  }
0xa7: {  	s28 =	simm.s32 $_size_execute0_lowered;
	s3 =	sadd.s32 s3, s5;
	[dreg:$0x0] =	wrdreg $0x0  }
0xa8: {  	s5 =	sshll.u32 s28, $0x1;
	[dreg:$0x2] =	wrdreg s3  }
0xa9: {  	[dreg:$0x3] =	wrdreg s5  }
0xaa: {  	[dreg:$0x4] =	wrdreg $0xC0  }
0xab: {  	_ =	task [dreg:s7], $0x5FFFF  }
0xac: {  	[dreg:$0x1] =	wrdreg $0xFFFFFFFF  }
0xad: {  	[dreg:$0x0] =	wrdreg $0x60  }
0xae: {  	[dreg:$0x2] =	wrdreg s24  }
0xaf: {  	[dreg:$0x3] =	wrdreg s2  }
0xb0: {  	[dreg:$0x4] =	wrdreg $0x9  }
0xb1: {  	_ =	task.clear_ibuf [dreg:s7], $0x5FFFF;
	_ =	strace $0x90000046  }
0xb2: {  	s29 =	simm.s32 $0x9;
	_ =	strace $0x80000048  }
0xb3: {  	_ =	swait.ge [sflag:s29], $0x1  }
0xb4: {  	[sflag:s29] =	ssyncadd.s32 $0xFFFFFFFF  }
0xb5: {  	_ =	strace $0x90000048  }
0xb6: {  	_ =	sfence  }
0xb7: {  	s30 =	sld [smem:$0x0];
	_ =	sdelay $0x2  }
0xb8: {  	s31 =	sshll.u32 s1, $0xD;
	s1 =	sshrl.u32 s1, $0x2  }
0xb9: {  	s3 =	sand.u32 $0x4000, s31;
	s1 =	sadd.s32 s1, s30  }
0xba: {  	s0 =	sor.u32 s3, s0;
	s1 =	sshll.u32 s1, $0x11  }
0xbb: {  	s0 =	sor.u32 s1, s0  }
0xbc: {  	s0 =	sadd.s32 $0x8F2B, s0  }
0xbd: {  	[sflag:s0] =	ssyncadd.remote.s32 $0x1  }
0xbe: {  	_ =	sfence.sel $0xFFFF  }
0xbf: {  	[dreg:$0x0] =	wrdreg $0xFFFFFFFF;
	(pc) =	sbr.abs _section_cstart, $3  }
0xc0: {  	[dreg:$0x1] =	wrdreg $0xFFFFFFFF  }
0xc1: {  	_ =	task.clear_ibuf [dreg:s7], $0x2FFFF;
	_ =	strace $0x9FFFFFFF  }
0xc2: {  	(tm) =	ssettm $0x7FFFFFFF  }
0xc3: {  	_ =	shalt  }
tec
execute0_lowered:
.L_overlay_start_1:
0x0: {  	(tag) =	ssettag $0x1  }
0x1: {  	s0 =	srdreg.scid  }
0x2: {  	s1 =	sshll.u32 s0, $0x4  }
0x3: {  	s0 =	stileid.u32;
	s1 =	sand.u32 $0x10, s1  }
0x4: {  	s2 =	sor.u32 s0, s1  }
0x5: {  	s1 =	smin.u32 s2, $0xC;
	s3 =	sshll.u32 s2, $0x1  }
0x6: {  	s1 =	sadd.s32 s1, s3  }
0x7: {  	p0 =	slt.u32 s2, $0xC;
	s2 =	simm.s32 $0x480;
	s1 =	smul.u32 $0x180, s1  }
0x8: {  	s2 =	simm.s32 @!p0 $0x300  }
0x9: {  	s2 =	sadd.s32 s2, s1  }
0xa: {  	s3 =	smin.u32 s2, $0x7200  }
0xb: {  	s7 =	ssub.s32 s3, s1  }
0xc: {  	p0 =	sgt.s32 s7, $0x0  }
0xd: {  	s7 =	simm.s32 @!p0 $0x0  }
0xe: {  	s9 =	rddreg [dreg:$0x0];
	s31 =	smul.u32 $0xAAAB, s7  }
0xf: {  	s4 =	rddreg [dreg:$0x1];
	s6 =	simm.s32 $0x1  }
0x10: {  	s11 =	simm.s32 $0x3;
	s13 =	simm.s32 $0x0;
	s8 =	sshrl.u32 s31, $0x18  }
0x11: {  	s12 =	simm.s32 $0x0;
	s5 =	sadd.s32 $0x3E00, s9;
	s10 =	smul.u32 $0x180, s8  }
.Ltmp0:
0x12: {  	s9 =	sadd.s32 $0x2E00, s9;
	s2 =	rddreg [dreg:$0x2];
	(pc) =	sbr.rel .LBB2_1-.Ltmp0, $4  }
0x13: {  	_ =	strace $0x80000047;
	p0 =	sne.s32 s7, s10;
	s10 =	simm.s32 $0x1  }
0x14: {  	[sflag:s6] =	ssyncpa.u1 $0x0;
	s7 =	simm.s32 $0x2;
	s10 =	simm.s32 @!p0 $0x0  }
0x15: {  	[sflag:s7] =	ssyncpa.u1 $0x0;
	p0 =	por $0x0, $0x0;
	s8 =	sadd.s32 s8, s10  }
0x16: {  	vm0 =	vmmov $0xff;
	vm1 =	vcmask $0x3F20;
	[sflag:s11] =	ssyncpa.u1 $0x0;
	s11 =	smov.u32 s1;
	s10 =	sadd.s32 $0x1, s8  }
.LBB2_6:
0x17: {  	[hbm:s17] =	stream.linear.scatter [tilespmem:s14], [sflag:$0x3], $0x400, $0x38;
	[tilespmem:$0x18300] =	vst v63  }
.LBB2_7:
0x18: {  	s13 =	sadd.s32 $0x180, s11  }
0x19: {  	s15 =	smov.u32 s1;
	p2 =	slt.s32 s13, s3  }
0x1a: {  	s15 =	smov.u32 @p2 s13;
	p2 =	sne.s32 s12, s10  }
.Ltmp1:
0x1b: {  	p1 =	slt.u32 s12, $0x2;
	(pc) =	sbr.rel @!p2 .LBB2_8-.Ltmp1, $4  }
0x1c: {  	s14 =	simm.s32 @!p1 $0x3  }
0x1d: {  	s16 =	sadd.s32 $0x1, s12;
	_ =	swait.ge @!p1 [sflag:s14], $0xC000  }
0x1e: {  	p0 =	por !p0, !p0;
	s13 =	smov.u32 s11;
	[sflag:s14] =	ssyncset.done @!p1 $0x0  }
0x1f: {  	s12 =	smov.u32 s16;
	s11 =	smov.u32 s15;
	[sflag:s14] =	ssyncadd.s32 @!p1 $0xFFFF4000  }
.LBB2_1:
0x20: {  	p1 =	sge.u32 s12, s8  }
0x21: {  	s14 =	sxor.u32 @!p1 $0xFFFFFFFF, s12  }
0x22: {  	s14 =	sand.u32 @!p1 $0x1, s14  }
0x23: {  	s14 =	smul.u32 @!p1 $0x600, s14  }
0x24: {  	s31 =	sadd.s32 $0xFFFFFFFF, s12;
	s15 =	sshrl.u32 @!p1 s11, $0x3  }
0x25: {  	s16 =	sand.u32 @!p1 $0x7, s11;
	s15 =	sadd.s32 @!p1 s9, s15;
	s14 =	sshrl.u32 @!p1 s14, $0x2  }
0x26: {  	[tilespmem:s14], [sflag:$0x2] =	stream.linear.gather @!p1 [hbm4b:s15+s16], $0x180, $0x38;
	[tilespmem:$0x18300] =	vst v63  }
0x27: {  	p1 =	sge.u32 s31, s8  }
.Ltmp2:
0x28: {  	_ = 	snop;
	(pc) =	sbr.rel @p1 .LBB2_7-.Ltmp2, $1  }
0x29: {  	_ =	sdelay $0x3  }
0x2a: {  	s14 =	simm.s32 $0x1  }
0x2b: {  	s14 =	simm.s32 @!p0 $0x0  }
0x2c: {  	s15 =	smul.u32 $0x600, s14  }
0x2d: {  	_ =	swait.ge [sflag:s7], $0x180  }
0x2e: {  	[sflag:s7] =	ssyncset.done $0x0;
	s16 =	sshrl.u32 s15, $0x2  }
0x2f: {  	[sflag:s7] =	ssyncadd.s32 $0xFFFFFE80;
	s15 =	sadd.s32 $0x0, s16  }
0x30: {  	v0 =	vld.msk [tilespmem:s15+$0x0 ss:$0x1], $0xffff;
	_ =	sdelay $0x4  }
0x31: {  	vm2 =	vgt.s32 v0, $0x0  }
0x32: {  	v0 =	vnsel vm2, $0x0, v0  }
0x33: {  	v0 =	vmin.u32 v0, $0x669F  }
0x34: {  	v0 =	vshll.u32 v0, $0x4  }
0x35: {  	s14 =	smul.u32 $0x30000, s14;
	_ =	sdelay $0x1  }
0x36: {  	s14 =	sshrl.u32 s14, $0x2  }
0x37: {  	s14 =	sor.u32 $0x300, s14  }
0x38: {  	[tilespmem:s14], [sflag:$0x1] =	stream.indirect_vreg.gather [hbm:s5], $0x80, v0, vm0, $0x38;
	[tilespmem:$0x18300] =	vst v63  }
0x39: {  	s17 =	sadd.s32 $0x10, s16;
	s15 =	sadd.s32 $0x400, s14  }
0x3a: {  	[tilespmem:s15], [sflag:$0x1] =	stream.indirect_vreg.gather [hbm:s5], $0x80, v0, vm1, $0x38;
	[tilespmem:$0x18300] =	vst v63  }
0x3b: {  	s18 =	simm.s32 $0x80;
	v0 =	vld.msk [tilespmem:s17+$0x0 ss:$0x1], $0xffff;
	s17 =	smov.u32 s14  }
.LBB2_3:
0x3c: {  	p1 =	sne.s32 s18, $0x5C0;
	_ =	sdelay $0x4  }
0x3d: {  	vm2 =	vgt.s32 v0, $0x0  }
0x3e: {  	v0 =	vnsel vm2, $0x0, v0  }
0x3f: {  	v0 =	vmin.u32 v0, $0x669F  }
0x40: {  	v0 =	vshll.u32 v0, $0x4;
	_ =	sdelay $0x3  }
.Ltmp3:
0x41: {  	s19 =	sshra.s32 s18, $0x2;
	s17 =	sadd.s32 $0x800, s17;
	(pc) =	sbr.rel @p1 .LBB2_3-.Ltmp3, $4  }
0x42: {  	[tilespmem:s17], [sflag:$0x1] =	stream.indirect_vreg.gather [hbm:s5], $0x80, v0, vm0, $0x38;
	[tilespmem:$0x18300] =	vst v63  }
0x43: {  	s19 =	sadd.s32 s19, s16;
	s20 =	sadd.s32 $0x400, s17  }
0x44: {  	[tilespmem:s20], [sflag:$0x1] =	stream.indirect_vreg.gather [hbm:s5], $0x80, v0, vm1, $0x38;
	[tilespmem:$0x18300] =	vst v63  }
0x45: {  	s18 =	sadd.s32 $0x40, s18;
	v0 =	vld.msk [tilespmem:s19+$0x0 ss:$0x1], $0xffff  }
0x46: {  	_ =	sdelay $0x3  }
0x47: {  	vm2 =	vgt.s32 v0, $0x0  }
0x48: {  	v0 =	vnsel vm2, $0x0, v0  }
0x49: {  	v0 =	vmin.u32 v0, $0x669F  }
0x4a: {  	v0 =	vshll.u32 v0, $0x4;
	_ =	sdelay $0x3  }
0x4b: {  	s16 =	sadd.s32 $0x800, s17  }
0x4c: {  	[tilespmem:s16], [sflag:$0x1] =	stream.indirect_vreg.gather [hbm:s5], $0x80, v0, vm0, $0x38;
	[tilespmem:$0x18300] =	vst v63  }
0x4d: {  	s16 =	sadd.s32 $0x400, s16  }
0x4e: {  	[tilespmem:s16], [sflag:$0x1] =	stream.indirect_vreg.gather [hbm:s5], $0x80, v0, vm1, $0x38;
	[tilespmem:$0x18300] =	vst v63  }
0x4f: {  	s13 =	sshll.u32 s13, $0x4;
	_ =	swait.ge [sflag:s6], $0xC000  }
0x50: {  	s13 =	sadd.s32 s13, s4;
	[sflag:s6] =	ssyncset.done $0x0  }
0x51: {  	s17 =	sadd.s32 $0x0, s13;
	s16 =	simm.s32 $0x80;
	[sflag:s6] =	ssyncadd.s32 $0xFFFF4000  }
.LBB2_5:
0x52: {  	[hbm:s17] =	stream.linear.scatter [tilespmem:s14], [sflag:$0x3], $0x400, $0x38;
	[tilespmem:$0x18300] =	vst v63  }
0x53: {  	s17 =	smov.u32 s16;
	s14 =	smov.u32 s15;
	p1 =	sne.s32 s16, $0x1780  }
.Ltmp4:
0x54: {  	s16 =	sadd.s32 $0x80, s16;
	(pc) =	sbr.rel @p1 .LBB2_5-.Ltmp4, $2  }
0x55: {  	_ =	sdelay $0x2  }
0x56: {  	s15 =	sadd.s32 $0x400, s15;
	s17 =	sadd.s32 s17, s13  }
.Ltmp5:
0x57: {  	_ = 	snop;
	(pc) =	sbr.rel .LBB2_6-.Ltmp5, $1  }
0x58: {  	_ =	sdelay $0x3  }
.LBB2_8:
0x59: {  	_ =	sfence.sel $0x180000  }
0x5a: {  	s1 =	simm.s32 $0x2;
	[bflag:$0x0] =	sbarrier.arrive $0xFFFF  }
0x5b: {  	s30 =	simm.s32 $0x3;
	[sflag:s1] =	ssyncpa.u1 $0x1  }
0x5c: {  	s31 =	simm.s32 $0x1;
	[sflag:s30] =	ssyncpa.u1 $0x1  }
0x5d: {  	[sflag:s31] =	ssyncpa.u1 $0x1  }
0x5e: {  	p0 =	sne.s32 s0, $0x0;
	_ =	strace $0x90000047  }
0x5f: {  	s0 =	sadd.s32 @!p0 $0x100000, s2;
	[bflag:$0x2] =	sbarrier.arrive $0xFFFF  }
0x60: {  	[sflag:s0] =	ssyncadd.tile.s32 @!p0 $0x1;
	_ =	shalt  }
.Lfunc_end2:
_tile_overlayer_lowered:
.L_overlay_start_2:
0x61: {  	(tag) =	ssettag $0x2  }
0x62: {  	s0 =	rddreg [dreg:$0x0];
	s2 =	stileid.u32  }
0x63: {  	s1 =	rddreg [dreg:$0x1];
	p0 =	sne.s32 s2, $0x0  }
0x64: {  	s3 =	rddreg [dreg:$0x2];
	[bflag:$0x3] =	sbarrier.arrive $0xFFFF;
	s2 =	simm.s32 @!p0 $0x1C01  }
0x65: {  	[timem:s3], [sflag:s2] =	dma.local @!p0 [hbm:s0], s1  }
0x66: {  	s0 =	simm.s32 @!p0 $0x1  }
0x67: {  	_ =	swait.ge @!p0 [sflag:s0], s1  }
0x68: {  	s1 =	ssub.s32 @!p0 $0x0, s1;
	[sflag:s0] =	ssyncset.done @!p0 $0x0  }
0x69: {  	[sflag:s0] =	ssyncadd.s32 @!p0 s1  }
0x6a: {  	[bflag:$0x3] =	sbarrier.arrive $0xFFFF  }
0x6b: {  	_ =	shalt  }

// kernel: kernel.6.cloned.1.call-start
scs
__scs_entry_jumppad:
0x0: {  	(pc) =	sbr.rel $0x88, $3  }
0x1: {  	(tag) =	ssettag $0x0;
	lr =	simm.s32 $0x1  }
0x2: {  	[smem:$0x3F97] =	sst lr;
	_ =	strace $0xD0000000  }
0x3: {  	_ = 	snop  }
0x4: {  	_ = 	snop  }
0x5: {  	_ = 	snop  }
0x6: {  	_ = 	snop  }
0x7: {  	_ = 	snop  }
__scs_overlays_trampoline_lowered:
0x8: {  	[smem:$0x3FA6] =	sst s0  }
0x9: {  	[smem:$0x3FA7] =	sst s1  }
0xa: {  	[smem:$0x3FA8] =	sst s2  }
0xb: {  	[smem:$0x3FA9] =	sst s3  }
0xc: {  	[smem:$0x3FAA] =	sst s4  }
0xd: {  	[smem:$0x3FAB] =	sst s5  }
0xe: {  	[smem:$0x3FAC] =	sst s6  }
0xf: {  	[smem:$0x3FAD] =	sst s7  }
0x10: {  	[smem:$0x3FAE] =	sst s8  }
0x11: {  	[smem:$0x3FAF] =	sst s9;
	s0 =	simm.s32 @!p0 $0x0  }
0x12: {  	s1 =	sld [smem:$0x3F95];
	s0 =	simm.s32 @p0 $0x1  }
0x13: {  	[smem:$0x3FB0] =	sst s0;
	s0 =	simm.s32 @!p1 $0x0  }
0x14: {  	s2 =	sld [smem:$0x3F94];
	s0 =	simm.s32 @p1 $0x1  }
0x15: {  	[smem:$0x3FB1] =	sst s0;
	s0 =	simm.s32 @!p2 $0x0  }
0x16: {  	s3 =	sld [smem:$0x3FDB];
	s0 =	simm.s32 @p2 $0x1  }
0x17: {  	s4 =	simm.s32 $0x1BF5;
	[smem:$0x3FB3] =	sst s0  }
0x18: {  	s0 =	sld [smem:$0x3F96];
	_ =	swait.ge [sflag:s4], $0x0  }
0x19: {  	s7 =	sld [smem:$0x3F97]  }
0x1a: {  	s8 =	sadd.s32 $0xFFFFE003, lr  }
0x1b: {  	s9 =	sadd.s32 $0xFFFFFEF7, lr;
	s5 =	simm.s32 $0xFFFFFFFF;
	p2 =	slt.u32 s8, $0xFFFFF086  }
0x1c: {  	p1 =	slt.u32 s9, $0xF7A;
	s5 =	simm.s32 @!p2 $0x0  }
0x1d: {  	s5 =	simm.s32 @p1 $0x1;
	p0 =	seq.s32 s7, s2  }
0x1e: {  	s7 =	smul.u32 @!p0 $0xF7A, s2;
	p2 =	seq.s32 @!p0 s5, $0x0  }
0x1f: {  	s9 =	smul.u32 $0xF7A, s1;
	s8 =	simm.s32 @!p0 $0x1BF5;
	p2 =	por !p2, p0  }
0x20: {  	[sflag:s8] =	ssyncset.s32 @!p0 $0xFFFFF086;
	s6 =	sadd.s32 @!p0 s3, s7;
	s7 =	simm.s32 @!p0 $0x108  }
0x21: {  	s3 =	sadd.s32 s3, s9;
	s6 =	sadd.s32 @!p0 $0x88, s6;
	s7 =	simm.s32 @p2 $0x1082  }
0x22: {  	[simem:s7], [sflag:s8] =	dma.local @!p0 [hbm:s6], $0xF7A  }
0x23: {  	s9 =	sor.u32 $0xD0000000, s2;
	s6 =	simm.s32 $0x108;
	_ =	swait.ge @!p0 [sflag:s8], $0x0  }
0x24: {  	s3 =	sadd.s32 $0x88, s3;
	s6 =	simm.s32 @!p1 $0x1082;
	[sflag:s4] =	ssyncset.s32 $0xFFFFF086  }
0x25: {  	[simem:s6], [sflag:s4] =	dma.local [hbm:s3], $0xF7A  }
0x26: {  	[smem:$0x3F97] =	sst s1;
	(tag) =	ssettag s2;
	_ =	strace s9  }
0x27: {  	s1 =	sld [smem:$0x3FA7]  }
0x28: {  	s2 =	sld [smem:$0x3FA8]  }
0x29: {  	s4 =	sld [smem:$0x3FAA]  }
0x2a: {  	p0 =	seq.s32 s5, $0x0;
	s5 =	sld [smem:$0x3FAB]  }
0x2b: {  	s6 =	sld [smem:$0x3FAC]  }
0x2c: {  	s7 =	sld [smem:$0x3FAD]  }
0x2d: {  	s3 =	simm.s32 $0x108;
	s8 =	sld [smem:$0x3FAE]  }
0x2e: {  	s3 =	simm.s32 @!p0 $0x1082;
	s9 =	sld [smem:$0x3FAF]  }
0x2f: {  	lr =	sadd.s32 s0, s3;
	s0 =	sld [smem:$0x3FA6]  }
0x30: {  	s3 =	sld [smem:$0x3FA9]  }
0x31: {  	[smem:$0x3FB2] =	sst s10  }
0x32: {  	s10 =	sld [smem:$0x3FB0];
	_ =	sdelay $0x3  }
0x33: {  	p0 =	seq.s32 s10, $0x1;
	s10 =	sld [smem:$0x3FB2];
	_ =	sdelay $0x3  }
0x34: {  	[smem:$0x3FB2] =	sst s10  }
0x35: {  	s10 =	sld [smem:$0x3FB1];
	_ =	sdelay $0x3  }
0x36: {  	p1 =	seq.s32 s10, $0x1;
	s10 =	sld [smem:$0x3FB2];
	_ =	sdelay $0x3  }
0x37: {  	[smem:$0x3FB2] =	sst s10  }
0x38: {  	s10 =	sld [smem:$0x3FB3]  }
0x39: {  	_ = 	snop;
	(pc) =	sbr.ind lr, $3  }
0x3a: {  	_ = 	snop  }
0x3b: {  	_ = 	snop  }
0x3c: {  	p2 =	seq.s32 s10, $0x1;
	s10 =	sld [smem:$0x3FB2]  }
0x3d: {  	_ =	shalt  }
0x3e: {  	_ =	shalt  }
0x3f: {  	_ =	shalt  }
0x40: {  	_ =	shalt  }
0x41: {  	_ =	shalt  }
0x42: {  	_ =	shalt  }
0x43: {  	_ =	shalt  }
0x44: {  	_ =	shalt  }
0x45: {  	_ =	shalt  }
0x46: {  	_ =	shalt  }
0x47: {  	_ =	shalt  }
0x48: {  	_ =	shalt  }
0x49: {  	_ =	shalt  }
0x4a: {  	_ =	shalt  }
0x4b: {  	_ =	shalt  }
0x4c: {  	_ =	shalt  }
0x4d: {  	_ =	shalt  }
0x4e: {  	_ =	shalt  }
0x4f: {  	_ =	shalt  }
0x50: {  	_ =	shalt  }
0x51: {  	_ =	shalt  }
0x52: {  	_ =	shalt  }
0x53: {  	_ =	shalt  }
0x54: {  	_ =	shalt  }
0x55: {  	_ =	shalt  }
0x56: {  	_ =	shalt  }
0x57: {  	_ =	shalt  }
0x58: {  	_ =	shalt  }
0x59: {  	_ =	shalt  }
0x5a: {  	_ =	shalt  }
0x5b: {  	_ =	shalt  }
0x5c: {  	_ =	shalt  }
0x5d: {  	_ =	shalt  }
0x5e: {  	_ =	shalt  }
0x5f: {  	_ =	shalt  }
0x60: {  	_ =	shalt  }
0x61: {  	_ =	shalt  }
0x62: {  	_ =	shalt  }
0x63: {  	_ =	shalt  }
0x64: {  	_ =	shalt  }
0x65: {  	_ =	shalt  }
0x66: {  	_ =	shalt  }
0x67: {  	_ =	shalt  }
0x68: {  	_ =	shalt  }
0x69: {  	_ =	shalt  }
0x6a: {  	_ =	shalt  }
0x6b: {  	_ =	shalt  }
0x6c: {  	_ =	shalt  }
0x6d: {  	_ =	shalt  }
0x6e: {  	_ =	shalt  }
0x6f: {  	_ =	shalt  }
0x70: {  	_ =	shalt  }
0x71: {  	_ =	shalt  }
0x72: {  	_ =	shalt  }
0x73: {  	_ =	shalt  }
0x74: {  	_ =	shalt  }
0x75: {  	_ =	shalt  }
0x76: {  	_ =	shalt  }
0x77: {  	_ =	shalt  }
0x78: {  	_ =	shalt  }
0x79: {  	_ =	shalt  }
0x7a: {  	_ =	shalt  }
0x7b: {  	_ =	shalt  }
0x7c: {  	_ =	shalt  }
0x7d: {  	_ =	shalt  }
0x7e: {  	_ =	shalt  }
0x7f: {  	_ =	shalt  }
0x80: {  	_ =	shalt  }
0x81: {  	_ =	shalt  }
0x82: {  	_ =	shalt  }
0x83: {  	_ =	shalt  }
0x84: {  	_ =	shalt  }
0x85: {  	_ =	shalt  }
0x86: {  	_ =	shalt  }
0x87: {  	_ =	shalt  }
.Lfunc_end0:
.L_simem_size_0:
called_computation.1_lowered:
.L_overlay_start_0:
0x88: {  	s2 =	sld [smem:$0x3FD9]  }
0x89: {  	s3 =	sld [smem:$0x3FFE];
	_ =	sdelay $0x1  }
0x8a: {  	s1 =	srdreg.scid  }
0x8b: {  	s0 =	sand.u32 $0x1, s1  }
0x8c: {  	s17 =	sshll.u32 s0, $0xA;
	s2 =	sadd.s32 s3, s2  }
0x8d: {  	s2 =	sadd.s32 s2, s17  }
0x8e: {  	[smem:$0x3FBE] =	sst s2  }
0x8f: {  	_ = 	snop  }
0x90: {  	s2 =	sld [smem:$0x3FD0];
	(tm) =	ssettm $0x1  }
0x91: {  	s18 =	sld [smem:$0x3FFB];
	_ =	sdelay $0x3  }
0x92: {  	_ =	strace s18  }
0x93: {  	s3 =	sld [smem:$0x3FFC];
	_ =	sdelay $0x3  }
0x94: {  	_ =	strace s3  }
0x95: {  	s3 =	sld [smem:$0x3FFD];
	_ =	sdelay $0x3  }
0x96: {  	_ =	strace s3  }
0x97: {  	_ =	strace $0x8FFFFFFF  }
0x98: {  	s19 =	sld [smem:$0x3FDB];
	_ =	sdelay $0x1  }
0x99: {  	s4 =	simm.s32 $_scs_section_size  }
0x9a: {  	s5 =	simm.s32 $_size__tile_overlayer_lowered;
	s6 =	simm.s32 $_tile_overlayer_lowered  }
0x9b: {  	s22 =	simm.s32 $0x1BFF;
	s21 =	sshll.u32 s6, $0x1;
	s3 =	sadd.s32 s4, s19  }
0x9c: {  	s7 =	simm.s32 $0x0;
	s20 =	sshll.u32 s5, $0x1;
	s5 =	sadd.s32 s21, s3  }
0x9d: {  	[timem:s7], [sflag:s22] =	dma.local [hbm:s5], s20  }
0x9e: {  	_ =	swait.ge [sflag:s22], s20  }
0x9f: {  	s4 =	ssub.s32 $0x0, s20;
	[sflag:s22] =	ssyncset.done $0x0  }
0xa0: {  	[sflag:s22] =	ssyncadd.s32 s4;
	_ =	sdelay $0x1  }
0xa1: {  	s23 =	simm.s32 $0x1B8B  }
0xa2: {  	_ =	swait.ge [sflag:s23], $0x1  }
0xa3: {  	[sflag:s23] =	ssyncset.done $0x0  }
0xa4: {  	s25 =	simm.s32 $0x1B8E;
	s24 =	sld [smem:$0x3FFE];
	[sflag:s23] =	ssyncadd.s32 $0xFFFFFFFF  }
0xa5: {  	s26 =	simm.s32 $execute0_lowered;
	[smem:$0x3FD2] =	sst s25  }
0xa6: {  	s5 =	sshll.u32 s26, $0x1;
	_ =	strace $0x80000049;
	[dreg:$0x1] =	wrdreg $0xFFFFFFFF  }
0xa7: {  	s28 =	simm.s32 $_size_execute0_lowered;
	s3 =	sadd.s32 s3, s5;
	[dreg:$0x0] =	wrdreg $0x0  }
0xa8: {  	s5 =	sshll.u32 s28, $0x1;
	[dreg:$0x2] =	wrdreg s3  }
0xa9: {  	[dreg:$0x3] =	wrdreg s5  }
0xaa: {  	[dreg:$0x4] =	wrdreg $0xC0  }
0xab: {  	_ =	task [dreg:s7], $0x5FFFF  }
0xac: {  	[dreg:$0x1] =	wrdreg $0xFFFFFFFF  }
0xad: {  	[dreg:$0x0] =	wrdreg $0x60  }
0xae: {  	[dreg:$0x2] =	wrdreg s24  }
0xaf: {  	[dreg:$0x3] =	wrdreg s2  }
0xb0: {  	[dreg:$0x4] =	wrdreg $0x9  }
0xb1: {  	_ =	task.clear_ibuf [dreg:s7], $0x5FFFF;
	_ =	strace $0x90000049  }
0xb2: {  	s29 =	simm.s32 $0x9;
	_ =	strace $0x8000004B  }
0xb3: {  	_ =	swait.ge [sflag:s29], $0x1  }
0xb4: {  	[sflag:s29] =	ssyncadd.s32 $0xFFFFFFFF  }
0xb5: {  	_ =	strace $0x9000004B  }
0xb6: {  	_ =	sfence  }
0xb7: {  	s30 =	sld [smem:$0x0];
	_ =	sdelay $0x2  }
0xb8: {  	s31 =	sshll.u32 s1, $0xD;
	s1 =	sshrl.u32 s1, $0x2  }
0xb9: {  	s3 =	sand.u32 $0x4000, s31;
	s1 =	sadd.s32 s1, s30  }
0xba: {  	s0 =	sor.u32 s3, s0;
	s1 =	sshll.u32 s1, $0x11  }
0xbb: {  	s0 =	sor.u32 s1, s0  }
0xbc: {  	s0 =	sadd.s32 $0x8F2B, s0  }
0xbd: {  	[sflag:s0] =	ssyncadd.remote.s32 $0x1  }
0xbe: {  	_ =	sfence.sel $0xFFFF  }
0xbf: {  	[dreg:$0x0] =	wrdreg $0xFFFFFFFF;
	(pc) =	sbr.abs _section_cstart, $3  }
0xc0: {  	[dreg:$0x1] =	wrdreg $0xFFFFFFFF  }
0xc1: {  	_ =	task.clear_ibuf [dreg:s7], $0x2FFFF;
	_ =	strace $0x9FFFFFFF  }
0xc2: {  	(tm) =	ssettm $0x7FFFFFFF  }
0xc3: {  	_ =	shalt  }
tec
execute0_lowered:
.L_overlay_start_1:
0x0: {  	(tag) =	ssettag $0x1  }
0x1: {  	s0 =	rddreg [dreg:$0x0]  }
0x2: {  	s2 =	rddreg [dreg:$0x1]  }
0x3: {  	s1 =	srdreg.scid;
	s4 =	stileid.u32;
	s3 =	simm.s32 $0x0  }
0x4: {  	s8 =	simm.s32 $0x308;
	s16 =	simm.s32 $0x3;
	s17 =	simm.s32 $0x1200  }
0x5: {  	s14 =	simm.s32 $0x9A00;
	s15 =	simm.s32 $0xA200;
	s18 =	simm.s32 $0xAA00  }
0x6: {  	s19 =	simm.s32 $0xB200;
	s20 =	simm.s32 $0xBA00;
	s21 =	simm.s32 $0xC200  }
0x7: {  	s22 =	simm.s32 $0xCA00;
	s23 =	simm.s32 $0xD200;
	s24 =	simm.s32 $0x1  }
0x8: {  	s25 =	simm.s32 $0x2;
	s1 =	sand.u32 $0x1, s1;
	s4 =	sshll.u32 s4, $0x1  }
0x9: {  	[smem:$0x7FF] =	sst s3;
	s5 =	sadd.s32 $0x6A800, s0;
	s9 =	sor.u32 s1, s4  }
0xa: {  	_ =	strace $0x8000004A;
	s6 =	smul.u32 $0x338, s9;
	s7 =	smax.u32 s9, $0x1D  }
0xb: {  	s4 =	sadd.s32 $0x2E00, s0;
	s1 =	ssub.s32 $0x2, s1;
	s7 =	sshll.u32 s7, $0x5  }
0xc: {  	p0 =	slt.u32 s9, $0x1D;
	s11 =	sshrl.u32 s1, $0x1;
	s10 =	ssub.s32 s6, s7  }
0xd: {  	s12 =	smul.u32 $0x1300, s9;
	s8 =	simm.s32 @!p0 $0x2E8;
	s7 =	sadd.s32 $0x123A0, s10  }
0xe: {  	s9 =	smul.u32 $0x13, s9;
	s10 =	sadd.s32 $0x12700, s10;
	s8 =	sadd.s32 s7, s8  }
0xf: {  	s1 =	ssub.s32 s1, s11;
	s11 =	sadd.s32 $0x6A900, s0;
	s10 =	smin.u32 s10, s8  }
0x10: {  	s6 =	sadd.s32 $0xA6000, s0;
	s29 =	sadd.s32 s4, s12;
	s10 =	sshll.u32 s10, $0x6  }
0x11: {  	v2 =	vlaneseq.u32;
	s31 =	smax.u32 s1, $0x1;
	[dreg:$0x3] =	wrdreg s29;
	s10 =	sand.u32 $0x1FFFFE00, s10  }
0x12: {  	vm0 =	vmmov $0xffff;
	v1 =	vshrl.u32 v2, $0x3;
	s12 =	sadd.s32 $0xA6100, s0;
	[dreg:$0x5] =	wrdreg s31;
	s30 =	sadd.s32 s2, s10  }
0x13: {  	v0 =	vand.u32 $0x7, v2;
	v2 =	vor.u32 $0x8, v2;
	v1 =	vmul.u32 $0x8, v1;
	s13 =	sadd.s32 $0x2, s9;
	s1 =	simm.s32 $0x0;
	[dreg:$0x4] =	wrdreg s30  }
.LBB2_1:
0x14: {  	[dreg:$0x6] =	wrdreg s1  }
0x15: {  	s0 =	rddreg [dreg:$0x3]  }
0x16: {  	[tilespmem:s3], [sflag:$0x3] =	stream.linear.gather [hbm4b:s0+s3], $0x480, $0x38;
	[tilespmem:$0x19200] =	vst v63  }
0x17: {  	_ =	swait.ge [sflag:s16], $0x480  }
0x18: {  	[sflag:s16] =	ssyncset.done $0x0  }
0x19: {  	[sflag:s16] =	ssyncadd.s32 $0xFFFFFB80  }
0x1a: {  	v3 =	vld [tilespmem:$0x0]  }
0x1b: {  	v4 =	vld [tilespmem:$0x300]  }
0x1c: {  	v5 =	vld [tilespmem:$0x380]  }
0x1d: {  	v6 =	vld [tilespmem:$0x400]  }
0x1e: {  	v7 =	vld [tilespmem:$0x80]  }
0x1f: {  	v8 =	vld [tilespmem:$0x100]  }
0x20: {  	v9 =	vld [tilespmem:$0x180]  }
0x21: {  	v10 =	vld [tilespmem:$0x200]  }
0x22: {  	v12 =	vld [tilespmem:$0x10]  }
0x23: {  	v13 =	vld [tilespmem:$0x310]  }
0x24: {  	v14 =	vld [tilespmem:$0x390]  }
0x25: {  	v16 =	vld [tilespmem:$0x90]  }
0x26: {  	v17 =	vld [tilespmem:$0x110]  }
0x27: {  	v18 =	vld [tilespmem:$0x190]  }
0x28: {  	v19 =	vld [tilespmem:$0x210]  }
0x29: {  	v37 =	vld [tilespmem:$0x3A0]  }
0x2a: {  	v41 =	vld [tilespmem:$0xA0]  }
0x2b: {  	v43 =	vld [tilespmem:$0x120]  }
0x2c: {  	v45 =	vld [tilespmem:$0x1A0];
	v7 =	vmul.u32 $0x1734, v7;
	v8 =	vmul.u32 $0x21C, v8;
	v3 =	vshll.u32 v3, $0x5  }
0x2d: {  	v46 =	vld [tilespmem:$0x220];
	v9 =	vmul.u32 $0x2D, v9;
	v4 =	vshll.u32 v4, $0x2;
	v10 =	vmul.u32 $0x5, v10  }
0x2e: {  	v5 =	vshll.u32 v5, $0x1;
	v36 =	vshll.u32 v12, $0x5;
	v38 =	vshll.u32 v13, $0x2  }
0x2f: {  	v15 =	vld [tilespmem:$0x410];
	v39 =	vmul.u32 $0x1734, v16;
	v40 =	vmul.u32 $0x21C, v17;
	v14 =	vshll.u32 v14, $0x1  }
0x30: {  	v42 =	vmul.u32 $0x2D, v18;
	v44 =	vmul.u32 $0x5, v19;
	v13 =	vmul.u32 $0x1734, v41  }
0x31: {  	v35 =	vld [tilespmem:$0x320];
	v16 =	vmul.u32 $0x21C, v43;
	v52 =	vmul.u32 $0x2D, v45;
	v3 =	vadd.s32 v3, v4  }
0x32: {  	v11 =	vld [tilespmem:$0x280];
	v54 =	vmul.u32 $0x5, v46;
	v57 =	vshll.u32 v37, $0x1;
	v3 =	vadd.s32 v6, v3  }
0x33: {  	v34 =	vld [tilespmem:$0x20];
	v7 =	vadd.s32 v7, v8;
	v3 =	vadd.s32 v5, v3;
	v5 =	vadd.s32 v36, v38  }
0x34: {  	v32 =	vld [tilespmem:$0x290];
	v33 =	vadd.s32 v9, v7;
	v5 =	vadd.s32 v15, v5;
	v47 =	vshll.u32 v3, $0x2  }
0x35: {  	v48 =	vld [tilespmem:$0x420];
	v49 =	vand.u32 $0x7, v3;
	v5 =	vadd.s32 v14, v5;
	v14 =	vand.u32 $0xFFFFFFE0, v47  }
0x36: {  	v6 =	vshll.u32 v35, $0x2;
	v4 =	vadd.s32 v10, v33;
	v14 =	vor.u32 v49, v14  }
0x37: {  	v50 =	vld [tilespmem:$0x2A0];
	v4 =	vadd.s32 v11, v4;
	v11 =	vadd.s32 v39, v40;
	v51 =	vperm.xlane v14, v0  }
0x38: {  	v53 =	vadd.s32 v13, v16;
	v7 =	vshll.u32 v34, $0x5;
	[tilespmem:$0x1000] =	vst v3;
	v10 =	vadd.s32 v42, v11  }
0x39: {  	v6 =	vadd.s32 v7, v6;
	[tilespmem:$0x1080] =	vst v4;
	v10 =	vadd.s32 v44, v10;
	v55 =	vadd.s32 v1, v51  }
0x3a: {  	v56 =	vadd.s32 v48, v6;
	[tilespmem:$0x1010] =	vst v5;
	v4 =	vadd.s32 v52, v53;
	v3 =	vadd.s32 v32, v10  }
0x3b: {  	v4 =	vadd.s32 v54, v4;
	v58 =	vperm.xlane v14, v2;
	[tilespmem:$0x1090] =	vst v3;
	v3 =	vadd.s32 v57, v56  }
0x3c: {  	[tilespmem:$0x1020] =	vst v3;
	v3 =	vadd.s32 v50, v4  }
0x3d: {  	[tilespmem:$0x10A0] =	vst v3;
	v3 =	vadd.s32 v1, v58  }
0x3e: {  	[tilespmem:s17], [sflag:$0x1] =	stream.indirect_vreg.gather [hbm4b:s5+s3], $0x80, v55, vm0, $0xb8;
	[tilespmem:$0x19200] =	vst v63  }
0x3f: {  	s30 =	simm.s32 $0x1A00  }
0x40: {  	[tilespmem:s30], [sflag:$0x1] =	stream.indirect_vreg.gather [hbm4b:s11+s3], $0x80, v55, vm0, $0xb8;
	[tilespmem:$0x19200] =	vst v63  }
0x41: {  	s31 =	simm.s32 $0x2200  }
0x42: {  	[tilespmem:s31], [sflag:$0x1] =	stream.indirect_vreg.gather [hbm4b:s5+s3], $0x80, v3, vm0, $0xb8;
	[tilespmem:$0x19200] =	vst v63  }
0x43: {  	s1 =	simm.s32 $0x2A00  }
0x44: {  	[tilespmem:s1], [sflag:$0x1] =	stream.indirect_vreg.gather [hbm4b:s11+s3], $0x80, v3, vm0, $0xb8;
	[tilespmem:$0x19200] =	vst v63  }
0x45: {  	v3 =	vld [tilespmem:$0x1010];
	_ =	sdelay $0x4  }
0x46: {  	v59 =	vshll.u32 v3, $0x2  }
0x47: {  	v3 =	vand.u32 $0x7, v3;
	v4 =	vand.u32 $0xFFFFFFE0, v59  }
0x48: {  	v3 =	vor.u32 v3, v4  }
0x49: {  	v4 =	vperm.xlane v3, v0;
	_ =	sdelay $0x1  }
0x4a: {  	v4 =	vadd.s32 v1, v4;
	_ =	sdelay $0x1  }
0x4b: {  	v3 =	vperm.xlane v3, v2;
	_ =	sdelay $0x1  }
0x4c: {  	s10 =	simm.s32 $0x3200;
	v3 =	vadd.s32 v1, v3  }
0x4d: {  	[tilespmem:s10], [sflag:$0x1] =	stream.indirect_vreg.gather [hbm4b:s5+s3], $0x80, v4, vm0, $0xb8;
	[tilespmem:$0x19200] =	vst v63  }
0x4e: {  	s26 =	simm.s32 $0x3A00  }
0x4f: {  	[tilespmem:s26], [sflag:$0x1] =	stream.indirect_vreg.gather [hbm4b:s11+s3], $0x80, v4, vm0, $0xb8;
	[tilespmem:$0x19200] =	vst v63  }
0x50: {  	s28 =	simm.s32 $0x4200  }
0x51: {  	[tilespmem:s28], [sflag:$0x1] =	stream.indirect_vreg.gather [hbm4b:s5+s3], $0x80, v3, vm0, $0xb8;
	[tilespmem:$0x19200] =	vst v63  }
0x52: {  	s29 =	simm.s32 $0x4A00  }
0x53: {  	[tilespmem:s29], [sflag:$0x1] =	stream.indirect_vreg.gather [hbm4b:s11+s3], $0x80, v3, vm0, $0xb8;
	[tilespmem:$0x19200] =	vst v63  }
0x54: {  	v3 =	vld [tilespmem:$0x1020];
	_ =	sdelay $0x4  }
0x55: {  	v60 =	vshll.u32 v3, $0x2  }
0x56: {  	v3 =	vand.u32 $0x7, v3;
	v4 =	vand.u32 $0xFFFFFFE0, v60  }
0x57: {  	v3 =	vor.u32 v3, v4  }
0x58: {  	v4 =	vperm.xlane v3, v0;
	_ =	sdelay $0x1  }
0x59: {  	v4 =	vadd.s32 v1, v4;
	_ =	sdelay $0x1  }
0x5a: {  	v3 =	vperm.xlane v3, v2;
	_ =	sdelay $0x1  }
0x5b: {  	s30 =	simm.s32 $0x5200;
	v3 =	vadd.s32 v1, v3  }
0x5c: {  	[tilespmem:s30], [sflag:$0x1] =	stream.indirect_vreg.gather [hbm4b:s5+s3], $0x80, v4, vm0, $0xb8;
	[tilespmem:$0x19200] =	vst v63  }
0x5d: {  	s31 =	simm.s32 $0x5A00  }
0x5e: {  	[tilespmem:s31], [sflag:$0x1] =	stream.indirect_vreg.gather [hbm4b:s11+s3], $0x80, v4, vm0, $0xb8;
	[tilespmem:$0x19200] =	vst v63  }
0x5f: {  	s1 =	simm.s32 $0x6200  }
0x60: {  	[tilespmem:s1], [sflag:$0x1] =	stream.indirect_vreg.gather [hbm4b:s5+s3], $0x80, v3, vm0, $0xb8;
	[tilespmem:$0x19200] =	vst v63  }
0x61: {  	s10 =	simm.s32 $0x6A00  }
0x62: {  	[tilespmem:s10], [sflag:$0x1] =	stream.indirect_vreg.gather [hbm4b:s11+s3], $0x80, v3, vm0, $0xb8;
	[tilespmem:$0x19200] =	vst v63  }
0x63: {  	v3 =	vld [tilespmem:$0x1080];
	_ =	sdelay $0x4  }
0x64: {  	v61 =	vshll.u32 v3, $0x2  }
0x65: {  	v3 =	vand.u32 $0x7, v3;
	v4 =	vand.u32 $0xFFFFFFE0, v61  }
0x66: {  	v3 =	vor.u32 v3, v4  }
0x67: {  	v4 =	vperm.xlane v3, v0;
	_ =	sdelay $0x1  }
0x68: {  	v4 =	vadd.s32 v1, v4;
	_ =	sdelay $0x1  }
0x69: {  	v3 =	vperm.xlane v3, v2;
	_ =	sdelay $0x1  }
0x6a: {  	s26 =	simm.s32 $0x7200;
	v3 =	vadd.s32 v1, v3  }
0x6b: {  	[tilespmem:s26], [sflag:$0x1] =	stream.indirect_vreg.gather [hbm4b:s6+s3], $0x80, v4, vm0, $0xb8;
	[tilespmem:$0x19200] =	vst v63  }
0x6c: {  	s28 =	simm.s32 $0x7A00  }
0x6d: {  	[tilespmem:s28], [sflag:$0x1] =	stream.indirect_vreg.gather [hbm4b:s12+s3], $0x80, v4, vm0, $0xb8;
	[tilespmem:$0x19200] =	vst v63  }
0x6e: {  	s29 =	simm.s32 $0x8200  }
0x6f: {  	[tilespmem:s29], [sflag:$0x1] =	stream.indirect_vreg.gather [hbm4b:s6+s3], $0x80, v3, vm0, $0xb8;
	[tilespmem:$0x19200] =	vst v63  }
0x70: {  	s30 =	simm.s32 $0x8A00  }
0x71: {  	[tilespmem:s30], [sflag:$0x1] =	stream.indirect_vreg.gather [hbm4b:s12+s3], $0x80, v3, vm0, $0xb8;
	[tilespmem:$0x19200] =	vst v63  }
0x72: {  	v3 =	vld [tilespmem:$0x1090];
	_ =	sdelay $0x4  }
0x73: {  	v62 =	vshll.u32 v3, $0x2  }
0x74: {  	v3 =	vand.u32 $0x7, v3;
	v4 =	vand.u32 $0xFFFFFFE0, v62  }
0x75: {  	v3 =	vor.u32 v3, v4  }
0x76: {  	v4 =	vperm.xlane v3, v0;
	_ =	sdelay $0x1  }
0x77: {  	v4 =	vadd.s32 v1, v4;
	_ =	sdelay $0x1  }
0x78: {  	v3 =	vperm.xlane v3, v2;
	_ =	sdelay $0x1  }
0x79: {  	s31 =	simm.s32 $0x9200;
	v3 =	vadd.s32 v1, v3  }
0x7a: {  	[tilespmem:s31], [sflag:$0x1] =	stream.indirect_vreg.gather [hbm4b:s6+s3], $0x80, v4, vm0, $0xb8;
	[tilespmem:$0x19200] =	vst v63  }
0x7b: {  	_ = 	snop  }
0x7c: {  	[tilespmem:s14], [sflag:$0x1] =	stream.indirect_vreg.gather [hbm4b:s12+s3], $0x80, v4, vm0, $0xb8;
	[tilespmem:$0x19200] =	vst v63  }
0x7d: {  	_ = 	snop  }
0x7e: {  	[tilespmem:s15], [sflag:$0x1] =	stream.indirect_vreg.gather [hbm4b:s6+s3], $0x80, v3, vm0, $0xb8;
	[tilespmem:$0x19200] =	vst v63  }
0x7f: {  	_ = 	snop  }
0x80: {  	[tilespmem:s18], [sflag:$0x1] =	stream.indirect_vreg.gather [hbm4b:s12+s3], $0x80, v3, vm0, $0xb8;
	[tilespmem:$0x19200] =	vst v63  }
0x81: {  	v3 =	vld [tilespmem:$0x10A0];
	_ =	sdelay $0x4  }
0x82: {  	v63 =	vshll.u32 v3, $0x2  }
0x83: {  	v3 =	vand.u32 $0x7, v3;
	v4 =	vand.u32 $0xFFFFFFE0, v63  }
0x84: {  	v3 =	vor.u32 v3, v4  }
0x85: {  	v4 =	vperm.xlane v3, v0;
	_ =	sdelay $0x1  }
0x86: {  	v4 =	vadd.s32 v1, v4;
	_ =	sdelay $0x1  }
0x87: {  	v3 =	vperm.xlane v3, v2;
	_ =	sdelay $0x1  }
0x88: {  	v3 =	vadd.s32 v1, v3  }
0x89: {  	[tilespmem:s19], [sflag:$0x1] =	stream.indirect_vreg.gather [hbm4b:s6+s3], $0x80, v4, vm0, $0xb8;
	[tilespmem:$0x19200] =	vst v63  }
0x8a: {  	_ = 	snop  }
0x8b: {  	[tilespmem:s20], [sflag:$0x1] =	stream.indirect_vreg.gather [hbm4b:s12+s3], $0x80, v4, vm0, $0xb8;
	[tilespmem:$0x19200] =	vst v63  }
0x8c: {  	_ = 	snop  }
0x8d: {  	[tilespmem:s21], [sflag:$0x1] =	stream.indirect_vreg.gather [hbm4b:s6+s3], $0x80, v3, vm0, $0xb8;
	[tilespmem:$0x19200] =	vst v63  }
0x8e: {  	s26 =	simm.s32 $0x0  }
0x8f: {  	[tilespmem:s22], [sflag:$0x1] =	stream.indirect_vreg.gather [hbm4b:s12+s3], $0x80, v3, vm0, $0xb8;
	[tilespmem:$0x19200] =	vst v63  }
.LBB2_2:
0x90: {  	s28 =	sshllo.u32 s26, $0x1  }
0x91: {  	s0 =	sadd.s32 s9, s28  }
0x92: {  	s0 =	sshll.u32 s0, $0x8  }
0x93: {  	s0 =	sand.u32 $0x1FFFFF00, s0  }
0x94: {  	s1 =	simm.s32 $0x800;
	s29 =	sadd.s32 s4, s0;
	s0 =	simm.s32 $0x0  }
0x95: {  	[tilespmem:s1], [sflag:$0x3] =	stream.linear.gather [hbm4b:s29+s0], $0x480, $0x38;
	[tilespmem:$0x19200] =	vst v63  }
0x96: {  	_ =	swait.ge [sflag:s16], $0x480  }
0x97: {  	[sflag:s16] =	ssyncset.done $0x0  }
0x98: {  	[sflag:s16] =	ssyncadd.s32 $0xFFFFFB80  }
0x99: {  	v3 =	vld [tilespmem:$0x800]  }
0x9a: {  	v4 =	vld [tilespmem:$0xB00]  }
0x9b: {  	v5 =	vld [tilespmem:$0xB80]  }
0x9c: {  	v6 =	vld [tilespmem:$0xC00]  }
0x9d: {  	v7 =	vld [tilespmem:$0x880]  }
0x9e: {  	v8 =	vld [tilespmem:$0x900]  }
0x9f: {  	v9 =	vld [tilespmem:$0x980]  }
0xa0: {  	v10 =	vld [tilespmem:$0xA00]  }
0xa1: {  	v11 =	vld [tilespmem:$0xA80]  }
0xa2: {  	v12 =	vld [tilespmem:$0x810]  }
0xa3: {  	v13 =	vld [tilespmem:$0xB10]  }
0xa4: {  	v14 =	vld [tilespmem:$0xB90]  }
0xa5: {  	v15 =	vld [tilespmem:$0xC10]  }
0xa6: {  	v16 =	vld [tilespmem:$0x890]  }
0xa7: {  	v17 =	vld [tilespmem:$0x910]  }
0xa8: {  	v18 =	vld [tilespmem:$0x990];
	v7 =	vmul.u32 $0x1734, v7;
	v8 =	vmul.u32 $0x21C, v8  }
0xa9: {  	v19 =	vld [tilespmem:$0xA10];
	v3 =	vshll.u32 v3, $0x5;
	v4 =	vshll.u32 v4, $0x2  }
0xaa: {  	v9 =	vmul.u32 $0x2D, v9;
	v3 =	vadd.s32 v3, v4;
	v7 =	vadd.s32 v7, v8;
	v8 =	vld [tilespmem:$0xA90]  }
0xab: {  	v10 =	vmul.u32 $0x5, v10;
	v5 =	vshll.u32 v5, $0x1;
	v3 =	vadd.s32 v6, v3;
	v6 =	vld [tilespmem:$0xB20]  }
0xac: {  	v4 =	vadd.s32 v9, v7;
	v7 =	vld [tilespmem:$0x820];
	v3 =	vadd.s32 v5, v3  }
0xad: {  	v5 =	vshll.u32 v12, $0x5;
	v9 =	vld [tilespmem:$0xBA0];
	v12 =	vmul.u32 $0x21C, v17;
	v4 =	vadd.s32 v10, v4  }
0xae: {  	v10 =	vshll.u32 v13, $0x2;
	v13 =	vld [tilespmem:$0x8A0];
	v4 =	vadd.s32 v11, v4;
	v11 =	vmul.u32 $0x1734, v16  }
0xaf: {  	v14 =	vshll.u32 v14, $0x1;
	v5 =	vadd.s32 v5, v10;
	v10 =	vmul.u32 $0x2D, v18;
	v16 =	vld [tilespmem:$0x920]  }
0xb0: {  	v5 =	vadd.s32 v15, v5;
	v15 =	vmul.u32 $0x5, v19;
	v11 =	vadd.s32 v11, v12;
	v12 =	vld [tilespmem:$0x9A0]  }
0xb1: {  	v5 =	vadd.s32 v14, v5;
	v14 =	vshll.u32 v3, $0x2;
	v10 =	vadd.s32 v10, v11;
	v11 =	vld [tilespmem:$0xA20]  }
0xb2: {  	v17 =	vand.u32 $0x7, v3;
	v14 =	vand.u32 $0xFFFFFFE0, v14;
	v10 =	vadd.s32 v15, v10;
	v15 =	vld [tilespmem:$0xC20]  }
0xb3: {  	v6 =	vshll.u32 v6, $0x2;
	v7 =	vshll.u32 v7, $0x5;
	v14 =	vor.u32 v17, v14  }
0xb4: {  	v13 =	vmul.u32 $0x1734, v13;
	v17 =	vld [tilespmem:$0xAA0];
	v16 =	vmul.u32 $0x21C, v16;
	v18 =	vperm.xlane v14, v0  }
0xb5: {  	[tilespmem:$0x1100] =	vst v3;
	v6 =	vadd.s32 v7, v6;
	v3 =	vadd.s32 v8, v10;
	v7 =	vmul.u32 $0x2D, v12  }
0xb6: {  	[tilespmem:$0x1180] =	vst v4;
	v8 =	vadd.s32 v13, v16;
	v10 =	vadd.s32 v1, v18;
	v4 =	vmul.u32 $0x5, v11  }
0xb7: {  	[tilespmem:$0x1110] =	vst v5;
	v5 =	vshll.u32 v9, $0x1;
	v6 =	vadd.s32 v15, v6;
	v7 =	vadd.s32 v7, v8  }
0xb8: {  	[tilespmem:$0x1190] =	vst v3;
	v3 =	vadd.s32 v5, v6;
	v4 =	vadd.s32 v4, v7;
	v5 =	vperm.xlane v14, v2  }
0xb9: {  	[tilespmem:$0x1120] =	vst v3;
	v3 =	vadd.s32 v17, v4  }
0xba: {  	[tilespmem:$0x11A0] =	vst v3;
	v3 =	vadd.s32 v1, v5  }
0xbb: {  	[tilespmem:s23], [sflag:$0x2] =	stream.indirect_vreg.gather [hbm4b:s5+s0], $0x80, v10, vm0, $0xb8;
	[tilespmem:$0x19200] =	vst v63  }
0xbc: {  	s10 =	simm.s32 $0xDA00  }
0xbd: {  	[tilespmem:s10], [sflag:$0x2] =	stream.indirect_vreg.gather [hbm4b:s11+s0], $0x80, v10, vm0, $0xb8;
	[tilespmem:$0x19200] =	vst v63  }
0xbe: {  	s10 =	simm.s32 $0xE200  }
0xbf: {  	[tilespmem:s10], [sflag:$0x2] =	stream.indirect_vreg.gather [hbm4b:s5+s0], $0x80, v3, vm0, $0xb8;
	[tilespmem:$0x19200] =	vst v63  }
0xc0: {  	s10 =	simm.s32 $0xEA00  }
0xc1: {  	[tilespmem:s10], [sflag:$0x2] =	stream.indirect_vreg.gather [hbm4b:s11+s0], $0x80, v3, vm0, $0xb8;
	[tilespmem:$0x19200] =	vst v63  }
0xc2: {  	v3 =	vld [tilespmem:$0x1110];
	_ =	sdelay $0x4  }
0xc3: {  	v4 =	vshll.u32 v3, $0x2  }
0xc4: {  	v3 =	vand.u32 $0x7, v3;
	v4 =	vand.u32 $0xFFFFFFE0, v4  }
0xc5: {  	v3 =	vor.u32 v3, v4  }
0xc6: {  	v4 =	vperm.xlane v3, v0;
	_ =	sdelay $0x1  }
0xc7: {  	v4 =	vadd.s32 v1, v4;
	_ =	sdelay $0x1  }
0xc8: {  	v3 =	vperm.xlane v3, v2;
	_ =	sdelay $0x1  }
0xc9: {  	s10 =	simm.s32 $0xF200;
	v3 =	vadd.s32 v1, v3  }
0xca: {  	[tilespmem:s10], [sflag:$0x2] =	stream.indirect_vreg.gather [hbm4b:s5+s0], $0x80, v4, vm0, $0xb8;
	[tilespmem:$0x19200] =	vst v63  }
0xcb: {  	s10 =	simm.s32 $0xFA00  }
0xcc: {  	[tilespmem:s10], [sflag:$0x2] =	stream.indirect_vreg.gather [hbm4b:s11+s0], $0x80, v4, vm0, $0xb8;
	[tilespmem:$0x19200] =	vst v63  }
0xcd: {  	s10 =	simm.s32 $0x10200  }
0xce: {  	[tilespmem:s10], [sflag:$0x2] =	stream.indirect_vreg.gather [hbm4b:s5+s0], $0x80, v3, vm0, $0xb8;
	[tilespmem:$0x19200] =	vst v63  }
0xcf: {  	s10 =	simm.s32 $0x10A00  }
0xd0: {  	[tilespmem:s10], [sflag:$0x2] =	stream.indirect_vreg.gather [hbm4b:s11+s0], $0x80, v3, vm0, $0xb8;
	[tilespmem:$0x19200] =	vst v63  }
0xd1: {  	v3 =	vld [tilespmem:$0x1120];
	_ =	sdelay $0x4  }
0xd2: {  	v4 =	vshll.u32 v3, $0x2  }
0xd3: {  	v3 =	vand.u32 $0x7, v3;
	v4 =	vand.u32 $0xFFFFFFE0, v4  }
0xd4: {  	v3 =	vor.u32 v3, v4  }
0xd5: {  	v4 =	vperm.xlane v3, v0;
	_ =	sdelay $0x1  }
0xd6: {  	v4 =	vadd.s32 v1, v4;
	_ =	sdelay $0x1  }
0xd7: {  	v3 =	vperm.xlane v3, v2;
	_ =	sdelay $0x1  }
0xd8: {  	s10 =	simm.s32 $0x11200;
	v3 =	vadd.s32 v1, v3  }
0xd9: {  	[tilespmem:s10], [sflag:$0x2] =	stream.indirect_vreg.gather [hbm4b:s5+s0], $0x80, v4, vm0, $0xb8;
	[tilespmem:$0x19200] =	vst v63  }
0xda: {  	s10 =	simm.s32 $0x11A00  }
0xdb: {  	[tilespmem:s10], [sflag:$0x2] =	stream.indirect_vreg.gather [hbm4b:s11+s0], $0x80, v4, vm0, $0xb8;
	[tilespmem:$0x19200] =	vst v63  }
0xdc: {  	s10 =	simm.s32 $0x12200  }
0xdd: {  	[tilespmem:s10], [sflag:$0x2] =	stream.indirect_vreg.gather [hbm4b:s5+s0], $0x80, v3, vm0, $0xb8;
	[tilespmem:$0x19200] =	vst v63  }
0xde: {  	s10 =	simm.s32 $0x12A00  }
0xdf: {  	[tilespmem:s10], [sflag:$0x2] =	stream.indirect_vreg.gather [hbm4b:s11+s0], $0x80, v3, vm0, $0xb8;
	[tilespmem:$0x19200] =	vst v63  }
0xe0: {  	v3 =	vld [tilespmem:$0x1180];
	_ =	sdelay $0x4  }
0xe1: {  	v4 =	vshll.u32 v3, $0x2  }
0xe2: {  	v3 =	vand.u32 $0x7, v3;
	v4 =	vand.u32 $0xFFFFFFE0, v4  }
0xe3: {  	v3 =	vor.u32 v3, v4  }
0xe4: {  	v4 =	vperm.xlane v3, v0;
	_ =	sdelay $0x1  }
0xe5: {  	v4 =	vadd.s32 v1, v4;
	_ =	sdelay $0x1  }
0xe6: {  	v3 =	vperm.xlane v3, v2;
	_ =	sdelay $0x1  }
0xe7: {  	s10 =	simm.s32 $0x13200;
	v3 =	vadd.s32 v1, v3  }
0xe8: {  	[tilespmem:s10], [sflag:$0x2] =	stream.indirect_vreg.gather [hbm4b:s6+s0], $0x80, v4, vm0, $0xb8;
	[tilespmem:$0x19200] =	vst v63  }
0xe9: {  	s10 =	simm.s32 $0x13A00  }
0xea: {  	[tilespmem:s10], [sflag:$0x2] =	stream.indirect_vreg.gather [hbm4b:s12+s0], $0x80, v4, vm0, $0xb8;
	[tilespmem:$0x19200] =	vst v63  }
0xeb: {  	s10 =	simm.s32 $0x14200  }
0xec: {  	[tilespmem:s10], [sflag:$0x2] =	stream.indirect_vreg.gather [hbm4b:s6+s0], $0x80, v3, vm0, $0xb8;
	[tilespmem:$0x19200] =	vst v63  }
0xed: {  	s10 =	simm.s32 $0x14A00  }
0xee: {  	[tilespmem:s10], [sflag:$0x2] =	stream.indirect_vreg.gather [hbm4b:s12+s0], $0x80, v3, vm0, $0xb8;
	[tilespmem:$0x19200] =	vst v63  }
0xef: {  	v3 =	vld [tilespmem:$0x1190];
	_ =	sdelay $0x4  }
0xf0: {  	v4 =	vshll.u32 v3, $0x2  }
0xf1: {  	v3 =	vand.u32 $0x7, v3;
	v4 =	vand.u32 $0xFFFFFFE0, v4  }
0xf2: {  	v3 =	vor.u32 v3, v4  }
0xf3: {  	v4 =	vperm.xlane v3, v0;
	_ =	sdelay $0x1  }
0xf4: {  	v4 =	vadd.s32 v1, v4;
	_ =	sdelay $0x1  }
0xf5: {  	v3 =	vperm.xlane v3, v2;
	_ =	sdelay $0x1  }
0xf6: {  	s10 =	simm.s32 $0x15200;
	v3 =	vadd.s32 v1, v3  }
0xf7: {  	[tilespmem:s10], [sflag:$0x2] =	stream.indirect_vreg.gather [hbm4b:s6+s0], $0x80, v4, vm0, $0xb8;
	[tilespmem:$0x19200] =	vst v63  }
0xf8: {  	s10 =	simm.s32 $0x15A00  }
0xf9: {  	[tilespmem:s10], [sflag:$0x2] =	stream.indirect_vreg.gather [hbm4b:s12+s0], $0x80, v4, vm0, $0xb8;
	[tilespmem:$0x19200] =	vst v63  }
0xfa: {  	s10 =	simm.s32 $0x16200  }
0xfb: {  	[tilespmem:s10], [sflag:$0x2] =	stream.indirect_vreg.gather [hbm4b:s6+s0], $0x80, v3, vm0, $0xb8;
	[tilespmem:$0x19200] =	vst v63  }
0xfc: {  	s10 =	simm.s32 $0x16A00  }
0xfd: {  	[tilespmem:s10], [sflag:$0x2] =	stream.indirect_vreg.gather [hbm4b:s12+s0], $0x80, v3, vm0, $0xb8;
	[tilespmem:$0x19200] =	vst v63  }
0xfe: {  	v3 =	vld [tilespmem:$0x11A0];
	_ =	sdelay $0x4  }
0xff: {  	v4 =	vshll.u32 v3, $0x2  }
0x100: {  	v3 =	vand.u32 $0x7, v3;
	v4 =	vand.u32 $0xFFFFFFE0, v4  }
0x101: {  	v3 =	vor.u32 v3, v4  }
0x102: {  	v4 =	vperm.xlane v3, v0;
	_ =	sdelay $0x1  }
0x103: {  	v4 =	vadd.s32 v1, v4;
	_ =	sdelay $0x1  }
0x104: {  	v3 =	vperm.xlane v3, v2;
	_ =	sdelay $0x1  }
0x105: {  	s10 =	simm.s32 $0x17200;
	v3 =	vadd.s32 v1, v3  }
0x106: {  	[tilespmem:s10], [sflag:$0x2] =	stream.indirect_vreg.gather [hbm4b:s6+s0], $0x80, v4, vm0, $0xb8;
	[tilespmem:$0x19200] =	vst v63  }
0x107: {  	s10 =	simm.s32 $0x17A00  }
0x108: {  	[tilespmem:s10], [sflag:$0x2] =	stream.indirect_vreg.gather [hbm4b:s12+s0], $0x80, v4, vm0, $0xb8;
	[tilespmem:$0x19200] =	vst v63  }
0x109: {  	s10 =	simm.s32 $0x18200  }
0x10a: {  	[tilespmem:s10], [sflag:$0x2] =	stream.indirect_vreg.gather [hbm4b:s6+s0], $0x80, v3, vm0, $0xb8;
	[tilespmem:$0x19200] =	vst v63  }
0x10b: {  	s10 =	simm.s32 $0x18A00  }
0x10c: {  	[tilespmem:s10], [sflag:$0x2] =	stream.indirect_vreg.gather [hbm4b:s12+s0], $0x80, v3, vm0, $0xb8;
	[tilespmem:$0x19200] =	vst v63  }
0x10d: {  	_ =	swait.ge [sflag:s24], $0x6000  }
0x10e: {  	[sflag:s24] =	ssyncset.done $0x0  }
0x10f: {  	[sflag:s24] =	ssyncadd.s32 $0xFFFFA000  }
0x110: {  	_ =	swait.ge [sflag:s24], $0x6000  }
0x111: {  	s29 =	sand.u32 $0x7000, s0;
	s0 =	sand.u32 $0x380, s0;
	[sflag:s24] =	ssyncset.done $0x0  }
0x112: {  	s29 =	sor.u32 s0, s29;
	[sflag:s24] =	ssyncadd.s32 $0xFFFFA000  }
0x113: {  	v10 =	vld [tilespmem:s29+$0x7200]  }
0x114: {  	v11 =	vld [tilespmem:s29+$0x7210]  }
0x115: {  	v12 =	vld [tilespmem:s29+$0x7220]  }
0x116: {  	v13 =	vld [tilespmem:s29+$0x7230]  }
0x117: {  	v14 =	vld [tilespmem:s29+$0x7240]  }
0x118: {  	v15 =	vld [tilespmem:s29+$0x7250]  }
0x119: {  	v16 =	vld [tilespmem:s29+$0x7260]  }
0x11a: {  	v17 =	vld [tilespmem:s29+$0x7270]  }
0x11b: {  	v18 =	vld [tilespmem:s29+$0x7600]  }
0x11c: {  	v19 =	vld [tilespmem:s29+$0x7610]  }
0x11d: {  	v20 =	vld [tilespmem:s29+$0x7620]  }
0x11e: {  	v21 =	vld [tilespmem:s29+$0x7630]  }
0x11f: {  	v22 =	vld [tilespmem:s29+$0x7640]  }
0x120: {  	v23 =	vld [tilespmem:s29+$0x7650]  }
0x121: {  	v24 =	vld [tilespmem:s29+$0x7660]  }
0x122: {  	v25 =	vld [tilespmem:s29+$0x7670]  }
0x123: {  	v26 =	vld [tilespmem:s29+$0x7A00]  }
0x124: {  	v27 =	vld [tilespmem:s29+$0x7A10]  }
0x125: {  	v28 =	vld [tilespmem:s29+$0x7A20]  }
0x126: {  	v29 =	vld [tilespmem:s29+$0x7A30]  }
0x127: {  	v30 =	vld [tilespmem:s29+$0x7A40]  }
0x128: {  	v31 =	vld [tilespmem:s29+$0x7A50]  }
0x129: {  	v32 =	vld [tilespmem:s29+$0x7A60]  }
0x12a: {  	v33 =	vld [tilespmem:s29+$0x7A70]  }
0x12b: {  	v34 =	vld [tilespmem:s29+$0x7E00]  }
0x12c: {  	v9 =	vld [tilespmem:s29+$0x7E10]  }
0x12d: {  	v8 =	vld [tilespmem:s29+$0x7E20]  }
0x12e: {  	v7 =	vld [tilespmem:s29+$0x7E30]  }
0x12f: {  	v6 =	vld [tilespmem:s29+$0x7E40]  }
0x130: {  	v5 =	vld [tilespmem:s29+$0x7E50]  }
0x131: {  	v4 =	vld [tilespmem:s29+$0x7E60]  }
0x132: {  	v3 =	vld [tilespmem:s29+$0x7E70]  }
0x133: {  	v35 =	vld [tilespmem:s29+$0x1200]  }
0x134: {  	v36 =	vld [tilespmem:s29+$0x1210]  }
0x135: {  	v37 =	vld [tilespmem:s29+$0x1220]  }
0x136: {  	v38 =	vld [tilespmem:s29+$0x1230]  }
0x137: {  	v39 =	vld [tilespmem:s29+$0x1240]  }
0x138: {  	v62 =	vld [tilespmem:s29+$0x1250];
	v10 =	vadd.f32 v10, v35  }
0x139: {  	v63 =	vld [tilespmem:s29+$0x1260];
	v11 =	vadd.f32 v11, v36  }
0x13a: {  	[tilespmem:s29+$0x1200] =	vst v10;
	v10 =	vadd.f32 v12, v37;
	v12 =	vld [tilespmem:s29+$0x1270]  }
0x13b: {  	[tilespmem:s29+$0x1210] =	vst v11;
	v11 =	vadd.f32 v13, v38;
	v13 =	vld [tilespmem:s29+$0x1600]  }
0x13c: {  	[tilespmem:s29+$0x1220] =	vst v10;
	v10 =	vadd.f32 v14, v39;
	v14 =	vld [tilespmem:s29+$0x1610]  }
0x13d: {  	[tilespmem:s29+$0x1230] =	vst v11;
	v11 =	vadd.f32 v15, v62;
	v15 =	vld [tilespmem:s29+$0x1620]  }
0x13e: {  	[tilespmem:s29+$0x1240] =	vst v10;
	v10 =	vadd.f32 v16, v63;
	v16 =	vld [tilespmem:s29+$0x1630]  }
0x13f: {  	[tilespmem:s29+$0x1250] =	vst v11;
	v11 =	vadd.f32 v17, v12;
	v12 =	vld [tilespmem:s29+$0x1640]  }
0x140: {  	[tilespmem:s29+$0x1260] =	vst v10;
	v10 =	vadd.f32 v18, v13;
	v13 =	vld [tilespmem:s29+$0x1650]  }
0x141: {  	[tilespmem:s29+$0x1270] =	vst v11;
	v11 =	vadd.f32 v19, v14;
	v14 =	vld [tilespmem:s29+$0x1660]  }
0x142: {  	[tilespmem:s29+$0x1600] =	vst v10;
	v10 =	vadd.f32 v20, v15;
	v15 =	vld [tilespmem:s29+$0x1670]  }
0x143: {  	[tilespmem:s29+$0x1610] =	vst v11;
	v11 =	vadd.f32 v21, v16;
	v16 =	vld [tilespmem:s29+$0x1A00]  }
0x144: {  	[tilespmem:s29+$0x1620] =	vst v10;
	v10 =	vadd.f32 v22, v12;
	v12 =	vld [tilespmem:s29+$0x1A10]  }
0x145: {  	[tilespmem:s29+$0x1630] =	vst v11;
	v11 =	vadd.f32 v23, v13;
	v13 =	vld [tilespmem:s29+$0x1A20]  }
0x146: {  	[tilespmem:s29+$0x1640] =	vst v10;
	v10 =	vadd.f32 v24, v14;
	v14 =	vld [tilespmem:s29+$0x1A30]  }
0x147: {  	[tilespmem:s29+$0x1650] =	vst v11;
	v11 =	vadd.f32 v25, v15;
	v15 =	vld [tilespmem:s29+$0x1A40]  }
0x148: {  	[tilespmem:s29+$0x1660] =	vst v10;
	v10 =	vadd.f32 v26, v16;
	v16 =	vld [tilespmem:s29+$0x1A50]  }
0x149: {  	[tilespmem:s29+$0x1670] =	vst v11;
	v11 =	vadd.f32 v27, v12;
	v12 =	vld [tilespmem:s29+$0x1A60]  }
0x14a: {  	v17 =	vld [tilespmem:s29+$0x1A70];
	[tilespmem:s29+$0x1A00] =	vst v10;
	v10 =	vadd.f32 v28, v13  }
0x14b: {  	v18 =	vld [tilespmem:s29+$0x1E00];
	[tilespmem:s29+$0x1A10] =	vst v11;
	v11 =	vadd.f32 v29, v14  }
0x14c: {  	v14 =	vld [tilespmem:s29+$0x1E10];
	[tilespmem:s29+$0x1A20] =	vst v10;
	v10 =	vadd.f32 v30, v15  }
0x14d: {  	v13 =	vld [tilespmem:s29+$0x1E20];
	[tilespmem:s29+$0x1A30] =	vst v11;
	v15 =	vadd.f32 v31, v16  }
0x14e: {  	v11 =	vld [tilespmem:s29+$0x1E30];
	[tilespmem:s29+$0x1A40] =	vst v10;
	v12 =	vadd.f32 v32, v12  }
0x14f: {  	v16 =	vadd.f32 v33, v17;
	v10 =	vld [tilespmem:s29+$0x1E40];
	[tilespmem:s29+$0x1A50] =	vst v15  }
0x150: {  	s30 =	sshll.u32 s26, $0x1;
	s31 =	simm.s32 $0x80;
	s0 =	simm.s32 $0x200;
	v15 =	vadd.f32 v34, v18;
	[tilespmem:s29+$0x1A60] =	vst v12;
	v12 =	vld [tilespmem:s29+$0x1E50]  }
.LBB2_3:
0x151: {  	s1 =	sand.u32 $0x7000, s0;
	s10 =	sand.u32 $0x380, s31;
	p0 =	sne.s32 s0, $0x5E00;
	[tilespmem:s29+$0x1A70] =	vst v16;
	v9 =	vadd.f32 v9, v14;
	v14 =	vld [tilespmem:s29+$0x1E60]  }
0x152: {  	s1 =	sor.u32 s10, s1;
	[tilespmem:s29+$0x1E00] =	vst v15;
	v8 =	vadd.f32 v8, v13;
	v13 =	vld [tilespmem:s29+$0x1E70]  }
0x153: {  	v15 =	vld [tilespmem:s1+$0x7200];
	[tilespmem:s29+$0x1E10] =	vst v9;
	v7 =	vadd.f32 v7, v11  }
0x154: {  	v11 =	vld [tilespmem:s1+$0x7210];
	[tilespmem:s29+$0x1E20] =	vst v8;
	v6 =	vadd.f32 v6, v10  }
0x155: {  	v10 =	vld [tilespmem:s1+$0x7220];
	[tilespmem:s29+$0x1E30] =	vst v7;
	v5 =	vadd.f32 v5, v12  }
0x156: {  	v12 =	vld [tilespmem:s1+$0x7230];
	[tilespmem:s29+$0x1E40] =	vst v6;
	v4 =	vadd.f32 v4, v14  }
0x157: {  	v14 =	vld [tilespmem:s1+$0x7240];
	[tilespmem:s29+$0x1E50] =	vst v5;
	v3 =	vadd.f32 v3, v13  }
0x158: {  	v13 =	vld [tilespmem:s1+$0x7250];
	[tilespmem:s29+$0x1E60] =	vst v4  }
0x159: {  	v16 =	vld [tilespmem:s1+$0x7260];
	[tilespmem:s29+$0x1E70] =	vst v3;
	s29 =	smov.u32 s1  }
0x15a: {  	v17 =	vld [tilespmem:s29+$0x7270]  }
0x15b: {  	v18 =	vld [tilespmem:s29+$0x7600]  }
0x15c: {  	v19 =	vld [tilespmem:s29+$0x7610]  }
0x15d: {  	v20 =	vld [tilespmem:s29+$0x7620]  }
0x15e: {  	v21 =	vld [tilespmem:s29+$0x7630]  }
0x15f: {  	v22 =	vld [tilespmem:s29+$0x7640]  }
0x160: {  	v23 =	vld [tilespmem:s29+$0x7650]  }
0x161: {  	v24 =	vld [tilespmem:s29+$0x7660]  }
0x162: {  	v25 =	vld [tilespmem:s29+$0x7670]  }
0x163: {  	v26 =	vld [tilespmem:s29+$0x7A00]  }
0x164: {  	v27 =	vld [tilespmem:s29+$0x7A10]  }
0x165: {  	v28 =	vld [tilespmem:s29+$0x7A20]  }
0x166: {  	v29 =	vld [tilespmem:s29+$0x7A30]  }
0x167: {  	v30 =	vld [tilespmem:s29+$0x7A40]  }
0x168: {  	v31 =	vld [tilespmem:s29+$0x7A50]  }
0x169: {  	v32 =	vld [tilespmem:s29+$0x7A60]  }
0x16a: {  	v33 =	vld [tilespmem:s29+$0x7A70]  }
0x16b: {  	v34 =	vld [tilespmem:s29+$0x7E00]  }
0x16c: {  	v9 =	vld [tilespmem:s29+$0x7E10]  }
0x16d: {  	v8 =	vld [tilespmem:s29+$0x7E20]  }
0x16e: {  	v7 =	vld [tilespmem:s29+$0x7E30]  }
0x16f: {  	v6 =	vld [tilespmem:s29+$0x7E40]  }
0x170: {  	v5 =	vld [tilespmem:s29+$0x7E50]  }
0x171: {  	v4 =	vld [tilespmem:s29+$0x7E60]  }
0x172: {  	v3 =	vld [tilespmem:s29+$0x7E70]  }
0x173: {  	v35 =	vld [tilespmem:s29+$0x1200]  }
0x174: {  	v36 =	vld [tilespmem:s29+$0x1210]  }
0x175: {  	v37 =	vld [tilespmem:s29+$0x1220]  }
0x176: {  	v38 =	vld [tilespmem:s29+$0x1230]  }
0x177: {  	v39 =	vld [tilespmem:s29+$0x1240]  }
0x178: {  	v15 =	vadd.f32 v15, v35;
	v35 =	vld [tilespmem:s29+$0x1250]  }
0x179: {  	v11 =	vadd.f32 v11, v36;
	v36 =	vld [tilespmem:s29+$0x1260]  }
0x17a: {  	[tilespmem:s29+$0x1200] =	vst v15;
	v10 =	vadd.f32 v10, v37;
	v15 =	vld [tilespmem:s29+$0x1270]  }
0x17b: {  	[tilespmem:s29+$0x1210] =	vst v11;
	v11 =	vadd.f32 v12, v38;
	v12 =	vld [tilespmem:s29+$0x1600]  }
0x17c: {  	[tilespmem:s29+$0x1220] =	vst v10;
	v10 =	vadd.f32 v14, v39;
	v14 =	vld [tilespmem:s29+$0x1610]  }
0x17d: {  	[tilespmem:s29+$0x1230] =	vst v11;
	v11 =	vadd.f32 v13, v35;
	v13 =	vld [tilespmem:s29+$0x1620]  }
0x17e: {  	[tilespmem:s29+$0x1240] =	vst v10;
	v10 =	vadd.f32 v16, v36;
	v16 =	vld [tilespmem:s29+$0x1630]  }
0x17f: {  	[tilespmem:s29+$0x1250] =	vst v11;
	v11 =	vadd.f32 v17, v15;
	v15 =	vld [tilespmem:s29+$0x1640]  }
0x180: {  	[tilespmem:s29+$0x1260] =	vst v10;
	v10 =	vadd.f32 v18, v12;
	v12 =	vld [tilespmem:s29+$0x1650]  }
0x181: {  	[tilespmem:s29+$0x1270] =	vst v11;
	v11 =	vadd.f32 v19, v14;
	v14 =	vld [tilespmem:s29+$0x1660]  }
0x182: {  	[tilespmem:s29+$0x1600] =	vst v10;
	v10 =	vadd.f32 v20, v13;
	v13 =	vld [tilespmem:s29+$0x1670]  }
0x183: {  	[tilespmem:s29+$0x1610] =	vst v11;
	v11 =	vadd.f32 v21, v16;
	v16 =	vld [tilespmem:s29+$0x1A00]  }
0x184: {  	[tilespmem:s29+$0x1620] =	vst v10;
	v10 =	vadd.f32 v22, v15;
	v15 =	vld [tilespmem:s29+$0x1A10]  }
0x185: {  	[tilespmem:s29+$0x1630] =	vst v11;
	v11 =	vadd.f32 v23, v12;
	v12 =	vld [tilespmem:s29+$0x1A20]  }
0x186: {  	[tilespmem:s29+$0x1640] =	vst v10;
	v10 =	vadd.f32 v24, v14;
	v14 =	vld [tilespmem:s29+$0x1A30]  }
0x187: {  	[tilespmem:s29+$0x1650] =	vst v11;
	v11 =	vadd.f32 v25, v13;
	v13 =	vld [tilespmem:s29+$0x1A40]  }
0x188: {  	[tilespmem:s29+$0x1660] =	vst v10;
	v10 =	vadd.f32 v26, v16;
	v16 =	vld [tilespmem:s29+$0x1A50]  }
0x189: {  	[tilespmem:s29+$0x1670] =	vst v11;
	v11 =	vadd.f32 v27, v15;
	v15 =	vld [tilespmem:s29+$0x1A60]  }
0x18a: {  	[tilespmem:s29+$0x1A00] =	vst v10;
	v10 =	vadd.f32 v28, v12;
	v12 =	vld [tilespmem:s29+$0x1A70]  }
0x18b: {  	[tilespmem:s29+$0x1A10] =	vst v11;
	v11 =	vadd.f32 v29, v14;
	v17 =	vld [tilespmem:s29+$0x1E00]  }
.Ltmp0:
0x18c: {  	[tilespmem:s29+$0x1A20] =	vst v10;
	v10 =	vadd.f32 v30, v13;
	v14 =	vld [tilespmem:s29+$0x1E10];
	(pc) =	sbr.rel @p0 .LBB2_3-.Ltmp0, $4  }
0x18d: {  	[tilespmem:s29+$0x1A30] =	vst v11;
	v16 =	vadd.f32 v31, v16;
	v13 =	vld [tilespmem:s29+$0x1E20]  }
0x18e: {  	[tilespmem:s29+$0x1A40] =	vst v10;
	v15 =	vadd.f32 v32, v15;
	v11 =	vld [tilespmem:s29+$0x1E30]  }
0x18f: {  	[tilespmem:s29+$0x1A50] =	vst v16;
	v16 =	vadd.f32 v33, v12;
	v10 =	vld [tilespmem:s29+$0x1E40]  }
0x190: {  	s31 =	sadd.s32 $0x80, s31;
	s0 =	sadd.s32 $0x200, s0;
	[tilespmem:s29+$0x1A60] =	vst v15;
	v15 =	vadd.f32 v34, v17;
	v12 =	vld [tilespmem:s29+$0x1E50]  }
0x191: {  	s0 =	smul.u32 $0x60, s26  }
0x192: {  	[tilespmem:s29+$0x1A70] =	vst v16;
	v9 =	vadd.f32 v9, v14;
	v14 =	vld [tilespmem:s29+$0x1E60]  }
0x193: {  	[tilespmem:s29+$0x1E00] =	vst v15;
	v8 =	vadd.f32 v8, v13;
	v13 =	vld [tilespmem:s29+$0x1E70];
	s0 =	sadd.s32 s7, s0  }
0x194: {  	s1 =	smov.u32 s8;
	[tilespmem:s29+$0x1E10] =	vst v9;
	v7 =	vadd.f32 v7, v11;
	p0 =	slt.s32 s0, s8  }
0x195: {  	[tilespmem:s29+$0x1E20] =	vst v8;
	v6 =	vadd.f32 v6, v10;
	s1 =	smov.u32 @p0 s0  }
0x196: {  	[tilespmem:s29+$0x1E30] =	vst v7;
	v5 =	vadd.f32 v5, v12;
	s0 =	sshll.u32 s1, $0x7  }
0x197: {  	[tilespmem:s29+$0x1E40] =	vst v6;
	v4 =	vadd.f32 v4, v14;
	s1 =	sshll.u32 s1, $0x9;
	s0 =	sand.u32 $0x380, s0  }
0x198: {  	[tilespmem:s29+$0x1E50] =	vst v5;
	v3 =	vadd.f32 v3, v13;
	s0 =	sor.u32 s1, s0  }
0x199: {  	[tilespmem:s29+$0x1E60] =	vst v4;
	s0 =	sshrl.u32 s0, $0x3  }
0x19a: {  	s10 =	sadd.s32 s30, s13;
	[tilespmem:s29+$0x1E70] =	vst v3;
	s31 =	sadd.s32 s2, s0;
	s0 =	simm.s32 $0x0  }
0x19b: {  	[hbm4b:s31+s0] =	stream.linear.scatter [tilespmem:s17], [sflag:$0x3], $0x6000, $0x38;
	[tilespmem:$0x19200] =	vst v63  }
0x19c: {  	s1 =	sshll.u32 s10, $0x8;
	_ =	swait.ge [sflag:s16], $0x6000  }
0x19d: {  	s1 =	sand.u32 $0x1FFFFF00, s1;
	[sflag:s16] =	ssyncset.done $0x0  }
0x19e: {  	s1 =	sadd.s32 s4, s1;
	[sflag:s16] =	ssyncadd.s32 $0xFFFFA000  }
0x19f: {  	[tilespmem:s0], [sflag:$0x3] =	stream.linear.gather [hbm4b:s1+s0], $0x480, $0x38;
	[tilespmem:$0x19200] =	vst v63  }
0x1a0: {  	_ =	swait.ge [sflag:s16], $0x480  }
0x1a1: {  	[sflag:s16] =	ssyncset.done $0x0  }
0x1a2: {  	[sflag:s16] =	ssyncadd.s32 $0xFFFFFB80  }
0x1a3: {  	v3 =	vld [tilespmem:$0x0]  }
0x1a4: {  	v4 =	vld [tilespmem:$0x300]  }
0x1a5: {  	v5 =	vld [tilespmem:$0x380]  }
0x1a6: {  	v6 =	vld [tilespmem:$0x400]  }
0x1a7: {  	v7 =	vld [tilespmem:$0x80]  }
0x1a8: {  	v8 =	vld [tilespmem:$0x100]  }
0x1a9: {  	v9 =	vld [tilespmem:$0x180]  }
0x1aa: {  	v10 =	vld [tilespmem:$0x200]  }
0x1ab: {  	v11 =	vld [tilespmem:$0x280]  }
0x1ac: {  	v12 =	vld [tilespmem:$0x10]  }
0x1ad: {  	v13 =	vld [tilespmem:$0x310]  }
0x1ae: {  	v14 =	vld [tilespmem:$0x390]  }
0x1af: {  	v15 =	vld [tilespmem:$0x410]  }
0x1b0: {  	v16 =	vld [tilespmem:$0x90]  }
0x1b1: {  	v17 =	vld [tilespmem:$0x110]  }
0x1b2: {  	v18 =	vld [tilespmem:$0x190];
	v7 =	vmul.u32 $0x1734, v7;
	v8 =	vmul.u32 $0x21C, v8  }
0x1b3: {  	v19 =	vld [tilespmem:$0x210];
	v3 =	vshll.u32 v3, $0x5;
	v4 =	vshll.u32 v4, $0x2  }
0x1b4: {  	v9 =	vmul.u32 $0x2D, v9;
	v3 =	vadd.s32 v3, v4;
	v7 =	vadd.s32 v7, v8;
	v8 =	vld [tilespmem:$0x290]  }
0x1b5: {  	v10 =	vmul.u32 $0x5, v10;
	v5 =	vshll.u32 v5, $0x1;
	v3 =	vadd.s32 v6, v3;
	v6 =	vld [tilespmem:$0x320]  }
0x1b6: {  	v4 =	vadd.s32 v9, v7;
	v7 =	vld [tilespmem:$0x20];
	v3 =	vadd.s32 v5, v3  }
0x1b7: {  	v5 =	vshll.u32 v12, $0x5;
	v9 =	vld [tilespmem:$0x3A0];
	v12 =	vmul.u32 $0x21C, v17;
	v4 =	vadd.s32 v10, v4  }
0x1b8: {  	v10 =	vshll.u32 v13, $0x2;
	v13 =	vld [tilespmem:$0xA0];
	v4 =	vadd.s32 v11, v4;
	v11 =	vmul.u32 $0x1734, v16  }
0x1b9: {  	v14 =	vshll.u32 v14, $0x1;
	v5 =	vadd.s32 v5, v10;
	v10 =	vmul.u32 $0x2D, v18;
	v16 =	vld [tilespmem:$0x120]  }
0x1ba: {  	v5 =	vadd.s32 v15, v5;
	v15 =	vmul.u32 $0x5, v19;
	v11 =	vadd.s32 v11, v12;
	v12 =	vld [tilespmem:$0x1A0]  }
0x1bb: {  	v5 =	vadd.s32 v14, v5;
	v14 =	vshll.u32 v3, $0x2;
	v10 =	vadd.s32 v10, v11;
	v11 =	vld [tilespmem:$0x220]  }
0x1bc: {  	v17 =	vand.u32 $0x7, v3;
	v14 =	vand.u32 $0xFFFFFFE0, v14;
	v10 =	vadd.s32 v15, v10;
	v15 =	vld [tilespmem:$0x420]  }
0x1bd: {  	v6 =	vshll.u32 v6, $0x2;
	v7 =	vshll.u32 v7, $0x5;
	v14 =	vor.u32 v17, v14  }
0x1be: {  	v13 =	vmul.u32 $0x1734, v13;
	v17 =	vld [tilespmem:$0x2A0];
	v16 =	vmul.u32 $0x21C, v16;
	v18 =	vperm.xlane v14, v0  }
0x1bf: {  	[tilespmem:$0x1000] =	vst v3;
	v6 =	vadd.s32 v7, v6;
	v3 =	vadd.s32 v8, v10;
	v7 =	vmul.u32 $0x2D, v12  }
0x1c0: {  	[tilespmem:$0x1080] =	vst v4;
	v8 =	vadd.s32 v13, v16;
	v10 =	vadd.s32 v1, v18;
	v4 =	vmul.u32 $0x5, v11  }
0x1c1: {  	[tilespmem:$0x1010] =	vst v5;
	v5 =	vshll.u32 v9, $0x1;
	v6 =	vadd.s32 v15, v6;
	v7 =	vadd.s32 v7, v8  }
0x1c2: {  	[tilespmem:$0x1090] =	vst v3;
	v3 =	vadd.s32 v5, v6;
	v4 =	vadd.s32 v4, v7;
	v5 =	vperm.xlane v14, v2  }
0x1c3: {  	[tilespmem:$0x1020] =	vst v3;
	v3 =	vadd.s32 v17, v4  }
0x1c4: {  	[tilespmem:$0x10A0] =	vst v3;
	v3 =	vadd.s32 v1, v5  }
0x1c5: {  	[tilespmem:s17], [sflag:$0x1] =	stream.indirect_vreg.gather [hbm4b:s5+s0], $0x80, v10, vm0, $0xb8;
	[tilespmem:$0x19200] =	vst v63  }
0x1c6: {  	s31 =	simm.s32 $0x1A00  }
0x1c7: {  	[tilespmem:s31], [sflag:$0x1] =	stream.indirect_vreg.gather [hbm4b:s11+s0], $0x80, v10, vm0, $0xb8;
	[tilespmem:$0x19200] =	vst v63  }
0x1c8: {  	s10 =	simm.s32 $0x2200  }
0x1c9: {  	[tilespmem:s10], [sflag:$0x1] =	stream.indirect_vreg.gather [hbm4b:s5+s0], $0x80, v3, vm0, $0xb8;
	[tilespmem:$0x19200] =	vst v63  }
0x1ca: {  	s31 =	simm.s32 $0x2A00  }
0x1cb: {  	[tilespmem:s31], [sflag:$0x1] =	stream.indirect_vreg.gather [hbm4b:s11+s0], $0x80, v3, vm0, $0xb8;
	[tilespmem:$0x19200] =	vst v63  }
0x1cc: {  	v3 =	vld [tilespmem:$0x1010];
	_ =	sdelay $0x4  }
0x1cd: {  	v4 =	vshll.u32 v3, $0x2  }
0x1ce: {  	v3 =	vand.u32 $0x7, v3;
	v4 =	vand.u32 $0xFFFFFFE0, v4  }
0x1cf: {  	v3 =	vor.u32 v3, v4  }
0x1d0: {  	v4 =	vperm.xlane v3, v0;
	_ =	sdelay $0x1  }
0x1d1: {  	v4 =	vadd.s32 v1, v4;
	_ =	sdelay $0x1  }
0x1d2: {  	v3 =	vperm.xlane v3, v2;
	_ =	sdelay $0x1  }
0x1d3: {  	s10 =	simm.s32 $0x3200;
	v3 =	vadd.s32 v1, v3  }
0x1d4: {  	[tilespmem:s10], [sflag:$0x1] =	stream.indirect_vreg.gather [hbm4b:s5+s0], $0x80, v4, vm0, $0xb8;
	[tilespmem:$0x19200] =	vst v63  }
0x1d5: {  	s31 =	simm.s32 $0x3A00  }
0x1d6: {  	[tilespmem:s31], [sflag:$0x1] =	stream.indirect_vreg.gather [hbm4b:s11+s0], $0x80, v4, vm0, $0xb8;
	[tilespmem:$0x19200] =	vst v63  }
0x1d7: {  	s10 =	simm.s32 $0x4200  }
0x1d8: {  	[tilespmem:s10], [sflag:$0x1] =	stream.indirect_vreg.gather [hbm4b:s5+s0], $0x80, v3, vm0, $0xb8;
	[tilespmem:$0x19200] =	vst v63  }
0x1d9: {  	s31 =	simm.s32 $0x4A00  }
0x1da: {  	[tilespmem:s31], [sflag:$0x1] =	stream.indirect_vreg.gather [hbm4b:s11+s0], $0x80, v3, vm0, $0xb8;
	[tilespmem:$0x19200] =	vst v63  }
0x1db: {  	v3 =	vld [tilespmem:$0x1020];
	_ =	sdelay $0x4  }
0x1dc: {  	v4 =	vshll.u32 v3, $0x2  }
0x1dd: {  	v3 =	vand.u32 $0x7, v3;
	v4 =	vand.u32 $0xFFFFFFE0, v4  }
0x1de: {  	v3 =	vor.u32 v3, v4  }
0x1df: {  	v4 =	vperm.xlane v3, v0;
	_ =	sdelay $0x1  }
0x1e0: {  	v4 =	vadd.s32 v1, v4;
	_ =	sdelay $0x1  }
0x1e1: {  	v3 =	vperm.xlane v3, v2;
	_ =	sdelay $0x1  }
0x1e2: {  	s10 =	simm.s32 $0x5200;
	v3 =	vadd.s32 v1, v3  }
0x1e3: {  	[tilespmem:s10], [sflag:$0x1] =	stream.indirect_vreg.gather [hbm4b:s5+s0], $0x80, v4, vm0, $0xb8;
	[tilespmem:$0x19200] =	vst v63  }
0x1e4: {  	s31 =	simm.s32 $0x5A00  }
0x1e5: {  	[tilespmem:s31], [sflag:$0x1] =	stream.indirect_vreg.gather [hbm4b:s11+s0], $0x80, v4, vm0, $0xb8;
	[tilespmem:$0x19200] =	vst v63  }
0x1e6: {  	s10 =	simm.s32 $0x6200  }
0x1e7: {  	[tilespmem:s10], [sflag:$0x1] =	stream.indirect_vreg.gather [hbm4b:s5+s0], $0x80, v3, vm0, $0xb8;
	[tilespmem:$0x19200] =	vst v63  }
0x1e8: {  	s31 =	simm.s32 $0x6A00  }
0x1e9: {  	[tilespmem:s31], [sflag:$0x1] =	stream.indirect_vreg.gather [hbm4b:s11+s0], $0x80, v3, vm0, $0xb8;
	[tilespmem:$0x19200] =	vst v63  }
0x1ea: {  	v3 =	vld [tilespmem:$0x1080];
	_ =	sdelay $0x4  }
0x1eb: {  	v4 =	vshll.u32 v3, $0x2  }
0x1ec: {  	v3 =	vand.u32 $0x7, v3;
	v4 =	vand.u32 $0xFFFFFFE0, v4  }
0x1ed: {  	v3 =	vor.u32 v3, v4  }
0x1ee: {  	v4 =	vperm.xlane v3, v0;
	_ =	sdelay $0x1  }
0x1ef: {  	v4 =	vadd.s32 v1, v4;
	_ =	sdelay $0x1  }
0x1f0: {  	v3 =	vperm.xlane v3, v2;
	_ =	sdelay $0x1  }
0x1f1: {  	s10 =	simm.s32 $0x7200;
	v3 =	vadd.s32 v1, v3  }
0x1f2: {  	[tilespmem:s10], [sflag:$0x1] =	stream.indirect_vreg.gather [hbm4b:s6+s0], $0x80, v4, vm0, $0xb8;
	[tilespmem:$0x19200] =	vst v63  }
0x1f3: {  	s31 =	simm.s32 $0x7A00  }
0x1f4: {  	[tilespmem:s31], [sflag:$0x1] =	stream.indirect_vreg.gather [hbm4b:s12+s0], $0x80, v4, vm0, $0xb8;
	[tilespmem:$0x19200] =	vst v63  }
0x1f5: {  	s10 =	simm.s32 $0x8200  }
0x1f6: {  	[tilespmem:s10], [sflag:$0x1] =	stream.indirect_vreg.gather [hbm4b:s6+s0], $0x80, v3, vm0, $0xb8;
	[tilespmem:$0x19200] =	vst v63  }
0x1f7: {  	s31 =	simm.s32 $0x8A00  }
0x1f8: {  	[tilespmem:s31], [sflag:$0x1] =	stream.indirect_vreg.gather [hbm4b:s12+s0], $0x80, v3, vm0, $0xb8;
	[tilespmem:$0x19200] =	vst v63  }
0x1f9: {  	v3 =	vld [tilespmem:$0x1090];
	_ =	sdelay $0x4  }
0x1fa: {  	v4 =	vshll.u32 v3, $0x2  }
0x1fb: {  	v3 =	vand.u32 $0x7, v3;
	v4 =	vand.u32 $0xFFFFFFE0, v4  }
0x1fc: {  	v3 =	vor.u32 v3, v4  }
0x1fd: {  	v4 =	vperm.xlane v3, v0;
	_ =	sdelay $0x1  }
0x1fe: {  	v4 =	vadd.s32 v1, v4;
	_ =	sdelay $0x1  }
0x1ff: {  	v3 =	vperm.xlane v3, v2;
	_ =	sdelay $0x1  }
0x200: {  	s10 =	simm.s32 $0x9200;
	v3 =	vadd.s32 v1, v3  }
0x201: {  	[tilespmem:s10], [sflag:$0x1] =	stream.indirect_vreg.gather [hbm4b:s6+s0], $0x80, v4, vm0, $0xb8;
	[tilespmem:$0x19200] =	vst v63  }
0x202: {  	_ = 	snop  }
0x203: {  	[tilespmem:s14], [sflag:$0x1] =	stream.indirect_vreg.gather [hbm4b:s12+s0], $0x80, v4, vm0, $0xb8;
	[tilespmem:$0x19200] =	vst v63  }
0x204: {  	_ = 	snop  }
0x205: {  	[tilespmem:s15], [sflag:$0x1] =	stream.indirect_vreg.gather [hbm4b:s6+s0], $0x80, v3, vm0, $0xb8;
	[tilespmem:$0x19200] =	vst v63  }
0x206: {  	_ = 	snop  }
0x207: {  	[tilespmem:s18], [sflag:$0x1] =	stream.indirect_vreg.gather [hbm4b:s12+s0], $0x80, v3, vm0, $0xb8;
	[tilespmem:$0x19200] =	vst v63  }
0x208: {  	v3 =	vld [tilespmem:$0x10A0];
	_ =	sdelay $0x4  }
0x209: {  	v4 =	vshll.u32 v3, $0x2  }
0x20a: {  	v3 =	vand.u32 $0x7, v3;
	v4 =	vand.u32 $0xFFFFFFE0, v4  }
0x20b: {  	v3 =	vor.u32 v3, v4  }
0x20c: {  	v4 =	vperm.xlane v3, v0;
	_ =	sdelay $0x1  }
0x20d: {  	v4 =	vadd.s32 v1, v4;
	_ =	sdelay $0x1  }
0x20e: {  	v3 =	vperm.xlane v3, v2;
	_ =	sdelay $0x1  }
0x20f: {  	v3 =	vadd.s32 v1, v3  }
0x210: {  	[tilespmem:s19], [sflag:$0x1] =	stream.indirect_vreg.gather [hbm4b:s6+s0], $0x80, v4, vm0, $0xb8;
	[tilespmem:$0x19200] =	vst v63  }
0x211: {  	_ = 	snop  }
0x212: {  	[tilespmem:s20], [sflag:$0x1] =	stream.indirect_vreg.gather [hbm4b:s12+s0], $0x80, v4, vm0, $0xb8;
	[tilespmem:$0x19200] =	vst v63  }
0x213: {  	_ = 	snop  }
0x214: {  	[tilespmem:s21], [sflag:$0x1] =	stream.indirect_vreg.gather [hbm4b:s6+s0], $0x80, v3, vm0, $0xb8;
	[tilespmem:$0x19200] =	vst v63  }
0x215: {  	_ = 	snop  }
0x216: {  	[tilespmem:s22], [sflag:$0x1] =	stream.indirect_vreg.gather [hbm4b:s12+s0], $0x80, v3, vm0, $0xb8;
	[tilespmem:$0x19200] =	vst v63  }
0x217: {  	_ =	swait.ge [sflag:s25], $0x6000  }
0x218: {  	[sflag:s25] =	ssyncset.done $0x0  }
0x219: {  	[sflag:s25] =	ssyncadd.s32 $0xFFFFA000  }
0x21a: {  	_ =	swait.ge [sflag:s25], $0x6000  }
0x21b: {  	s31 =	sand.u32 $0x7000, s0;
	s0 =	sand.u32 $0x380, s0;
	[sflag:s25] =	ssyncset.done $0x0  }
0x21c: {  	s29 =	sor.u32 s0, s31;
	[sflag:s25] =	ssyncadd.s32 $0xFFFFA000  }
0x21d: {  	v10 =	vld [tilespmem:s29+$0x13200]  }
0x21e: {  	v11 =	vld [tilespmem:s29+$0x13210]  }
0x21f: {  	v12 =	vld [tilespmem:s29+$0x13220]  }
0x220: {  	v13 =	vld [tilespmem:s29+$0x13230]  }
0x221: {  	v14 =	vld [tilespmem:s29+$0x13240]  }
0x222: {  	v15 =	vld [tilespmem:s29+$0x13250]  }
0x223: {  	v16 =	vld [tilespmem:s29+$0x13260]  }
0x224: {  	v17 =	vld [tilespmem:s29+$0x13270]  }
0x225: {  	v18 =	vld [tilespmem:s29+$0x13600]  }
0x226: {  	v19 =	vld [tilespmem:s29+$0x13610]  }
0x227: {  	v20 =	vld [tilespmem:s29+$0x13620]  }
0x228: {  	v21 =	vld [tilespmem:s29+$0x13630]  }
0x229: {  	v22 =	vld [tilespmem:s29+$0x13640]  }
0x22a: {  	v23 =	vld [tilespmem:s29+$0x13650]  }
0x22b: {  	v24 =	vld [tilespmem:s29+$0x13660]  }
0x22c: {  	v25 =	vld [tilespmem:s29+$0x13670]  }
0x22d: {  	v26 =	vld [tilespmem:s29+$0x13A00]  }
0x22e: {  	v27 =	vld [tilespmem:s29+$0x13A10]  }
0x22f: {  	v28 =	vld [tilespmem:s29+$0x13A20]  }
0x230: {  	v29 =	vld [tilespmem:s29+$0x13A30]  }
0x231: {  	v30 =	vld [tilespmem:s29+$0x13A40]  }
0x232: {  	v31 =	vld [tilespmem:s29+$0x13A50]  }
0x233: {  	v32 =	vld [tilespmem:s29+$0x13A60]  }
0x234: {  	v33 =	vld [tilespmem:s29+$0x13A70]  }
0x235: {  	v34 =	vld [tilespmem:s29+$0x13E00]  }
0x236: {  	v9 =	vld [tilespmem:s29+$0x13E10]  }
0x237: {  	v8 =	vld [tilespmem:s29+$0x13E20]  }
0x238: {  	v7 =	vld [tilespmem:s29+$0x13E30]  }
0x239: {  	v6 =	vld [tilespmem:s29+$0x13E40]  }
0x23a: {  	v5 =	vld [tilespmem:s29+$0x13E50]  }
0x23b: {  	v4 =	vld [tilespmem:s29+$0x13E60]  }
0x23c: {  	v3 =	vld [tilespmem:s29+$0x13E70]  }
0x23d: {  	v35 =	vld [tilespmem:s29+$0xD200]  }
0x23e: {  	v36 =	vld [tilespmem:s29+$0xD210]  }
0x23f: {  	v37 =	vld [tilespmem:s29+$0xD220]  }
0x240: {  	v38 =	vld [tilespmem:s29+$0xD230]  }
0x241: {  	v39 =	vld [tilespmem:s29+$0xD240]  }
0x242: {  	v62 =	vld [tilespmem:s29+$0xD250];
	v10 =	vadd.f32 v10, v35  }
0x243: {  	v63 =	vld [tilespmem:s29+$0xD260];
	v11 =	vadd.f32 v11, v36  }
0x244: {  	[tilespmem:s29+$0xD200] =	vst v10;
	v10 =	vadd.f32 v12, v37;
	v12 =	vld [tilespmem:s29+$0xD270]  }
0x245: {  	[tilespmem:s29+$0xD210] =	vst v11;
	v11 =	vadd.f32 v13, v38;
	v13 =	vld [tilespmem:s29+$0xD600]  }
0x246: {  	[tilespmem:s29+$0xD220] =	vst v10;
	v10 =	vadd.f32 v14, v39;
	v14 =	vld [tilespmem:s29+$0xD610]  }
0x247: {  	[tilespmem:s29+$0xD230] =	vst v11;
	v11 =	vadd.f32 v15, v62;
	v15 =	vld [tilespmem:s29+$0xD620]  }
0x248: {  	[tilespmem:s29+$0xD240] =	vst v10;
	v10 =	vadd.f32 v16, v63;
	v16 =	vld [tilespmem:s29+$0xD630]  }
0x249: {  	[tilespmem:s29+$0xD250] =	vst v11;
	v11 =	vadd.f32 v17, v12;
	v12 =	vld [tilespmem:s29+$0xD640]  }
0x24a: {  	[tilespmem:s29+$0xD260] =	vst v10;
	v10 =	vadd.f32 v18, v13;
	v13 =	vld [tilespmem:s29+$0xD650]  }
0x24b: {  	[tilespmem:s29+$0xD270] =	vst v11;
	v11 =	vadd.f32 v19, v14;
	v14 =	vld [tilespmem:s29+$0xD660]  }
0x24c: {  	[tilespmem:s29+$0xD600] =	vst v10;
	v10 =	vadd.f32 v20, v15;
	v15 =	vld [tilespmem:s29+$0xD670]  }
0x24d: {  	[tilespmem:s29+$0xD610] =	vst v11;
	v11 =	vadd.f32 v21, v16;
	v16 =	vld [tilespmem:s29+$0xDA00]  }
0x24e: {  	[tilespmem:s29+$0xD620] =	vst v10;
	v10 =	vadd.f32 v22, v12;
	v12 =	vld [tilespmem:s29+$0xDA10]  }
0x24f: {  	[tilespmem:s29+$0xD630] =	vst v11;
	v11 =	vadd.f32 v23, v13;
	v13 =	vld [tilespmem:s29+$0xDA20]  }
0x250: {  	[tilespmem:s29+$0xD640] =	vst v10;
	v10 =	vadd.f32 v24, v14;
	v14 =	vld [tilespmem:s29+$0xDA30]  }
0x251: {  	[tilespmem:s29+$0xD650] =	vst v11;
	v11 =	vadd.f32 v25, v15;
	v15 =	vld [tilespmem:s29+$0xDA40]  }
0x252: {  	[tilespmem:s29+$0xD660] =	vst v10;
	v10 =	vadd.f32 v26, v16;
	v16 =	vld [tilespmem:s29+$0xDA50]  }
0x253: {  	[tilespmem:s29+$0xD670] =	vst v11;
	v11 =	vadd.f32 v27, v12;
	v12 =	vld [tilespmem:s29+$0xDA60]  }
0x254: {  	v17 =	vld [tilespmem:s29+$0xDA70];
	[tilespmem:s29+$0xDA00] =	vst v10;
	v10 =	vadd.f32 v28, v13  }
0x255: {  	v18 =	vld [tilespmem:s29+$0xDE00];
	[tilespmem:s29+$0xDA10] =	vst v11;
	v11 =	vadd.f32 v29, v14  }
0x256: {  	v14 =	vld [tilespmem:s29+$0xDE10];
	[tilespmem:s29+$0xDA20] =	vst v10;
	v10 =	vadd.f32 v30, v15  }
0x257: {  	v13 =	vld [tilespmem:s29+$0xDE20];
	[tilespmem:s29+$0xDA30] =	vst v11;
	v11 =	vadd.f32 v31, v16  }
0x258: {  	[tilespmem:s29+$0xDA40] =	vst v10;
	v15 =	vadd.f32 v32, v12;
	v12 =	vld [tilespmem:s29+$0xDE30]  }
0x259: {  	v16 =	vadd.f32 v33, v17;
	v10 =	vld [tilespmem:s29+$0xDE40];
	[tilespmem:s29+$0xDA50] =	vst v11  }
0x25a: {  	s30 =	simm.s32 $0x80;
	s0 =	simm.s32 $0x200;
	v11 =	vld [tilespmem:s29+$0xDE50];
	[tilespmem:s29+$0xDA60] =	vst v15;
	v15 =	vadd.f32 v34, v18  }
.LBB2_5:
0x25b: {  	s1 =	sand.u32 $0x7000, s0;
	s10 =	sand.u32 $0x380, s30;
	p0 =	sne.s32 s0, $0x5E00;
	[tilespmem:s29+$0xDA70] =	vst v16;
	v9 =	vadd.f32 v9, v14;
	v14 =	vld [tilespmem:s29+$0xDE60]  }
0x25c: {  	s1 =	sor.u32 s10, s1;
	[tilespmem:s29+$0xDE00] =	vst v15;
	v8 =	vadd.f32 v8, v13;
	v13 =	vld [tilespmem:s29+$0xDE70]  }
0x25d: {  	v15 =	vld [tilespmem:s1+$0x13200];
	[tilespmem:s29+$0xDE10] =	vst v9;
	v7 =	vadd.f32 v7, v12  }
0x25e: {  	v12 =	vld [tilespmem:s1+$0x13210];
	[tilespmem:s29+$0xDE20] =	vst v8;
	v6 =	vadd.f32 v6, v10  }
0x25f: {  	v10 =	vld [tilespmem:s1+$0x13220];
	[tilespmem:s29+$0xDE30] =	vst v7;
	v5 =	vadd.f32 v5, v11  }
0x260: {  	v11 =	vld [tilespmem:s1+$0x13230];
	[tilespmem:s29+$0xDE40] =	vst v6;
	v4 =	vadd.f32 v4, v14  }
0x261: {  	v14 =	vld [tilespmem:s1+$0x13240];
	[tilespmem:s29+$0xDE50] =	vst v5;
	v3 =	vadd.f32 v3, v13  }
0x262: {  	v13 =	vld [tilespmem:s1+$0x13250];
	[tilespmem:s29+$0xDE60] =	vst v4  }
0x263: {  	v16 =	vld [tilespmem:s1+$0x13260];
	[tilespmem:s29+$0xDE70] =	vst v3;
	s29 =	smov.u32 s1  }
0x264: {  	v17 =	vld [tilespmem:s29+$0x13270]  }
0x265: {  	v18 =	vld [tilespmem:s29+$0x13600]  }
0x266: {  	v19 =	vld [tilespmem:s29+$0x13610]  }
0x267: {  	v20 =	vld [tilespmem:s29+$0x13620]  }
0x268: {  	v21 =	vld [tilespmem:s29+$0x13630]  }
0x269: {  	v22 =	vld [tilespmem:s29+$0x13640]  }
0x26a: {  	v23 =	vld [tilespmem:s29+$0x13650]  }
0x26b: {  	v24 =	vld [tilespmem:s29+$0x13660]  }
0x26c: {  	v25 =	vld [tilespmem:s29+$0x13670]  }
0x26d: {  	v26 =	vld [tilespmem:s29+$0x13A00]  }
0x26e: {  	v27 =	vld [tilespmem:s29+$0x13A10]  }
0x26f: {  	v28 =	vld [tilespmem:s29+$0x13A20]  }
0x270: {  	v29 =	vld [tilespmem:s29+$0x13A30]  }
0x271: {  	v30 =	vld [tilespmem:s29+$0x13A40]  }
0x272: {  	v31 =	vld [tilespmem:s29+$0x13A50]  }
0x273: {  	v32 =	vld [tilespmem:s29+$0x13A60]  }
0x274: {  	v33 =	vld [tilespmem:s29+$0x13A70]  }
0x275: {  	v34 =	vld [tilespmem:s29+$0x13E00]  }
0x276: {  	v9 =	vld [tilespmem:s29+$0x13E10]  }
0x277: {  	v8 =	vld [tilespmem:s29+$0x13E20]  }
0x278: {  	v7 =	vld [tilespmem:s29+$0x13E30]  }
0x279: {  	v6 =	vld [tilespmem:s29+$0x13E40]  }
0x27a: {  	v5 =	vld [tilespmem:s29+$0x13E50]  }
0x27b: {  	v4 =	vld [tilespmem:s29+$0x13E60]  }
0x27c: {  	v3 =	vld [tilespmem:s29+$0x13E70]  }
0x27d: {  	v35 =	vld [tilespmem:s29+$0xD200]  }
0x27e: {  	v36 =	vld [tilespmem:s29+$0xD210]  }
0x27f: {  	v37 =	vld [tilespmem:s29+$0xD220]  }
0x280: {  	v38 =	vld [tilespmem:s29+$0xD230]  }
0x281: {  	v39 =	vld [tilespmem:s29+$0xD240]  }
0x282: {  	v15 =	vadd.f32 v15, v35;
	v35 =	vld [tilespmem:s29+$0xD250]  }
0x283: {  	v12 =	vadd.f32 v12, v36;
	v36 =	vld [tilespmem:s29+$0xD260]  }
0x284: {  	[tilespmem:s29+$0xD200] =	vst v15;
	v10 =	vadd.f32 v10, v37;
	v15 =	vld [tilespmem:s29+$0xD270]  }
0x285: {  	[tilespmem:s29+$0xD210] =	vst v12;
	v11 =	vadd.f32 v11, v38;
	v12 =	vld [tilespmem:s29+$0xD600]  }
0x286: {  	[tilespmem:s29+$0xD220] =	vst v10;
	v10 =	vadd.f32 v14, v39;
	v14 =	vld [tilespmem:s29+$0xD610]  }
0x287: {  	[tilespmem:s29+$0xD230] =	vst v11;
	v11 =	vadd.f32 v13, v35;
	v13 =	vld [tilespmem:s29+$0xD620]  }
0x288: {  	[tilespmem:s29+$0xD240] =	vst v10;
	v10 =	vadd.f32 v16, v36;
	v16 =	vld [tilespmem:s29+$0xD630]  }
0x289: {  	[tilespmem:s29+$0xD250] =	vst v11;
	v11 =	vadd.f32 v17, v15;
	v15 =	vld [tilespmem:s29+$0xD640]  }
0x28a: {  	[tilespmem:s29+$0xD260] =	vst v10;
	v10 =	vadd.f32 v18, v12;
	v12 =	vld [tilespmem:s29+$0xD650]  }
0x28b: {  	[tilespmem:s29+$0xD270] =	vst v11;
	v11 =	vadd.f32 v19, v14;
	v14 =	vld [tilespmem:s29+$0xD660]  }
0x28c: {  	[tilespmem:s29+$0xD600] =	vst v10;
	v10 =	vadd.f32 v20, v13;
	v13 =	vld [tilespmem:s29+$0xD670]  }
0x28d: {  	[tilespmem:s29+$0xD610] =	vst v11;
	v11 =	vadd.f32 v21, v16;
	v16 =	vld [tilespmem:s29+$0xDA00]  }
0x28e: {  	[tilespmem:s29+$0xD620] =	vst v10;
	v10 =	vadd.f32 v22, v15;
	v15 =	vld [tilespmem:s29+$0xDA10]  }
0x28f: {  	[tilespmem:s29+$0xD630] =	vst v11;
	v11 =	vadd.f32 v23, v12;
	v12 =	vld [tilespmem:s29+$0xDA20]  }
0x290: {  	[tilespmem:s29+$0xD640] =	vst v10;
	v10 =	vadd.f32 v24, v14;
	v14 =	vld [tilespmem:s29+$0xDA30]  }
0x291: {  	[tilespmem:s29+$0xD650] =	vst v11;
	v11 =	vadd.f32 v25, v13;
	v13 =	vld [tilespmem:s29+$0xDA40]  }
0x292: {  	[tilespmem:s29+$0xD660] =	vst v10;
	v10 =	vadd.f32 v26, v16;
	v16 =	vld [tilespmem:s29+$0xDA50]  }
0x293: {  	[tilespmem:s29+$0xD670] =	vst v11;
	v11 =	vadd.f32 v27, v15;
	v15 =	vld [tilespmem:s29+$0xDA60]  }
0x294: {  	[tilespmem:s29+$0xDA00] =	vst v10;
	v10 =	vadd.f32 v28, v12;
	v17 =	vld [tilespmem:s29+$0xDA70]  }
0x295: {  	[tilespmem:s29+$0xDA10] =	vst v11;
	v11 =	vadd.f32 v29, v14;
	v18 =	vld [tilespmem:s29+$0xDE00]  }
.Ltmp1:
0x296: {  	[tilespmem:s29+$0xDA20] =	vst v10;
	v10 =	vadd.f32 v30, v13;
	v14 =	vld [tilespmem:s29+$0xDE10];
	(pc) =	sbr.rel @p0 .LBB2_5-.Ltmp1, $4  }
0x297: {  	[tilespmem:s29+$0xDA30] =	vst v11;
	v11 =	vadd.f32 v31, v16;
	v13 =	vld [tilespmem:s29+$0xDE20]  }
0x298: {  	[tilespmem:s29+$0xDA40] =	vst v10;
	v15 =	vadd.f32 v32, v15;
	v12 =	vld [tilespmem:s29+$0xDE30]  }
0x299: {  	[tilespmem:s29+$0xDA50] =	vst v11;
	v16 =	vadd.f32 v33, v17;
	v10 =	vld [tilespmem:s29+$0xDE40]  }
0x29a: {  	s30 =	sadd.s32 $0x80, s30;
	s0 =	sadd.s32 $0x200, s0;
	[tilespmem:s29+$0xDA60] =	vst v15;
	v15 =	vadd.f32 v34, v18;
	v11 =	vld [tilespmem:s29+$0xDE50]  }
0x29b: {  	s0 =	smul.u32 $0x30, s28  }
0x29c: {  	[tilespmem:s29+$0xDA70] =	vst v16;
	v9 =	vadd.f32 v9, v14;
	v62 =	vld [tilespmem:s29+$0xDE60]  }
0x29d: {  	v63 =	vld [tilespmem:s29+$0xDE70];
	[tilespmem:s29+$0xDE00] =	vst v15;
	v8 =	vadd.f32 v8, v13;
	s0 =	sadd.s32 s7, s0  }
0x29e: {  	s1 =	smov.u32 s8;
	[tilespmem:s29+$0xDE10] =	vst v9;
	v7 =	vadd.f32 v7, v12;
	p0 =	slt.s32 s0, s8  }
0x29f: {  	[tilespmem:s29+$0xDE20] =	vst v8;
	v6 =	vadd.f32 v6, v10;
	s1 =	smov.u32 @p0 s0  }
0x2a0: {  	[tilespmem:s29+$0xDE30] =	vst v7;
	v5 =	vadd.f32 v5, v11;
	s0 =	sshll.u32 s1, $0x7  }
0x2a1: {  	[tilespmem:s29+$0xDE40] =	vst v6;
	v4 =	vadd.f32 v4, v62;
	s1 =	sshll.u32 s1, $0x9;
	s0 =	sand.u32 $0x380, s0  }
0x2a2: {  	s26 =	sadd.s32 $0x1, s26;
	v3 =	vadd.f32 v3, v63;
	[tilespmem:s29+$0xDE50] =	vst v5;
	s0 =	sor.u32 s1, s0  }
0x2a3: {  	p0 =	sne.s32 s26, $0x9;
	[tilespmem:s29+$0xDE60] =	vst v4;
	s0 =	sshrl.u32 s0, $0x3  }
.Ltmp2:
0x2a4: {  	[tilespmem:s29+$0xDE70] =	vst v3;
	s0 =	sadd.s32 s2, s0;
	(pc) =	sbr.rel @p0 .LBB2_2-.Ltmp2, $4  }
0x2a5: {  	[hbm4b:s0+s3] =	stream.linear.scatter [tilespmem:s23], [sflag:$0x3], $0x6000, $0x38;
	[tilespmem:$0x19200] =	vst v63  }
0x2a6: {  	_ =	swait.ge [sflag:s16], $0x6000  }
0x2a7: {  	[sflag:s16] =	ssyncset.done $0x0  }
0x2a8: {  	[sflag:s16] =	ssyncadd.s32 $0xFFFFA000  }
0x2a9: {  	_ =	swait.ge [sflag:s24], $0x6000  }
0x2aa: {  	[sflag:s24] =	ssyncset.done $0x0  }
0x2ab: {  	[sflag:s24] =	ssyncadd.s32 $0xFFFFA000  }
0x2ac: {  	s0 =	simm.s32 $0x0;
	_ =	swait.ge [sflag:s24], $0x6000  }
0x2ad: {  	s1 =	sand.u32 $0x7000, s0;
	s0 =	sand.u32 $0x380, s0;
	[sflag:s24] =	ssyncset.done $0x0  }
0x2ae: {  	s26 =	sor.u32 s0, s1;
	[sflag:s24] =	ssyncadd.s32 $0xFFFFA000  }
0x2af: {  	v10 =	vld [tilespmem:s26+$0x7200]  }
0x2b0: {  	v11 =	vld [tilespmem:s26+$0x7210]  }
0x2b1: {  	v12 =	vld [tilespmem:s26+$0x7220]  }
0x2b2: {  	v13 =	vld [tilespmem:s26+$0x7230]  }
0x2b3: {  	v14 =	vld [tilespmem:s26+$0x7240]  }
0x2b4: {  	v15 =	vld [tilespmem:s26+$0x7250]  }
0x2b5: {  	v16 =	vld [tilespmem:s26+$0x7260]  }
0x2b6: {  	v17 =	vld [tilespmem:s26+$0x7270]  }
0x2b7: {  	v18 =	vld [tilespmem:s26+$0x7600]  }
0x2b8: {  	v19 =	vld [tilespmem:s26+$0x7610]  }
0x2b9: {  	v20 =	vld [tilespmem:s26+$0x7620]  }
0x2ba: {  	v21 =	vld [tilespmem:s26+$0x7630]  }
0x2bb: {  	v22 =	vld [tilespmem:s26+$0x7640]  }
0x2bc: {  	v23 =	vld [tilespmem:s26+$0x7650]  }
0x2bd: {  	v24 =	vld [tilespmem:s26+$0x7660]  }
0x2be: {  	v25 =	vld [tilespmem:s26+$0x7670]  }
0x2bf: {  	v26 =	vld [tilespmem:s26+$0x7A00]  }
0x2c0: {  	v27 =	vld [tilespmem:s26+$0x7A10]  }
0x2c1: {  	v28 =	vld [tilespmem:s26+$0x7A20]  }
0x2c2: {  	v29 =	vld [tilespmem:s26+$0x7A30]  }
0x2c3: {  	v30 =	vld [tilespmem:s26+$0x7A40]  }
0x2c4: {  	v31 =	vld [tilespmem:s26+$0x7A50]  }
0x2c5: {  	v32 =	vld [tilespmem:s26+$0x7A60]  }
0x2c6: {  	v33 =	vld [tilespmem:s26+$0x7A70]  }
0x2c7: {  	v34 =	vld [tilespmem:s26+$0x7E00]  }
0x2c8: {  	v9 =	vld [tilespmem:s26+$0x7E10]  }
0x2c9: {  	v8 =	vld [tilespmem:s26+$0x7E20]  }
0x2ca: {  	v7 =	vld [tilespmem:s26+$0x7E30]  }
0x2cb: {  	v6 =	vld [tilespmem:s26+$0x7E40]  }
0x2cc: {  	v5 =	vld [tilespmem:s26+$0x7E50]  }
0x2cd: {  	v4 =	vld [tilespmem:s26+$0x7E60]  }
0x2ce: {  	v3 =	vld [tilespmem:s26+$0x7E70]  }
0x2cf: {  	v35 =	vld [tilespmem:s26+$0x1200]  }
0x2d0: {  	v36 =	vld [tilespmem:s26+$0x1210]  }
0x2d1: {  	v37 =	vld [tilespmem:s26+$0x1220]  }
0x2d2: {  	v38 =	vld [tilespmem:s26+$0x1230]  }
0x2d3: {  	v39 =	vld [tilespmem:s26+$0x1240]  }
0x2d4: {  	v62 =	vld [tilespmem:s26+$0x1250];
	v10 =	vadd.f32 v10, v35  }
0x2d5: {  	v63 =	vld [tilespmem:s26+$0x1260];
	v11 =	vadd.f32 v11, v36  }
0x2d6: {  	[tilespmem:s26+$0x1200] =	vst v10;
	v10 =	vadd.f32 v12, v37;
	v12 =	vld [tilespmem:s26+$0x1270]  }
0x2d7: {  	[tilespmem:s26+$0x1210] =	vst v11;
	v11 =	vadd.f32 v13, v38;
	v13 =	vld [tilespmem:s26+$0x1600]  }
0x2d8: {  	[tilespmem:s26+$0x1220] =	vst v10;
	v10 =	vadd.f32 v14, v39;
	v14 =	vld [tilespmem:s26+$0x1610]  }
0x2d9: {  	[tilespmem:s26+$0x1230] =	vst v11;
	v11 =	vadd.f32 v15, v62;
	v15 =	vld [tilespmem:s26+$0x1620]  }
0x2da: {  	[tilespmem:s26+$0x1240] =	vst v10;
	v10 =	vadd.f32 v16, v63;
	v16 =	vld [tilespmem:s26+$0x1630]  }
0x2db: {  	[tilespmem:s26+$0x1250] =	vst v11;
	v11 =	vadd.f32 v17, v12;
	v12 =	vld [tilespmem:s26+$0x1640]  }
0x2dc: {  	[tilespmem:s26+$0x1260] =	vst v10;
	v10 =	vadd.f32 v18, v13;
	v13 =	vld [tilespmem:s26+$0x1650]  }
0x2dd: {  	[tilespmem:s26+$0x1270] =	vst v11;
	v11 =	vadd.f32 v19, v14;
	v14 =	vld [tilespmem:s26+$0x1660]  }
0x2de: {  	[tilespmem:s26+$0x1600] =	vst v10;
	v10 =	vadd.f32 v20, v15;
	v15 =	vld [tilespmem:s26+$0x1670]  }
0x2df: {  	[tilespmem:s26+$0x1610] =	vst v11;
	v11 =	vadd.f32 v21, v16;
	v16 =	vld [tilespmem:s26+$0x1A00]  }
0x2e0: {  	[tilespmem:s26+$0x1620] =	vst v10;
	v10 =	vadd.f32 v22, v12;
	v12 =	vld [tilespmem:s26+$0x1A10]  }
0x2e1: {  	[tilespmem:s26+$0x1630] =	vst v11;
	v11 =	vadd.f32 v23, v13;
	v13 =	vld [tilespmem:s26+$0x1A20]  }
0x2e2: {  	[tilespmem:s26+$0x1640] =	vst v10;
	v10 =	vadd.f32 v24, v14;
	v14 =	vld [tilespmem:s26+$0x1A30]  }
0x2e3: {  	[tilespmem:s26+$0x1650] =	vst v11;
	v11 =	vadd.f32 v25, v15;
	v15 =	vld [tilespmem:s26+$0x1A40]  }
0x2e4: {  	[tilespmem:s26+$0x1660] =	vst v10;
	v10 =	vadd.f32 v26, v16;
	v16 =	vld [tilespmem:s26+$0x1A50]  }
0x2e5: {  	v17 =	vld [tilespmem:s26+$0x1A60];
	[tilespmem:s26+$0x1670] =	vst v11;
	v11 =	vadd.f32 v27, v12  }
0x2e6: {  	v18 =	vld [tilespmem:s26+$0x1A70];
	[tilespmem:s26+$0x1A00] =	vst v10;
	v10 =	vadd.f32 v28, v13  }
0x2e7: {  	[tilespmem:s26+$0x1A10] =	vst v11;
	v11 =	vadd.f32 v29, v14;
	v14 =	vld [tilespmem:s26+$0x1E00]  }
0x2e8: {  	v13 =	vld [tilespmem:s26+$0x1E10];
	[tilespmem:s26+$0x1A20] =	vst v10;
	v10 =	vadd.f32 v30, v15  }
0x2e9: {  	v12 =	vld [tilespmem:s26+$0x1E20];
	[tilespmem:s26+$0x1A30] =	vst v11;
	v11 =	vadd.f32 v31, v16  }
0x2ea: {  	v15 =	vadd.f32 v32, v17;
	[tilespmem:s26+$0x1A40] =	vst v10;
	v10 =	vld [tilespmem:s26+$0x1E30]  }
0x2eb: {  	v16 =	vadd.f32 v33, v18;
	[tilespmem:s26+$0x1A50] =	vst v11;
	v11 =	vld [tilespmem:s26+$0x1E40]  }
0x2ec: {  	s28 =	simm.s32 $0x80;
	s0 =	simm.s32 $0x200;
	[tilespmem:s26+$0x1A60] =	vst v15;
	v15 =	vadd.f32 v34, v14;
	v14 =	vld [tilespmem:s26+$0x1E50]  }
.LBB2_8:
0x2ed: {  	s1 =	sand.u32 $0x7000, s0;
	s10 =	sand.u32 $0x380, s28;
	p0 =	sne.s32 s0, $0x5E00;
	[tilespmem:s26+$0x1A70] =	vst v16;
	v9 =	vadd.f32 v9, v13;
	v13 =	vld [tilespmem:s26+$0x1E60]  }
0x2ee: {  	s1 =	sor.u32 s10, s1;
	[tilespmem:s26+$0x1E00] =	vst v15;
	v8 =	vadd.f32 v8, v12;
	v12 =	vld [tilespmem:s26+$0x1E70]  }
0x2ef: {  	v15 =	vld [tilespmem:s1+$0x7200];
	[tilespmem:s26+$0x1E10] =	vst v9;
	v7 =	vadd.f32 v7, v10  }
0x2f0: {  	v10 =	vld [tilespmem:s1+$0x7210];
	[tilespmem:s26+$0x1E20] =	vst v8;
	v6 =	vadd.f32 v6, v11  }
0x2f1: {  	v11 =	vld [tilespmem:s1+$0x7220];
	[tilespmem:s26+$0x1E30] =	vst v7;
	v5 =	vadd.f32 v5, v14  }
0x2f2: {  	v14 =	vld [tilespmem:s1+$0x7230];
	[tilespmem:s26+$0x1E40] =	vst v6;
	v4 =	vadd.f32 v4, v13  }
0x2f3: {  	v13 =	vld [tilespmem:s1+$0x7240];
	[tilespmem:s26+$0x1E50] =	vst v5;
	v3 =	vadd.f32 v3, v12  }
0x2f4: {  	v12 =	vld [tilespmem:s1+$0x7250];
	[tilespmem:s26+$0x1E60] =	vst v4  }
0x2f5: {  	v16 =	vld [tilespmem:s1+$0x7260];
	[tilespmem:s26+$0x1E70] =	vst v3;
	s26 =	smov.u32 s1  }
0x2f6: {  	v17 =	vld [tilespmem:s26+$0x7270]  }
0x2f7: {  	v18 =	vld [tilespmem:s26+$0x7600]  }
0x2f8: {  	v19 =	vld [tilespmem:s26+$0x7610]  }
0x2f9: {  	v20 =	vld [tilespmem:s26+$0x7620]  }
0x2fa: {  	v21 =	vld [tilespmem:s26+$0x7630]  }
0x2fb: {  	v22 =	vld [tilespmem:s26+$0x7640]  }
0x2fc: {  	v23 =	vld [tilespmem:s26+$0x7650]  }
0x2fd: {  	v24 =	vld [tilespmem:s26+$0x7660]  }
0x2fe: {  	v25 =	vld [tilespmem:s26+$0x7670]  }
0x2ff: {  	v26 =	vld [tilespmem:s26+$0x7A00]  }
0x300: {  	v27 =	vld [tilespmem:s26+$0x7A10]  }
0x301: {  	v28 =	vld [tilespmem:s26+$0x7A20]  }
0x302: {  	v29 =	vld [tilespmem:s26+$0x7A30]  }
0x303: {  	v30 =	vld [tilespmem:s26+$0x7A40]  }
0x304: {  	v31 =	vld [tilespmem:s26+$0x7A50]  }
0x305: {  	v32 =	vld [tilespmem:s26+$0x7A60]  }
0x306: {  	v33 =	vld [tilespmem:s26+$0x7A70]  }
0x307: {  	v34 =	vld [tilespmem:s26+$0x7E00]  }
0x308: {  	v9 =	vld [tilespmem:s26+$0x7E10]  }
0x309: {  	v8 =	vld [tilespmem:s26+$0x7E20]  }
0x30a: {  	v7 =	vld [tilespmem:s26+$0x7E30]  }
0x30b: {  	v6 =	vld [tilespmem:s26+$0x7E40]  }
0x30c: {  	v5 =	vld [tilespmem:s26+$0x7E50]  }
0x30d: {  	v4 =	vld [tilespmem:s26+$0x7E60]  }
0x30e: {  	v3 =	vld [tilespmem:s26+$0x7E70]  }
0x30f: {  	v35 =	vld [tilespmem:s26+$0x1200]  }
0x310: {  	v36 =	vld [tilespmem:s26+$0x1210]  }
0x311: {  	v37 =	vld [tilespmem:s26+$0x1220]  }
0x312: {  	v38 =	vld [tilespmem:s26+$0x1230]  }
0x313: {  	v39 =	vld [tilespmem:s26+$0x1240]  }
0x314: {  	v15 =	vadd.f32 v15, v35;
	v35 =	vld [tilespmem:s26+$0x1250]  }
0x315: {  	v10 =	vadd.f32 v10, v36;
	v36 =	vld [tilespmem:s26+$0x1260]  }
0x316: {  	[tilespmem:s26+$0x1200] =	vst v15;
	v11 =	vadd.f32 v11, v37;
	v15 =	vld [tilespmem:s26+$0x1270]  }
0x317: {  	[tilespmem:s26+$0x1210] =	vst v10;
	v10 =	vadd.f32 v14, v38;
	v14 =	vld [tilespmem:s26+$0x1600]  }
0x318: {  	[tilespmem:s26+$0x1220] =	vst v11;
	v11 =	vadd.f32 v13, v39;
	v13 =	vld [tilespmem:s26+$0x1610]  }
0x319: {  	[tilespmem:s26+$0x1230] =	vst v10;
	v10 =	vadd.f32 v12, v35;
	v12 =	vld [tilespmem:s26+$0x1620]  }
0x31a: {  	[tilespmem:s26+$0x1240] =	vst v11;
	v11 =	vadd.f32 v16, v36;
	v16 =	vld [tilespmem:s26+$0x1630]  }
0x31b: {  	[tilespmem:s26+$0x1250] =	vst v10;
	v10 =	vadd.f32 v17, v15;
	v15 =	vld [tilespmem:s26+$0x1640]  }
0x31c: {  	[tilespmem:s26+$0x1260] =	vst v11;
	v11 =	vadd.f32 v18, v14;
	v14 =	vld [tilespmem:s26+$0x1650]  }
0x31d: {  	[tilespmem:s26+$0x1270] =	vst v10;
	v10 =	vadd.f32 v19, v13;
	v13 =	vld [tilespmem:s26+$0x1660]  }
0x31e: {  	[tilespmem:s26+$0x1600] =	vst v11;
	v11 =	vadd.f32 v20, v12;
	v12 =	vld [tilespmem:s26+$0x1670]  }
0x31f: {  	[tilespmem:s26+$0x1610] =	vst v10;
	v10 =	vadd.f32 v21, v16;
	v16 =	vld [tilespmem:s26+$0x1A00]  }
0x320: {  	[tilespmem:s26+$0x1620] =	vst v11;
	v11 =	vadd.f32 v22, v15;
	v15 =	vld [tilespmem:s26+$0x1A10]  }
0x321: {  	[tilespmem:s26+$0x1630] =	vst v10;
	v10 =	vadd.f32 v23, v14;
	v14 =	vld [tilespmem:s26+$0x1A20]  }
0x322: {  	[tilespmem:s26+$0x1640] =	vst v11;
	v11 =	vadd.f32 v24, v13;
	v13 =	vld [tilespmem:s26+$0x1A30]  }
0x323: {  	[tilespmem:s26+$0x1650] =	vst v10;
	v10 =	vadd.f32 v25, v12;
	v12 =	vld [tilespmem:s26+$0x1A40]  }
0x324: {  	[tilespmem:s26+$0x1660] =	vst v11;
	v11 =	vadd.f32 v26, v16;
	v16 =	vld [tilespmem:s26+$0x1A50]  }
0x325: {  	[tilespmem:s26+$0x1670] =	vst v10;
	v10 =	vadd.f32 v27, v15;
	v15 =	vld [tilespmem:s26+$0x1A60]  }
0x326: {  	[tilespmem:s26+$0x1A00] =	vst v11;
	v11 =	vadd.f32 v28, v14;
	v14 =	vld [tilespmem:s26+$0x1A70]  }
0x327: {  	[tilespmem:s26+$0x1A10] =	vst v10;
	v10 =	vadd.f32 v29, v13;
	v17 =	vld [tilespmem:s26+$0x1E00]  }
.Ltmp3:
0x328: {  	[tilespmem:s26+$0x1A20] =	vst v11;
	v11 =	vadd.f32 v30, v12;
	v13 =	vld [tilespmem:s26+$0x1E10];
	(pc) =	sbr.rel @p0 .LBB2_8-.Ltmp3, $4  }
0x329: {  	[tilespmem:s26+$0x1A30] =	vst v10;
	v16 =	vadd.f32 v31, v16;
	v12 =	vld [tilespmem:s26+$0x1E20]  }
0x32a: {  	[tilespmem:s26+$0x1A40] =	vst v11;
	v15 =	vadd.f32 v32, v15;
	v10 =	vld [tilespmem:s26+$0x1E30]  }
0x32b: {  	[tilespmem:s26+$0x1A50] =	vst v16;
	v16 =	vadd.f32 v33, v14;
	v11 =	vld [tilespmem:s26+$0x1E40]  }
0x32c: {  	s28 =	sadd.s32 $0x80, s28;
	s0 =	sadd.s32 $0x200, s0;
	[tilespmem:s26+$0x1A60] =	vst v15;
	v15 =	vadd.f32 v34, v17;
	v14 =	vld [tilespmem:s26+$0x1E50]  }
0x32d: {  	[tilespmem:s26+$0x1A70] =	vst v16;
	v9 =	vadd.f32 v9, v13;
	v62 =	vld [tilespmem:s26+$0x1E60]  }
0x32e: {  	v63 =	vld [tilespmem:s26+$0x1E70];
	[tilespmem:s26+$0x1E00] =	vst v15;
	v8 =	vadd.f32 v8, v12  }
0x32f: {  	[tilespmem:s26+$0x1E10] =	vst v9;
	v7 =	vadd.f32 v7, v10  }
0x330: {  	[tilespmem:s26+$0x1E20] =	vst v8;
	v6 =	vadd.f32 v6, v11  }
0x331: {  	[tilespmem:s26+$0x1E30] =	vst v7;
	v5 =	vadd.f32 v5, v14  }
0x332: {  	[tilespmem:s26+$0x1E40] =	vst v6;
	v4 =	vadd.f32 v4, v62  }
0x333: {  	v3 =	vadd.f32 v3, v63;
	[tilespmem:s26+$0x1E50] =	vst v5  }
0x334: {  	[tilespmem:s26+$0x1E60] =	vst v4  }
0x335: {  	s0 =	rddreg [dreg:$0x4];
	[tilespmem:s26+$0x1E70] =	vst v3  }
0x336: {  	[hbm4b:s0+s3] =	stream.linear.scatter [tilespmem:s17], [sflag:$0x3], $0x6000, $0x38;
	[tilespmem:$0x19200] =	vst v63  }
0x337: {  	_ =	swait.ge [sflag:s16], $0x6000  }
0x338: {  	s1 =	rddreg [dreg:$0x6]  }
0x339: {  	s31 =	rddreg [dreg:$0x5];
	s1 =	sadd.s32 $0x1, s1  }
0x33a: {  	p0 =	sne.s32 s1, s31  }
.Ltmp4:
0x33b: {  	_ = 	snop;
	(pc) =	sbr.rel @p0 .LBB2_1-.Ltmp4, $3  }
0x33c: {  	_ =	sdelay $0x1  }
0x33d: {  	[sflag:s16] =	ssyncset.done $0x0  }
0x33e: {  	[sflag:s16] =	ssyncadd.s32 $0xFFFFA000  }
0x33f: {  	_ =	sfence.sel $0x180000  }
0x340: {  	[bflag:$0x0] =	sbarrier.arrive $0xFFFF  }
0x341: {  	_ =	strace $0x9000004A  }
0x342: {  	s0 =	stileid.u32;
	[bflag:$0x2] =	sbarrier.arrive $0xFFFF  }
0x343: {  	p0 =	sne.s32 s0, $0x0;
	s0 =	rddreg [dreg:$0x2]  }
0x344: {  	s0 =	sadd.s32 @!p0 $0x100000, s0  }
0x345: {  	[sflag:s0] =	ssyncadd.tile.s32 @!p0 $0x1;
	_ =	shalt  }
.Lfunc_end2:
_tile_overlayer_lowered:
.L_overlay_start_2:
0x346: {  	(tag) =	ssettag $0x2  }
0x347: {  	s0 =	rddreg [dreg:$0x0];
	s2 =	stileid.u32  }
0x348: {  	s1 =	rddreg [dreg:$0x1];
	p0 =	sne.s32 s2, $0x0  }
0x349: {  	s3 =	rddreg [dreg:$0x2];
	[bflag:$0x3] =	sbarrier.arrive $0xFFFF;
	s2 =	simm.s32 @!p0 $0x1C03  }
0x34a: {  	[timem:s3], [sflag:s2] =	dma.local @!p0 [hbm:s0], s1  }
0x34b: {  	s0 =	simm.s32 @!p0 $0x3  }
0x34c: {  	_ =	swait.ge @!p0 [sflag:s0], s1  }
0x34d: {  	s1 =	ssub.s32 @!p0 $0x0, s1;
	[sflag:s0] =	ssyncset.done @!p0 $0x0  }
0x34e: {  	[sflag:s0] =	ssyncadd.s32 @!p0 s1  }
0x34f: {  	[bflag:$0x3] =	sbarrier.arrive $0xFFFF  }
0x350: {  	_ =	shalt  }

</sc_bundles>
